<compile_context>
chip_gen: v7x
topology: tpu7x:2x2x1
jax: 0.10.2.dev20260603
libtpu: 0.0.44.dev20260713+nightly
codegen_flags: <defaults>
</compile_context>

<pallas_src>
import functools

import jax
import jax.numpy as jnp
from jax import lax
from jax.experimental import pallas as pl
from jax.experimental.pallas import tpu as pltpu
from jax.experimental.pallas import tpu_sc as plsc

SB = 32


def _build_sc_call(N, D, NCH):
    Dh = D // 2
    NS = 16
    CH = 128
    SLAB = 640
    R_ACC = NS * SLAB
    NCHK = 80
    XR = N // NS
    RPS = SB // 2

    mesh = plsc.VectorSubcoreMesh(core_axis_name="c", subcore_axis_name="s")

    @functools.partial(
        pl.kernel,
        mesh=mesh,
        compiler_params=pltpu.CompilerParams(use_tc_tiling_on_sc=False,
                                             needs_layout_passes=False),
        out_type=jax.ShapeDtypeStruct((N, D), jnp.float32),
        scratch_types=[
            pltpu.VMEM((SB, CH), jnp.int32),
            pltpu.VMEM((SB, CH), jnp.int32),
            pltpu.VMEM((4, CH, Dh), jnp.float32),
            pltpu.VMEM((CH,), jnp.float32),
            pltpu.VMEM((SLAB,), jnp.float32),
            pltpu.VMEM((NCHK, Dh), jnp.float32),
            pltpu.VMEM((SLAB,), jnp.float32),
            pltpu.VMEM((SLAB,), jnp.float32),
            pltpu.VMEM_SHARED((R_ACC, Dh), jnp.float32),
            pltpu.VMEM_SHARED((R_ACC,), jnp.float32),
            pltpu.VMEM_SHARED((N, Dh), jnp.float32),
        ] + [pltpu.SemaphoreType.DMA] * 10,
    )
    def sc_fn(x_h, s_h, r_h, out_h,
              sidx, ridx, gbuf, ones, zvec, pslab, dslab, islab,
              acc, dacc, xs, *sems):
        c = lax.axis_index("c")
        s = lax.axis_index("s")
        base = s * SLAB

        def fill_ps(i, carry):
            for k in range(Dh // 16):
                pslab[i, pl.ds(k * 16, 16)] = jnp.zeros((16,), jnp.float32)
            return carry
        lax.fori_loop(0, NCHK, fill_ps, 0)

        def fill_zv(i, carry):
            zvec[pl.ds(i * 16, 16)] = jnp.zeros((16,), jnp.float32)
            return carry
        lax.fori_loop(0, SLAB // 16, fill_zv, 0)

        def fill_on(i, carry):
            ones[pl.ds(i * 16, 16)] = jnp.ones((16,), jnp.float32)
            return carry
        lax.fori_loop(0, CH // 16, fill_on, 0)

        for b in range(SLAB // NCHK):
            pltpu.async_copy(pslab, acc.at[pl.ds(base + b * NCHK, NCHK)],
                             sems[0])
        pltpu.async_copy(zvec, dacc.at[pl.ds(base, SLAB)], sems[1])
        pltpu.async_copy(x_h.at[pl.ds(s * XR, XR), pl.ds(c * Dh, Dh)],
                         xs.at[pl.ds(s * XR, XR)], sems[2])
        for b in range(SLAB // NCHK):
            pltpu.make_async_copy(pslab, acc.at[pl.ds(base + b * NCHK, NCHK)],
                                  sems[0]).wait()
        pltpu.make_async_copy(zvec, dacc.at[pl.ds(base, SLAB)], sems[1]).wait()
        pltpu.make_async_copy(x_h.at[pl.ds(s * XR, XR), pl.ds(c * Dh, Dh)],
                              xs.at[pl.ds(s * XR, XR)], sems[2]).wait()

        plsc.subcore_barrier()

        def issue_gathers(r2, grp):
            for half in range(2):
                b = grp * 2 + half
                pltpu.async_copy(xs.at[sidx.at[r2 + half]], gbuf.at[b],
                                 sems[b])

        def wait_gathers(r2, grp):
            for half in range(2):
                b = grp * 2 + half
                pltpu.make_async_copy(xs.at[sidx.at[r2 + half]], gbuf.at[b],
                                      sems[b]).wait()

        def issue_scatters(r2, grp):
            for half in range(2):
                b = grp * 2 + half
                pltpu.async_copy(gbuf.at[b], acc.at[ridx.at[r2 + half]],
                                 sems[4 + b], add=True)

        def drain_scatters(grp):
            for half in range(2):
                b = grp * 2 + half
                pltpu.make_async_copy(gbuf.at[b], acc.at[ridx.at[half]],
                                      sems[4 + b]).wait()
                pltpu.make_async_copy(ones, dacc.at[ridx.at[half]],
                                      sems[8 + grp]).wait()

        def deg_scatters(r2, grp):
            for half in range(2):
                pltpu.async_copy(ones, dacc.at[ridx.at[r2 + half]],
                                 sems[8 + grp], add=True)

        def stage(t, carry):
            pltpu.sync_copy(s_h.at[s, pl.ds(t * SB, SB)], sidx)
            pltpu.sync_copy(r_h.at[s, pl.ds(t * SB, SB)], ridx)
            issue_gathers(0, 0)

            def body(j, carry2):
                r2 = 4 * j

                @pl.when(j > 0)
                def _():
                    drain_scatters(1)
                @pl.when(r2 + 2 < SB)
                def _():
                    issue_gathers(r2 + 2, 1)
                wait_gathers(r2, 0)
                issue_scatters(r2, 0)
                deg_scatters(r2, 0)

                drain_scatters(0)

                @pl.when(r2 + 4 < SB)
                def _():
                    issue_gathers(r2 + 4, 0)
                wait_gathers(r2 + 2, 1)
                issue_scatters(r2 + 2, 1)
                deg_scatters(r2 + 2, 1)
                return carry2
            lax.fori_loop(0, RPS // 2, body, 0)
            drain_scatters(1)
            return carry
        lax.fori_loop(0, NCH // SB, stage, 0)

        plsc.subcore_barrier()

        pltpu.sync_copy(dacc.at[pl.ds(base, SLAB)], dslab)

        def inv_f(i, carry):
            d = dslab[pl.ds(i * 16, 16)]
            islab[pl.ds(i * 16, 16)] = 1.0 / jnp.maximum(d, 1.0)
            return carry
        lax.fori_loop(0, SLAB // 16, inv_f, 0)

        def norm_chunk(k, carry):
            row0 = base + k * NCHK

            @pl.when(row0 + NCHK <= N)
            def _():
                pltpu.sync_copy(acc.at[pl.ds(row0, NCHK)], pslab)
                for g in range(NCHK // 16):
                    ivv = islab[pl.ds(k * NCHK + g * 16, 16)]
                    for t in range(16):
                        iv = ivv[t]
                        r = g * 16 + t
                        for kk in range(Dh // 16):
                            pslab[r, pl.ds(kk * 16, 16)] = (
                                pslab[r, pl.ds(kk * 16, 16)] * iv)
                pltpu.sync_copy(
                    pslab, out_h.at[pl.ds(row0, NCHK), pl.ds(c * Dh, Dh)])
            return carry
        lax.fori_loop(0, SLAB // NCHK, norm_chunk, 0)

    return sc_fn


def kernel(x, triples):
    N, D = x.shape
    NS, CH = 16, 128
    t0 = triples[:, 0]
    t2 = triples[:, 2]
    senders = jnp.concatenate([t0, t2])
    receivers = jnp.concatenate([t2, t0])
    E = senders.shape[0]

    nch = -(-E // (NS * CH))
    nch += -nch % SB
    epad = NS * nch * CH
    pad = epad - E
    senders_p = jnp.concatenate(
        [senders, jnp.zeros((pad,), jnp.int32)]).reshape(NS, nch, CH)
    receivers_p = jnp.concatenate(
        [receivers, jnp.full((pad,), N, jnp.int32)]).reshape(NS, nch, CH)

    sc_fn = _build_sc_call(N, D, nch)
    return sc_fn(x, senders_p, receivers_p)

# --- scband reference (transcript-rebuilt; emitter-appended) ---
"""Pipeline reference for scband-representation-13159779795691 (READ-ONLY COPY).

The authoritative reference and input builder live on the scoring server;
editing this copy changes nothing except your own understanding.
"""

import jax, jax.numpy as jnp
import numpy as np

N_NODES = 10000
N_REL = 16
D_FEAT = 128
N_TRIPLES = 160000


def setup_inputs(seed: int = 0) -> dict:
    key = jax.random.key(seed)
    k1, k2, k3, k4 = jax.random.split(key, 4)
    x = jax.random.normal(k1, (N_NODES, D_FEAT), dtype=jnp.float32)
    senders = jax.random.randint(k2, (N_TRIPLES,), 0, N_NODES, dtype=jnp.int32)
    types = jax.random.randint(k3, (N_TRIPLES,), 0, N_REL, dtype=jnp.int32)
    receivers = jax.random.randint(k4, (N_TRIPLES,), 0, N_NODES, dtype=jnp.int32)
    triples = jnp.stack([senders, types, receivers], axis=1)
    return {"x": x, "triples": triples}


def reference(x, triples):
    # Representation.process: double edges with inverse relations
    t = triples.T
    senders = jnp.concatenate([t[0], t[2]])
    receivers = jnp.concatenate([t[2], t[0]])
    # message_types = concat(t[1], t[1] + N_REL) -- not needed for 'global' normalization
    # forward_incidence_matrix with normalization='global':
    # sparse softmax over all-ones values per receiver row == 1/deg(receiver)
    ones = jnp.ones_like(receivers, dtype=x.dtype)
    deg = jax.ops.segment_sum(ones, receivers, num_segments=N_NODES)
    inv_deg = jnp.where(deg > 0, 1.0 / jnp.maximum(deg, 1.0), 0.0)
    norm = inv_deg[receivers]
    # gather sender features (messages), normalize, scatter-add into receivers
    msgs = jnp.take(x, senders, axis=0) * norm[:, None]
    out = jax.ops.segment_sum(msgs, receivers, num_segments=N_NODES)
    return out

if __name__ == "__main__":
    import jax
    _d = setup_inputs()
    print(jax.jit(kernel)(*tuple(_d.values())))

</pallas_src>

<mosaic_0001>
#map = affine_map<(d0, d1) -> (0, 0)>
#map1 = affine_map<(d0, d1) -> (0, 0, 0)>
module attributes {stable_mosaic.version = 14 : i64} {
  func.func @sc_fn(%arg0: i32, %arg1: i32, %arg2: memref<10000x128xf32, #tpu.memory_space<hbm>>, %arg3: memref<16x160x128xi32, #tpu.memory_space<hbm>>, %arg4: memref<16x160x128xi32, #tpu.memory_space<hbm>>, %arg5: memref<10000x128xf32, #tpu.memory_space<hbm>>, %arg6: memref<32x128xi32, #tpu.memory_space<vmem>>, %arg7: memref<32x128xi32, #tpu.memory_space<vmem>>, %arg8: memref<4x128x64xf32, #tpu.memory_space<vmem>>, %arg9: memref<128xf32, #tpu.memory_space<vmem>>, %arg10: memref<640xf32, #tpu.memory_space<vmem>>, %arg11: memref<80x64xf32, #tpu.memory_space<vmem>>, %arg12: memref<640xf32, #tpu.memory_space<vmem>>, %arg13: memref<640xf32, #tpu.memory_space<vmem>>, %arg14: memref<10240x64xf32, #tpu.memory_space<vmem_shared>>, %arg15: memref<10240xf32, #tpu.memory_space<vmem_shared>>, %arg16: memref<10000x64xf32, #tpu.memory_space<vmem_shared>>, %arg17: memref<!tpu.dma_semaphore, #tpu.memory_space<semaphore_mem>>, %arg18: memref<!tpu.dma_semaphore, #tpu.memory_space<semaphore_mem>>, %arg19: memref<!tpu.dma_semaphore, #tpu.memory_space<semaphore_mem>>, %arg20: memref<!tpu.dma_semaphore, #tpu.memory_space<semaphore_mem>>, %arg21: memref<!tpu.dma_semaphore, #tpu.memory_space<semaphore_mem>>, %arg22: memref<!tpu.dma_semaphore, #tpu.memory_space<semaphore_mem>>, %arg23: memref<!tpu.dma_semaphore, #tpu.memory_space<semaphore_mem>>, %arg24: memref<!tpu.dma_semaphore, #tpu.memory_space<semaphore_mem>>, %arg25: memref<!tpu.dma_semaphore, #tpu.memory_space<semaphore_mem>>, %arg26: memref<!tpu.dma_semaphore, #tpu.memory_space<semaphore_mem>>) attributes {dimension_semantics = [#tpu.dimension_semantics<core_parallel>, #tpu.dimension_semantics<subcore_parallel>], iteration_bounds = array<i64: 2, 16>, scalar_prefetch = 0 : i64, scratch_operands = 21 : i64, tpu.core_type = #tpu.core_type<sc_vector_subcore>, window_params = [{transform_indices = #map}, {transform_indices = #map1}, {transform_indices = #map1}, {transform_indices = #map}]} {
    %mul3A = arith.constant 640 : i32
    %mul3A_0 = arith.muli %arg1, %mul3A : i32
    %scan3A = arith.constant 0 : i32
    %scan3A_1 = arith.constant 0 : i32
    %scan3A_2 = arith.constant 80 : i32
    %scan3A_3 = arith.addi %scan3A_1, %scan3A_2 : i32
    %scan3A_4 = arith.constant 1 : i32
    scf.for %scan3A_152 = %scan3A_1 to %scan3A_3 step %scan3A_4  : i32 {
      %broadcast_in_dim3A = arith.constant 0.000000e+00 : f32
      %broadcast_in_dim3A_153 = vector.broadcast %broadcast_in_dim3A : f32 to vector<16xf32>
      %swap3A = arith.index_cast %scan3A_152 : i32 to index
      %swap3A_154 = arith.constant 0 : index
      %swap3A_155 = tpu.vector_load %arg11[%swap3A, %swap3A_154] {strides = array<i32>} : memref<80x64xf32, #tpu.memory_space<vmem>>, vector<16xf32>,
      tpu.vector_store %arg11[%swap3A, %swap3A_154], %broadcast_in_dim3A_153 {strides = array<i32>} : memref<80x64xf32, #tpu.memory_space<vmem>>, vector<16xf32>,
      %broadcast_in_dim3A_156 = arith.constant 0.000000e+00 : f32
      %broadcast_in_dim3A_157 = vector.broadcast %broadcast_in_dim3A_156 : f32 to vector<16xf32>
      %swap3A_158 = arith.index_cast %scan3A_152 : i32 to index
      %swap3A_159 = arith.constant 16 : index
      %swap3A_160 = tpu.vector_load %arg11[%swap3A_158, %swap3A_159] {strides = array<i32>} : memref<80x64xf32, #tpu.memory_space<vmem>>, vector<16xf32>,
      tpu.vector_store %arg11[%swap3A_158, %swap3A_159], %broadcast_in_dim3A_157 {strides = array<i32>} : memref<80x64xf32, #tpu.memory_space<vmem>>, vector<16xf32>,
      %broadcast_in_dim3A_161 = arith.constant 0.000000e+00 : f32
      %broadcast_in_dim3A_162 = vector.broadcast %broadcast_in_dim3A_161 : f32 to vector<16xf32>
      %swap3A_163 = arith.index_cast %scan3A_152 : i32 to index
      %swap3A_164 = arith.constant 32 : index
      %swap3A_165 = tpu.vector_load %arg11[%swap3A_163, %swap3A_164] {strides = array<i32>} : memref<80x64xf32, #tpu.memory_space<vmem>>, vector<16xf32>,
      tpu.vector_store %arg11[%swap3A_163, %swap3A_164], %broadcast_in_dim3A_162 {strides = array<i32>} : memref<80x64xf32, #tpu.memory_space<vmem>>, vector<16xf32>,
      %broadcast_in_dim3A_166 = arith.constant 0.000000e+00 : f32
      %broadcast_in_dim3A_167 = vector.broadcast %broadcast_in_dim3A_166 : f32 to vector<16xf32>
      %swap3A_168 = arith.index_cast %scan3A_152 : i32 to index
      %swap3A_169 = arith.constant 48 : index
      %swap3A_170 = tpu.vector_load %arg11[%swap3A_168, %swap3A_169] {strides = array<i32>} : memref<80x64xf32, #tpu.memory_space<vmem>>, vector<16xf32>,
      tpu.vector_store %arg11[%swap3A_168, %swap3A_169], %broadcast_in_dim3A_167 {strides = array<i32>} : memref<80x64xf32, #tpu.memory_space<vmem>>, vector<16xf32>,
    }
    %scan3A_5 = arith.constant 80 : i32
    %scan3A_6 = arith.constant 0 : i32
    %scan3A_7 = arith.constant 0 : i32
    %scan3A_8 = arith.constant 40 : i32
    %scan3A_9 = arith.addi %scan3A_7, %scan3A_8 : i32
    %scan3A_10 = arith.constant 1 : i32
    scf.for %scan3A_152 = %scan3A_7 to %scan3A_9 step %scan3A_10  : i32 {
      %broadcast_in_dim3A = arith.constant 0.000000e+00 : f32
      %broadcast_in_dim3A_153 = vector.broadcast %broadcast_in_dim3A : f32 to vector<16xf32>
      %mul3A_154 = arith.constant 16 : i32
      %mul3A_155 = arith.muli %scan3A_152, %mul3A_154 : i32
      %swap3A = arith.index_cast %mul3A_155 : i32 to index
      %swap3A_156 = tpu.vector_load %arg10[%swap3A] {strides = array<i32>} : memref<640xf32, #tpu.memory_space<vmem>>, vector<16xf32>,
      tpu.vector_store %arg10[%swap3A], %broadcast_in_dim3A_153 {strides = array<i32>} : memref<640xf32, #tpu.memory_space<vmem>>, vector<16xf32>,
    }
    %scan3A_11 = arith.constant 40 : i32
    %scan3A_12 = arith.constant 0 : i32
    %scan3A_13 = arith.constant 0 : i32
    %scan3A_14 = arith.constant 8 : i32
    %scan3A_15 = arith.addi %scan3A_13, %scan3A_14 : i32
    %scan3A_16 = arith.constant 1 : i32
    scf.for %scan3A_152 = %scan3A_13 to %scan3A_15 step %scan3A_16  : i32 {
      %broadcast_in_dim3A = arith.constant 1.000000e+00 : f32
      %broadcast_in_dim3A_153 = vector.broadcast %broadcast_in_dim3A : f32 to vector<16xf32>
      %mul3A_154 = arith.constant 16 : i32
      %mul3A_155 = arith.muli %scan3A_152, %mul3A_154 : i32
      %swap3A = arith.index_cast %mul3A_155 : i32 to index
      %swap3A_156 = tpu.vector_load %arg9[%swap3A] {strides = array<i32>} : memref<128xf32, #tpu.memory_space<vmem>>, vector<16xf32>,
      tpu.vector_store %arg9[%swap3A], %broadcast_in_dim3A_153 {strides = array<i32>} : memref<128xf32, #tpu.memory_space<vmem>>, vector<16xf32>,
    }
    %scan3A_17 = arith.constant 8 : i32
    %add3A = arith.constant 0 : i32
    %add3A_18 = arith.addi %mul3A_0, %add3A : i32
    %dma_start3A = arith.constant 0 : i32
    %dma_start3A_19 = tpu.memref_slice %arg14[%add3A_18, %dma_start3A] : memref<10240x64xf32, #tpu.memory_space<vmem_shared>> -> memref<80x64xf32, #tpu.memory_space<vmem_shared>>
    %dma_start3A_20 = arith.constant 0 : i32
    %dma_start3A_21 = tpu.memref_slice %arg14[%add3A_18, %dma_start3A_20] : memref<10240x64xf32, #tpu.memory_space<vmem_shared>> -> memref<80x64xf32, #tpu.memory_space<vmem_shared>>
    tpu.enqueue_dma source(%arg11 : memref<80x64xf32, #tpu.memory_space<vmem>>) target(%dma_start3A_21 : memref<80x64xf32, #tpu.memory_space<vmem_shared>>) target_semaphore(%arg17 : memref<!tpu.dma_semaphore, #tpu.memory_space<semaphore_mem>>)
    %add3A_22 = arith.constant 80 : i32
    %add3A_23 = arith.addi %mul3A_0, %add3A_22 : i32
    %dma_start3A_24 = arith.constant 0 : i32
    %dma_start3A_25 = tpu.memref_slice %arg14[%add3A_23, %dma_start3A_24] : memref<10240x64xf32, #tpu.memory_space<vmem_shared>> -> memref<80x64xf32, #tpu.memory_space<vmem_shared>>
    %dma_start3A_26 = arith.constant 0 : i32
    %dma_start3A_27 = tpu.memref_slice %arg14[%add3A_23, %dma_start3A_26] : memref<10240x64xf32, #tpu.memory_space<vmem_shared>> -> memref<80x64xf32, #tpu.memory_space<vmem_shared>>
    tpu.enqueue_dma source(%arg11 : memref<80x64xf32, #tpu.memory_space<vmem>>) target(%dma_start3A_27 : memref<80x64xf32, #tpu.memory_space<vmem_shared>>) target_semaphore(%arg17 : memref<!tpu.dma_semaphore, #tpu.memory_space<semaphore_mem>>)
    %add3A_28 = arith.constant 160 : i32
    %add3A_29 = arith.addi %mul3A_0, %add3A_28 : i32
    %dma_start3A_30 = arith.constant 0 : i32
    %dma_start3A_31 = tpu.memref_slice %arg14[%add3A_29, %dma_start3A_30] : memref<10240x64xf32, #tpu.memory_space<vmem_shared>> -> memref<80x64xf32, #tpu.memory_space<vmem_shared>>
    %dma_start3A_32 = arith.constant 0 : i32
    %dma_start3A_33 = tpu.memref_slice %arg14[%add3A_29, %dma_start3A_32] : memref<10240x64xf32, #tpu.memory_space<vmem_shared>> -> memref<80x64xf32, #tpu.memory_space<vmem_shared>>
    tpu.enqueue_dma source(%arg11 : memref<80x64xf32, #tpu.memory_space<vmem>>) target(%dma_start3A_33 : memref<80x64xf32, #tpu.memory_space<vmem_shared>>) target_semaphore(%arg17 : memref<!tpu.dma_semaphore, #tpu.memory_space<semaphore_mem>>)
    %add3A_34 = arith.constant 240 : i32
    %add3A_35 = arith.addi %mul3A_0, %add3A_34 : i32
    %dma_start3A_36 = arith.constant 0 : i32
    %dma_start3A_37 = tpu.memref_slice %arg14[%add3A_35, %dma_start3A_36] : memref<10240x64xf32, #tpu.memory_space<vmem_shared>> -> memref<80x64xf32, #tpu.memory_space<vmem_shared>>
    %dma_start3A_38 = arith.constant 0 : i32
    %dma_start3A_39 = tpu.memref_slice %arg14[%add3A_35, %dma_start3A_38] : memref<10240x64xf32, #tpu.memory_space<vmem_shared>> -> memref<80x64xf32, #tpu.memory_space<vmem_shared>>
    tpu.enqueue_dma source(%arg11 : memref<80x64xf32, #tpu.memory_space<vmem>>) target(%dma_start3A_39 : memref<80x64xf32, #tpu.memory_space<vmem_shared>>) target_semaphore(%arg17 : memref<!tpu.dma_semaphore, #tpu.memory_space<semaphore_mem>>)
    %add3A_40 = arith.constant 320 : i32
    %add3A_41 = arith.addi %mul3A_0, %add3A_40 : i32
    %dma_start3A_42 = arith.constant 0 : i32
    %dma_start3A_43 = tpu.memref_slice %arg14[%add3A_41, %dma_start3A_42] : memref<10240x64xf32, #tpu.memory_space<vmem_shared>> -> memref<80x64xf32, #tpu.memory_space<vmem_shared>>
    %dma_start3A_44 = arith.constant 0 : i32
    %dma_start3A_45 = tpu.memref_slice %arg14[%add3A_41, %dma_start3A_44] : memref<10240x64xf32, #tpu.memory_space<vmem_shared>> -> memref<80x64xf32, #tpu.memory_space<vmem_shared>>
    tpu.enqueue_dma source(%arg11 : memref<80x64xf32, #tpu.memory_space<vmem>>) target(%dma_start3A_45 : memref<80x64xf32, #tpu.memory_space<vmem_shared>>) target_semaphore(%arg17 : memref<!tpu.dma_semaphore, #tpu.memory_space<semaphore_mem>>)
    %add3A_46 = arith.constant 400 : i32
    %add3A_47 = arith.addi %mul3A_0, %add3A_46 : i32
    %dma_start3A_48 = arith.constant 0 : i32
    %dma_start3A_49 = tpu.memref_slice %arg14[%add3A_47, %dma_start3A_48] : memref<10240x64xf32, #tpu.memory_space<vmem_shared>> -> memref<80x64xf32, #tpu.memory_space<vmem_shared>>
    %dma_start3A_50 = arith.constant 0 : i32
    %dma_start3A_51 = tpu.memref_slice %arg14[%add3A_47, %dma_start3A_50] : memref<10240x64xf32, #tpu.memory_space<vmem_shared>> -> memref<80x64xf32, #tpu.memory_space<vmem_shared>>
    tpu.enqueue_dma source(%arg11 : memref<80x64xf32, #tpu.memory_space<vmem>>) target(%dma_start3A_51 : memref<80x64xf32, #tpu.memory_space<vmem_shared>>) target_semaphore(%arg17 : memref<!tpu.dma_semaphore, #tpu.memory_space<semaphore_mem>>)
    %add3A_52 = arith.constant 480 : i32
    %add3A_53 = arith.addi %mul3A_0, %add3A_52 : i32
    %dma_start3A_54 = arith.constant 0 : i32
    %dma_start3A_55 = tpu.memref_slice %arg14[%add3A_53, %dma_start3A_54] : memref<10240x64xf32, #tpu.memory_space<vmem_shared>> -> memref<80x64xf32, #tpu.memory_space<vmem_shared>>
    %dma_start3A_56 = arith.constant 0 : i32
    %dma_start3A_57 = tpu.memref_slice %arg14[%add3A_53, %dma_start3A_56] : memref<10240x64xf32, #tpu.memory_space<vmem_shared>> -> memref<80x64xf32, #tpu.memory_space<vmem_shared>>
    tpu.enqueue_dma source(%arg11 : memref<80x64xf32, #tpu.memory_space<vmem>>) target(%dma_start3A_57 : memref<80x64xf32, #tpu.memory_space<vmem_shared>>) target_semaphore(%arg17 : memref<!tpu.dma_semaphore, #tpu.memory_space<semaphore_mem>>)
    %add3A_58 = arith.constant 560 : i32
    %add3A_59 = arith.addi %mul3A_0, %add3A_58 : i32
    %dma_start3A_60 = arith.constant 0 : i32
    %dma_start3A_61 = tpu.memref_slice %arg14[%add3A_59, %dma_start3A_60] : memref<10240x64xf32, #tpu.memory_space<vmem_shared>> -> memref<80x64xf32, #tpu.memory_space<vmem_shared>>
    %dma_start3A_62 = arith.constant 0 : i32
    %dma_start3A_63 = tpu.memref_slice %arg14[%add3A_59, %dma_start3A_62] : memref<10240x64xf32, #tpu.memory_space<vmem_shared>> -> memref<80x64xf32, #tpu.memory_space<vmem_shared>>
    tpu.enqueue_dma source(%arg11 : memref<80x64xf32, #tpu.memory_space<vmem>>) target(%dma_start3A_63 : memref<80x64xf32, #tpu.memory_space<vmem_shared>>) target_semaphore(%arg17 : memref<!tpu.dma_semaphore, #tpu.memory_space<semaphore_mem>>)
    %dma_start3A_64 = tpu.memref_slice %arg15[%mul3A_0] : memref<10240xf32, #tpu.memory_space<vmem_shared>> -> memref<640xf32, #tpu.memory_space<vmem_shared>>
    %dma_start3A_65 = tpu.memref_slice %arg15[%mul3A_0] : memref<10240xf32, #tpu.memory_space<vmem_shared>> -> memref<640xf32, #tpu.memory_space<vmem_shared>>
    tpu.enqueue_dma source(%arg10 : memref<640xf32, #tpu.memory_space<vmem>>) target(%dma_start3A_65 : memref<640xf32, #tpu.memory_space<vmem_shared>>) target_semaphore(%arg18 : memref<!tpu.dma_semaphore, #tpu.memory_space<semaphore_mem>>)
    %mul3A_66 = arith.constant 625 : i32
    %mul3A_67 = arith.muli %arg1, %mul3A_66 : i32
    %mul3A_68 = arith.constant 64 : i32
    %mul3A_69 = arith.muli %arg0, %mul3A_68 : i32
    %mul3A_70 = arith.constant 625 : i32
    %mul3A_71 = arith.muli %arg1, %mul3A_70 : i32
    %dma_start3A_72 = arith.constant 0 : i32
    %dma_start3A_73 = tpu.memref_slice %arg16[%mul3A_71, %dma_start3A_72] : memref<10000x64xf32, #tpu.memory_space<vmem_shared>> -> memref<625x64xf32, #tpu.memory_space<vmem_shared>>
    %dma_start3A_74 = tpu.memref_slice %arg2[%mul3A_67, %mul3A_69] : memref<10000x128xf32, #tpu.memory_space<hbm>> -> memref<625x64xf32, #tpu.memory_space<hbm>>
    tpu.enqueue_dma source(%dma_start3A_74 : memref<625x64xf32, #tpu.memory_space<hbm>>) target(%dma_start3A_73 : memref<625x64xf32, #tpu.memory_space<vmem_shared>>) target_semaphore(%arg19 : memref<!tpu.dma_semaphore, #tpu.memory_space<semaphore_mem>>)
    %add3A_75 = arith.constant 0 : i32
    %add3A_76 = arith.addi %mul3A_0, %add3A_75 : i32
    %dma_wait3A = arith.constant 0 : i32
    %dma_wait3A_77 = tpu.memref_slice %arg14[%add3A_76, %dma_wait3A] : memref<10240x64xf32, #tpu.memory_space<vmem_shared>> -> memref<80x64xf32, #tpu.memory_space<vmem_shared>>
    %dma_wait3A_78 = arith.constant 0 : i32
    %dma_wait3A_79 = tpu.memref_slice %arg14[%add3A_76, %dma_wait3A_78] : memref<10240x64xf32, #tpu.memory_space<vmem_shared>> -> memref<80x64xf32, #tpu.memory_space<vmem_shared>>
    tpu.wait_dma2 semaphore(%arg17 : memref<!tpu.dma_semaphore, #tpu.memory_space<semaphore_mem>>) src(%arg11 : memref<80x64xf32, #tpu.memory_space<vmem>>) dst(%dma_wait3A_79 : memref<80x64xf32, #tpu.memory_space<vmem_shared>>)
    %add3A_80 = arith.constant 80 : i32
    %add3A_81 = arith.addi %mul3A_0, %add3A_80 : i32
    %dma_wait3A_82 = arith.constant 0 : i32
    %dma_wait3A_83 = tpu.memref_slice %arg14[%add3A_81, %dma_wait3A_82] : memref<10240x64xf32, #tpu.memory_space<vmem_shared>> -> memref<80x64xf32, #tpu.memory_space<vmem_shared>>
    %dma_wait3A_84 = arith.constant 0 : i32
    %dma_wait3A_85 = tpu.memref_slice %arg14[%add3A_81, %dma_wait3A_84] : memref<10240x64xf32, #tpu.memory_space<vmem_shared>> -> memref<80x64xf32, #tpu.memory_space<vmem_shared>>
    tpu.wait_dma2 semaphore(%arg17 : memref<!tpu.dma_semaphore, #tpu.memory_space<semaphore_mem>>) src(%arg11 : memref<80x64xf32, #tpu.memory_space<vmem>>) dst(%dma_wait3A_85 : memref<80x64xf32, #tpu.memory_space<vmem_shared>>)
    %add3A_86 = arith.constant 160 : i32
    %add3A_87 = arith.addi %mul3A_0, %add3A_86 : i32
    %dma_wait3A_88 = arith.constant 0 : i32
    %dma_wait3A_89 = tpu.memref_slice %arg14[%add3A_87, %dma_wait3A_88] : memref<10240x64xf32, #tpu.memory_space<vmem_shared>> -> memref<80x64xf32, #tpu.memory_space<vmem_shared>>
    %dma_wait3A_90 = arith.constant 0 : i32
    %dma_wait3A_91 = tpu.memref_slice %arg14[%add3A_87, %dma_wait3A_90] : memref<10240x64xf32, #tpu.memory_space<vmem_shared>> -> memref<80x64xf32, #tpu.memory_space<vmem_shared>>
    tpu.wait_dma2 semaphore(%arg17 : memref<!tpu.dma_semaphore, #tpu.memory_space<semaphore_mem>>) src(%arg11 : memref<80x64xf32, #tpu.memory_space<vmem>>) dst(%dma_wait3A_91 : memref<80x64xf32, #tpu.memory_space<vmem_shared>>)
    %add3A_92 = arith.constant 240 : i32
    %add3A_93 = arith.addi %mul3A_0, %add3A_92 : i32
    %dma_wait3A_94 = arith.constant 0 : i32
    %dma_wait3A_95 = tpu.memref_slice %arg14[%add3A_93, %dma_wait3A_94] : memref<10240x64xf32, #tpu.memory_space<vmem_shared>> -> memref<80x64xf32, #tpu.memory_space<vmem_shared>>
    %dma_wait3A_96 = arith.constant 0 : i32
    %dma_wait3A_97 = tpu.memref_slice %arg14[%add3A_93, %dma_wait3A_96] : memref<10240x64xf32, #tpu.memory_space<vmem_shared>> -> memref<80x64xf32, #tpu.memory_space<vmem_shared>>
    tpu.wait_dma2 semaphore(%arg17 : memref<!tpu.dma_semaphore, #tpu.memory_space<semaphore_mem>>) src(%arg11 : memref<80x64xf32, #tpu.memory_space<vmem>>) dst(%dma_wait3A_97 : memref<80x64xf32, #tpu.memory_space<vmem_shared>>)
    %add3A_98 = arith.constant 320 : i32
    %add3A_99 = arith.addi %mul3A_0, %add3A_98 : i32
    %dma_wait3A_100 = arith.constant 0 : i32
    %dma_wait3A_101 = tpu.memref_slice %arg14[%add3A_99, %dma_wait3A_100] : memref<10240x64xf32, #tpu.memory_space<vmem_shared>> -> memref<80x64xf32, #tpu.memory_space<vmem_shared>>
    %dma_wait3A_102 = arith.constant 0 : i32
    %dma_wait3A_103 = tpu.memref_slice %arg14[%add3A_99, %dma_wait3A_102] : memref<10240x64xf32, #tpu.memory_space<vmem_shared>> -> memref<80x64xf32, #tpu.memory_space<vmem_shared>>
    tpu.wait_dma2 semaphore(%arg17 : memref<!tpu.dma_semaphore, #tpu.memory_space<semaphore_mem>>) src(%arg11 : memref<80x64xf32, #tpu.memory_space<vmem>>) dst(%dma_wait3A_103 : memref<80x64xf32, #tpu.memory_space<vmem_shared>>)
    %add3A_104 = arith.constant 400 : i32
    %add3A_105 = arith.addi %mul3A_0, %add3A_104 : i32
    %dma_wait3A_106 = arith.constant 0 : i32
    %dma_wait3A_107 = tpu.memref_slice %arg14[%add3A_105, %dma_wait3A_106] : memref<10240x64xf32, #tpu.memory_space<vmem_shared>> -> memref<80x64xf32, #tpu.memory_space<vmem_shared>>
    %dma_wait3A_108 = arith.constant 0 : i32
    %dma_wait3A_109 = tpu.memref_slice %arg14[%add3A_105, %dma_wait3A_108] : memref<10240x64xf32, #tpu.memory_space<vmem_shared>> -> memref<80x64xf32, #tpu.memory_space<vmem_shared>>
    tpu.wait_dma2 semaphore(%arg17 : memref<!tpu.dma_semaphore, #tpu.memory_space<semaphore_mem>>) src(%arg11 : memref<80x64xf32, #tpu.memory_space<vmem>>) dst(%dma_wait3A_109 : memref<80x64xf32, #tpu.memory_space<vmem_shared>>)
    %add3A_110 = arith.constant 480 : i32
    %add3A_111 = arith.addi %mul3A_0, %add3A_110 : i32
    %dma_wait3A_112 = arith.constant 0 : i32
    %dma_wait3A_113 = tpu.memref_slice %arg14[%add3A_111, %dma_wait3A_112] : memref<10240x64xf32, #tpu.memory_space<vmem_shared>> -> memref<80x64xf32, #tpu.memory_space<vmem_shared>>
    %dma_wait3A_114 = arith.constant 0 : i32
    %dma_wait3A_115 = tpu.memref_slice %arg14[%add3A_111, %dma_wait3A_114] : memref<10240x64xf32, #tpu.memory_space<vmem_shared>> -> memref<80x64xf32, #tpu.memory_space<vmem_shared>>
    tpu.wait_dma2 semaphore(%arg17 : memref<!tpu.dma_semaphore, #tpu.memory_space<semaphore_mem>>) src(%arg11 : memref<80x64xf32, #tpu.memory_space<vmem>>) dst(%dma_wait3A_115 : memref<80x64xf32, #tpu.memory_space<vmem_shared>>)
    %add3A_116 = arith.constant 560 : i32
    %add3A_117 = arith.addi %mul3A_0, %add3A_116 : i32
    %dma_wait3A_118 = arith.constant 0 : i32
    %dma_wait3A_119 = tpu.memref_slice %arg14[%add3A_117, %dma_wait3A_118] : memref<10240x64xf32, #tpu.memory_space<vmem_shared>> -> memref<80x64xf32, #tpu.memory_space<vmem_shared>>
    %dma_wait3A_120 = arith.constant 0 : i32
    %dma_wait3A_121 = tpu.memref_slice %arg14[%add3A_117, %dma_wait3A_120] : memref<10240x64xf32, #tpu.memory_space<vmem_shared>> -> memref<80x64xf32, #tpu.memory_space<vmem_shared>>
    tpu.wait_dma2 semaphore(%arg17 : memref<!tpu.dma_semaphore, #tpu.memory_space<semaphore_mem>>) src(%arg11 : memref<80x64xf32, #tpu.memory_space<vmem>>) dst(%dma_wait3A_121 : memref<80x64xf32, #tpu.memory_space<vmem_shared>>)
    %dma_wait3A_122 = tpu.memref_slice %arg15[%mul3A_0] : memref<10240xf32, #tpu.memory_space<vmem_shared>> -> memref<640xf32, #tpu.memory_space<vmem_shared>>
    %dma_wait3A_123 = tpu.memref_slice %arg15[%mul3A_0] : memref<10240xf32, #tpu.memory_space<vmem_shared>> -> memref<640xf32, #tpu.memory_space<vmem_shared>>
    tpu.wait_dma2 semaphore(%arg18 : memref<!tpu.dma_semaphore, #tpu.memory_space<semaphore_mem>>) src(%arg10 : memref<640xf32, #tpu.memory_space<vmem>>) dst(%dma_wait3A_123 : memref<640xf32, #tpu.memory_space<vmem_shared>>)
    %mul3A_124 = arith.constant 625 : i32
    %mul3A_125 = arith.muli %arg1, %mul3A_124 : i32
    %mul3A_126 = arith.constant 64 : i32
    %mul3A_127 = arith.muli %arg0, %mul3A_126 : i32
    %mul3A_128 = arith.constant 625 : i32
    %mul3A_129 = arith.muli %arg1, %mul3A_128 : i32
    %dma_wait3A_130 = arith.constant 0 : i32
    %dma_wait3A_131 = tpu.memref_slice %arg16[%mul3A_129, %dma_wait3A_130] : memref<10000x64xf32, #tpu.memory_space<vmem_shared>> -> memref<625x64xf32, #tpu.memory_space<vmem_shared>>
    %dma_wait3A_132 = tpu.memref_slice %arg2[%mul3A_125, %mul3A_127] : memref<10000x128xf32, #tpu.memory_space<hbm>> -> memref<625x64xf32, #tpu.memory_space<hbm>>
    tpu.wait_dma2 semaphore(%arg19 : memref<!tpu.dma_semaphore, #tpu.memory_space<semaphore_mem>>) src(%dma_wait3A_132 : memref<625x64xf32, #tpu.memory_space<hbm>>) dst(%dma_wait3A_131 : memref<625x64xf32, #tpu.memory_space<vmem_shared>>)
    %barrier3A = arith.constant 0 : index
    tpu.barrier barrier_id(%barrier3A)
    %scan3A_133 = arith.constant 0 : i32
    %scan3A_134 = arith.constant 0 : i32
    %scan3A_135 = arith.constant 5 : i32
    %scan3A_136 = arith.addi %scan3A_134, %scan3A_135 : i32
    %scan3A_137 = arith.constant 1 : i32
    scf.for %scan3A_152 = %scan3A_134 to %scan3A_136 step %scan3A_137  : i32 {
      %mul3A_153 = arith.constant 32 : i32
      %mul3A_154 = arith.muli %scan3A_152, %mul3A_153 : i32
      "tpu.region"() ({
        %run_scoped3A = tpu.sem_alloc : memref<!tpu.dma_semaphore, #tpu.memory_space<semaphore_mem>>
        %dma_start3A_223 = arith.constant 0 : i32
        %dma_start3A_224 = tpu.memref_slice %arg3[%arg1, %mul3A_154, %dma_start3A_223] : memref<16x160x128xi32, #tpu.memory_space<hbm>> -> memref<1x32x128xi32, #tpu.memory_space<hbm>>
        %dma_start3A_225 = tpu.memref_squeeze %dma_start3A_224 : memref<1x32x128xi32, #tpu.memory_space<hbm>> -> memref<32x128xi32, #tpu.memory_space<hbm>>
        %dma_start3A_226 = arith.constant 0 : i32
        %dma_start3A_227 = tpu.memref_slice %arg3[%arg1, %mul3A_154, %dma_start3A_226] : memref<16x160x128xi32, #tpu.memory_space<hbm>> -> memref<1x32x128xi32, #tpu.memory_space<hbm>>
        %dma_start3A_228 = tpu.memref_squeeze %dma_start3A_227 : memref<1x32x128xi32, #tpu.memory_space<hbm>> -> memref<32x128xi32, #tpu.memory_space<hbm>>
        tpu.enqueue_dma source(%dma_start3A_228 : memref<32x128xi32, #tpu.memory_space<hbm>>) target(%arg6 : memref<32x128xi32, #tpu.memory_space<vmem>>) target_semaphore(%run_scoped3A : memref<!tpu.dma_semaphore, #tpu.memory_space<semaphore_mem>>)
        %dma_wait3A_229 = arith.constant 0 : i32
        %dma_wait3A_230 = tpu.memref_slice %arg3[%arg1, %mul3A_154, %dma_wait3A_229] : memref<16x160x128xi32, #tpu.memory_space<hbm>> -> memref<1x32x128xi32, #tpu.memory_space<hbm>>
        %dma_wait3A_231 = tpu.memref_squeeze %dma_wait3A_230 : memref<1x32x128xi32, #tpu.memory_space<hbm>> -> memref<32x128xi32, #tpu.memory_space<hbm>>
        %dma_wait3A_232 = arith.constant 0 : i32
        %dma_wait3A_233 = tpu.memref_slice %arg3[%arg1, %mul3A_154, %dma_wait3A_232] : memref<16x160x128xi32, #tpu.memory_space<hbm>> -> memref<1x32x128xi32, #tpu.memory_space<hbm>>
        %dma_wait3A_234 = tpu.memref_squeeze %dma_wait3A_233 : memref<1x32x128xi32, #tpu.memory_space<hbm>> -> memref<32x128xi32, #tpu.memory_space<hbm>>
        tpu.wait_dma2 semaphore(%run_scoped3A : memref<!tpu.dma_semaphore, #tpu.memory_space<semaphore_mem>>) src(%dma_wait3A_234 : memref<32x128xi32, #tpu.memory_space<hbm>>) dst(%arg6 : memref<32x128xi32, #tpu.memory_space<vmem>>)
        tpu.yield
      }) : () -> ()
      %mul3A_155 = arith.constant 32 : i32
      %mul3A_156 = arith.muli %scan3A_152, %mul3A_155 : i32
      "tpu.region"() ({
        %run_scoped3A = tpu.sem_alloc : memref<!tpu.dma_semaphore, #tpu.memory_space<semaphore_mem>>
        %dma_start3A_223 = arith.constant 0 : i32
        %dma_start3A_224 = tpu.memref_slice %arg4[%arg1, %mul3A_156, %dma_start3A_223] : memref<16x160x128xi32, #tpu.memory_space<hbm>> -> memref<1x32x128xi32, #tpu.memory_space<hbm>>
        %dma_start3A_225 = tpu.memref_squeeze %dma_start3A_224 : memref<1x32x128xi32, #tpu.memory_space<hbm>> -> memref<32x128xi32, #tpu.memory_space<hbm>>
        %dma_start3A_226 = arith.constant 0 : i32
        %dma_start3A_227 = tpu.memref_slice %arg4[%arg1, %mul3A_156, %dma_start3A_226] : memref<16x160x128xi32, #tpu.memory_space<hbm>> -> memref<1x32x128xi32, #tpu.memory_space<hbm>>
        %dma_start3A_228 = tpu.memref_squeeze %dma_start3A_227 : memref<1x32x128xi32, #tpu.memory_space<hbm>> -> memref<32x128xi32, #tpu.memory_space<hbm>>
        tpu.enqueue_dma source(%dma_start3A_228 : memref<32x128xi32, #tpu.memory_space<hbm>>) target(%arg7 : memref<32x128xi32, #tpu.memory_space<vmem>>) target_semaphore(%run_scoped3A : memref<!tpu.dma_semaphore, #tpu.memory_space<semaphore_mem>>)
        %dma_wait3A_229 = arith.constant 0 : i32
        %dma_wait3A_230 = tpu.memref_slice %arg4[%arg1, %mul3A_156, %dma_wait3A_229] : memref<16x160x128xi32, #tpu.memory_space<hbm>> -> memref<1x32x128xi32, #tpu.memory_space<hbm>>
        %dma_wait3A_231 = tpu.memref_squeeze %dma_wait3A_230 : memref<1x32x128xi32, #tpu.memory_space<hbm>> -> memref<32x128xi32, #tpu.memory_space<hbm>>
        %dma_wait3A_232 = arith.constant 0 : i32
        %dma_wait3A_233 = tpu.memref_slice %arg4[%arg1, %mul3A_156, %dma_wait3A_232] : memref<16x160x128xi32, #tpu.memory_space<hbm>> -> memref<1x32x128xi32, #tpu.memory_space<hbm>>
        %dma_wait3A_234 = tpu.memref_squeeze %dma_wait3A_233 : memref<1x32x128xi32, #tpu.memory_space<hbm>> -> memref<32x128xi32, #tpu.memory_space<hbm>>
        tpu.wait_dma2 semaphore(%run_scoped3A : memref<!tpu.dma_semaphore, #tpu.memory_space<semaphore_mem>>) src(%dma_wait3A_234 : memref<32x128xi32, #tpu.memory_space<hbm>>) dst(%arg7 : memref<32x128xi32, #tpu.memory_space<vmem>>)
        tpu.yield
      }) : () -> ()
      %dma_start3A_157 = arith.constant 0 : i32
      %dma_start3A_158 = arith.constant 0 : i32
      %dma_start3A_159 = arith.constant 0 : i32
      %dma_start3A_160 = arith.constant 0 : i32
      %dma_start3A_161 = tpu.memref_slice %arg8[%dma_start3A_158, %dma_start3A_159, %dma_start3A_160] : memref<4x128x64xf32, #tpu.memory_space<vmem>> -> memref<1x128x64xf32, #tpu.memory_space<vmem>>
      %dma_start3A_162 = tpu.memref_squeeze %dma_start3A_161 : memref<1x128x64xf32, #tpu.memory_space<vmem>> -> memref<128x64xf32, #tpu.memory_space<vmem>>
      %dma_start3A_163 = arith.constant 0 : i32
      %dma_start3A_164 = tpu.memref_slice %arg6[%dma_start3A_157, %dma_start3A_163] : memref<32x128xi32, #tpu.memory_space<vmem>> -> memref<1x128xi32, #tpu.memory_space<vmem>>
      %dma_start3A_165 = tpu.memref_squeeze %dma_start3A_164 : memref<1x128xi32, #tpu.memory_space<vmem>> -> memref<128xi32, #tpu.memory_space<vmem>>
      %dma_start3A_166 = arith.constant 0 : i32
      %dma_start3A_167 = arith.constant 0 : i32
      %dma_start3A_168 = tpu.memref_slice %arg16[%dma_start3A_166, %dma_start3A_167] : memref<10000x64xf32, #tpu.memory_space<vmem_shared>> -> memref<10000x64xf32, #tpu.memory_space<vmem_shared>>
      tpu.enqueue_indirect_dma source(%dma_start3A_168 : memref<10000x64xf32, #tpu.memory_space<vmem_shared>>) target(%dma_start3A_162 : memref<128x64xf32, #tpu.memory_space<vmem>>) offsets(%dma_start3A_165 : memref<128xi32, #tpu.memory_space<vmem>>) semaphore(%arg17 : memref<!tpu.dma_semaphore, #tpu.memory_space<semaphore_mem>>)
      %dma_start3A_169 = arith.constant 1 : i32
      %dma_start3A_170 = arith.constant 1 : i32
      %dma_start3A_171 = arith.constant 0 : i32
      %dma_start3A_172 = arith.constant 0 : i32
      %dma_start3A_173 = tpu.memref_slice %arg8[%dma_start3A_170, %dma_start3A_171, %dma_start3A_172] : memref<4x128x64xf32, #tpu.memory_space<vmem>> -> memref<1x128x64xf32, #tpu.memory_space<vmem>>
      %dma_start3A_174 = tpu.memref_squeeze %dma_start3A_173 : memref<1x128x64xf32, #tpu.memory_space<vmem>> -> memref<128x64xf32, #tpu.memory_space<vmem>>
      %dma_start3A_175 = arith.constant 0 : i32
      %dma_start3A_176 = tpu.memref_slice %arg6[%dma_start3A_169, %dma_start3A_175] : memref<32x128xi32, #tpu.memory_space<vmem>> -> memref<1x128xi32, #tpu.memory_space<vmem>>
      %dma_start3A_177 = tpu.memref_squeeze %dma_start3A_176 : memref<1x128xi32, #tpu.memory_space<vmem>> -> memref<128xi32, #tpu.memory_space<vmem>>
      %dma_start3A_178 = arith.constant 0 : i32
      %dma_start3A_179 = arith.constant 0 : i32
      %dma_start3A_180 = tpu.memref_slice %arg16[%dma_start3A_178, %dma_start3A_179] : memref<10000x64xf32, #tpu.memory_space<vmem_shared>> -> memref<10000x64xf32, #tpu.memory_space<vmem_shared>>
      tpu.enqueue_indirect_dma source(%dma_start3A_180 : memref<10000x64xf32, #tpu.memory_space<vmem_shared>>) target(%dma_start3A_174 : memref<128x64xf32, #tpu.memory_space<vmem>>) offsets(%dma_start3A_177 : memref<128xi32, #tpu.memory_space<vmem>>) semaphore(%arg18 : memref<!tpu.dma_semaphore, #tpu.memory_space<semaphore_mem>>)
      %scan3A_181 = arith.constant 0 : i32
      %scan3A_182 = arith.constant 0 : i32
      %scan3A_183 = arith.constant 8 : i32
      %scan3A_184 = arith.addi %scan3A_182, %scan3A_183 : i32
      %scan3A_185 = arith.constant 1 : i32
      scf.for %scan3A_223 = %scan3A_182 to %scan3A_184 step %scan3A_185  : i32 {
        %mul3A_224 = arith.constant 4 : i32
        %mul3A_225 = arith.muli %mul3A_224, %scan3A_223 : i32
        %gt3A = arith.constant 0 : i32
        %gt3A_226 = arith.cmpi sgt, %scan3A_223, %gt3A : i32
        %convert_element_type3A = arith.extui %gt3A_226 : i1 to i32
        %cond3A = arith.constant 0 : i32
        %cond3A_227 = arith.cmpi ne, %convert_element_type3A, %cond3A : i32
        scf.if %cond3A_227 {
          %dma_wait3A_415 = arith.constant 2 : i32
          %dma_wait3A_416 = arith.constant 0 : i32
          %dma_wait3A_417 = arith.constant 0 : i32
          %dma_wait3A_418 = arith.constant 0 : i32
          %dma_wait3A_419 = tpu.memref_slice %arg8[%dma_wait3A_415, %dma_wait3A_417, %dma_wait3A_418] : memref<4x128x64xf32, #tpu.memory_space<vmem>> -> memref<1x128x64xf32, #tpu.memory_space<vmem>>
          %dma_wait3A_420 = tpu.memref_squeeze %dma_wait3A_419 : memref<1x128x64xf32, #tpu.memory_space<vmem>> -> memref<128x64xf32, #tpu.memory_space<vmem>>
          %dma_wait3A_421 = arith.constant 0 : i32
          %dma_wait3A_422 = tpu.memref_slice %arg7[%dma_wait3A_416, %dma_wait3A_421] : memref<32x128xi32, #tpu.memory_space<vmem>> -> memref<1x128xi32, #tpu.memory_space<vmem>>
          %dma_wait3A_423 = tpu.memref_squeeze %dma_wait3A_422 : memref<1x128xi32, #tpu.memory_space<vmem>> -> memref<128xi32, #tpu.memory_space<vmem>>
          %dma_wait3A_424 = arith.constant 0 : i32
          %dma_wait3A_425 = arith.constant 0 : i32
          %dma_wait3A_426 = tpu.memref_slice %arg14[%dma_wait3A_424, %dma_wait3A_425] : memref<10240x64xf32, #tpu.memory_space<vmem_shared>> -> memref<10240x64xf32, #tpu.memory_space<vmem_shared>>
          tpu.wait_indirect_dma semaphore(%arg23 : memref<!tpu.dma_semaphore, #tpu.memory_space<semaphore_mem>>) src(%dma_wait3A_420 : memref<128x64xf32, #tpu.memory_space<vmem>>) dst(%dma_wait3A_426 : memref<10240x64xf32, #tpu.memory_space<vmem_shared>>)
          %dma_wait3A_427 = arith.constant 0 : i32
          %dma_wait3A_428 = arith.constant 0 : i32
          %dma_wait3A_429 = tpu.memref_slice %arg7[%dma_wait3A_427, %dma_wait3A_428] : memref<32x128xi32, #tpu.memory_space<vmem>> -> memref<1x128xi32, #tpu.memory_space<vmem>>
          %dma_wait3A_430 = tpu.memref_squeeze %dma_wait3A_429 : memref<1x128xi32, #tpu.memory_space<vmem>> -> memref<128xi32, #tpu.memory_space<vmem>>
          %dma_wait3A_431 = arith.constant 0 : i32
          %dma_wait3A_432 = tpu.memref_slice %arg15[%dma_wait3A_431] : memref<10240xf32, #tpu.memory_space<vmem_shared>> -> memref<10240xf32, #tpu.memory_space<vmem_shared>>
          tpu.wait_indirect_dma semaphore(%arg26 : memref<!tpu.dma_semaphore, #tpu.memory_space<semaphore_mem>>) src(%arg9 : memref<128xf32, #tpu.memory_space<vmem>>) dst(%dma_wait3A_432 : memref<10240xf32, #tpu.memory_space<vmem_shared>>)
          %dma_wait3A_433 = arith.constant 3 : i32
          %dma_wait3A_434 = arith.constant 1 : i32
          %dma_wait3A_435 = arith.constant 0 : i32
          %dma_wait3A_436 = arith.constant 0 : i32
          %dma_wait3A_437 = tpu.memref_slice %arg8[%dma_wait3A_433, %dma_wait3A_435, %dma_wait3A_436] : memref<4x128x64xf32, #tpu.memory_space<vmem>> -> memref<1x128x64xf32, #tpu.memory_space<vmem>>
          %dma_wait3A_438 = tpu.memref_squeeze %dma_wait3A_437 : memref<1x128x64xf32, #tpu.memory_space<vmem>> -> memref<128x64xf32, #tpu.memory_space<vmem>>
          %dma_wait3A_439 = arith.constant 0 : i32
          %dma_wait3A_440 = tpu.memref_slice %arg7[%dma_wait3A_434, %dma_wait3A_439] : memref<32x128xi32, #tpu.memory_space<vmem>> -> memref<1x128xi32, #tpu.memory_space<vmem>>
          %dma_wait3A_441 = tpu.memref_squeeze %dma_wait3A_440 : memref<1x128xi32, #tpu.memory_space<vmem>> -> memref<128xi32, #tpu.memory_space<vmem>>
          %dma_wait3A_442 = arith.constant 0 : i32
          %dma_wait3A_443 = arith.constant 0 : i32
          %dma_wait3A_444 = tpu.memref_slice %arg14[%dma_wait3A_442, %dma_wait3A_443] : memref<10240x64xf32, #tpu.memory_space<vmem_shared>> -> memref<10240x64xf32, #tpu.memory_space<vmem_shared>>
          tpu.wait_indirect_dma semaphore(%arg24 : memref<!tpu.dma_semaphore, #tpu.memory_space<semaphore_mem>>) src(%dma_wait3A_438 : memref<128x64xf32, #tpu.memory_space<vmem>>) dst(%dma_wait3A_444 : memref<10240x64xf32, #tpu.memory_space<vmem_shared>>)
          %dma_wait3A_445 = arith.constant 1 : i32
          %dma_wait3A_446 = arith.constant 0 : i32
          %dma_wait3A_447 = tpu.memref_slice %arg7[%dma_wait3A_445, %dma_wait3A_446] : memref<32x128xi32, #tpu.memory_space<vmem>> -> memref<1x128xi32, #tpu.memory_space<vmem>>
          %dma_wait3A_448 = tpu.memref_squeeze %dma_wait3A_447 : memref<1x128xi32, #tpu.memory_space<vmem>> -> memref<128xi32, #tpu.memory_space<vmem>>
          %dma_wait3A_449 = arith.constant 0 : i32
          %dma_wait3A_450 = tpu.memref_slice %arg15[%dma_wait3A_449] : memref<10240xf32, #tpu.memory_space<vmem_shared>> -> memref<10240xf32, #tpu.memory_space<vmem_shared>>
          tpu.wait_indirect_dma semaphore(%arg26 : memref<!tpu.dma_semaphore, #tpu.memory_space<semaphore_mem>>) src(%arg9 : memref<128xf32, #tpu.memory_space<vmem>>) dst(%dma_wait3A_450 : memref<10240xf32, #tpu.memory_space<vmem_shared>>)
        } else {
        }
        %add3A_228 = arith.constant 2 : i32
        %add3A_229 = arith.addi %mul3A_225, %add3A_228 : i32
        %lt3A = arith.constant 32 : i32
        %lt3A_230 = arith.cmpi slt, %add3A_229, %lt3A : i32
        %convert_element_type3A_231 = arith.extui %lt3A_230 : i1 to i32
        %cond3A_232 = arith.constant 0 : i32
        %cond3A_233 = arith.cmpi ne, %convert_element_type3A_231, %cond3A_232 : i32
        scf.if %cond3A_233 {
          %add3A_415 = arith.constant 2 : i32
          %add3A_416 = arith.addi %mul3A_225, %add3A_415 : i32
          %add3A_417 = arith.constant 0 : i32
          %add3A_418 = arith.addi %add3A_416, %add3A_417 : i32
          %dma_start3A_419 = arith.constant 2 : i32
          %dma_start3A_420 = arith.constant 0 : i32
          %dma_start3A_421 = arith.constant 0 : i32
          %dma_start3A_422 = tpu.memref_slice %arg8[%dma_start3A_419, %dma_start3A_420, %dma_start3A_421] : memref<4x128x64xf32, #tpu.memory_space<vmem>> -> memref<1x128x64xf32, #tpu.memory_space<vmem>>
          %dma_start3A_423 = tpu.memref_squeeze %dma_start3A_422 : memref<1x128x64xf32, #tpu.memory_space<vmem>> -> memref<128x64xf32, #tpu.memory_space<vmem>>
          %dma_start3A_424 = arith.constant 0 : i32
          %dma_start3A_425 = tpu.memref_slice %arg6[%add3A_418, %dma_start3A_424] : memref<32x128xi32, #tpu.memory_space<vmem>> -> memref<1x128xi32, #tpu.memory_space<vmem>>
          %dma_start3A_426 = tpu.memref_squeeze %dma_start3A_425 : memref<1x128xi32, #tpu.memory_space<vmem>> -> memref<128xi32, #tpu.memory_space<vmem>>
          %dma_start3A_427 = arith.constant 0 : i32
          %dma_start3A_428 = arith.constant 0 : i32
          %dma_start3A_429 = tpu.memref_slice %arg16[%dma_start3A_427, %dma_start3A_428] : memref<10000x64xf32, #tpu.memory_space<vmem_shared>> -> memref<10000x64xf32, #tpu.memory_space<vmem_shared>>
          tpu.enqueue_indirect_dma source(%dma_start3A_429 : memref<10000x64xf32, #tpu.memory_space<vmem_shared>>) target(%dma_start3A_423 : memref<128x64xf32, #tpu.memory_space<vmem>>) offsets(%dma_start3A_426 : memref<128xi32, #tpu.memory_space<vmem>>) semaphore(%arg19 : memref<!tpu.dma_semaphore, #tpu.memory_space<semaphore_mem>>)
          %add3A_430 = arith.constant 1 : i32
          %add3A_431 = arith.addi %add3A_416, %add3A_430 : i32
          %dma_start3A_432 = arith.constant 3 : i32
          %dma_start3A_433 = arith.constant 0 : i32
          %dma_start3A_434 = arith.constant 0 : i32
          %dma_start3A_435 = tpu.memref_slice %arg8[%dma_start3A_432, %dma_start3A_433, %dma_start3A_434] : memref<4x128x64xf32, #tpu.memory_space<vmem>> -> memref<1x128x64xf32, #tpu.memory_space<vmem>>
          %dma_start3A_436 = tpu.memref_squeeze %dma_start3A_435 : memref<1x128x64xf32, #tpu.memory_space<vmem>> -> memref<128x64xf32, #tpu.memory_space<vmem>>
          %dma_start3A_437 = arith.constant 0 : i32
          %dma_start3A_438 = tpu.memref_slice %arg6[%add3A_431, %dma_start3A_437] : memref<32x128xi32, #tpu.memory_space<vmem>> -> memref<1x128xi32, #tpu.memory_space<vmem>>
          %dma_start3A_439 = tpu.memref_squeeze %dma_start3A_438 : memref<1x128xi32, #tpu.memory_space<vmem>> -> memref<128xi32, #tpu.memory_space<vmem>>
          %dma_start3A_440 = arith.constant 0 : i32
          %dma_start3A_441 = arith.constant 0 : i32
          %dma_start3A_442 = tpu.memref_slice %arg16[%dma_start3A_440, %dma_start3A_441] : memref<10000x64xf32, #tpu.memory_space<vmem_shared>> -> memref<10000x64xf32, #tpu.memory_space<vmem_shared>>
          tpu.enqueue_indirect_dma source(%dma_start3A_442 : memref<10000x64xf32, #tpu.memory_space<vmem_shared>>) target(%dma_start3A_436 : memref<128x64xf32, #tpu.memory_space<vmem>>) offsets(%dma_start3A_439 : memref<128xi32, #tpu.memory_space<vmem>>) semaphore(%arg20 : memref<!tpu.dma_semaphore, #tpu.memory_space<semaphore_mem>>)
        } else {
        }
        %add3A_234 = arith.constant 0 : i32
        %add3A_235 = arith.addi %mul3A_225, %add3A_234 : i32
        %dma_wait3A_236 = arith.constant 0 : i32
        %dma_wait3A_237 = arith.constant 0 : i32
        %dma_wait3A_238 = arith.constant 0 : i32
        %dma_wait3A_239 = tpu.memref_slice %arg8[%dma_wait3A_236, %dma_wait3A_237, %dma_wait3A_238] : memref<4x128x64xf32, #tpu.memory_space<vmem>> -> memref<1x128x64xf32, #tpu.memory_space<vmem>>
        %dma_wait3A_240 = tpu.memref_squeeze %dma_wait3A_239 : memref<1x128x64xf32, #tpu.memory_space<vmem>> -> memref<128x64xf32, #tpu.memory_space<vmem>>
        %dma_wait3A_241 = arith.constant 0 : i32
        %dma_wait3A_242 = tpu.memref_slice %arg6[%add3A_235, %dma_wait3A_241] : memref<32x128xi32, #tpu.memory_space<vmem>> -> memref<1x128xi32, #tpu.memory_space<vmem>>
        %dma_wait3A_243 = tpu.memref_squeeze %dma_wait3A_242 : memref<1x128xi32, #tpu.memory_space<vmem>> -> memref<128xi32, #tpu.memory_space<vmem>>
        %dma_wait3A_244 = arith.constant 0 : i32
        %dma_wait3A_245 = arith.constant 0 : i32
        %dma_wait3A_246 = tpu.memref_slice %arg16[%dma_wait3A_244, %dma_wait3A_245] : memref<10000x64xf32, #tpu.memory_space<vmem_shared>> -> memref<10000x64xf32, #tpu.memory_space<vmem_shared>>
        tpu.wait_indirect_dma semaphore(%arg17 : memref<!tpu.dma_semaphore, #tpu.memory_space<semaphore_mem>>) src(%dma_wait3A_246 : memref<10000x64xf32, #tpu.memory_space<vmem_shared>>) dst(%dma_wait3A_240 : memref<128x64xf32, #tpu.memory_space<vmem>>)
        %add3A_247 = arith.constant 1 : i32
        %add3A_248 = arith.addi %mul3A_225, %add3A_247 : i32
        %dma_wait3A_249 = arith.constant 1 : i32
        %dma_wait3A_250 = arith.constant 0 : i32
        %dma_wait3A_251 = arith.constant 0 : i32
        %dma_wait3A_252 = tpu.memref_slice %arg8[%dma_wait3A_249, %dma_wait3A_250, %dma_wait3A_251] : memref<4x128x64xf32, #tpu.memory_space<vmem>> -> memref<1x128x64xf32, #tpu.memory_space<vmem>>
        %dma_wait3A_253 = tpu.memref_squeeze %dma_wait3A_252 : memref<1x128x64xf32, #tpu.memory_space<vmem>> -> memref<128x64xf32, #tpu.memory_space<vmem>>
        %dma_wait3A_254 = arith.constant 0 : i32
        %dma_wait3A_255 = tpu.memref_slice %arg6[%add3A_248, %dma_wait3A_254] : memref<32x128xi32, #tpu.memory_space<vmem>> -> memref<1x128xi32, #tpu.memory_space<vmem>>
        %dma_wait3A_256 = tpu.memref_squeeze %dma_wait3A_255 : memref<1x128xi32, #tpu.memory_space<vmem>> -> memref<128xi32, #tpu.memory_space<vmem>>
        %dma_wait3A_257 = arith.constant 0 : i32
        %dma_wait3A_258 = arith.constant 0 : i32
        %dma_wait3A_259 = tpu.memref_slice %arg16[%dma_wait3A_257, %dma_wait3A_258] : memref<10000x64xf32, #tpu.memory_space<vmem_shared>> -> memref<10000x64xf32, #tpu.memory_space<vmem_shared>>
        tpu.wait_indirect_dma semaphore(%arg18 : memref<!tpu.dma_semaphore, #tpu.memory_space<semaphore_mem>>) src(%dma_wait3A_259 : memref<10000x64xf32, #tpu.memory_space<vmem_shared>>) dst(%dma_wait3A_253 : memref<128x64xf32, #tpu.memory_space<vmem>>)
        %add3A_260 = arith.constant 0 : i32
        %add3A_261 = arith.addi %mul3A_225, %add3A_260 : i32
        %dma_start3A_262 = arith.constant 0 : i32
        %dma_start3A_263 = arith.constant 0 : i32
        %dma_start3A_264 = arith.constant 0 : i32
        %dma_start3A_265 = tpu.memref_slice %arg8[%dma_start3A_262, %dma_start3A_263, %dma_start3A_264] : memref<4x128x64xf32, #tpu.memory_space<vmem>> -> memref<1x128x64xf32, #tpu.memory_space<vmem>>
        %dma_start3A_266 = tpu.memref_squeeze %dma_start3A_265 : memref<1x128x64xf32, #tpu.memory_space<vmem>> -> memref<128x64xf32, #tpu.memory_space<vmem>>
        %dma_start3A_267 = arith.constant 0 : i32
        %dma_start3A_268 = tpu.memref_slice %arg7[%add3A_261, %dma_start3A_267] : memref<32x128xi32, #tpu.memory_space<vmem>> -> memref<1x128xi32, #tpu.memory_space<vmem>>
        %dma_start3A_269 = tpu.memref_squeeze %dma_start3A_268 : memref<1x128xi32, #tpu.memory_space<vmem>> -> memref<128xi32, #tpu.memory_space<vmem>>
        %dma_start3A_270 = arith.constant 0 : i32
        %dma_start3A_271 = arith.constant 0 : i32
        %dma_start3A_272 = tpu.memref_slice %arg14[%dma_start3A_270, %dma_start3A_271] : memref<10240x64xf32, #tpu.memory_space<vmem_shared>> -> memref<10240x64xf32, #tpu.memory_space<vmem_shared>>
        tpu.enqueue_indirect_dma source(%dma_start3A_266 : memref<128x64xf32, #tpu.memory_space<vmem>>) target(%dma_start3A_272 : memref<10240x64xf32, #tpu.memory_space<vmem_shared>>) offsets(%dma_start3A_269 : memref<128xi32, #tpu.memory_space<vmem>>) semaphore(%arg21 : memref<!tpu.dma_semaphore, #tpu.memory_space<semaphore_mem>>) {add = true}
        %add3A_273 = arith.constant 1 : i32
        %add3A_274 = arith.addi %mul3A_225, %add3A_273 : i32
        %dma_start3A_275 = arith.constant 1 : i32
        %dma_start3A_276 = arith.constant 0 : i32
        %dma_start3A_277 = arith.constant 0 : i32
        %dma_start3A_278 = tpu.memref_slice %arg8[%dma_start3A_275, %dma_start3A_276, %dma_start3A_277] : memref<4x128x64xf32, #tpu.memory_space<vmem>> -> memref<1x128x64xf32, #tpu.memory_space<vmem>>
        %dma_start3A_279 = tpu.memref_squeeze %dma_start3A_278 : memref<1x128x64xf32, #tpu.memory_space<vmem>> -> memref<128x64xf32, #tpu.memory_space<vmem>>
        %dma_start3A_280 = arith.constant 0 : i32
        %dma_start3A_281 = tpu.memref_slice %arg7[%add3A_274, %dma_start3A_280] : memref<32x128xi32, #tpu.memory_space<vmem>> -> memref<1x128xi32, #tpu.memory_space<vmem>>
        %dma_start3A_282 = tpu.memref_squeeze %dma_start3A_281 : memref<1x128xi32, #tpu.memory_space<vmem>> -> memref<128xi32, #tpu.memory_space<vmem>>
        %dma_start3A_283 = arith.constant 0 : i32
        %dma_start3A_284 = arith.constant 0 : i32
        %dma_start3A_285 = tpu.memref_slice %arg14[%dma_start3A_283, %dma_start3A_284] : memref<10240x64xf32, #tpu.memory_space<vmem_shared>> -> memref<10240x64xf32, #tpu.memory_space<vmem_shared>>
        tpu.enqueue_indirect_dma source(%dma_start3A_279 : memref<128x64xf32, #tpu.memory_space<vmem>>) target(%dma_start3A_285 : memref<10240x64xf32, #tpu.memory_space<vmem_shared>>) offsets(%dma_start3A_282 : memref<128xi32, #tpu.memory_space<vmem>>) semaphore(%arg22 : memref<!tpu.dma_semaphore, #tpu.memory_space<semaphore_mem>>) {add = true}
        %add3A_286 = arith.constant 0 : i32
        %add3A_287 = arith.addi %mul3A_225, %add3A_286 : i32
        %dma_start3A_288 = arith.constant 0 : i32
        %dma_start3A_289 = tpu.memref_slice %arg7[%add3A_287, %dma_start3A_288] : memref<32x128xi32, #tpu.memory_space<vmem>> -> memref<1x128xi32, #tpu.memory_space<vmem>>
        %dma_start3A_290 = tpu.memref_squeeze %dma_start3A_289 : memref<1x128xi32, #tpu.memory_space<vmem>> -> memref<128xi32, #tpu.memory_space<vmem>>
        %dma_start3A_291 = arith.constant 0 : i32
        %dma_start3A_292 = tpu.memref_slice %arg15[%dma_start3A_291] : memref<10240xf32, #tpu.memory_space<vmem_shared>> -> memref<10240xf32, #tpu.memory_space<vmem_shared>>
        tpu.enqueue_indirect_dma source(%arg9 : memref<128xf32, #tpu.memory_space<vmem>>) target(%dma_start3A_292 : memref<10240xf32, #tpu.memory_space<vmem_shared>>) offsets(%dma_start3A_290 : memref<128xi32, #tpu.memory_space<vmem>>) semaphore(%arg25 : memref<!tpu.dma_semaphore, #tpu.memory_space<semaphore_mem>>) {add = true}
        %add3A_293 = arith.constant 1 : i32
        %add3A_294 = arith.addi %mul3A_225, %add3A_293 : i32
        %dma_start3A_295 = arith.constant 0 : i32
        %dma_start3A_296 = tpu.memref_slice %arg7[%add3A_294, %dma_start3A_295] : memref<32x128xi32, #tpu.memory_space<vmem>> -> memref<1x128xi32, #tpu.memory_space<vmem>>
        %dma_start3A_297 = tpu.memref_squeeze %dma_start3A_296 : memref<1x128xi32, #tpu.memory_space<vmem>> -> memref<128xi32, #tpu.memory_space<vmem>>
        %dma_start3A_298 = arith.constant 0 : i32
        %dma_start3A_299 = tpu.memref_slice %arg15[%dma_start3A_298] : memref<10240xf32, #tpu.memory_space<vmem_shared>> -> memref<10240xf32, #tpu.memory_space<vmem_shared>>
        tpu.enqueue_indirect_dma source(%arg9 : memref<128xf32, #tpu.memory_space<vmem>>) target(%dma_start3A_299 : memref<10240xf32, #tpu.memory_space<vmem_shared>>) offsets(%dma_start3A_297 : memref<128xi32, #tpu.memory_space<vmem>>) semaphore(%arg25 : memref<!tpu.dma_semaphore, #tpu.memory_space<semaphore_mem>>) {add = true}
        %dma_wait3A_300 = arith.constant 0 : i32
        %dma_wait3A_301 = arith.constant 0 : i32
        %dma_wait3A_302 = arith.constant 0 : i32
        %dma_wait3A_303 = arith.constant 0 : i32
        %dma_wait3A_304 = tpu.memref_slice %arg8[%dma_wait3A_300, %dma_wait3A_302, %dma_wait3A_303] : memref<4x128x64xf32, #tpu.memory_space<vmem>> -> memref<1x128x64xf32, #tpu.memory_space<vmem>>
        %dma_wait3A_305 = tpu.memref_squeeze %dma_wait3A_304 : memref<1x128x64xf32, #tpu.memory_space<vmem>> -> memref<128x64xf32, #tpu.memory_space<vmem>>
        %dma_wait3A_306 = arith.constant 0 : i32
        %dma_wait3A_307 = tpu.memref_slice %arg7[%dma_wait3A_301, %dma_wait3A_306] : memref<32x128xi32, #tpu.memory_space<vmem>> -> memref<1x128xi32, #tpu.memory_space<vmem>>
        %dma_wait3A_308 = tpu.memref_squeeze %dma_wait3A_307 : memref<1x128xi32, #tpu.memory_space<vmem>> -> memref<128xi32, #tpu.memory_space<vmem>>
        %dma_wait3A_309 = arith.constant 0 : i32
        %dma_wait3A_310 = arith.constant 0 : i32
        %dma_wait3A_311 = tpu.memref_slice %arg14[%dma_wait3A_309, %dma_wait3A_310] : memref<10240x64xf32, #tpu.memory_space<vmem_shared>> -> memref<10240x64xf32, #tpu.memory_space<vmem_shared>>
        tpu.wait_indirect_dma semaphore(%arg21 : memref<!tpu.dma_semaphore, #tpu.memory_space<semaphore_mem>>) src(%dma_wait3A_305 : memref<128x64xf32, #tpu.memory_space<vmem>>) dst(%dma_wait3A_311 : memref<10240x64xf32, #tpu.memory_space<vmem_shared>>)
        %dma_wait3A_312 = arith.constant 0 : i32
        %dma_wait3A_313 = arith.constant 0 : i32
        %dma_wait3A_314 = tpu.memref_slice %arg7[%dma_wait3A_312, %dma_wait3A_313] : memref<32x128xi32, #tpu.memory_space<vmem>> -> memref<1x128xi32, #tpu.memory_space<vmem>>
        %dma_wait3A_315 = tpu.memref_squeeze %dma_wait3A_314 : memref<1x128xi32, #tpu.memory_space<vmem>> -> memref<128xi32, #tpu.memory_space<vmem>>
        %dma_wait3A_316 = arith.constant 0 : i32
        %dma_wait3A_317 = tpu.memref_slice %arg15[%dma_wait3A_316] : memref<10240xf32, #tpu.memory_space<vmem_shared>> -> memref<10240xf32, #tpu.memory_space<vmem_shared>>
        tpu.wait_indirect_dma semaphore(%arg25 : memref<!tpu.dma_semaphore, #tpu.memory_space<semaphore_mem>>) src(%arg9 : memref<128xf32, #tpu.memory_space<vmem>>) dst(%dma_wait3A_317 : memref<10240xf32, #tpu.memory_space<vmem_shared>>)
        %dma_wait3A_318 = arith.constant 1 : i32
        %dma_wait3A_319 = arith.constant 1 : i32
        %dma_wait3A_320 = arith.constant 0 : i32
        %dma_wait3A_321 = arith.constant 0 : i32
        %dma_wait3A_322 = tpu.memref_slice %arg8[%dma_wait3A_318, %dma_wait3A_320, %dma_wait3A_321] : memref<4x128x64xf32, #tpu.memory_space<vmem>> -> memref<1x128x64xf32, #tpu.memory_space<vmem>>
        %dma_wait3A_323 = tpu.memref_squeeze %dma_wait3A_322 : memref<1x128x64xf32, #tpu.memory_space<vmem>> -> memref<128x64xf32, #tpu.memory_space<vmem>>
        %dma_wait3A_324 = arith.constant 0 : i32
        %dma_wait3A_325 = tpu.memref_slice %arg7[%dma_wait3A_319, %dma_wait3A_324] : memref<32x128xi32, #tpu.memory_space<vmem>> -> memref<1x128xi32, #tpu.memory_space<vmem>>
        %dma_wait3A_326 = tpu.memref_squeeze %dma_wait3A_325 : memref<1x128xi32, #tpu.memory_space<vmem>> -> memref<128xi32, #tpu.memory_space<vmem>>
        %dma_wait3A_327 = arith.constant 0 : i32
        %dma_wait3A_328 = arith.constant 0 : i32
        %dma_wait3A_329 = tpu.memref_slice %arg14[%dma_wait3A_327, %dma_wait3A_328] : memref<10240x64xf32, #tpu.memory_space<vmem_shared>> -> memref<10240x64xf32, #tpu.memory_space<vmem_shared>>
        tpu.wait_indirect_dma semaphore(%arg22 : memref<!tpu.dma_semaphore, #tpu.memory_space<semaphore_mem>>) src(%dma_wait3A_323 : memref<128x64xf32, #tpu.memory_space<vmem>>) dst(%dma_wait3A_329 : memref<10240x64xf32, #tpu.memory_space<vmem_shared>>)
        %dma_wait3A_330 = arith.constant 1 : i32
        %dma_wait3A_331 = arith.constant 0 : i32
        %dma_wait3A_332 = tpu.memref_slice %arg7[%dma_wait3A_330, %dma_wait3A_331] : memref<32x128xi32, #tpu.memory_space<vmem>> -> memref<1x128xi32, #tpu.memory_space<vmem>>
        %dma_wait3A_333 = tpu.memref_squeeze %dma_wait3A_332 : memref<1x128xi32, #tpu.memory_space<vmem>> -> memref<128xi32, #tpu.memory_space<vmem>>
        %dma_wait3A_334 = arith.constant 0 : i32
        %dma_wait3A_335 = tpu.memref_slice %arg15[%dma_wait3A_334] : memref<10240xf32, #tpu.memory_space<vmem_shared>> -> memref<10240xf32, #tpu.memory_space<vmem_shared>>
        tpu.wait_indirect_dma semaphore(%arg25 : memref<!tpu.dma_semaphore, #tpu.memory_space<semaphore_mem>>) src(%arg9 : memref<128xf32, #tpu.memory_space<vmem>>) dst(%dma_wait3A_335 : memref<10240xf32, #tpu.memory_space<vmem_shared>>)
        %add3A_336 = arith.constant 4 : i32
        %add3A_337 = arith.addi %mul3A_225, %add3A_336 : i32
        %lt3A_338 = arith.constant 32 : i32
        %lt3A_339 = arith.cmpi slt, %add3A_337, %lt3A_338 : i32
        %convert_element_type3A_340 = arith.extui %lt3A_339 : i1 to i32
        %cond3A_341 = arith.constant 0 : i32
        %cond3A_342 = arith.cmpi ne, %convert_element_type3A_340, %cond3A_341 : i32
        scf.if %cond3A_342 {
          %add3A_415 = arith.constant 4 : i32
          %add3A_416 = arith.addi %mul3A_225, %add3A_415 : i32
          %add3A_417 = arith.constant 0 : i32
          %add3A_418 = arith.addi %add3A_416, %add3A_417 : i32
          %dma_start3A_419 = arith.constant 0 : i32
          %dma_start3A_420 = arith.constant 0 : i32
          %dma_start3A_421 = arith.constant 0 : i32
          %dma_start3A_422 = tpu.memref_slice %arg8[%dma_start3A_419, %dma_start3A_420, %dma_start3A_421] : memref<4x128x64xf32, #tpu.memory_space<vmem>> -> memref<1x128x64xf32, #tpu.memory_space<vmem>>
          %dma_start3A_423 = tpu.memref_squeeze %dma_start3A_422 : memref<1x128x64xf32, #tpu.memory_space<vmem>> -> memref<128x64xf32, #tpu.memory_space<vmem>>
          %dma_start3A_424 = arith.constant 0 : i32
          %dma_start3A_425 = tpu.memref_slice %arg6[%add3A_418, %dma_start3A_424] : memref<32x128xi32, #tpu.memory_space<vmem>> -> memref<1x128xi32, #tpu.memory_space<vmem>>
          %dma_start3A_426 = tpu.memref_squeeze %dma_start3A_425 : memref<1x128xi32, #tpu.memory_space<vmem>> -> memref<128xi32, #tpu.memory_space<vmem>>
          %dma_start3A_427 = arith.constant 0 : i32
          %dma_start3A_428 = arith.constant 0 : i32
          %dma_start3A_429 = tpu.memref_slice %arg16[%dma_start3A_427, %dma_start3A_428] : memref<10000x64xf32, #tpu.memory_space<vmem_shared>> -> memref<10000x64xf32, #tpu.memory_space<vmem_shared>>
          tpu.enqueue_indirect_dma source(%dma_start3A_429 : memref<10000x64xf32, #tpu.memory_space<vmem_shared>>) target(%dma_start3A_423 : memref<128x64xf32, #tpu.memory_space<vmem>>) offsets(%dma_start3A_426 : memref<128xi32, #tpu.memory_space<vmem>>) semaphore(%arg17 : memref<!tpu.dma_semaphore, #tpu.memory_space<semaphore_mem>>)
          %add3A_430 = arith.constant 1 : i32
          %add3A_431 = arith.addi %add3A_416, %add3A_430 : i32
          %dma_start3A_432 = arith.constant 1 : i32
          %dma_start3A_433 = arith.constant 0 : i32
          %dma_start3A_434 = arith.constant 0 : i32
          %dma_start3A_435 = tpu.memref_slice %arg8[%dma_start3A_432, %dma_start3A_433, %dma_start3A_434] : memref<4x128x64xf32, #tpu.memory_space<vmem>> -> memref<1x128x64xf32, #tpu.memory_space<vmem>>
          %dma_start3A_436 = tpu.memref_squeeze %dma_start3A_435 : memref<1x128x64xf32, #tpu.memory_space<vmem>> -> memref<128x64xf32, #tpu.memory_space<vmem>>
          %dma_start3A_437 = arith.constant 0 : i32
          %dma_start3A_438 = tpu.memref_slice %arg6[%add3A_431, %dma_start3A_437] : memref<32x128xi32, #tpu.memory_space<vmem>> -> memref<1x128xi32, #tpu.memory_space<vmem>>
          %dma_start3A_439 = tpu.memref_squeeze %dma_start3A_438 : memref<1x128xi32, #tpu.memory_space<vmem>> -> memref<128xi32, #tpu.memory_space<vmem>>
          %dma_start3A_440 = arith.constant 0 : i32
          %dma_start3A_441 = arith.constant 0 : i32
          %dma_start3A_442 = tpu.memref_slice %arg16[%dma_start3A_440, %dma_start3A_441] : memref<10000x64xf32, #tpu.memory_space<vmem_shared>> -> memref<10000x64xf32, #tpu.memory_space<vmem_shared>>
          tpu.enqueue_indirect_dma source(%dma_start3A_442 : memref<10000x64xf32, #tpu.memory_space<vmem_shared>>) target(%dma_start3A_436 : memref<128x64xf32, #tpu.memory_space<vmem>>) offsets(%dma_start3A_439 : memref<128xi32, #tpu.memory_space<vmem>>) semaphore(%arg18 : memref<!tpu.dma_semaphore, #tpu.memory_space<semaphore_mem>>)
        } else {
        }
        %add3A_343 = arith.constant 2 : i32
        %add3A_344 = arith.addi %mul3A_225, %add3A_343 : i32
        %add3A_345 = arith.constant 0 : i32
        %add3A_346 = arith.addi %add3A_344, %add3A_345 : i32
        %dma_wait3A_347 = arith.constant 2 : i32
        %dma_wait3A_348 = arith.constant 0 : i32
        %dma_wait3A_349 = arith.constant 0 : i32
        %dma_wait3A_350 = tpu.memref_slice %arg8[%dma_wait3A_347, %dma_wait3A_348, %dma_wait3A_349] : memref<4x128x64xf32, #tpu.memory_space<vmem>> -> memref<1x128x64xf32, #tpu.memory_space<vmem>>
        %dma_wait3A_351 = tpu.memref_squeeze %dma_wait3A_350 : memref<1x128x64xf32, #tpu.memory_space<vmem>> -> memref<128x64xf32, #tpu.memory_space<vmem>>
        %dma_wait3A_352 = arith.constant 0 : i32
        %dma_wait3A_353 = tpu.memref_slice %arg6[%add3A_346, %dma_wait3A_352] : memref<32x128xi32, #tpu.memory_space<vmem>> -> memref<1x128xi32, #tpu.memory_space<vmem>>
        %dma_wait3A_354 = tpu.memref_squeeze %dma_wait3A_353 : memref<1x128xi32, #tpu.memory_space<vmem>> -> memref<128xi32, #tpu.memory_space<vmem>>
        %dma_wait3A_355 = arith.constant 0 : i32
        %dma_wait3A_356 = arith.constant 0 : i32
        %dma_wait3A_357 = tpu.memref_slice %arg16[%dma_wait3A_355, %dma_wait3A_356] : memref<10000x64xf32, #tpu.memory_space<vmem_shared>> -> memref<10000x64xf32, #tpu.memory_space<vmem_shared>>
        tpu.wait_indirect_dma semaphore(%arg19 : memref<!tpu.dma_semaphore, #tpu.memory_space<semaphore_mem>>) src(%dma_wait3A_357 : memref<10000x64xf32, #tpu.memory_space<vmem_shared>>) dst(%dma_wait3A_351 : memref<128x64xf32, #tpu.memory_space<vmem>>)
        %add3A_358 = arith.constant 1 : i32
        %add3A_359 = arith.addi %add3A_344, %add3A_358 : i32
        %dma_wait3A_360 = arith.constant 3 : i32
        %dma_wait3A_361 = arith.constant 0 : i32
        %dma_wait3A_362 = arith.constant 0 : i32
        %dma_wait3A_363 = tpu.memref_slice %arg8[%dma_wait3A_360, %dma_wait3A_361, %dma_wait3A_362] : memref<4x128x64xf32, #tpu.memory_space<vmem>> -> memref<1x128x64xf32, #tpu.memory_space<vmem>>
        %dma_wait3A_364 = tpu.memref_squeeze %dma_wait3A_363 : memref<1x128x64xf32, #tpu.memory_space<vmem>> -> memref<128x64xf32, #tpu.memory_space<vmem>>
        %dma_wait3A_365 = arith.constant 0 : i32
        %dma_wait3A_366 = tpu.memref_slice %arg6[%add3A_359, %dma_wait3A_365] : memref<32x128xi32, #tpu.memory_space<vmem>> -> memref<1x128xi32, #tpu.memory_space<vmem>>
        %dma_wait3A_367 = tpu.memref_squeeze %dma_wait3A_366 : memref<1x128xi32, #tpu.memory_space<vmem>> -> memref<128xi32, #tpu.memory_space<vmem>>
        %dma_wait3A_368 = arith.constant 0 : i32
        %dma_wait3A_369 = arith.constant 0 : i32
        %dma_wait3A_370 = tpu.memref_slice %arg16[%dma_wait3A_368, %dma_wait3A_369] : memref<10000x64xf32, #tpu.memory_space<vmem_shared>> -> memref<10000x64xf32, #tpu.memory_space<vmem_shared>>
        tpu.wait_indirect_dma semaphore(%arg20 : memref<!tpu.dma_semaphore, #tpu.memory_space<semaphore_mem>>) src(%dma_wait3A_370 : memref<10000x64xf32, #tpu.memory_space<vmem_shared>>) dst(%dma_wait3A_364 : memref<128x64xf32, #tpu.memory_space<vmem>>)
        %add3A_371 = arith.constant 2 : i32
        %add3A_372 = arith.addi %mul3A_225, %add3A_371 : i32
        %add3A_373 = arith.constant 0 : i32
        %add3A_374 = arith.addi %add3A_372, %add3A_373 : i32
        %dma_start3A_375 = arith.constant 2 : i32
        %dma_start3A_376 = arith.constant 0 : i32
        %dma_start3A_377 = arith.constant 0 : i32
        %dma_start3A_378 = tpu.memref_slice %arg8[%dma_start3A_375, %dma_start3A_376, %dma_start3A_377] : memref<4x128x64xf32, #tpu.memory_space<vmem>> -> memref<1x128x64xf32, #tpu.memory_space<vmem>>
        %dma_start3A_379 = tpu.memref_squeeze %dma_start3A_378 : memref<1x128x64xf32, #tpu.memory_space<vmem>> -> memref<128x64xf32, #tpu.memory_space<vmem>>
        %dma_start3A_380 = arith.constant 0 : i32
        %dma_start3A_381 = tpu.memref_slice %arg7[%add3A_374, %dma_start3A_380] : memref<32x128xi32, #tpu.memory_space<vmem>> -> memref<1x128xi32, #tpu.memory_space<vmem>>
        %dma_start3A_382 = tpu.memref_squeeze %dma_start3A_381 : memref<1x128xi32, #tpu.memory_space<vmem>> -> memref<128xi32, #tpu.memory_space<vmem>>
        %dma_start3A_383 = arith.constant 0 : i32
        %dma_start3A_384 = arith.constant 0 : i32
        %dma_start3A_385 = tpu.memref_slice %arg14[%dma_start3A_383, %dma_start3A_384] : memref<10240x64xf32, #tpu.memory_space<vmem_shared>> -> memref<10240x64xf32, #tpu.memory_space<vmem_shared>>
        tpu.enqueue_indirect_dma source(%dma_start3A_379 : memref<128x64xf32, #tpu.memory_space<vmem>>) target(%dma_start3A_385 : memref<10240x64xf32, #tpu.memory_space<vmem_shared>>) offsets(%dma_start3A_382 : memref<128xi32, #tpu.memory_space<vmem>>) semaphore(%arg23 : memref<!tpu.dma_semaphore, #tpu.memory_space<semaphore_mem>>) {add = true}
        %add3A_386 = arith.constant 1 : i32
        %add3A_387 = arith.addi %add3A_372, %add3A_386 : i32
        %dma_start3A_388 = arith.constant 3 : i32
        %dma_start3A_389 = arith.constant 0 : i32
        %dma_start3A_390 = arith.constant 0 : i32
        %dma_start3A_391 = tpu.memref_slice %arg8[%dma_start3A_388, %dma_start3A_389, %dma_start3A_390] : memref<4x128x64xf32, #tpu.memory_space<vmem>> -> memref<1x128x64xf32, #tpu.memory_space<vmem>>
        %dma_start3A_392 = tpu.memref_squeeze %dma_start3A_391 : memref<1x128x64xf32, #tpu.memory_space<vmem>> -> memref<128x64xf32, #tpu.memory_space<vmem>>
        %dma_start3A_393 = arith.constant 0 : i32
        %dma_start3A_394 = tpu.memref_slice %arg7[%add3A_387, %dma_start3A_393] : memref<32x128xi32, #tpu.memory_space<vmem>> -> memref<1x128xi32, #tpu.memory_space<vmem>>
        %dma_start3A_395 = tpu.memref_squeeze %dma_start3A_394 : memref<1x128xi32, #tpu.memory_space<vmem>> -> memref<128xi32, #tpu.memory_space<vmem>>
        %dma_start3A_396 = arith.constant 0 : i32
        %dma_start3A_397 = arith.constant 0 : i32
        %dma_start3A_398 = tpu.memref_slice %arg14[%dma_start3A_396, %dma_start3A_397] : memref<10240x64xf32, #tpu.memory_space<vmem_shared>> -> memref<10240x64xf32, #tpu.memory_space<vmem_shared>>
        tpu.enqueue_indirect_dma source(%dma_start3A_392 : memref<128x64xf32, #tpu.memory_space<vmem>>) target(%dma_start3A_398 : memref<10240x64xf32, #tpu.memory_space<vmem_shared>>) offsets(%dma_start3A_395 : memref<128xi32, #tpu.memory_space<vmem>>) semaphore(%arg24 : memref<!tpu.dma_semaphore, #tpu.memory_space<semaphore_mem>>) {add = true}
        %add3A_399 = arith.constant 2 : i32
        %add3A_400 = arith.addi %mul3A_225, %add3A_399 : i32
        %add3A_401 = arith.constant 0 : i32
        %add3A_402 = arith.addi %add3A_400, %add3A_401 : i32
        %dma_start3A_403 = arith.constant 0 : i32
        %dma_start3A_404 = tpu.memref_slice %arg7[%add3A_402, %dma_start3A_403] : memref<32x128xi32, #tpu.memory_space<vmem>> -> memref<1x128xi32, #tpu.memory_space<vmem>>
        %dma_start3A_405 = tpu.memref_squeeze %dma_start3A_404 : memref<1x128xi32, #tpu.memory_space<vmem>> -> memref<128xi32, #tpu.memory_space<vmem>>
        %dma_start3A_406 = arith.constant 0 : i32
        %dma_start3A_407 = tpu.memref_slice %arg15[%dma_start3A_406] : memref<10240xf32, #tpu.memory_space<vmem_shared>> -> memref<10240xf32, #tpu.memory_space<vmem_shared>>
        tpu.enqueue_indirect_dma source(%arg9 : memref<128xf32, #tpu.memory_space<vmem>>) target(%dma_start3A_407 : memref<10240xf32, #tpu.memory_space<vmem_shared>>) offsets(%dma_start3A_405 : memref<128xi32, #tpu.memory_space<vmem>>) semaphore(%arg26 : memref<!tpu.dma_semaphore, #tpu.memory_space<semaphore_mem>>) {add = true}
        %add3A_408 = arith.constant 1 : i32
        %add3A_409 = arith.addi %add3A_400, %add3A_408 : i32
        %dma_start3A_410 = arith.constant 0 : i32
        %dma_start3A_411 = tpu.memref_slice %arg7[%add3A_409, %dma_start3A_410] : memref<32x128xi32, #tpu.memory_space<vmem>> -> memref<1x128xi32, #tpu.memory_space<vmem>>
        %dma_start3A_412 = tpu.memref_squeeze %dma_start3A_411 : memref<1x128xi32, #tpu.memory_space<vmem>> -> memref<128xi32, #tpu.memory_space<vmem>>
        %dma_start3A_413 = arith.constant 0 : i32
        %dma_start3A_414 = tpu.memref_slice %arg15[%dma_start3A_413] : memref<10240xf32, #tpu.memory_space<vmem_shared>> -> memref<10240xf32, #tpu.memory_space<vmem_shared>>
        tpu.enqueue_indirect_dma source(%arg9 : memref<128xf32, #tpu.memory_space<vmem>>) target(%dma_start3A_414 : memref<10240xf32, #tpu.memory_space<vmem_shared>>) offsets(%dma_start3A_412 : memref<128xi32, #tpu.memory_space<vmem>>) semaphore(%arg26 : memref<!tpu.dma_semaphore, #tpu.memory_space<semaphore_mem>>) {add = true}
      }
      %scan3A_186 = arith.constant 8 : i32
      %dma_wait3A_187 = arith.constant 2 : i32
      %dma_wait3A_188 = arith.constant 0 : i32
      %dma_wait3A_189 = arith.constant 0 : i32
      %dma_wait3A_190 = arith.constant 0 : i32
      %dma_wait3A_191 = tpu.memref_slice %arg8[%dma_wait3A_187, %dma_wait3A_189, %dma_wait3A_190] : memref<4x128x64xf32, #tpu.memory_space<vmem>> -> memref<1x128x64xf32, #tpu.memory_space<vmem>>
      %dma_wait3A_192 = tpu.memref_squeeze %dma_wait3A_191 : memref<1x128x64xf32, #tpu.memory_space<vmem>> -> memref<128x64xf32, #tpu.memory_space<vmem>>
      %dma_wait3A_193 = arith.constant 0 : i32
      %dma_wait3A_194 = tpu.memref_slice %arg7[%dma_wait3A_188, %dma_wait3A_193] : memref<32x128xi32, #tpu.memory_space<vmem>> -> memref<1x128xi32, #tpu.memory_space<vmem>>
      %dma_wait3A_195 = tpu.memref_squeeze %dma_wait3A_194 : memref<1x128xi32, #tpu.memory_space<vmem>> -> memref<128xi32, #tpu.memory_space<vmem>>
      %dma_wait3A_196 = arith.constant 0 : i32
      %dma_wait3A_197 = arith.constant 0 : i32
      %dma_wait3A_198 = tpu.memref_slice %arg14[%dma_wait3A_196, %dma_wait3A_197] : memref<10240x64xf32, #tpu.memory_space<vmem_shared>> -> memref<10240x64xf32, #tpu.memory_space<vmem_shared>>
      tpu.wait_indirect_dma semaphore(%arg23 : memref<!tpu.dma_semaphore, #tpu.memory_space<semaphore_mem>>) src(%dma_wait3A_192 : memref<128x64xf32, #tpu.memory_space<vmem>>) dst(%dma_wait3A_198 : memref<10240x64xf32, #tpu.memory_space<vmem_shared>>)
      %dma_wait3A_199 = arith.constant 0 : i32
      %dma_wait3A_200 = arith.constant 0 : i32
      %dma_wait3A_201 = tpu.memref_slice %arg7[%dma_wait3A_199, %dma_wait3A_200] : memref<32x128xi32, #tpu.memory_space<vmem>> -> memref<1x128xi32, #tpu.memory_space<vmem>>
      %dma_wait3A_202 = tpu.memref_squeeze %dma_wait3A_201 : memref<1x128xi32, #tpu.memory_space<vmem>> -> memref<128xi32, #tpu.memory_space<vmem>>
      %dma_wait3A_203 = arith.constant 0 : i32
      %dma_wait3A_204 = tpu.memref_slice %arg15[%dma_wait3A_203] : memref<10240xf32, #tpu.memory_space<vmem_shared>> -> memref<10240xf32, #tpu.memory_space<vmem_shared>>
      tpu.wait_indirect_dma semaphore(%arg26 : memref<!tpu.dma_semaphore, #tpu.memory_space<semaphore_mem>>) src(%arg9 : memref<128xf32, #tpu.memory_space<vmem>>) dst(%dma_wait3A_204 : memref<10240xf32, #tpu.memory_space<vmem_shared>>)
      %dma_wait3A_205 = arith.constant 3 : i32
      %dma_wait3A_206 = arith.constant 1 : i32
      %dma_wait3A_207 = arith.constant 0 : i32
      %dma_wait3A_208 = arith.constant 0 : i32
      %dma_wait3A_209 = tpu.memref_slice %arg8[%dma_wait3A_205, %dma_wait3A_207, %dma_wait3A_208] : memref<4x128x64xf32, #tpu.memory_space<vmem>> -> memref<1x128x64xf32, #tpu.memory_space<vmem>>
      %dma_wait3A_210 = tpu.memref_squeeze %dma_wait3A_209 : memref<1x128x64xf32, #tpu.memory_space<vmem>> -> memref<128x64xf32, #tpu.memory_space<vmem>>
      %dma_wait3A_211 = arith.constant 0 : i32
      %dma_wait3A_212 = tpu.memref_slice %arg7[%dma_wait3A_206, %dma_wait3A_211] : memref<32x128xi32, #tpu.memory_space<vmem>> -> memref<1x128xi32, #tpu.memory_space<vmem>>
      %dma_wait3A_213 = tpu.memref_squeeze %dma_wait3A_212 : memref<1x128xi32, #tpu.memory_space<vmem>> -> memref<128xi32, #tpu.memory_space<vmem>>
      %dma_wait3A_214 = arith.constant 0 : i32
      %dma_wait3A_215 = arith.constant 0 : i32
      %dma_wait3A_216 = tpu.memref_slice %arg14[%dma_wait3A_214, %dma_wait3A_215] : memref<10240x64xf32, #tpu.memory_space<vmem_shared>> -> memref<10240x64xf32, #tpu.memory_space<vmem_shared>>
      tpu.wait_indirect_dma semaphore(%arg24 : memref<!tpu.dma_semaphore, #tpu.memory_space<semaphore_mem>>) src(%dma_wait3A_210 : memref<128x64xf32, #tpu.memory_space<vmem>>) dst(%dma_wait3A_216 : memref<10240x64xf32, #tpu.memory_space<vmem_shared>>)
      %dma_wait3A_217 = arith.constant 1 : i32
      %dma_wait3A_218 = arith.constant 0 : i32
      %dma_wait3A_219 = tpu.memref_slice %arg7[%dma_wait3A_217, %dma_wait3A_218] : memref<32x128xi32, #tpu.memory_space<vmem>> -> memref<1x128xi32, #tpu.memory_space<vmem>>
      %dma_wait3A_220 = tpu.memref_squeeze %dma_wait3A_219 : memref<1x128xi32, #tpu.memory_space<vmem>> -> memref<128xi32, #tpu.memory_space<vmem>>
      %dma_wait3A_221 = arith.constant 0 : i32
      %dma_wait3A_222 = tpu.memref_slice %arg15[%dma_wait3A_221] : memref<10240xf32, #tpu.memory_space<vmem_shared>> -> memref<10240xf32, #tpu.memory_space<vmem_shared>>
      tpu.wait_indirect_dma semaphore(%arg26 : memref<!tpu.dma_semaphore, #tpu.memory_space<semaphore_mem>>) src(%arg9 : memref<128xf32, #tpu.memory_space<vmem>>) dst(%dma_wait3A_222 : memref<10240xf32, #tpu.memory_space<vmem_shared>>)
    }
    %scan3A_138 = arith.constant 5 : i32
    %barrier3A_139 = arith.constant 0 : index
    tpu.barrier barrier_id(%barrier3A_139)
    "tpu.region"() ({
      %run_scoped3A = tpu.sem_alloc : memref<!tpu.dma_semaphore, #tpu.memory_space<semaphore_mem>>
      %dma_start3A_152 = tpu.memref_slice %arg15[%mul3A_0] : memref<10240xf32, #tpu.memory_space<vmem_shared>> -> memref<640xf32, #tpu.memory_space<vmem_shared>>
      %dma_start3A_153 = tpu.memref_slice %arg15[%mul3A_0] : memref<10240xf32, #tpu.memory_space<vmem_shared>> -> memref<640xf32, #tpu.memory_space<vmem_shared>>
      tpu.enqueue_dma source(%dma_start3A_153 : memref<640xf32, #tpu.memory_space<vmem_shared>>) target(%arg12 : memref<640xf32, #tpu.memory_space<vmem>>) target_semaphore(%run_scoped3A : memref<!tpu.dma_semaphore, #tpu.memory_space<semaphore_mem>>)
      %dma_wait3A_154 = tpu.memref_slice %arg15[%mul3A_0] : memref<10240xf32, #tpu.memory_space<vmem_shared>> -> memref<640xf32, #tpu.memory_space<vmem_shared>>
      %dma_wait3A_155 = tpu.memref_slice %arg15[%mul3A_0] : memref<10240xf32, #tpu.memory_space<vmem_shared>> -> memref<640xf32, #tpu.memory_space<vmem_shared>>
      tpu.wait_dma2 semaphore(%run_scoped3A : memref<!tpu.dma_semaphore, #tpu.memory_space<semaphore_mem>>) src(%dma_wait3A_155 : memref<640xf32, #tpu.memory_space<vmem_shared>>) dst(%arg12 : memref<640xf32, #tpu.memory_space<vmem>>)
      tpu.yield
    }) : () -> ()
    %scan3A_140 = arith.constant 0 : i32
    %scan3A_141 = arith.constant 0 : i32
    %scan3A_142 = arith.constant 40 : i32
    %scan3A_143 = arith.addi %scan3A_141, %scan3A_142 : i32
    %scan3A_144 = arith.constant 1 : i32
    scf.for %scan3A_152 = %scan3A_141 to %scan3A_143 step %scan3A_144  : i32 {
      %mul3A_153 = arith.constant 16 : i32
      %mul3A_154 = arith.muli %scan3A_152, %mul3A_153 : i32
      %get3A = arith.index_cast %mul3A_154 : i32 to index
      %get3A_155 = tpu.vector_load %arg12[%get3A] {strides = array<i32>} : memref<640xf32, #tpu.memory_space<vmem>>, vector<16xf32>,
      %max3A = arith.constant 1.000000e+00 : f32
      %max3A_156 = vector.broadcast %max3A : f32 to vector<16xf32>
      %max3A_157 = arith.maximumf %get3A_155, %max3A_156 : vector<16xf32>
      %div3A = arith.constant 1.000000e+00 : f32
      %div3A_158 = vector.broadcast %div3A : f32 to vector<16xf32>
      %div3A_159 = arith.divf %div3A_158, %max3A_157 : vector<16xf32>
      %mul3A_160 = arith.constant 16 : i32
      %mul3A_161 = arith.muli %scan3A_152, %mul3A_160 : i32
      %swap3A = arith.index_cast %mul3A_161 : i32 to index
      %swap3A_162 = tpu.vector_load %arg13[%swap3A] {strides = array<i32>} : memref<640xf32, #tpu.memory_space<vmem>>, vector<16xf32>,
      tpu.vector_store %arg13[%swap3A], %div3A_159 {strides = array<i32>} : memref<640xf32, #tpu.memory_space<vmem>>, vector<16xf32>,
    }
    %scan3A_145 = arith.constant 40 : i32
    %scan3A_146 = arith.constant 0 : i32
    %scan3A_147 = arith.constant 0 : i32
    %scan3A_148 = arith.constant 8 : i32
    %scan3A_149 = arith.addi %scan3A_147, %scan3A_148 : i32
    %scan3A_150 = arith.constant 1 : i32
    scf.for %scan3A_152 = %scan3A_147 to %scan3A_149 step %scan3A_150  : i32 {
      %mul3A_153 = arith.constant 80 : i32
      %mul3A_154 = arith.muli %scan3A_152, %mul3A_153 : i32
      %add3A_155 = arith.addi %mul3A_0, %mul3A_154 : i32
      %add3A_156 = arith.constant 80 : i32
      %add3A_157 = arith.addi %add3A_155, %add3A_156 : i32
      %le3A = arith.constant 10000 : i32
      %le3A_158 = arith.cmpi sle, %add3A_157, %le3A : i32
      %convert_element_type3A = arith.extui %le3A_158 : i1 to i32
      %cond3A = arith.constant 0 : i32
      %cond3A_159 = arith.cmpi ne, %convert_element_type3A, %cond3A : i32
      scf.if %cond3A_159 {
        "tpu.region"() ({
          %run_scoped3A = tpu.sem_alloc : memref<!tpu.dma_semaphore, #tpu.memory_space<semaphore_mem>>
          %dma_start3A_3548 = arith.constant 0 : i32
          %dma_start3A_3549 = tpu.memref_slice %arg14[%add3A_155, %dma_start3A_3548] : memref<10240x64xf32, #tpu.memory_space<vmem_shared>> -> memref<80x64xf32, #tpu.memory_space<vmem_shared>>
          %dma_start3A_3550 = arith.constant 0 : i32
          %dma_start3A_3551 = tpu.memref_slice %arg14[%add3A_155, %dma_start3A_3550] : memref<10240x64xf32, #tpu.memory_space<vmem_shared>> -> memref<80x64xf32, #tpu.memory_space<vmem_shared>>
          tpu.enqueue_dma source(%dma_start3A_3551 : memref<80x64xf32, #tpu.memory_space<vmem_shared>>) target(%arg11 : memref<80x64xf32, #tpu.memory_space<vmem>>) target_semaphore(%run_scoped3A : memref<!tpu.dma_semaphore, #tpu.memory_space<semaphore_mem>>)
          %dma_wait3A_3552 = arith.constant 0 : i32
          %dma_wait3A_3553 = tpu.memref_slice %arg14[%add3A_155, %dma_wait3A_3552] : memref<10240x64xf32, #tpu.memory_space<vmem_shared>> -> memref<80x64xf32, #tpu.memory_space<vmem_shared>>
          %dma_wait3A_3554 = arith.constant 0 : i32
          %dma_wait3A_3555 = tpu.memref_slice %arg14[%add3A_155, %dma_wait3A_3554] : memref<10240x64xf32, #tpu.memory_space<vmem_shared>> -> memref<80x64xf32, #tpu.memory_space<vmem_shared>>
          tpu.wait_dma2 semaphore(%run_scoped3A : memref<!tpu.dma_semaphore, #tpu.memory_space<semaphore_mem>>) src(%dma_wait3A_3555 : memref<80x64xf32, #tpu.memory_space<vmem_shared>>) dst(%arg11 : memref<80x64xf32, #tpu.memory_space<vmem>>)
          tpu.yield
        }) : () -> ()
        %mul3A_160 = arith.constant 80 : i32
        %mul3A_161 = arith.muli %scan3A_152, %mul3A_160 : i32
        %add3A_162 = arith.constant 0 : i32
        %add3A_163 = arith.addi %mul3A_161, %add3A_162 : i32
        %get3A = arith.index_cast %add3A_163 : i32 to index
        %get3A_164 = tpu.vector_load %arg13[%get3A] {strides = array<i32>} : memref<640xf32, #tpu.memory_space<vmem>>, vector<16xf32>,
        %slice3A = vector.extract_strided_slice %get3A_164 {offsets = [0], sizes = [1], strides = [1]} : vector<16xf32> to vector<1xf32>
        %squeeze3A = vector.extract %slice3A[0] : f32 from vector<1xf32>
        %get3A_165 = arith.constant 0 : i32
        %get3A_166 = arith.index_cast %get3A_165 : i32 to index
        %get3A_167 = arith.constant 0 : index
        %get3A_168 = tpu.vector_load %arg11[%get3A_166, %get3A_167] {strides = array<i32>} : memref<80x64xf32, #tpu.memory_space<vmem>>, vector<16xf32>,
        %mul3A_169 = vector.broadcast %squeeze3A : f32 to vector<16xf32>
        %mul3A_170 = arith.mulf %get3A_168, %mul3A_169 : vector<16xf32>
        %swap3A = arith.constant 0 : i32
        %swap3A_171 = arith.index_cast %swap3A : i32 to index
        %swap3A_172 = arith.constant 0 : index
        %swap3A_173 = tpu.vector_load %arg11[%swap3A_171, %swap3A_172] {strides = array<i32>} : memref<80x64xf32, #tpu.memory_space<vmem>>, vector<16xf32>,
        tpu.vector_store %arg11[%swap3A_171, %swap3A_172], %mul3A_170 {strides = array<i32>} : memref<80x64xf32, #tpu.memory_space<vmem>>, vector<16xf32>,
        %get3A_174 = arith.constant 0 : i32
        %get3A_175 = arith.index_cast %get3A_174 : i32 to index
        %get3A_176 = arith.constant 16 : index
        %get3A_177 = tpu.vector_load %arg11[%get3A_175, %get3A_176] {strides = array<i32>} : memref<80x64xf32, #tpu.memory_space<vmem>>, vector<16xf32>,
        %mul3A_178 = vector.broadcast %squeeze3A : f32 to vector<16xf32>
        %mul3A_179 = arith.mulf %get3A_177, %mul3A_178 : vector<16xf32>
        %swap3A_180 = arith.constant 0 : i32
        %swap3A_181 = arith.index_cast %swap3A_180 : i32 to index
        %swap3A_182 = arith.constant 16 : index
        %swap3A_183 = tpu.vector_load %arg11[%swap3A_181, %swap3A_182] {strides = array<i32>} : memref<80x64xf32, #tpu.memory_space<vmem>>, vector<16xf32>,
        tpu.vector_store %arg11[%swap3A_181, %swap3A_182], %mul3A_179 {strides = array<i32>} : memref<80x64xf32, #tpu.memory_space<vmem>>, vector<16xf32>,
        %get3A_184 = arith.constant 0 : i32
        %get3A_185 = arith.index_cast %get3A_184 : i32 to index
        %get3A_186 = arith.constant 32 : index
        %get3A_187 = tpu.vector_load %arg11[%get3A_185, %get3A_186] {strides = array<i32>} : memref<80x64xf32, #tpu.memory_space<vmem>>, vector<16xf32>,
        %mul3A_188 = vector.broadcast %squeeze3A : f32 to vector<16xf32>
        %mul3A_189 = arith.mulf %get3A_187, %mul3A_188 : vector<16xf32>
        %swap3A_190 = arith.constant 0 : i32
        %swap3A_191 = arith.index_cast %swap3A_190 : i32 to index
        %swap3A_192 = arith.constant 32 : index
        %swap3A_193 = tpu.vector_load %arg11[%swap3A_191, %swap3A_192] {strides = array<i32>} : memref<80x64xf32, #tpu.memory_space<vmem>>, vector<16xf32>,
        tpu.vector_store %arg11[%swap3A_191, %swap3A_192], %mul3A_189 {strides = array<i32>} : memref<80x64xf32, #tpu.memory_space<vmem>>, vector<16xf32>,
        %get3A_194 = arith.constant 0 : i32
        %get3A_195 = arith.index_cast %get3A_194 : i32 to index
        %get3A_196 = arith.constant 48 : index
        %get3A_197 = tpu.vector_load %arg11[%get3A_195, %get3A_196] {strides = array<i32>} : memref<80x64xf32, #tpu.memory_space<vmem>>, vector<16xf32>,
        %mul3A_198 = vector.broadcast %squeeze3A : f32 to vector<16xf32>
        %mul3A_199 = arith.mulf %get3A_197, %mul3A_198 : vector<16xf32>
        %swap3A_200 = arith.constant 0 : i32
        %swap3A_201 = arith.index_cast %swap3A_200 : i32 to index
        %swap3A_202 = arith.constant 48 : index
        %swap3A_203 = tpu.vector_load %arg11[%swap3A_201, %swap3A_202] {strides = array<i32>} : memref<80x64xf32, #tpu.memory_space<vmem>>, vector<16xf32>,
        tpu.vector_store %arg11[%swap3A_201, %swap3A_202], %mul3A_199 {strides = array<i32>} : memref<80x64xf32, #tpu.memory_space<vmem>>, vector<16xf32>,
        %slice3A_204 = vector.extract_strided_slice %get3A_164 {offsets = [1], sizes = [1], strides = [1]} : vector<16xf32> to vector<1xf32>
        %squeeze3A_205 = vector.extract %slice3A_204[0] : f32 from vector<1xf32>
        %get3A_206 = arith.constant 1 : i32
        %get3A_207 = arith.index_cast %get3A_206 : i32 to index
        %get3A_208 = arith.constant 0 : index
        %get3A_209 = tpu.vector_load %arg11[%get3A_207, %get3A_208] {strides = array<i32>} : memref<80x64xf32, #tpu.memory_space<vmem>>, vector<16xf32>,
        %mul3A_210 = vector.broadcast %squeeze3A_205 : f32 to vector<16xf32>
        %mul3A_211 = arith.mulf %get3A_209, %mul3A_210 : vector<16xf32>
        %swap3A_212 = arith.constant 1 : i32
        %swap3A_213 = arith.index_cast %swap3A_212 : i32 to index
        %swap3A_214 = arith.constant 0 : index
        %swap3A_215 = tpu.vector_load %arg11[%swap3A_213, %swap3A_214] {strides = array<i32>} : memref<80x64xf32, #tpu.memory_space<vmem>>, vector<16xf32>,
        tpu.vector_store %arg11[%swap3A_213, %swap3A_214], %mul3A_211 {strides = array<i32>} : memref<80x64xf32, #tpu.memory_space<vmem>>, vector<16xf32>,
        %get3A_216 = arith.constant 1 : i32
        %get3A_217 = arith.index_cast %get3A_216 : i32 to index
        %get3A_218 = arith.constant 16 : index
        %get3A_219 = tpu.vector_load %arg11[%get3A_217, %get3A_218] {strides = array<i32>} : memref<80x64xf32, #tpu.memory_space<vmem>>, vector<16xf32>,
        %mul3A_220 = vector.broadcast %squeeze3A_205 : f32 to vector<16xf32>
        %mul3A_221 = arith.mulf %get3A_219, %mul3A_220 : vector<16xf32>
        %swap3A_222 = arith.constant 1 : i32
        %swap3A_223 = arith.index_cast %swap3A_222 : i32 to index
        %swap3A_224 = arith.constant 16 : index
        %swap3A_225 = tpu.vector_load %arg11[%swap3A_223, %swap3A_224] {strides = array<i32>} : memref<80x64xf32, #tpu.memory_space<vmem>>, vector<16xf32>,
        tpu.vector_store %arg11[%swap3A_223, %swap3A_224], %mul3A_221 {strides = array<i32>} : memref<80x64xf32, #tpu.memory_space<vmem>>, vector<16xf32>,
        %get3A_226 = arith.constant 1 : i32
        %get3A_227 = arith.index_cast %get3A_226 : i32 to index
        %get3A_228 = arith.constant 32 : index
        %get3A_229 = tpu.vector_load %arg11[%get3A_227, %get3A_228] {strides = array<i32>} : memref<80x64xf32, #tpu.memory_space<vmem>>, vector<16xf32>,
        %mul3A_230 = vector.broadcast %squeeze3A_205 : f32 to vector<16xf32>
        %mul3A_231 = arith.mulf %get3A_229, %mul3A_230 : vector<16xf32>
        %swap3A_232 = arith.constant 1 : i32
        %swap3A_233 = arith.index_cast %swap3A_232 : i32 to index
        %swap3A_234 = arith.constant 32 : index
        %swap3A_235 = tpu.vector_load %arg11[%swap3A_233, %swap3A_234] {strides = array<i32>} : memref<80x64xf32, #tpu.memory_space<vmem>>, vector<16xf32>,
        tpu.vector_store %arg11[%swap3A_233, %swap3A_234], %mul3A_231 {strides = array<i32>} : memref<80x64xf32, #tpu.memory_space<vmem>>, vector<16xf32>,
        %get3A_236 = arith.constant 1 : i32
        %get3A_237 = arith.index_cast %get3A_236 : i32 to index
        %get3A_238 = arith.constant 48 : index
        %get3A_239 = tpu.vector_load %arg11[%get3A_237, %get3A_238] {strides = array<i32>} : memref<80x64xf32, #tpu.memory_space<vmem>>, vector<16xf32>,
        %mul3A_240 = vector.broadcast %squeeze3A_205 : f32 to vector<16xf32>
        %mul3A_241 = arith.mulf %get3A_239, %mul3A_240 : vector<16xf32>
        %swap3A_242 = arith.constant 1 : i32
        %swap3A_243 = arith.index_cast %swap3A_242 : i32 to index
        %swap3A_244 = arith.constant 48 : index
        %swap3A_245 = tpu.vector_load %arg11[%swap3A_243, %swap3A_244] {strides = array<i32>} : memref<80x64xf32, #tpu.memory_space<vmem>>, vector<16xf32>,
        tpu.vector_store %arg11[%swap3A_243, %swap3A_244], %mul3A_241 {strides = array<i32>} : memref<80x64xf32, #tpu.memory_space<vmem>>, vector<16xf32>,
        %slice3A_246 = vector.extract_strided_slice %get3A_164 {offsets = [2], sizes = [1], strides = [1]} : vector<16xf32> to vector<1xf32>
        %squeeze3A_247 = vector.extract %slice3A_246[0] : f32 from vector<1xf32>
        %get3A_248 = arith.constant 2 : i32
        %get3A_249 = arith.index_cast %get3A_248 : i32 to index
        %get3A_250 = arith.constant 0 : index
        %get3A_251 = tpu.vector_load %arg11[%get3A_249, %get3A_250] {strides = array<i32>} : memref<80x64xf32, #tpu.memory_space<vmem>>, vector<16xf32>,
        %mul3A_252 = vector.broadcast %squeeze3A_247 : f32 to vector<16xf32>
        %mul3A_253 = arith.mulf %get3A_251, %mul3A_252 : vector<16xf32>
        %swap3A_254 = arith.constant 2 : i32
        %swap3A_255 = arith.index_cast %swap3A_254 : i32 to index
        %swap3A_256 = arith.constant 0 : index
        %swap3A_257 = tpu.vector_load %arg11[%swap3A_255, %swap3A_256] {strides = array<i32>} : memref<80x64xf32, #tpu.memory_space<vmem>>, vector<16xf32>,
        tpu.vector_store %arg11[%swap3A_255, %swap3A_256], %mul3A_253 {strides = array<i32>} : memref<80x64xf32, #tpu.memory_space<vmem>>, vector<16xf32>,
        %get3A_258 = arith.constant 2 : i32
        %get3A_259 = arith.index_cast %get3A_258 : i32 to index
        %get3A_260 = arith.constant 16 : index
        %get3A_261 = tpu.vector_load %arg11[%get3A_259, %get3A_260] {strides = array<i32>} : memref<80x64xf32, #tpu.memory_space<vmem>>, vector<16xf32>,
        %mul3A_262 = vector.broadcast %squeeze3A_247 : f32 to vector<16xf32>
        %mul3A_263 = arith.mulf %get3A_261, %mul3A_262 : vector<16xf32>
        %swap3A_264 = arith.constant 2 : i32
        %swap3A_265 = arith.index_cast %swap3A_264 : i32 to index
        %swap3A_266 = arith.constant 16 : index
        %swap3A_267 = tpu.vector_load %arg11[%swap3A_265, %swap3A_266] {strides = array<i32>} : memref<80x64xf32, #tpu.memory_space<vmem>>, vector<16xf32>,
        tpu.vector_store %arg11[%swap3A_265, %swap3A_266], %mul3A_263 {strides = array<i32>} : memref<80x64xf32, #tpu.memory_space<vmem>>, vector<16xf32>,
        %get3A_268 = arith.constant 2 : i32
        %get3A_269 = arith.index_cast %get3A_268 : i32 to index
        %get3A_270 = arith.constant 32 : index
        %get3A_271 = tpu.vector_load %arg11[%get3A_269, %get3A_270] {strides = array<i32>} : memref<80x64xf32, #tpu.memory_space<vmem>>, vector<16xf32>,
        %mul3A_272 = vector.broadcast %squeeze3A_247 : f32 to vector<16xf32>
        %mul3A_273 = arith.mulf %get3A_271, %mul3A_272 : vector<16xf32>
        %swap3A_274 = arith.constant 2 : i32
        %swap3A_275 = arith.index_cast %swap3A_274 : i32 to index
        %swap3A_276 = arith.constant 32 : index
        %swap3A_277 = tpu.vector_load %arg11[%swap3A_275, %swap3A_276] {strides = array<i32>} : memref<80x64xf32, #tpu.memory_space<vmem>>, vector<16xf32>,
        tpu.vector_store %arg11[%swap3A_275, %swap3A_276], %mul3A_273 {strides = array<i32>} : memref<80x64xf32, #tpu.memory_space<vmem>>, vector<16xf32>,
        %get3A_278 = arith.constant 2 : i32
        %get3A_279 = arith.index_cast %get3A_278 : i32 to index
        %get3A_280 = arith.constant 48 : index
        %get3A_281 = tpu.vector_load %arg11[%get3A_279, %get3A_280] {strides = array<i32>} : memref<80x64xf32, #tpu.memory_space<vmem>>, vector<16xf32>,
        %mul3A_282 = vector.broadcast %squeeze3A_247 : f32 to vector<16xf32>
        %mul3A_283 = arith.mulf %get3A_281, %mul3A_282 : vector<16xf32>
        %swap3A_284 = arith.constant 2 : i32
        %swap3A_285 = arith.index_cast %swap3A_284 : i32 to index
        %swap3A_286 = arith.constant 48 : index
        %swap3A_287 = tpu.vector_load %arg11[%swap3A_285, %swap3A_286] {strides = array<i32>} : memref<80x64xf32, #tpu.memory_space<vmem>>, vector<16xf32>,
        tpu.vector_store %arg11[%swap3A_285, %swap3A_286], %mul3A_283 {strides = array<i32>} : memref<80x64xf32, #tpu.memory_space<vmem>>, vector<16xf32>,
        %slice3A_288 = vector.extract_strided_slice %get3A_164 {offsets = [3], sizes = [1], strides = [1]} : vector<16xf32> to vector<1xf32>
        %squeeze3A_289 = vector.extract %slice3A_288[0] : f32 from vector<1xf32>
        %get3A_290 = arith.constant 3 : i32
        %get3A_291 = arith.index_cast %get3A_290 : i32 to index
        %get3A_292 = arith.constant 0 : index
        %get3A_293 = tpu.vector_load %arg11[%get3A_291, %get3A_292] {strides = array<i32>} : memref<80x64xf32, #tpu.memory_space<vmem>>, vector<16xf32>,
        %mul3A_294 = vector.broadcast %squeeze3A_289 : f32 to vector<16xf32>
        %mul3A_295 = arith.mulf %get3A_293, %mul3A_294 : vector<16xf32>
        %swap3A_296 = arith.constant 3 : i32
        %swap3A_297 = arith.index_cast %swap3A_296 : i32 to index
        %swap3A_298 = arith.constant 0 : index
        %swap3A_299 = tpu.vector_load %arg11[%swap3A_297, %swap3A_298] {strides = array<i32>} : memref<80x64xf32, #tpu.memory_space<vmem>>, vector<16xf32>,
        tpu.vector_store %arg11[%swap3A_297, %swap3A_298], %mul3A_295 {strides = array<i32>} : memref<80x64xf32, #tpu.memory_space<vmem>>, vector<16xf32>,
        %get3A_300 = arith.constant 3 : i32
        %get3A_301 = arith.index_cast %get3A_300 : i32 to index
        %get3A_302 = arith.constant 16 : index
        %get3A_303 = tpu.vector_load %arg11[%get3A_301, %get3A_302] {strides = array<i32>} : memref<80x64xf32, #tpu.memory_space<vmem>>, vector<16xf32>,
        %mul3A_304 = vector.broadcast %squeeze3A_289 : f32 to vector<16xf32>
        %mul3A_305 = arith.mulf %get3A_303, %mul3A_304 : vector<16xf32>
        %swap3A_306 = arith.constant 3 : i32
        %swap3A_307 = arith.index_cast %swap3A_306 : i32 to index
        %swap3A_308 = arith.constant 16 : index
        %swap3A_309 = tpu.vector_load %arg11[%swap3A_307, %swap3A_308] {strides = array<i32>} : memref<80x64xf32, #tpu.memory_space<vmem>>, vector<16xf32>,
        tpu.vector_store %arg11[%swap3A_307, %swap3A_308], %mul3A_305 {strides = array<i32>} : memref<80x64xf32, #tpu.memory_space<vmem>>, vector<16xf32>,
        %get3A_310 = arith.constant 3 : i32
        %get3A_311 = arith.index_cast %get3A_310 : i32 to index
        %get3A_312 = arith.constant 32 : index
        %get3A_313 = tpu.vector_load %arg11[%get3A_311, %get3A_312] {strides = array<i32>} : memref<80x64xf32, #tpu.memory_space<vmem>>, vector<16xf32>,
        %mul3A_314 = vector.broadcast %squeeze3A_289 : f32 to vector<16xf32>
        %mul3A_315 = arith.mulf %get3A_313, %mul3A_314 : vector<16xf32>
        %swap3A_316 = arith.constant 3 : i32
        %swap3A_317 = arith.index_cast %swap3A_316 : i32 to index
        %swap3A_318 = arith.constant 32 : index
        %swap3A_319 = tpu.vector_load %arg11[%swap3A_317, %swap3A_318] {strides = array<i32>} : memref<80x64xf32, #tpu.memory_space<vmem>>, vector<16xf32>,
        tpu.vector_store %arg11[%swap3A_317, %swap3A_318], %mul3A_315 {strides = array<i32>} : memref<80x64xf32, #tpu.memory_space<vmem>>, vector<16xf32>,
        %get3A_320 = arith.constant 3 : i32
        %get3A_321 = arith.index_cast %get3A_320 : i32 to index
        %get3A_322 = arith.constant 48 : index
        %get3A_323 = tpu.vector_load %arg11[%get3A_321, %get3A_322] {strides = array<i32>} : memref<80x64xf32, #tpu.memory_space<vmem>>, vector<16xf32>,
        %mul3A_324 = vector.broadcast %squeeze3A_289 : f32 to vector<16xf32>
        %mul3A_325 = arith.mulf %get3A_323, %mul3A_324 : vector<16xf32>
        %swap3A_326 = arith.constant 3 : i32
        %swap3A_327 = arith.index_cast %swap3A_326 : i32 to index
        %swap3A_328 = arith.constant 48 : index
        %swap3A_329 = tpu.vector_load %arg11[%swap3A_327, %swap3A_328] {strides = array<i32>} : memref<80x64xf32, #tpu.memory_space<vmem>>, vector<16xf32>,
        tpu.vector_store %arg11[%swap3A_327, %swap3A_328], %mul3A_325 {strides = array<i32>} : memref<80x64xf32, #tpu.memory_space<vmem>>, vector<16xf32>,
        %slice3A_330 = vector.extract_strided_slice %get3A_164 {offsets = [4], sizes = [1], strides = [1]} : vector<16xf32> to vector<1xf32>
        %squeeze3A_331 = vector.extract %slice3A_330[0] : f32 from vector<1xf32>
        %get3A_332 = arith.constant 4 : i32
        %get3A_333 = arith.index_cast %get3A_332 : i32 to index
        %get3A_334 = arith.constant 0 : index
        %get3A_335 = tpu.vector_load %arg11[%get3A_333, %get3A_334] {strides = array<i32>} : memref<80x64xf32, #tpu.memory_space<vmem>>, vector<16xf32>,
        %mul3A_336 = vector.broadcast %squeeze3A_331 : f32 to vector<16xf32>
        %mul3A_337 = arith.mulf %get3A_335, %mul3A_336 : vector<16xf32>
        %swap3A_338 = arith.constant 4 : i32
        %swap3A_339 = arith.index_cast %swap3A_338 : i32 to index
        %swap3A_340 = arith.constant 0 : index
        %swap3A_341 = tpu.vector_load %arg11[%swap3A_339, %swap3A_340] {strides = array<i32>} : memref<80x64xf32, #tpu.memory_space<vmem>>, vector<16xf32>,
        tpu.vector_store %arg11[%swap3A_339, %swap3A_340], %mul3A_337 {strides = array<i32>} : memref<80x64xf32, #tpu.memory_space<vmem>>, vector<16xf32>,
        %get3A_342 = arith.constant 4 : i32
        %get3A_343 = arith.index_cast %get3A_342 : i32 to index
        %get3A_344 = arith.constant 16 : index
        %get3A_345 = tpu.vector_load %arg11[%get3A_343, %get3A_344] {strides = array<i32>} : memref<80x64xf32, #tpu.memory_space<vmem>>, vector<16xf32>,
        %mul3A_346 = vector.broadcast %squeeze3A_331 : f32 to vector<16xf32>
        %mul3A_347 = arith.mulf %get3A_345, %mul3A_346 : vector<16xf32>
        %swap3A_348 = arith.constant 4 : i32
        %swap3A_349 = arith.index_cast %swap3A_348 : i32 to index
        %swap3A_350 = arith.constant 16 : index
        %swap3A_351 = tpu.vector_load %arg11[%swap3A_349, %swap3A_350] {strides = array<i32>} : memref<80x64xf32, #tpu.memory_space<vmem>>, vector<16xf32>,
        tpu.vector_store %arg11[%swap3A_349, %swap3A_350], %mul3A_347 {strides = array<i32>} : memref<80x64xf32, #tpu.memory_space<vmem>>, vector<16xf32>,
        %get3A_352 = arith.constant 4 : i32
        %get3A_353 = arith.index_cast %get3A_352 : i32 to index
        %get3A_354 = arith.constant 32 : index
        %get3A_355 = tpu.vector_load %arg11[%get3A_353, %get3A_354] {strides = array<i32>} : memref<80x64xf32, #tpu.memory_space<vmem>>, vector<16xf32>,
        %mul3A_356 = vector.broadcast %squeeze3A_331 : f32 to vector<16xf32>
        %mul3A_357 = arith.mulf %get3A_355, %mul3A_356 : vector<16xf32>
        %swap3A_358 = arith.constant 4 : i32
        %swap3A_359 = arith.index_cast %swap3A_358 : i32 to index
        %swap3A_360 = arith.constant 32 : index
        %swap3A_361 = tpu.vector_load %arg11[%swap3A_359, %swap3A_360] {strides = array<i32>} : memref<80x64xf32, #tpu.memory_space<vmem>>, vector<16xf32>,
        tpu.vector_store %arg11[%swap3A_359, %swap3A_360], %mul3A_357 {strides = array<i32>} : memref<80x64xf32, #tpu.memory_space<vmem>>, vector<16xf32>,
        %get3A_362 = arith.constant 4 : i32
        %get3A_363 = arith.index_cast %get3A_362 : i32 to index
        %get3A_364 = arith.constant 48 : index
        %get3A_365 = tpu.vector_load %arg11[%get3A_363, %get3A_364] {strides = array<i32>} : memref<80x64xf32, #tpu.memory_space<vmem>>, vector<16xf32>,
        %mul3A_366 = vector.broadcast %squeeze3A_331 : f32 to vector<16xf32>
        %mul3A_367 = arith.mulf %get3A_365, %mul3A_366 : vector<16xf32>
        %swap3A_368 = arith.constant 4 : i32
        %swap3A_369 = arith.index_cast %swap3A_368 : i32 to index
        %swap3A_370 = arith.constant 48 : index
        %swap3A_371 = tpu.vector_load %arg11[%swap3A_369, %swap3A_370] {strides = array<i32>} : memref<80x64xf32, #tpu.memory_space<vmem>>, vector<16xf32>,
        tpu.vector_store %arg11[%swap3A_369, %swap3A_370], %mul3A_367 {strides = array<i32>} : memref<80x64xf32, #tpu.memory_space<vmem>>, vector<16xf32>,
        %slice3A_372 = vector.extract_strided_slice %get3A_164 {offsets = [5], sizes = [1], strides = [1]} : vector<16xf32> to vector<1xf32>
        %squeeze3A_373 = vector.extract %slice3A_372[0] : f32 from vector<1xf32>
        %get3A_374 = arith.constant 5 : i32
        %get3A_375 = arith.index_cast %get3A_374 : i32 to index
        %get3A_376 = arith.constant 0 : index
        %get3A_377 = tpu.vector_load %arg11[%get3A_375, %get3A_376] {strides = array<i32>} : memref<80x64xf32, #tpu.memory_space<vmem>>, vector<16xf32>,
        %mul3A_378 = vector.broadcast %squeeze3A_373 : f32 to vector<16xf32>
        %mul3A_379 = arith.mulf %get3A_377, %mul3A_378 : vector<16xf32>
        %swap3A_380 = arith.constant 5 : i32
        %swap3A_381 = arith.index_cast %swap3A_380 : i32 to index
        %swap3A_382 = arith.constant 0 : index
        %swap3A_383 = tpu.vector_load %arg11[%swap3A_381, %swap3A_382] {strides = array<i32>} : memref<80x64xf32, #tpu.memory_space<vmem>>, vector<16xf32>,
        tpu.vector_store %arg11[%swap3A_381, %swap3A_382], %mul3A_379 {strides = array<i32>} : memref<80x64xf32, #tpu.memory_space<vmem>>, vector<16xf32>,
        %get3A_384 = arith.constant 5 : i32
        %get3A_385 = arith.index_cast %get3A_384 : i32 to index
        %get3A_386 = arith.constant 16 : index
        %get3A_387 = tpu.vector_load %arg11[%get3A_385, %get3A_386] {strides = array<i32>} : memref<80x64xf32, #tpu.memory_space<vmem>>, vector<16xf32>,
        %mul3A_388 = vector.broadcast %squeeze3A_373 : f32 to vector<16xf32>
        %mul3A_389 = arith.mulf %get3A_387, %mul3A_388 : vector<16xf32>
        %swap3A_390 = arith.constant 5 : i32
        %swap3A_391 = arith.index_cast %swap3A_390 : i32 to index
        %swap3A_392 = arith.constant 16 : index
        %swap3A_393 = tpu.vector_load %arg11[%swap3A_391, %swap3A_392] {strides = array<i32>} : memref<80x64xf32, #tpu.memory_space<vmem>>, vector<16xf32>,
        tpu.vector_store %arg11[%swap3A_391, %swap3A_392], %mul3A_389 {strides = array<i32>} : memref<80x64xf32, #tpu.memory_space<vmem>>, vector<16xf32>,
        %get3A_394 = arith.constant 5 : i32
        %get3A_395 = arith.index_cast %get3A_394 : i32 to index
        %get3A_396 = arith.constant 32 : index
        %get3A_397 = tpu.vector_load %arg11[%get3A_395, %get3A_396] {strides = array<i32>} : memref<80x64xf32, #tpu.memory_space<vmem>>, vector<16xf32>,
        %mul3A_398 = vector.broadcast %squeeze3A_373 : f32 to vector<16xf32>
        %mul3A_399 = arith.mulf %get3A_397, %mul3A_398 : vector<16xf32>
        %swap3A_400 = arith.constant 5 : i32
        %swap3A_401 = arith.index_cast %swap3A_400 : i32 to index
        %swap3A_402 = arith.constant 32 : index
        %swap3A_403 = tpu.vector_load %arg11[%swap3A_401, %swap3A_402] {strides = array<i32>} : memref<80x64xf32, #tpu.memory_space<vmem>>, vector<16xf32>,
        tpu.vector_store %arg11[%swap3A_401, %swap3A_402], %mul3A_399 {strides = array<i32>} : memref<80x64xf32, #tpu.memory_space<vmem>>, vector<16xf32>,
        %get3A_404 = arith.constant 5 : i32
        %get3A_405 = arith.index_cast %get3A_404 : i32 to index
        %get3A_406 = arith.constant 48 : index
        %get3A_407 = tpu.vector_load %arg11[%get3A_405, %get3A_406] {strides = array<i32>} : memref<80x64xf32, #tpu.memory_space<vmem>>, vector<16xf32>,
        %mul3A_408 = vector.broadcast %squeeze3A_373 : f32 to vector<16xf32>
        %mul3A_409 = arith.mulf %get3A_407, %mul3A_408 : vector<16xf32>
        %swap3A_410 = arith.constant 5 : i32
        %swap3A_411 = arith.index_cast %swap3A_410 : i32 to index
        %swap3A_412 = arith.constant 48 : index
        %swap3A_413 = tpu.vector_load %arg11[%swap3A_411, %swap3A_412] {strides = array<i32>} : memref<80x64xf32, #tpu.memory_space<vmem>>, vector<16xf32>,
        tpu.vector_store %arg11[%swap3A_411, %swap3A_412], %mul3A_409 {strides = array<i32>} : memref<80x64xf32, #tpu.memory_space<vmem>>, vector<16xf32>,
        %slice3A_414 = vector.extract_strided_slice %get3A_164 {offsets = [6], sizes = [1], strides = [1]} : vector<16xf32> to vector<1xf32>
        %squeeze3A_415 = vector.extract %slice3A_414[0] : f32 from vector<1xf32>
        %get3A_416 = arith.constant 6 : i32
        %get3A_417 = arith.index_cast %get3A_416 : i32 to index
        %get3A_418 = arith.constant 0 : index
        %get3A_419 = tpu.vector_load %arg11[%get3A_417, %get3A_418] {strides = array<i32>} : memref<80x64xf32, #tpu.memory_space<vmem>>, vector<16xf32>,
        %mul3A_420 = vector.broadcast %squeeze3A_415 : f32 to vector<16xf32>
        %mul3A_421 = arith.mulf %get3A_419, %mul3A_420 : vector<16xf32>
        %swap3A_422 = arith.constant 6 : i32
        %swap3A_423 = arith.index_cast %swap3A_422 : i32 to index
        %swap3A_424 = arith.constant 0 : index
        %swap3A_425 = tpu.vector_load %arg11[%swap3A_423, %swap3A_424] {strides = array<i32>} : memref<80x64xf32, #tpu.memory_space<vmem>>, vector<16xf32>,
        tpu.vector_store %arg11[%swap3A_423, %swap3A_424], %mul3A_421 {strides = array<i32>} : memref<80x64xf32, #tpu.memory_space<vmem>>, vector<16xf32>,
        %get3A_426 = arith.constant 6 : i32
        %get3A_427 = arith.index_cast %get3A_426 : i32 to index
        %get3A_428 = arith.constant 16 : index
        %get3A_429 = tpu.vector_load %arg11[%get3A_427, %get3A_428] {strides = array<i32>} : memref<80x64xf32, #tpu.memory_space<vmem>>, vector<16xf32>,
        %mul3A_430 = vector.broadcast %squeeze3A_415 : f32 to vector<16xf32>
        %mul3A_431 = arith.mulf %get3A_429, %mul3A_430 : vector<16xf32>
        %swap3A_432 = arith.constant 6 : i32
        %swap3A_433 = arith.index_cast %swap3A_432 : i32 to index
        %swap3A_434 = arith.constant 16 : index
        %swap3A_435 = tpu.vector_load %arg11[%swap3A_433, %swap3A_434] {strides = array<i32>} : memref<80x64xf32, #tpu.memory_space<vmem>>, vector<16xf32>,
        tpu.vector_store %arg11[%swap3A_433, %swap3A_434], %mul3A_431 {strides = array<i32>} : memref<80x64xf32, #tpu.memory_space<vmem>>, vector<16xf32>,
        %get3A_436 = arith.constant 6 : i32
        %get3A_437 = arith.index_cast %get3A_436 : i32 to index
        %get3A_438 = arith.constant 32 : index
        %get3A_439 = tpu.vector_load %arg11[%get3A_437, %get3A_438] {strides = array<i32>} : memref<80x64xf32, #tpu.memory_space<vmem>>, vector<16xf32>,
        %mul3A_440 = vector.broadcast %squeeze3A_415 : f32 to vector<16xf32>
        %mul3A_441 = arith.mulf %get3A_439, %mul3A_440 : vector<16xf32>
        %swap3A_442 = arith.constant 6 : i32
        %swap3A_443 = arith.index_cast %swap3A_442 : i32 to index
        %swap3A_444 = arith.constant 32 : index
        %swap3A_445 = tpu.vector_load %arg11[%swap3A_443, %swap3A_444] {strides = array<i32>} : memref<80x64xf32, #tpu.memory_space<vmem>>, vector<16xf32>,
        tpu.vector_store %arg11[%swap3A_443, %swap3A_444], %mul3A_441 {strides = array<i32>} : memref<80x64xf32, #tpu.memory_space<vmem>>, vector<16xf32>,
        %get3A_446 = arith.constant 6 : i32
        %get3A_447 = arith.index_cast %get3A_446 : i32 to index
        %get3A_448 = arith.constant 48 : index
        %get3A_449 = tpu.vector_load %arg11[%get3A_447, %get3A_448] {strides = array<i32>} : memref<80x64xf32, #tpu.memory_space<vmem>>, vector<16xf32>,
        %mul3A_450 = vector.broadcast %squeeze3A_415 : f32 to vector<16xf32>
        %mul3A_451 = arith.mulf %get3A_449, %mul3A_450 : vector<16xf32>
        %swap3A_452 = arith.constant 6 : i32
        %swap3A_453 = arith.index_cast %swap3A_452 : i32 to index
        %swap3A_454 = arith.constant 48 : index
        %swap3A_455 = tpu.vector_load %arg11[%swap3A_453, %swap3A_454] {strides = array<i32>} : memref<80x64xf32, #tpu.memory_space<vmem>>, vector<16xf32>,
        tpu.vector_store %arg11[%swap3A_453, %swap3A_454], %mul3A_451 {strides = array<i32>} : memref<80x64xf32, #tpu.memory_space<vmem>>, vector<16xf32>,
        %slice3A_456 = vector.extract_strided_slice %get3A_164 {offsets = [7], sizes = [1], strides = [1]} : vector<16xf32> to vector<1xf32>
        %squeeze3A_457 = vector.extract %slice3A_456[0] : f32 from vector<1xf32>
        %get3A_458 = arith.constant 7 : i32
        %get3A_459 = arith.index_cast %get3A_458 : i32 to index
        %get3A_460 = arith.constant 0 : index
        %get3A_461 = tpu.vector_load %arg11[%get3A_459, %get3A_460] {strides = array<i32>} : memref<80x64xf32, #tpu.memory_space<vmem>>, vector<16xf32>,
        %mul3A_462 = vector.broadcast %squeeze3A_457 : f32 to vector<16xf32>
        %mul3A_463 = arith.mulf %get3A_461, %mul3A_462 : vector<16xf32>
        %swap3A_464 = arith.constant 7 : i32
        %swap3A_465 = arith.index_cast %swap3A_464 : i32 to index
        %swap3A_466 = arith.constant 0 : index
        %swap3A_467 = tpu.vector_load %arg11[%swap3A_465, %swap3A_466] {strides = array<i32>} : memref<80x64xf32, #tpu.memory_space<vmem>>, vector<16xf32>,
        tpu.vector_store %arg11[%swap3A_465, %swap3A_466], %mul3A_463 {strides = array<i32>} : memref<80x64xf32, #tpu.memory_space<vmem>>, vector<16xf32>,
        %get3A_468 = arith.constant 7 : i32
        %get3A_469 = arith.index_cast %get3A_468 : i32 to index
        %get3A_470 = arith.constant 16 : index
        %get3A_471 = tpu.vector_load %arg11[%get3A_469, %get3A_470] {strides = array<i32>} : memref<80x64xf32, #tpu.memory_space<vmem>>, vector<16xf32>,
        %mul3A_472 = vector.broadcast %squeeze3A_457 : f32 to vector<16xf32>
        %mul3A_473 = arith.mulf %get3A_471, %mul3A_472 : vector<16xf32>
        %swap3A_474 = arith.constant 7 : i32
        %swap3A_475 = arith.index_cast %swap3A_474 : i32 to index
        %swap3A_476 = arith.constant 16 : index
        %swap3A_477 = tpu.vector_load %arg11[%swap3A_475, %swap3A_476] {strides = array<i32>} : memref<80x64xf32, #tpu.memory_space<vmem>>, vector<16xf32>,
        tpu.vector_store %arg11[%swap3A_475, %swap3A_476], %mul3A_473 {strides = array<i32>} : memref<80x64xf32, #tpu.memory_space<vmem>>, vector<16xf32>,
        %get3A_478 = arith.constant 7 : i32
        %get3A_479 = arith.index_cast %get3A_478 : i32 to index
        %get3A_480 = arith.constant 32 : index
        %get3A_481 = tpu.vector_load %arg11[%get3A_479, %get3A_480] {strides = array<i32>} : memref<80x64xf32, #tpu.memory_space<vmem>>, vector<16xf32>,
        %mul3A_482 = vector.broadcast %squeeze3A_457 : f32 to vector<16xf32>
        %mul3A_483 = arith.mulf %get3A_481, %mul3A_482 : vector<16xf32>
        %swap3A_484 = arith.constant 7 : i32
        %swap3A_485 = arith.index_cast %swap3A_484 : i32 to index
        %swap3A_486 = arith.constant 32 : index
        %swap3A_487 = tpu.vector_load %arg11[%swap3A_485, %swap3A_486] {strides = array<i32>} : memref<80x64xf32, #tpu.memory_space<vmem>>, vector<16xf32>,
        tpu.vector_store %arg11[%swap3A_485, %swap3A_486], %mul3A_483 {strides = array<i32>} : memref<80x64xf32, #tpu.memory_space<vmem>>, vector<16xf32>,
        %get3A_488 = arith.constant 7 : i32
        %get3A_489 = arith.index_cast %get3A_488 : i32 to index
        %get3A_490 = arith.constant 48 : index
        %get3A_491 = tpu.vector_load %arg11[%get3A_489, %get3A_490] {strides = array<i32>} : memref<80x64xf32, #tpu.memory_space<vmem>>, vector<16xf32>,
        %mul3A_492 = vector.broadcast %squeeze3A_457 : f32 to vector<16xf32>
        %mul3A_493 = arith.mulf %get3A_491, %mul3A_492 : vector<16xf32>
        %swap3A_494 = arith.constant 7 : i32
        %swap3A_495 = arith.index_cast %swap3A_494 : i32 to index
        %swap3A_496 = arith.constant 48 : index
        %swap3A_497 = tpu.vector_load %arg11[%swap3A_495, %swap3A_496] {strides = array<i32>} : memref<80x64xf32, #tpu.memory_space<vmem>>, vector<16xf32>,
        tpu.vector_store %arg11[%swap3A_495, %swap3A_496], %mul3A_493 {strides = array<i32>} : memref<80x64xf32, #tpu.memory_space<vmem>>, vector<16xf32>,
        %slice3A_498 = vector.extract_strided_slice %get3A_164 {offsets = [8], sizes = [1], strides = [1]} : vector<16xf32> to vector<1xf32>
        %squeeze3A_499 = vector.extract %slice3A_498[0] : f32 from vector<1xf32>
        %get3A_500 = arith.constant 8 : i32
        %get3A_501 = arith.index_cast %get3A_500 : i32 to index
        %get3A_502 = arith.constant 0 : index
        %get3A_503 = tpu.vector_load %arg11[%get3A_501, %get3A_502] {strides = array<i32>} : memref<80x64xf32, #tpu.memory_space<vmem>>, vector<16xf32>,
        %mul3A_504 = vector.broadcast %squeeze3A_499 : f32 to vector<16xf32>
        %mul3A_505 = arith.mulf %get3A_503, %mul3A_504 : vector<16xf32>
        %swap3A_506 = arith.constant 8 : i32
        %swap3A_507 = arith.index_cast %swap3A_506 : i32 to index
        %swap3A_508 = arith.constant 0 : index
        %swap3A_509 = tpu.vector_load %arg11[%swap3A_507, %swap3A_508] {strides = array<i32>} : memref<80x64xf32, #tpu.memory_space<vmem>>, vector<16xf32>,
        tpu.vector_store %arg11[%swap3A_507, %swap3A_508], %mul3A_505 {strides = array<i32>} : memref<80x64xf32, #tpu.memory_space<vmem>>, vector<16xf32>,
        %get3A_510 = arith.constant 8 : i32
        %get3A_511 = arith.index_cast %get3A_510 : i32 to index
        %get3A_512 = arith.constant 16 : index
        %get3A_513 = tpu.vector_load %arg11[%get3A_511, %get3A_512] {strides = array<i32>} : memref<80x64xf32, #tpu.memory_space<vmem>>, vector<16xf32>,
        %mul3A_514 = vector.broadcast %squeeze3A_499 : f32 to vector<16xf32>
        %mul3A_515 = arith.mulf %get3A_513, %mul3A_514 : vector<16xf32>
        %swap3A_516 = arith.constant 8 : i32
        %swap3A_517 = arith.index_cast %swap3A_516 : i32 to index
        %swap3A_518 = arith.constant 16 : index
        %swap3A_519 = tpu.vector_load %arg11[%swap3A_517, %swap3A_518] {strides = array<i32>} : memref<80x64xf32, #tpu.memory_space<vmem>>, vector<16xf32>,
        tpu.vector_store %arg11[%swap3A_517, %swap3A_518], %mul3A_515 {strides = array<i32>} : memref<80x64xf32, #tpu.memory_space<vmem>>, vector<16xf32>,
        %get3A_520 = arith.constant 8 : i32
        %get3A_521 = arith.index_cast %get3A_520 : i32 to index
        %get3A_522 = arith.constant 32 : index
        %get3A_523 = tpu.vector_load %arg11[%get3A_521, %get3A_522] {strides = array<i32>} : memref<80x64xf32, #tpu.memory_space<vmem>>, vector<16xf32>,
        %mul3A_524 = vector.broadcast %squeeze3A_499 : f32 to vector<16xf32>
        %mul3A_525 = arith.mulf %get3A_523, %mul3A_524 : vector<16xf32>
        %swap3A_526 = arith.constant 8 : i32
        %swap3A_527 = arith.index_cast %swap3A_526 : i32 to index
        %swap3A_528 = arith.constant 32 : index
        %swap3A_529 = tpu.vector_load %arg11[%swap3A_527, %swap3A_528] {strides = array<i32>} : memref<80x64xf32, #tpu.memory_space<vmem>>, vector<16xf32>,
        tpu.vector_store %arg11[%swap3A_527, %swap3A_528], %mul3A_525 {strides = array<i32>} : memref<80x64xf32, #tpu.memory_space<vmem>>, vector<16xf32>,
        %get3A_530 = arith.constant 8 : i32
        %get3A_531 = arith.index_cast %get3A_530 : i32 to index
        %get3A_532 = arith.constant 48 : index
        %get3A_533 = tpu.vector_load %arg11[%get3A_531, %get3A_532] {strides = array<i32>} : memref<80x64xf32, #tpu.memory_space<vmem>>, vector<16xf32>,
        %mul3A_534 = vector.broadcast %squeeze3A_499 : f32 to vector<16xf32>
        %mul3A_535 = arith.mulf %get3A_533, %mul3A_534 : vector<16xf32>
        %swap3A_536 = arith.constant 8 : i32
        %swap3A_537 = arith.index_cast %swap3A_536 : i32 to index
        %swap3A_538 = arith.constant 48 : index
        %swap3A_539 = tpu.vector_load %arg11[%swap3A_537, %swap3A_538] {strides = array<i32>} : memref<80x64xf32, #tpu.memory_space<vmem>>, vector<16xf32>,
        tpu.vector_store %arg11[%swap3A_537, %swap3A_538], %mul3A_535 {strides = array<i32>} : memref<80x64xf32, #tpu.memory_space<vmem>>, vector<16xf32>,
        %slice3A_540 = vector.extract_strided_slice %get3A_164 {offsets = [9], sizes = [1], strides = [1]} : vector<16xf32> to vector<1xf32>
        %squeeze3A_541 = vector.extract %slice3A_540[0] : f32 from vector<1xf32>
        %get3A_542 = arith.constant 9 : i32
        %get3A_543 = arith.index_cast %get3A_542 : i32 to index
        %get3A_544 = arith.constant 0 : index
        %get3A_545 = tpu.vector_load %arg11[%get3A_543, %get3A_544] {strides = array<i32>} : memref<80x64xf32, #tpu.memory_space<vmem>>, vector<16xf32>,
        %mul3A_546 = vector.broadcast %squeeze3A_541 : f32 to vector<16xf32>
        %mul3A_547 = arith.mulf %get3A_545, %mul3A_546 : vector<16xf32>
        %swap3A_548 = arith.constant 9 : i32
        %swap3A_549 = arith.index_cast %swap3A_548 : i32 to index
        %swap3A_550 = arith.constant 0 : index
        %swap3A_551 = tpu.vector_load %arg11[%swap3A_549, %swap3A_550] {strides = array<i32>} : memref<80x64xf32, #tpu.memory_space<vmem>>, vector<16xf32>,
        tpu.vector_store %arg11[%swap3A_549, %swap3A_550], %mul3A_547 {strides = array<i32>} : memref<80x64xf32, #tpu.memory_space<vmem>>, vector<16xf32>,
        %get3A_552 = arith.constant 9 : i32
        %get3A_553 = arith.index_cast %get3A_552 : i32 to index
        %get3A_554 = arith.constant 16 : index
        %get3A_555 = tpu.vector_load %arg11[%get3A_553, %get3A_554] {strides = array<i32>} : memref<80x64xf32, #tpu.memory_space<vmem>>, vector<16xf32>,
        %mul3A_556 = vector.broadcast %squeeze3A_541 : f32 to vector<16xf32>
        %mul3A_557 = arith.mulf %get3A_555, %mul3A_556 : vector<16xf32>
        %swap3A_558 = arith.constant 9 : i32
        %swap3A_559 = arith.index_cast %swap3A_558 : i32 to index
        %swap3A_560 = arith.constant 16 : index
        %swap3A_561 = tpu.vector_load %arg11[%swap3A_559, %swap3A_560] {strides = array<i32>} : memref<80x64xf32, #tpu.memory_space<vmem>>, vector<16xf32>,
        tpu.vector_store %arg11[%swap3A_559, %swap3A_560], %mul3A_557 {strides = array<i32>} : memref<80x64xf32, #tpu.memory_space<vmem>>, vector<16xf32>,
        %get3A_562 = arith.constant 9 : i32
        %get3A_563 = arith.index_cast %get3A_562 : i32 to index
        %get3A_564 = arith.constant 32 : index
        %get3A_565 = tpu.vector_load %arg11[%get3A_563, %get3A_564] {strides = array<i32>} : memref<80x64xf32, #tpu.memory_space<vmem>>, vector<16xf32>,
        %mul3A_566 = vector.broadcast %squeeze3A_541 : f32 to vector<16xf32>
        %mul3A_567 = arith.mulf %get3A_565, %mul3A_566 : vector<16xf32>
        %swap3A_568 = arith.constant 9 : i32
        %swap3A_569 = arith.index_cast %swap3A_568 : i32 to index
        %swap3A_570 = arith.constant 32 : index
        %swap3A_571 = tpu.vector_load %arg11[%swap3A_569, %swap3A_570] {strides = array<i32>} : memref<80x64xf32, #tpu.memory_space<vmem>>, vector<16xf32>,
        tpu.vector_store %arg11[%swap3A_569, %swap3A_570], %mul3A_567 {strides = array<i32>} : memref<80x64xf32, #tpu.memory_space<vmem>>, vector<16xf32>,
        %get3A_572 = arith.constant 9 : i32
        %get3A_573 = arith.index_cast %get3A_572 : i32 to index
        %get3A_574 = arith.constant 48 : index
        %get3A_575 = tpu.vector_load %arg11[%get3A_573, %get3A_574] {strides = array<i32>} : memref<80x64xf32, #tpu.memory_space<vmem>>, vector<16xf32>,
        %mul3A_576 = vector.broadcast %squeeze3A_541 : f32 to vector<16xf32>
        %mul3A_577 = arith.mulf %get3A_575, %mul3A_576 : vector<16xf32>
        %swap3A_578 = arith.constant 9 : i32
        %swap3A_579 = arith.index_cast %swap3A_578 : i32 to index
        %swap3A_580 = arith.constant 48 : index
        %swap3A_581 = tpu.vector_load %arg11[%swap3A_579, %swap3A_580] {strides = array<i32>} : memref<80x64xf32, #tpu.memory_space<vmem>>, vector<16xf32>,
        tpu.vector_store %arg11[%swap3A_579, %swap3A_580], %mul3A_577 {strides = array<i32>} : memref<80x64xf32, #tpu.memory_space<vmem>>, vector<16xf32>,
        %slice3A_582 = vector.extract_strided_slice %get3A_164 {offsets = [10], sizes = [1], strides = [1]} : vector<16xf32> to vector<1xf32>
        %squeeze3A_583 = vector.extract %slice3A_582[0] : f32 from vector<1xf32>
        %get3A_584 = arith.constant 10 : i32
        %get3A_585 = arith.index_cast %get3A_584 : i32 to index
        %get3A_586 = arith.constant 0 : index
        %get3A_587 = tpu.vector_load %arg11[%get3A_585, %get3A_586] {strides = array<i32>} : memref<80x64xf32, #tpu.memory_space<vmem>>, vector<16xf32>,
        %mul3A_588 = vector.broadcast %squeeze3A_583 : f32 to vector<16xf32>
        %mul3A_589 = arith.mulf %get3A_587, %mul3A_588 : vector<16xf32>
        %swap3A_590 = arith.constant 10 : i32
        %swap3A_591 = arith.index_cast %swap3A_590 : i32 to index
        %swap3A_592 = arith.constant 0 : index
        %swap3A_593 = tpu.vector_load %arg11[%swap3A_591, %swap3A_592] {strides = array<i32>} : memref<80x64xf32, #tpu.memory_space<vmem>>, vector<16xf32>,
        tpu.vector_store %arg11[%swap3A_591, %swap3A_592], %mul3A_589 {strides = array<i32>} : memref<80x64xf32, #tpu.memory_space<vmem>>, vector<16xf32>,
        %get3A_594 = arith.constant 10 : i32
        %get3A_595 = arith.index_cast %get3A_594 : i32 to index
        %get3A_596 = arith.constant 16 : index
        %get3A_597 = tpu.vector_load %arg11[%get3A_595, %get3A_596] {strides = array<i32>} : memref<80x64xf32, #tpu.memory_space<vmem>>, vector<16xf32>,
        %mul3A_598 = vector.broadcast %squeeze3A_583 : f32 to vector<16xf32>
        %mul3A_599 = arith.mulf %get3A_597, %mul3A_598 : vector<16xf32>
        %swap3A_600 = arith.constant 10 : i32
        %swap3A_601 = arith.index_cast %swap3A_600 : i32 to index
        %swap3A_602 = arith.constant 16 : index
        %swap3A_603 = tpu.vector_load %arg11[%swap3A_601, %swap3A_602] {strides = array<i32>} : memref<80x64xf32, #tpu.memory_space<vmem>>, vector<16xf32>,
        tpu.vector_store %arg11[%swap3A_601, %swap3A_602], %mul3A_599 {strides = array<i32>} : memref<80x64xf32, #tpu.memory_space<vmem>>, vector<16xf32>,
        %get3A_604 = arith.constant 10 : i32
        %get3A_605 = arith.index_cast %get3A_604 : i32 to index
        %get3A_606 = arith.constant 32 : index
        %get3A_607 = tpu.vector_load %arg11[%get3A_605, %get3A_606] {strides = array<i32>} : memref<80x64xf32, #tpu.memory_space<vmem>>, vector<16xf32>,
        %mul3A_608 = vector.broadcast %squeeze3A_583 : f32 to vector<16xf32>
        %mul3A_609 = arith.mulf %get3A_607, %mul3A_608 : vector<16xf32>
        %swap3A_610 = arith.constant 10 : i32
        %swap3A_611 = arith.index_cast %swap3A_610 : i32 to index
        %swap3A_612 = arith.constant 32 : index
        %swap3A_613 = tpu.vector_load %arg11[%swap3A_611, %swap3A_612] {strides = array<i32>} : memref<80x64xf32, #tpu.memory_space<vmem>>, vector<16xf32>,
        tpu.vector_store %arg11[%swap3A_611, %swap3A_612], %mul3A_609 {strides = array<i32>} : memref<80x64xf32, #tpu.memory_space<vmem>>, vector<16xf32>,
        %get3A_614 = arith.constant 10 : i32
        %get3A_615 = arith.index_cast %get3A_614 : i32 to index
        %get3A_616 = arith.constant 48 : index
        %get3A_617 = tpu.vector_load %arg11[%get3A_615, %get3A_616] {strides = array<i32>} : memref<80x64xf32, #tpu.memory_space<vmem>>, vector<16xf32>,
        %mul3A_618 = vector.broadcast %squeeze3A_583 : f32 to vector<16xf32>
        %mul3A_619 = arith.mulf %get3A_617, %mul3A_618 : vector<16xf32>
        %swap3A_620 = arith.constant 10 : i32
        %swap3A_621 = arith.index_cast %swap3A_620 : i32 to index
        %swap3A_622 = arith.constant 48 : index
        %swap3A_623 = tpu.vector_load %arg11[%swap3A_621, %swap3A_622] {strides = array<i32>} : memref<80x64xf32, #tpu.memory_space<vmem>>, vector<16xf32>,
        tpu.vector_store %arg11[%swap3A_621, %swap3A_622], %mul3A_619 {strides = array<i32>} : memref<80x64xf32, #tpu.memory_space<vmem>>, vector<16xf32>,
        %slice3A_624 = vector.extract_strided_slice %get3A_164 {offsets = [11], sizes = [1], strides = [1]} : vector<16xf32> to vector<1xf32>
        %squeeze3A_625 = vector.extract %slice3A_624[0] : f32 from vector<1xf32>
        %get3A_626 = arith.constant 11 : i32
        %get3A_627 = arith.index_cast %get3A_626 : i32 to index
        %get3A_628 = arith.constant 0 : index
        %get3A_629 = tpu.vector_load %arg11[%get3A_627, %get3A_628] {strides = array<i32>} : memref<80x64xf32, #tpu.memory_space<vmem>>, vector<16xf32>,
        %mul3A_630 = vector.broadcast %squeeze3A_625 : f32 to vector<16xf32>
        %mul3A_631 = arith.mulf %get3A_629, %mul3A_630 : vector<16xf32>
        %swap3A_632 = arith.constant 11 : i32
        %swap3A_633 = arith.index_cast %swap3A_632 : i32 to index
        %swap3A_634 = arith.constant 0 : index
        %swap3A_635 = tpu.vector_load %arg11[%swap3A_633, %swap3A_634] {strides = array<i32>} : memref<80x64xf32, #tpu.memory_space<vmem>>, vector<16xf32>,
        tpu.vector_store %arg11[%swap3A_633, %swap3A_634], %mul3A_631 {strides = array<i32>} : memref<80x64xf32, #tpu.memory_space<vmem>>, vector<16xf32>,
        %get3A_636 = arith.constant 11 : i32
        %get3A_637 = arith.index_cast %get3A_636 : i32 to index
        %get3A_638 = arith.constant 16 : index
        %get3A_639 = tpu.vector_load %arg11[%get3A_637, %get3A_638] {strides = array<i32>} : memref<80x64xf32, #tpu.memory_space<vmem>>, vector<16xf32>,
        %mul3A_640 = vector.broadcast %squeeze3A_625 : f32 to vector<16xf32>
        %mul3A_641 = arith.mulf %get3A_639, %mul3A_640 : vector<16xf32>
        %swap3A_642 = arith.constant 11 : i32
        %swap3A_643 = arith.index_cast %swap3A_642 : i32 to index
        %swap3A_644 = arith.constant 16 : index
        %swap3A_645 = tpu.vector_load %arg11[%swap3A_643, %swap3A_644] {strides = array<i32>} : memref<80x64xf32, #tpu.memory_space<vmem>>, vector<16xf32>,
        tpu.vector_store %arg11[%swap3A_643, %swap3A_644], %mul3A_641 {strides = array<i32>} : memref<80x64xf32, #tpu.memory_space<vmem>>, vector<16xf32>,
        %get3A_646 = arith.constant 11 : i32
        %get3A_647 = arith.index_cast %get3A_646 : i32 to index
        %get3A_648 = arith.constant 32 : index
        %get3A_649 = tpu.vector_load %arg11[%get3A_647, %get3A_648] {strides = array<i32>} : memref<80x64xf32, #tpu.memory_space<vmem>>, vector<16xf32>,
        %mul3A_650 = vector.broadcast %squeeze3A_625 : f32 to vector<16xf32>
        %mul3A_651 = arith.mulf %get3A_649, %mul3A_650 : vector<16xf32>
        %swap3A_652 = arith.constant 11 : i32
        %swap3A_653 = arith.index_cast %swap3A_652 : i32 to index
        %swap3A_654 = arith.constant 32 : index
        %swap3A_655 = tpu.vector_load %arg11[%swap3A_653, %swap3A_654] {strides = array<i32>} : memref<80x64xf32, #tpu.memory_space<vmem>>, vector<16xf32>,
        tpu.vector_store %arg11[%swap3A_653, %swap3A_654], %mul3A_651 {strides = array<i32>} : memref<80x64xf32, #tpu.memory_space<vmem>>, vector<16xf32>,
        %get3A_656 = arith.constant 11 : i32
        %get3A_657 = arith.index_cast %get3A_656 : i32 to index
        %get3A_658 = arith.constant 48 : index
        %get3A_659 = tpu.vector_load %arg11[%get3A_657, %get3A_658] {strides = array<i32>} : memref<80x64xf32, #tpu.memory_space<vmem>>, vector<16xf32>,
        %mul3A_660 = vector.broadcast %squeeze3A_625 : f32 to vector<16xf32>
        %mul3A_661 = arith.mulf %get3A_659, %mul3A_660 : vector<16xf32>
        %swap3A_662 = arith.constant 11 : i32
        %swap3A_663 = arith.index_cast %swap3A_662 : i32 to index
        %swap3A_664 = arith.constant 48 : index
        %swap3A_665 = tpu.vector_load %arg11[%swap3A_663, %swap3A_664] {strides = array<i32>} : memref<80x64xf32, #tpu.memory_space<vmem>>, vector<16xf32>,
        tpu.vector_store %arg11[%swap3A_663, %swap3A_664], %mul3A_661 {strides = array<i32>} : memref<80x64xf32, #tpu.memory_space<vmem>>, vector<16xf32>,
        %slice3A_666 = vector.extract_strided_slice %get3A_164 {offsets = [12], sizes = [1], strides = [1]} : vector<16xf32> to vector<1xf32>
        %squeeze3A_667 = vector.extract %slice3A_666[0] : f32 from vector<1xf32>
        %get3A_668 = arith.constant 12 : i32
        %get3A_669 = arith.index_cast %get3A_668 : i32 to index
        %get3A_670 = arith.constant 0 : index
        %get3A_671 = tpu.vector_load %arg11[%get3A_669, %get3A_670] {strides = array<i32>} : memref<80x64xf32, #tpu.memory_space<vmem>>, vector<16xf32>,
        %mul3A_672 = vector.broadcast %squeeze3A_667 : f32 to vector<16xf32>
        %mul3A_673 = arith.mulf %get3A_671, %mul3A_672 : vector<16xf32>
        %swap3A_674 = arith.constant 12 : i32
        %swap3A_675 = arith.index_cast %swap3A_674 : i32 to index
        %swap3A_676 = arith.constant 0 : index
        %swap3A_677 = tpu.vector_load %arg11[%swap3A_675, %swap3A_676] {strides = array<i32>} : memref<80x64xf32, #tpu.memory_space<vmem>>, vector<16xf32>,
        tpu.vector_store %arg11[%swap3A_675, %swap3A_676], %mul3A_673 {strides = array<i32>} : memref<80x64xf32, #tpu.memory_space<vmem>>, vector<16xf32>,
        %get3A_678 = arith.constant 12 : i32
        %get3A_679 = arith.index_cast %get3A_678 : i32 to index
        %get3A_680 = arith.constant 16 : index
        %get3A_681 = tpu.vector_load %arg11[%get3A_679, %get3A_680] {strides = array<i32>} : memref<80x64xf32, #tpu.memory_space<vmem>>, vector<16xf32>,
        %mul3A_682 = vector.broadcast %squeeze3A_667 : f32 to vector<16xf32>
        %mul3A_683 = arith.mulf %get3A_681, %mul3A_682 : vector<16xf32>
        %swap3A_684 = arith.constant 12 : i32
        %swap3A_685 = arith.index_cast %swap3A_684 : i32 to index
        %swap3A_686 = arith.constant 16 : index
        %swap3A_687 = tpu.vector_load %arg11[%swap3A_685, %swap3A_686] {strides = array<i32>} : memref<80x64xf32, #tpu.memory_space<vmem>>, vector<16xf32>,
        tpu.vector_store %arg11[%swap3A_685, %swap3A_686], %mul3A_683 {strides = array<i32>} : memref<80x64xf32, #tpu.memory_space<vmem>>, vector<16xf32>,
        %get3A_688 = arith.constant 12 : i32
        %get3A_689 = arith.index_cast %get3A_688 : i32 to index
        %get3A_690 = arith.constant 32 : index
        %get3A_691 = tpu.vector_load %arg11[%get3A_689, %get3A_690] {strides = array<i32>} : memref<80x64xf32, #tpu.memory_space<vmem>>, vector<16xf32>,
        %mul3A_692 = vector.broadcast %squeeze3A_667 : f32 to vector<16xf32>
        %mul3A_693 = arith.mulf %get3A_691, %mul3A_692 : vector<16xf32>
        %swap3A_694 = arith.constant 12 : i32
        %swap3A_695 = arith.index_cast %swap3A_694 : i32 to index
        %swap3A_696 = arith.constant 32 : index
        %swap3A_697 = tpu.vector_load %arg11[%swap3A_695, %swap3A_696] {strides = array<i32>} : memref<80x64xf32, #tpu.memory_space<vmem>>, vector<16xf32>,
        tpu.vector_store %arg11[%swap3A_695, %swap3A_696], %mul3A_693 {strides = array<i32>} : memref<80x64xf32, #tpu.memory_space<vmem>>, vector<16xf32>,
        %get3A_698 = arith.constant 12 : i32
        %get3A_699 = arith.index_cast %get3A_698 : i32 to index
        %get3A_700 = arith.constant 48 : index
        %get3A_701 = tpu.vector_load %arg11[%get3A_699, %get3A_700] {strides = array<i32>} : memref<80x64xf32, #tpu.memory_space<vmem>>, vector<16xf32>,
        %mul3A_702 = vector.broadcast %squeeze3A_667 : f32 to vector<16xf32>
        %mul3A_703 = arith.mulf %get3A_701, %mul3A_702 : vector<16xf32>
        %swap3A_704 = arith.constant 12 : i32
        %swap3A_705 = arith.index_cast %swap3A_704 : i32 to index
        %swap3A_706 = arith.constant 48 : index
        %swap3A_707 = tpu.vector_load %arg11[%swap3A_705, %swap3A_706] {strides = array<i32>} : memref<80x64xf32, #tpu.memory_space<vmem>>, vector<16xf32>,
        tpu.vector_store %arg11[%swap3A_705, %swap3A_706], %mul3A_703 {strides = array<i32>} : memref<80x64xf32, #tpu.memory_space<vmem>>, vector<16xf32>,
        %slice3A_708 = vector.extract_strided_slice %get3A_164 {offsets = [13], sizes = [1], strides = [1]} : vector<16xf32> to vector<1xf32>
        %squeeze3A_709 = vector.extract %slice3A_708[0] : f32 from vector<1xf32>
        %get3A_710 = arith.constant 13 : i32
        %get3A_711 = arith.index_cast %get3A_710 : i32 to index
        %get3A_712 = arith.constant 0 : index
        %get3A_713 = tpu.vector_load %arg11[%get3A_711, %get3A_712] {strides = array<i32>} : memref<80x64xf32, #tpu.memory_space<vmem>>, vector<16xf32>,
        %mul3A_714 = vector.broadcast %squeeze3A_709 : f32 to vector<16xf32>
        %mul3A_715 = arith.mulf %get3A_713, %mul3A_714 : vector<16xf32>
        %swap3A_716 = arith.constant 13 : i32
        %swap3A_717 = arith.index_cast %swap3A_716 : i32 to index
        %swap3A_718 = arith.constant 0 : index
        %swap3A_719 = tpu.vector_load %arg11[%swap3A_717, %swap3A_718] {strides = array<i32>} : memref<80x64xf32, #tpu.memory_space<vmem>>, vector<16xf32>,
        tpu.vector_store %arg11[%swap3A_717, %swap3A_718], %mul3A_715 {strides = array<i32>} : memref<80x64xf32, #tpu.memory_space<vmem>>, vector<16xf32>,
        %get3A_720 = arith.constant 13 : i32
        %get3A_721 = arith.index_cast %get3A_720 : i32 to index
        %get3A_722 = arith.constant 16 : index
        %get3A_723 = tpu.vector_load %arg11[%get3A_721, %get3A_722] {strides = array<i32>} : memref<80x64xf32, #tpu.memory_space<vmem>>, vector<16xf32>,
        %mul3A_724 = vector.broadcast %squeeze3A_709 : f32 to vector<16xf32>
        %mul3A_725 = arith.mulf %get3A_723, %mul3A_724 : vector<16xf32>
        %swap3A_726 = arith.constant 13 : i32
        %swap3A_727 = arith.index_cast %swap3A_726 : i32 to index
        %swap3A_728 = arith.constant 16 : index
        %swap3A_729 = tpu.vector_load %arg11[%swap3A_727, %swap3A_728] {strides = array<i32>} : memref<80x64xf32, #tpu.memory_space<vmem>>, vector<16xf32>,
        tpu.vector_store %arg11[%swap3A_727, %swap3A_728], %mul3A_725 {strides = array<i32>} : memref<80x64xf32, #tpu.memory_space<vmem>>, vector<16xf32>,
        %get3A_730 = arith.constant 13 : i32
        %get3A_731 = arith.index_cast %get3A_730 : i32 to index
        %get3A_732 = arith.constant 32 : index
        %get3A_733 = tpu.vector_load %arg11[%get3A_731, %get3A_732] {strides = array<i32>} : memref<80x64xf32, #tpu.memory_space<vmem>>, vector<16xf32>,
        %mul3A_734 = vector.broadcast %squeeze3A_709 : f32 to vector<16xf32>
        %mul3A_735 = arith.mulf %get3A_733, %mul3A_734 : vector<16xf32>
        %swap3A_736 = arith.constant 13 : i32
        %swap3A_737 = arith.index_cast %swap3A_736 : i32 to index
        %swap3A_738 = arith.constant 32 : index
        %swap3A_739 = tpu.vector_load %arg11[%swap3A_737, %swap3A_738] {strides = array<i32>} : memref<80x64xf32, #tpu.memory_space<vmem>>, vector<16xf32>,
        tpu.vector_store %arg11[%swap3A_737, %swap3A_738], %mul3A_735 {strides = array<i32>} : memref<80x64xf32, #tpu.memory_space<vmem>>, vector<16xf32>,
        %get3A_740 = arith.constant 13 : i32
        %get3A_741 = arith.index_cast %get3A_740 : i32 to index
        %get3A_742 = arith.constant 48 : index
        %get3A_743 = tpu.vector_load %arg11[%get3A_741, %get3A_742] {strides = array<i32>} : memref<80x64xf32, #tpu.memory_space<vmem>>, vector<16xf32>,
        %mul3A_744 = vector.broadcast %squeeze3A_709 : f32 to vector<16xf32>
        %mul3A_745 = arith.mulf %get3A_743, %mul3A_744 : vector<16xf32>
        %swap3A_746 = arith.constant 13 : i32
        %swap3A_747 = arith.index_cast %swap3A_746 : i32 to index
        %swap3A_748 = arith.constant 48 : index
        %swap3A_749 = tpu.vector_load %arg11[%swap3A_747, %swap3A_748] {strides = array<i32>} : memref<80x64xf32, #tpu.memory_space<vmem>>, vector<16xf32>,
        tpu.vector_store %arg11[%swap3A_747, %swap3A_748], %mul3A_745 {strides = array<i32>} : memref<80x64xf32, #tpu.memory_space<vmem>>, vector<16xf32>,
        %slice3A_750 = vector.extract_strided_slice %get3A_164 {offsets = [14], sizes = [1], strides = [1]} : vector<16xf32> to vector<1xf32>
        %squeeze3A_751 = vector.extract %slice3A_750[0] : f32 from vector<1xf32>
        %get3A_752 = arith.constant 14 : i32
        %get3A_753 = arith.index_cast %get3A_752 : i32 to index
        %get3A_754 = arith.constant 0 : index
        %get3A_755 = tpu.vector_load %arg11[%get3A_753, %get3A_754] {strides = array<i32>} : memref<80x64xf32, #tpu.memory_space<vmem>>, vector<16xf32>,
        %mul3A_756 = vector.broadcast %squeeze3A_751 : f32 to vector<16xf32>
        %mul3A_757 = arith.mulf %get3A_755, %mul3A_756 : vector<16xf32>
        %swap3A_758 = arith.constant 14 : i32
        %swap3A_759 = arith.index_cast %swap3A_758 : i32 to index
        %swap3A_760 = arith.constant 0 : index
        %swap3A_761 = tpu.vector_load %arg11[%swap3A_759, %swap3A_760] {strides = array<i32>} : memref<80x64xf32, #tpu.memory_space<vmem>>, vector<16xf32>,
        tpu.vector_store %arg11[%swap3A_759, %swap3A_760], %mul3A_757 {strides = array<i32>} : memref<80x64xf32, #tpu.memory_space<vmem>>, vector<16xf32>,
        %get3A_762 = arith.constant 14 : i32
        %get3A_763 = arith.index_cast %get3A_762 : i32 to index
        %get3A_764 = arith.constant 16 : index
        %get3A_765 = tpu.vector_load %arg11[%get3A_763, %get3A_764] {strides = array<i32>} : memref<80x64xf32, #tpu.memory_space<vmem>>, vector<16xf32>,
        %mul3A_766 = vector.broadcast %squeeze3A_751 : f32 to vector<16xf32>
        %mul3A_767 = arith.mulf %get3A_765, %mul3A_766 : vector<16xf32>
        %swap3A_768 = arith.constant 14 : i32
        %swap3A_769 = arith.index_cast %swap3A_768 : i32 to index
        %swap3A_770 = arith.constant 16 : index
        %swap3A_771 = tpu.vector_load %arg11[%swap3A_769, %swap3A_770] {strides = array<i32>} : memref<80x64xf32, #tpu.memory_space<vmem>>, vector<16xf32>,
        tpu.vector_store %arg11[%swap3A_769, %swap3A_770], %mul3A_767 {strides = array<i32>} : memref<80x64xf32, #tpu.memory_space<vmem>>, vector<16xf32>,
        %get3A_772 = arith.constant 14 : i32
        %get3A_773 = arith.index_cast %get3A_772 : i32 to index
        %get3A_774 = arith.constant 32 : index
        %get3A_775 = tpu.vector_load %arg11[%get3A_773, %get3A_774] {strides = array<i32>} : memref<80x64xf32, #tpu.memory_space<vmem>>, vector<16xf32>,
        %mul3A_776 = vector.broadcast %squeeze3A_751 : f32 to vector<16xf32>
        %mul3A_777 = arith.mulf %get3A_775, %mul3A_776 : vector<16xf32>
        %swap3A_778 = arith.constant 14 : i32
        %swap3A_779 = arith.index_cast %swap3A_778 : i32 to index
        %swap3A_780 = arith.constant 32 : index
        %swap3A_781 = tpu.vector_load %arg11[%swap3A_779, %swap3A_780] {strides = array<i32>} : memref<80x64xf32, #tpu.memory_space<vmem>>, vector<16xf32>,
        tpu.vector_store %arg11[%swap3A_779, %swap3A_780], %mul3A_777 {strides = array<i32>} : memref<80x64xf32, #tpu.memory_space<vmem>>, vector<16xf32>,
        %get3A_782 = arith.constant 14 : i32
        %get3A_783 = arith.index_cast %get3A_782 : i32 to index
        %get3A_784 = arith.constant 48 : index
        %get3A_785 = tpu.vector_load %arg11[%get3A_783, %get3A_784] {strides = array<i32>} : memref<80x64xf32, #tpu.memory_space<vmem>>, vector<16xf32>,
        %mul3A_786 = vector.broadcast %squeeze3A_751 : f32 to vector<16xf32>
        %mul3A_787 = arith.mulf %get3A_785, %mul3A_786 : vector<16xf32>
        %swap3A_788 = arith.constant 14 : i32
        %swap3A_789 = arith.index_cast %swap3A_788 : i32 to index
        %swap3A_790 = arith.constant 48 : index
        %swap3A_791 = tpu.vector_load %arg11[%swap3A_789, %swap3A_790] {strides = array<i32>} : memref<80x64xf32, #tpu.memory_space<vmem>>, vector<16xf32>,
        tpu.vector_store %arg11[%swap3A_789, %swap3A_790], %mul3A_787 {strides = array<i32>} : memref<80x64xf32, #tpu.memory_space<vmem>>, vector<16xf32>,
        %slice3A_792 = vector.extract_strided_slice %get3A_164 {offsets = [15], sizes = [1], strides = [1]} : vector<16xf32> to vector<1xf32>
        %squeeze3A_793 = vector.extract %slice3A_792[0] : f32 from vector<1xf32>
        %get3A_794 = arith.constant 15 : i32
        %get3A_795 = arith.index_cast %get3A_794 : i32 to index
        %get3A_796 = arith.constant 0 : index
        %get3A_797 = tpu.vector_load %arg11[%get3A_795, %get3A_796] {strides = array<i32>} : memref<80x64xf32, #tpu.memory_space<vmem>>, vector<16xf32>,
        %mul3A_798 = vector.broadcast %squeeze3A_793 : f32 to vector<16xf32>
        %mul3A_799 = arith.mulf %get3A_797, %mul3A_798 : vector<16xf32>
        %swap3A_800 = arith.constant 15 : i32
        %swap3A_801 = arith.index_cast %swap3A_800 : i32 to index
        %swap3A_802 = arith.constant 0 : index
        %swap3A_803 = tpu.vector_load %arg11[%swap3A_801, %swap3A_802] {strides = array<i32>} : memref<80x64xf32, #tpu.memory_space<vmem>>, vector<16xf32>,
        tpu.vector_store %arg11[%swap3A_801, %swap3A_802], %mul3A_799 {strides = array<i32>} : memref<80x64xf32, #tpu.memory_space<vmem>>, vector<16xf32>,
        %get3A_804 = arith.constant 15 : i32
        %get3A_805 = arith.index_cast %get3A_804 : i32 to index
        %get3A_806 = arith.constant 16 : index
        %get3A_807 = tpu.vector_load %arg11[%get3A_805, %get3A_806] {strides = array<i32>} : memref<80x64xf32, #tpu.memory_space<vmem>>, vector<16xf32>,
        %mul3A_808 = vector.broadcast %squeeze3A_793 : f32 to vector<16xf32>
        %mul3A_809 = arith.mulf %get3A_807, %mul3A_808 : vector<16xf32>
        %swap3A_810 = arith.constant 15 : i32
        %swap3A_811 = arith.index_cast %swap3A_810 : i32 to index
        %swap3A_812 = arith.constant 16 : index
        %swap3A_813 = tpu.vector_load %arg11[%swap3A_811, %swap3A_812] {strides = array<i32>} : memref<80x64xf32, #tpu.memory_space<vmem>>, vector<16xf32>,
        tpu.vector_store %arg11[%swap3A_811, %swap3A_812], %mul3A_809 {strides = array<i32>} : memref<80x64xf32, #tpu.memory_space<vmem>>, vector<16xf32>,
        %get3A_814 = arith.constant 15 : i32
        %get3A_815 = arith.index_cast %get3A_814 : i32 to index
        %get3A_816 = arith.constant 32 : index
        %get3A_817 = tpu.vector_load %arg11[%get3A_815, %get3A_816] {strides = array<i32>} : memref<80x64xf32, #tpu.memory_space<vmem>>, vector<16xf32>,
        %mul3A_818 = vector.broadcast %squeeze3A_793 : f32 to vector<16xf32>
        %mul3A_819 = arith.mulf %get3A_817, %mul3A_818 : vector<16xf32>
        %swap3A_820 = arith.constant 15 : i32
        %swap3A_821 = arith.index_cast %swap3A_820 : i32 to index
        %swap3A_822 = arith.constant 32 : index
        %swap3A_823 = tpu.vector_load %arg11[%swap3A_821, %swap3A_822] {strides = array<i32>} : memref<80x64xf32, #tpu.memory_space<vmem>>, vector<16xf32>,
        tpu.vector_store %arg11[%swap3A_821, %swap3A_822], %mul3A_819 {strides = array<i32>} : memref<80x64xf32, #tpu.memory_space<vmem>>, vector<16xf32>,
        %get3A_824 = arith.constant 15 : i32
        %get3A_825 = arith.index_cast %get3A_824 : i32 to index
        %get3A_826 = arith.constant 48 : index
        %get3A_827 = tpu.vector_load %arg11[%get3A_825, %get3A_826] {strides = array<i32>} : memref<80x64xf32, #tpu.memory_space<vmem>>, vector<16xf32>,
        %mul3A_828 = vector.broadcast %squeeze3A_793 : f32 to vector<16xf32>
        %mul3A_829 = arith.mulf %get3A_827, %mul3A_828 : vector<16xf32>
        %swap3A_830 = arith.constant 15 : i32
        %swap3A_831 = arith.index_cast %swap3A_830 : i32 to index
        %swap3A_832 = arith.constant 48 : index
        %swap3A_833 = tpu.vector_load %arg11[%swap3A_831, %swap3A_832] {strides = array<i32>} : memref<80x64xf32, #tpu.memory_space<vmem>>, vector<16xf32>,
        tpu.vector_store %arg11[%swap3A_831, %swap3A_832], %mul3A_829 {strides = array<i32>} : memref<80x64xf32, #tpu.memory_space<vmem>>, vector<16xf32>,
        %mul3A_834 = arith.constant 80 : i32
        %mul3A_835 = arith.muli %scan3A_152, %mul3A_834 : i32
        %add3A_836 = arith.constant 16 : i32
        %add3A_837 = arith.addi %mul3A_835, %add3A_836 : i32
        %get3A_838 = arith.index_cast %add3A_837 : i32 to index
        %get3A_839 = tpu.vector_load %arg13[%get3A_838] {strides = array<i32>} : memref<640xf32, #tpu.memory_space<vmem>>, vector<16xf32>,
        %slice3A_840 = vector.extract_strided_slice %get3A_839 {offsets = [0], sizes = [1], strides = [1]} : vector<16xf32> to vector<1xf32>
        %squeeze3A_841 = vector.extract %slice3A_840[0] : f32 from vector<1xf32>
        %get3A_842 = arith.constant 16 : i32
        %get3A_843 = arith.index_cast %get3A_842 : i32 to index
        %get3A_844 = arith.constant 0 : index
        %get3A_845 = tpu.vector_load %arg11[%get3A_843, %get3A_844] {strides = array<i32>} : memref<80x64xf32, #tpu.memory_space<vmem>>, vector<16xf32>,
        %mul3A_846 = vector.broadcast %squeeze3A_841 : f32 to vector<16xf32>
        %mul3A_847 = arith.mulf %get3A_845, %mul3A_846 : vector<16xf32>
        %swap3A_848 = arith.constant 16 : i32
        %swap3A_849 = arith.index_cast %swap3A_848 : i32 to index
        %swap3A_850 = arith.constant 0 : index
        %swap3A_851 = tpu.vector_load %arg11[%swap3A_849, %swap3A_850] {strides = array<i32>} : memref<80x64xf32, #tpu.memory_space<vmem>>, vector<16xf32>,
        tpu.vector_store %arg11[%swap3A_849, %swap3A_850], %mul3A_847 {strides = array<i32>} : memref<80x64xf32, #tpu.memory_space<vmem>>, vector<16xf32>,
        %get3A_852 = arith.constant 16 : i32
        %get3A_853 = arith.index_cast %get3A_852 : i32 to index
        %get3A_854 = arith.constant 16 : index
        %get3A_855 = tpu.vector_load %arg11[%get3A_853, %get3A_854] {strides = array<i32>} : memref<80x64xf32, #tpu.memory_space<vmem>>, vector<16xf32>,
        %mul3A_856 = vector.broadcast %squeeze3A_841 : f32 to vector<16xf32>
        %mul3A_857 = arith.mulf %get3A_855, %mul3A_856 : vector<16xf32>
        %swap3A_858 = arith.constant 16 : i32
        %swap3A_859 = arith.index_cast %swap3A_858 : i32 to index
        %swap3A_860 = arith.constant 16 : index
        %swap3A_861 = tpu.vector_load %arg11[%swap3A_859, %swap3A_860] {strides = array<i32>} : memref<80x64xf32, #tpu.memory_space<vmem>>, vector<16xf32>,
        tpu.vector_store %arg11[%swap3A_859, %swap3A_860], %mul3A_857 {strides = array<i32>} : memref<80x64xf32, #tpu.memory_space<vmem>>, vector<16xf32>,
        %get3A_862 = arith.constant 16 : i32
        %get3A_863 = arith.index_cast %get3A_862 : i32 to index
        %get3A_864 = arith.constant 32 : index
        %get3A_865 = tpu.vector_load %arg11[%get3A_863, %get3A_864] {strides = array<i32>} : memref<80x64xf32, #tpu.memory_space<vmem>>, vector<16xf32>,
        %mul3A_866 = vector.broadcast %squeeze3A_841 : f32 to vector<16xf32>
        %mul3A_867 = arith.mulf %get3A_865, %mul3A_866 : vector<16xf32>
        %swap3A_868 = arith.constant 16 : i32
        %swap3A_869 = arith.index_cast %swap3A_868 : i32 to index
        %swap3A_870 = arith.constant 32 : index
        %swap3A_871 = tpu.vector_load %arg11[%swap3A_869, %swap3A_870] {strides = array<i32>} : memref<80x64xf32, #tpu.memory_space<vmem>>, vector<16xf32>,
        tpu.vector_store %arg11[%swap3A_869, %swap3A_870], %mul3A_867 {strides = array<i32>} : memref<80x64xf32, #tpu.memory_space<vmem>>, vector<16xf32>,
        %get3A_872 = arith.constant 16 : i32
        %get3A_873 = arith.index_cast %get3A_872 : i32 to index
        %get3A_874 = arith.constant 48 : index
        %get3A_875 = tpu.vector_load %arg11[%get3A_873, %get3A_874] {strides = array<i32>} : memref<80x64xf32, #tpu.memory_space<vmem>>, vector<16xf32>,
        %mul3A_876 = vector.broadcast %squeeze3A_841 : f32 to vector<16xf32>
        %mul3A_877 = arith.mulf %get3A_875, %mul3A_876 : vector<16xf32>
        %swap3A_878 = arith.constant 16 : i32
        %swap3A_879 = arith.index_cast %swap3A_878 : i32 to index
        %swap3A_880 = arith.constant 48 : index
        %swap3A_881 = tpu.vector_load %arg11[%swap3A_879, %swap3A_880] {strides = array<i32>} : memref<80x64xf32, #tpu.memory_space<vmem>>, vector<16xf32>,
        tpu.vector_store %arg11[%swap3A_879, %swap3A_880], %mul3A_877 {strides = array<i32>} : memref<80x64xf32, #tpu.memory_space<vmem>>, vector<16xf32>,
        %slice3A_882 = vector.extract_strided_slice %get3A_839 {offsets = [1], sizes = [1], strides = [1]} : vector<16xf32> to vector<1xf32>
        %squeeze3A_883 = vector.extract %slice3A_882[0] : f32 from vector<1xf32>
        %get3A_884 = arith.constant 17 : i32
        %get3A_885 = arith.index_cast %get3A_884 : i32 to index
        %get3A_886 = arith.constant 0 : index
        %get3A_887 = tpu.vector_load %arg11[%get3A_885, %get3A_886] {strides = array<i32>} : memref<80x64xf32, #tpu.memory_space<vmem>>, vector<16xf32>,
        %mul3A_888 = vector.broadcast %squeeze3A_883 : f32 to vector<16xf32>
        %mul3A_889 = arith.mulf %get3A_887, %mul3A_888 : vector<16xf32>
        %swap3A_890 = arith.constant 17 : i32
        %swap3A_891 = arith.index_cast %swap3A_890 : i32 to index
        %swap3A_892 = arith.constant 0 : index
        %swap3A_893 = tpu.vector_load %arg11[%swap3A_891, %swap3A_892] {strides = array<i32>} : memref<80x64xf32, #tpu.memory_space<vmem>>, vector<16xf32>,
        tpu.vector_store %arg11[%swap3A_891, %swap3A_892], %mul3A_889 {strides = array<i32>} : memref<80x64xf32, #tpu.memory_space<vmem>>, vector<16xf32>,
        %get3A_894 = arith.constant 17 : i32
        %get3A_895 = arith.index_cast %get3A_894 : i32 to index
        %get3A_896 = arith.constant 16 : index
        %get3A_897 = tpu.vector_load %arg11[%get3A_895, %get3A_896] {strides = array<i32>} : memref<80x64xf32, #tpu.memory_space<vmem>>, vector<16xf32>,
        %mul3A_898 = vector.broadcast %squeeze3A_883 : f32 to vector<16xf32>
        %mul3A_899 = arith.mulf %get3A_897, %mul3A_898 : vector<16xf32>
        %swap3A_900 = arith.constant 17 : i32
        %swap3A_901 = arith.index_cast %swap3A_900 : i32 to index
        %swap3A_902 = arith.constant 16 : index
        %swap3A_903 = tpu.vector_load %arg11[%swap3A_901, %swap3A_902] {strides = array<i32>} : memref<80x64xf32, #tpu.memory_space<vmem>>, vector<16xf32>,
        tpu.vector_store %arg11[%swap3A_901, %swap3A_902], %mul3A_899 {strides = array<i32>} : memref<80x64xf32, #tpu.memory_space<vmem>>, vector<16xf32>,
        %get3A_904 = arith.constant 17 : i32
        %get3A_905 = arith.index_cast %get3A_904 : i32 to index
        %get3A_906 = arith.constant 32 : index
        %get3A_907 = tpu.vector_load %arg11[%get3A_905, %get3A_906] {strides = array<i32>} : memref<80x64xf32, #tpu.memory_space<vmem>>, vector<16xf32>,
        %mul3A_908 = vector.broadcast %squeeze3A_883 : f32 to vector<16xf32>
        %mul3A_909 = arith.mulf %get3A_907, %mul3A_908 : vector<16xf32>
        %swap3A_910 = arith.constant 17 : i32
        %swap3A_911 = arith.index_cast %swap3A_910 : i32 to index
        %swap3A_912 = arith.constant 32 : index
        %swap3A_913 = tpu.vector_load %arg11[%swap3A_911, %swap3A_912] {strides = array<i32>} : memref<80x64xf32, #tpu.memory_space<vmem>>, vector<16xf32>,
        tpu.vector_store %arg11[%swap3A_911, %swap3A_912], %mul3A_909 {strides = array<i32>} : memref<80x64xf32, #tpu.memory_space<vmem>>, vector<16xf32>,
        %get3A_914 = arith.constant 17 : i32
        %get3A_915 = arith.index_cast %get3A_914 : i32 to index
        %get3A_916 = arith.constant 48 : index
        %get3A_917 = tpu.vector_load %arg11[%get3A_915, %get3A_916] {strides = array<i32>} : memref<80x64xf32, #tpu.memory_space<vmem>>, vector<16xf32>,
        %mul3A_918 = vector.broadcast %squeeze3A_883 : f32 to vector<16xf32>
        %mul3A_919 = arith.mulf %get3A_917, %mul3A_918 : vector<16xf32>
        %swap3A_920 = arith.constant 17 : i32
        %swap3A_921 = arith.index_cast %swap3A_920 : i32 to index
        %swap3A_922 = arith.constant 48 : index
        %swap3A_923 = tpu.vector_load %arg11[%swap3A_921, %swap3A_922] {strides = array<i32>} : memref<80x64xf32, #tpu.memory_space<vmem>>, vector<16xf32>,
        tpu.vector_store %arg11[%swap3A_921, %swap3A_922], %mul3A_919 {strides = array<i32>} : memref<80x64xf32, #tpu.memory_space<vmem>>, vector<16xf32>,
        %slice3A_924 = vector.extract_strided_slice %get3A_839 {offsets = [2], sizes = [1], strides = [1]} : vector<16xf32> to vector<1xf32>
        %squeeze3A_925 = vector.extract %slice3A_924[0] : f32 from vector<1xf32>
        %get3A_926 = arith.constant 18 : i32
        %get3A_927 = arith.index_cast %get3A_926 : i32 to index
        %get3A_928 = arith.constant 0 : index
        %get3A_929 = tpu.vector_load %arg11[%get3A_927, %get3A_928] {strides = array<i32>} : memref<80x64xf32, #tpu.memory_space<vmem>>, vector<16xf32>,
        %mul3A_930 = vector.broadcast %squeeze3A_925 : f32 to vector<16xf32>
        %mul3A_931 = arith.mulf %get3A_929, %mul3A_930 : vector<16xf32>
        %swap3A_932 = arith.constant 18 : i32
        %swap3A_933 = arith.index_cast %swap3A_932 : i32 to index
        %swap3A_934 = arith.constant 0 : index
        %swap3A_935 = tpu.vector_load %arg11[%swap3A_933, %swap3A_934] {strides = array<i32>} : memref<80x64xf32, #tpu.memory_space<vmem>>, vector<16xf32>,
        tpu.vector_store %arg11[%swap3A_933, %swap3A_934], %mul3A_931 {strides = array<i32>} : memref<80x64xf32, #tpu.memory_space<vmem>>, vector<16xf32>,
        %get3A_936 = arith.constant 18 : i32
        %get3A_937 = arith.index_cast %get3A_936 : i32 to index
        %get3A_938 = arith.constant 16 : index
        %get3A_939 = tpu.vector_load %arg11[%get3A_937, %get3A_938] {strides = array<i32>} : memref<80x64xf32, #tpu.memory_space<vmem>>, vector<16xf32>,
        %mul3A_940 = vector.broadcast %squeeze3A_925 : f32 to vector<16xf32>
        %mul3A_941 = arith.mulf %get3A_939, %mul3A_940 : vector<16xf32>
        %swap3A_942 = arith.constant 18 : i32
        %swap3A_943 = arith.index_cast %swap3A_942 : i32 to index
        %swap3A_944 = arith.constant 16 : index
        %swap3A_945 = tpu.vector_load %arg11[%swap3A_943, %swap3A_944] {strides = array<i32>} : memref<80x64xf32, #tpu.memory_space<vmem>>, vector<16xf32>,
        tpu.vector_store %arg11[%swap3A_943, %swap3A_944], %mul3A_941 {strides = array<i32>} : memref<80x64xf32, #tpu.memory_space<vmem>>, vector<16xf32>,
        %get3A_946 = arith.constant 18 : i32
        %get3A_947 = arith.index_cast %get3A_946 : i32 to index
        %get3A_948 = arith.constant 32 : index
        %get3A_949 = tpu.vector_load %arg11[%get3A_947, %get3A_948] {strides = array<i32>} : memref<80x64xf32, #tpu.memory_space<vmem>>, vector<16xf32>,
        %mul3A_950 = vector.broadcast %squeeze3A_925 : f32 to vector<16xf32>
        %mul3A_951 = arith.mulf %get3A_949, %mul3A_950 : vector<16xf32>
        %swap3A_952 = arith.constant 18 : i32
        %swap3A_953 = arith.index_cast %swap3A_952 : i32 to index
        %swap3A_954 = arith.constant 32 : index
        %swap3A_955 = tpu.vector_load %arg11[%swap3A_953, %swap3A_954] {strides = array<i32>} : memref<80x64xf32, #tpu.memory_space<vmem>>, vector<16xf32>,
        tpu.vector_store %arg11[%swap3A_953, %swap3A_954], %mul3A_951 {strides = array<i32>} : memref<80x64xf32, #tpu.memory_space<vmem>>, vector<16xf32>,
        %get3A_956 = arith.constant 18 : i32
        %get3A_957 = arith.index_cast %get3A_956 : i32 to index
        %get3A_958 = arith.constant 48 : index
        %get3A_959 = tpu.vector_load %arg11[%get3A_957, %get3A_958] {strides = array<i32>} : memref<80x64xf32, #tpu.memory_space<vmem>>, vector<16xf32>,
        %mul3A_960 = vector.broadcast %squeeze3A_925 : f32 to vector<16xf32>
        %mul3A_961 = arith.mulf %get3A_959, %mul3A_960 : vector<16xf32>
        %swap3A_962 = arith.constant 18 : i32
        %swap3A_963 = arith.index_cast %swap3A_962 : i32 to index
        %swap3A_964 = arith.constant 48 : index
        %swap3A_965 = tpu.vector_load %arg11[%swap3A_963, %swap3A_964] {strides = array<i32>} : memref<80x64xf32, #tpu.memory_space<vmem>>, vector<16xf32>,
        tpu.vector_store %arg11[%swap3A_963, %swap3A_964], %mul3A_961 {strides = array<i32>} : memref<80x64xf32, #tpu.memory_space<vmem>>, vector<16xf32>,
        %slice3A_966 = vector.extract_strided_slice %get3A_839 {offsets = [3], sizes = [1], strides = [1]} : vector<16xf32> to vector<1xf32>
        %squeeze3A_967 = vector.extract %slice3A_966[0] : f32 from vector<1xf32>
        %get3A_968 = arith.constant 19 : i32
        %get3A_969 = arith.index_cast %get3A_968 : i32 to index
        %get3A_970 = arith.constant 0 : index
        %get3A_971 = tpu.vector_load %arg11[%get3A_969, %get3A_970] {strides = array<i32>} : memref<80x64xf32, #tpu.memory_space<vmem>>, vector<16xf32>,
        %mul3A_972 = vector.broadcast %squeeze3A_967 : f32 to vector<16xf32>
        %mul3A_973 = arith.mulf %get3A_971, %mul3A_972 : vector<16xf32>
        %swap3A_974 = arith.constant 19 : i32
        %swap3A_975 = arith.index_cast %swap3A_974 : i32 to index
        %swap3A_976 = arith.constant 0 : index
        %swap3A_977 = tpu.vector_load %arg11[%swap3A_975, %swap3A_976] {strides = array<i32>} : memref<80x64xf32, #tpu.memory_space<vmem>>, vector<16xf32>,
        tpu.vector_store %arg11[%swap3A_975, %swap3A_976], %mul3A_973 {strides = array<i32>} : memref<80x64xf32, #tpu.memory_space<vmem>>, vector<16xf32>,
        %get3A_978 = arith.constant 19 : i32
        %get3A_979 = arith.index_cast %get3A_978 : i32 to index
        %get3A_980 = arith.constant 16 : index
        %get3A_981 = tpu.vector_load %arg11[%get3A_979, %get3A_980] {strides = array<i32>} : memref<80x64xf32, #tpu.memory_space<vmem>>, vector<16xf32>,
        %mul3A_982 = vector.broadcast %squeeze3A_967 : f32 to vector<16xf32>
        %mul3A_983 = arith.mulf %get3A_981, %mul3A_982 : vector<16xf32>
        %swap3A_984 = arith.constant 19 : i32
        %swap3A_985 = arith.index_cast %swap3A_984 : i32 to index
        %swap3A_986 = arith.constant 16 : index
        %swap3A_987 = tpu.vector_load %arg11[%swap3A_985, %swap3A_986] {strides = array<i32>} : memref<80x64xf32, #tpu.memory_space<vmem>>, vector<16xf32>,
        tpu.vector_store %arg11[%swap3A_985, %swap3A_986], %mul3A_983 {strides = array<i32>} : memref<80x64xf32, #tpu.memory_space<vmem>>, vector<16xf32>,
        %get3A_988 = arith.constant 19 : i32
        %get3A_989 = arith.index_cast %get3A_988 : i32 to index
        %get3A_990 = arith.constant 32 : index
        %get3A_991 = tpu.vector_load %arg11[%get3A_989, %get3A_990] {strides = array<i32>} : memref<80x64xf32, #tpu.memory_space<vmem>>, vector<16xf32>,
        %mul3A_992 = vector.broadcast %squeeze3A_967 : f32 to vector<16xf32>
        %mul3A_993 = arith.mulf %get3A_991, %mul3A_992 : vector<16xf32>
        %swap3A_994 = arith.constant 19 : i32
        %swap3A_995 = arith.index_cast %swap3A_994 : i32 to index
        %swap3A_996 = arith.constant 32 : index
        %swap3A_997 = tpu.vector_load %arg11[%swap3A_995, %swap3A_996] {strides = array<i32>} : memref<80x64xf32, #tpu.memory_space<vmem>>, vector<16xf32>,
        tpu.vector_store %arg11[%swap3A_995, %swap3A_996], %mul3A_993 {strides = array<i32>} : memref<80x64xf32, #tpu.memory_space<vmem>>, vector<16xf32>,
        %get3A_998 = arith.constant 19 : i32
        %get3A_999 = arith.index_cast %get3A_998 : i32 to index
        %get3A_1000 = arith.constant 48 : index
        %get3A_1001 = tpu.vector_load %arg11[%get3A_999, %get3A_1000] {strides = array<i32>} : memref<80x64xf32, #tpu.memory_space<vmem>>, vector<16xf32>,
        %mul3A_1002 = vector.broadcast %squeeze3A_967 : f32 to vector<16xf32>
        %mul3A_1003 = arith.mulf %get3A_1001, %mul3A_1002 : vector<16xf32>
        %swap3A_1004 = arith.constant 19 : i32
        %swap3A_1005 = arith.index_cast %swap3A_1004 : i32 to index
        %swap3A_1006 = arith.constant 48 : index
        %swap3A_1007 = tpu.vector_load %arg11[%swap3A_1005, %swap3A_1006] {strides = array<i32>} : memref<80x64xf32, #tpu.memory_space<vmem>>, vector<16xf32>,
        tpu.vector_store %arg11[%swap3A_1005, %swap3A_1006], %mul3A_1003 {strides = array<i32>} : memref<80x64xf32, #tpu.memory_space<vmem>>, vector<16xf32>,
        %slice3A_1008 = vector.extract_strided_slice %get3A_839 {offsets = [4], sizes = [1], strides = [1]} : vector<16xf32> to vector<1xf32>
        %squeeze3A_1009 = vector.extract %slice3A_1008[0] : f32 from vector<1xf32>
        %get3A_1010 = arith.constant 20 : i32
        %get3A_1011 = arith.index_cast %get3A_1010 : i32 to index
        %get3A_1012 = arith.constant 0 : index
        %get3A_1013 = tpu.vector_load %arg11[%get3A_1011, %get3A_1012] {strides = array<i32>} : memref<80x64xf32, #tpu.memory_space<vmem>>, vector<16xf32>,
        %mul3A_1014 = vector.broadcast %squeeze3A_1009 : f32 to vector<16xf32>
        %mul3A_1015 = arith.mulf %get3A_1013, %mul3A_1014 : vector<16xf32>
        %swap3A_1016 = arith.constant 20 : i32
        %swap3A_1017 = arith.index_cast %swap3A_1016 : i32 to index
        %swap3A_1018 = arith.constant 0 : index
        %swap3A_1019 = tpu.vector_load %arg11[%swap3A_1017, %swap3A_1018] {strides = array<i32>} : memref<80x64xf32, #tpu.memory_space<vmem>>, vector<16xf32>,
        tpu.vector_store %arg11[%swap3A_1017, %swap3A_1018], %mul3A_1015 {strides = array<i32>} : memref<80x64xf32, #tpu.memory_space<vmem>>, vector<16xf32>,
        %get3A_1020 = arith.constant 20 : i32
        %get3A_1021 = arith.index_cast %get3A_1020 : i32 to index
        %get3A_1022 = arith.constant 16 : index
        %get3A_1023 = tpu.vector_load %arg11[%get3A_1021, %get3A_1022] {strides = array<i32>} : memref<80x64xf32, #tpu.memory_space<vmem>>, vector<16xf32>,
        %mul3A_1024 = vector.broadcast %squeeze3A_1009 : f32 to vector<16xf32>
        %mul3A_1025 = arith.mulf %get3A_1023, %mul3A_1024 : vector<16xf32>
        %swap3A_1026 = arith.constant 20 : i32
        %swap3A_1027 = arith.index_cast %swap3A_1026 : i32 to index
        %swap3A_1028 = arith.constant 16 : index
        %swap3A_1029 = tpu.vector_load %arg11[%swap3A_1027, %swap3A_1028] {strides = array<i32>} : memref<80x64xf32, #tpu.memory_space<vmem>>, vector<16xf32>,
        tpu.vector_store %arg11[%swap3A_1027, %swap3A_1028], %mul3A_1025 {strides = array<i32>} : memref<80x64xf32, #tpu.memory_space<vmem>>, vector<16xf32>,
        %get3A_1030 = arith.constant 20 : i32
        %get3A_1031 = arith.index_cast %get3A_1030 : i32 to index
        %get3A_1032 = arith.constant 32 : index
        %get3A_1033 = tpu.vector_load %arg11[%get3A_1031, %get3A_1032] {strides = array<i32>} : memref<80x64xf32, #tpu.memory_space<vmem>>, vector<16xf32>,
        %mul3A_1034 = vector.broadcast %squeeze3A_1009 : f32 to vector<16xf32>
        %mul3A_1035 = arith.mulf %get3A_1033, %mul3A_1034 : vector<16xf32>
        %swap3A_1036 = arith.constant 20 : i32
        %swap3A_1037 = arith.index_cast %swap3A_1036 : i32 to index
        %swap3A_1038 = arith.constant 32 : index
        %swap3A_1039 = tpu.vector_load %arg11[%swap3A_1037, %swap3A_1038] {strides = array<i32>} : memref<80x64xf32, #tpu.memory_space<vmem>>, vector<16xf32>,
        tpu.vector_store %arg11[%swap3A_1037, %swap3A_1038], %mul3A_1035 {strides = array<i32>} : memref<80x64xf32, #tpu.memory_space<vmem>>, vector<16xf32>,
        %get3A_1040 = arith.constant 20 : i32
        %get3A_1041 = arith.index_cast %get3A_1040 : i32 to index
        %get3A_1042 = arith.constant 48 : index
        %get3A_1043 = tpu.vector_load %arg11[%get3A_1041, %get3A_1042] {strides = array<i32>} : memref<80x64xf32, #tpu.memory_space<vmem>>, vector<16xf32>,
        %mul3A_1044 = vector.broadcast %squeeze3A_1009 : f32 to vector<16xf32>
        %mul3A_1045 = arith.mulf %get3A_1043, %mul3A_1044 : vector<16xf32>
        %swap3A_1046 = arith.constant 20 : i32
        %swap3A_1047 = arith.index_cast %swap3A_1046 : i32 to index
        %swap3A_1048 = arith.constant 48 : index
        %swap3A_1049 = tpu.vector_load %arg11[%swap3A_1047, %swap3A_1048] {strides = array<i32>} : memref<80x64xf32, #tpu.memory_space<vmem>>, vector<16xf32>,
        tpu.vector_store %arg11[%swap3A_1047, %swap3A_1048], %mul3A_1045 {strides = array<i32>} : memref<80x64xf32, #tpu.memory_space<vmem>>, vector<16xf32>,
        %slice3A_1050 = vector.extract_strided_slice %get3A_839 {offsets = [5], sizes = [1], strides = [1]} : vector<16xf32> to vector<1xf32>
        %squeeze3A_1051 = vector.extract %slice3A_1050[0] : f32 from vector<1xf32>
        %get3A_1052 = arith.constant 21 : i32
        %get3A_1053 = arith.index_cast %get3A_1052 : i32 to index
        %get3A_1054 = arith.constant 0 : index
        %get3A_1055 = tpu.vector_load %arg11[%get3A_1053, %get3A_1054] {strides = array<i32>} : memref<80x64xf32, #tpu.memory_space<vmem>>, vector<16xf32>,
        %mul3A_1056 = vector.broadcast %squeeze3A_1051 : f32 to vector<16xf32>
        %mul3A_1057 = arith.mulf %get3A_1055, %mul3A_1056 : vector<16xf32>
        %swap3A_1058 = arith.constant 21 : i32
        %swap3A_1059 = arith.index_cast %swap3A_1058 : i32 to index
        %swap3A_1060 = arith.constant 0 : index
        %swap3A_1061 = tpu.vector_load %arg11[%swap3A_1059, %swap3A_1060] {strides = array<i32>} : memref<80x64xf32, #tpu.memory_space<vmem>>, vector<16xf32>,
        tpu.vector_store %arg11[%swap3A_1059, %swap3A_1060], %mul3A_1057 {strides = array<i32>} : memref<80x64xf32, #tpu.memory_space<vmem>>, vector<16xf32>,
        %get3A_1062 = arith.constant 21 : i32
        %get3A_1063 = arith.index_cast %get3A_1062 : i32 to index
        %get3A_1064 = arith.constant 16 : index
        %get3A_1065 = tpu.vector_load %arg11[%get3A_1063, %get3A_1064] {strides = array<i32>} : memref<80x64xf32, #tpu.memory_space<vmem>>, vector<16xf32>,
        %mul3A_1066 = vector.broadcast %squeeze3A_1051 : f32 to vector<16xf32>
        %mul3A_1067 = arith.mulf %get3A_1065, %mul3A_1066 : vector<16xf32>
        %swap3A_1068 = arith.constant 21 : i32
        %swap3A_1069 = arith.index_cast %swap3A_1068 : i32 to index
        %swap3A_1070 = arith.constant 16 : index
        %swap3A_1071 = tpu.vector_load %arg11[%swap3A_1069, %swap3A_1070] {strides = array<i32>} : memref<80x64xf32, #tpu.memory_space<vmem>>, vector<16xf32>,
        tpu.vector_store %arg11[%swap3A_1069, %swap3A_1070], %mul3A_1067 {strides = array<i32>} : memref<80x64xf32, #tpu.memory_space<vmem>>, vector<16xf32>,
        %get3A_1072 = arith.constant 21 : i32
        %get3A_1073 = arith.index_cast %get3A_1072 : i32 to index
        %get3A_1074 = arith.constant 32 : index
        %get3A_1075 = tpu.vector_load %arg11[%get3A_1073, %get3A_1074] {strides = array<i32>} : memref<80x64xf32, #tpu.memory_space<vmem>>, vector<16xf32>,
        %mul3A_1076 = vector.broadcast %squeeze3A_1051 : f32 to vector<16xf32>
        %mul3A_1077 = arith.mulf %get3A_1075, %mul3A_1076 : vector<16xf32>
        %swap3A_1078 = arith.constant 21 : i32
        %swap3A_1079 = arith.index_cast %swap3A_1078 : i32 to index
        %swap3A_1080 = arith.constant 32 : index
        %swap3A_1081 = tpu.vector_load %arg11[%swap3A_1079, %swap3A_1080] {strides = array<i32>} : memref<80x64xf32, #tpu.memory_space<vmem>>, vector<16xf32>,
        tpu.vector_store %arg11[%swap3A_1079, %swap3A_1080], %mul3A_1077 {strides = array<i32>} : memref<80x64xf32, #tpu.memory_space<vmem>>, vector<16xf32>,
        %get3A_1082 = arith.constant 21 : i32
        %get3A_1083 = arith.index_cast %get3A_1082 : i32 to index
        %get3A_1084 = arith.constant 48 : index
        %get3A_1085 = tpu.vector_load %arg11[%get3A_1083, %get3A_1084] {strides = array<i32>} : memref<80x64xf32, #tpu.memory_space<vmem>>, vector<16xf32>,
        %mul3A_1086 = vector.broadcast %squeeze3A_1051 : f32 to vector<16xf32>
        %mul3A_1087 = arith.mulf %get3A_1085, %mul3A_1086 : vector<16xf32>
        %swap3A_1088 = arith.constant 21 : i32
        %swap3A_1089 = arith.index_cast %swap3A_1088 : i32 to index
        %swap3A_1090 = arith.constant 48 : index
        %swap3A_1091 = tpu.vector_load %arg11[%swap3A_1089, %swap3A_1090] {strides = array<i32>} : memref<80x64xf32, #tpu.memory_space<vmem>>, vector<16xf32>,
        tpu.vector_store %arg11[%swap3A_1089, %swap3A_1090], %mul3A_1087 {strides = array<i32>} : memref<80x64xf32, #tpu.memory_space<vmem>>, vector<16xf32>,
        %slice3A_1092 = vector.extract_strided_slice %get3A_839 {offsets = [6], sizes = [1], strides = [1]} : vector<16xf32> to vector<1xf32>
        %squeeze3A_1093 = vector.extract %slice3A_1092[0] : f32 from vector<1xf32>
        %get3A_1094 = arith.constant 22 : i32
        %get3A_1095 = arith.index_cast %get3A_1094 : i32 to index
        %get3A_1096 = arith.constant 0 : index
        %get3A_1097 = tpu.vector_load %arg11[%get3A_1095, %get3A_1096] {strides = array<i32>} : memref<80x64xf32, #tpu.memory_space<vmem>>, vector<16xf32>,
        %mul3A_1098 = vector.broadcast %squeeze3A_1093 : f32 to vector<16xf32>
        %mul3A_1099 = arith.mulf %get3A_1097, %mul3A_1098 : vector<16xf32>
        %swap3A_1100 = arith.constant 22 : i32
        %swap3A_1101 = arith.index_cast %swap3A_1100 : i32 to index
        %swap3A_1102 = arith.constant 0 : index
        %swap3A_1103 = tpu.vector_load %arg11[%swap3A_1101, %swap3A_1102] {strides = array<i32>} : memref<80x64xf32, #tpu.memory_space<vmem>>, vector<16xf32>,
        tpu.vector_store %arg11[%swap3A_1101, %swap3A_1102], %mul3A_1099 {strides = array<i32>} : memref<80x64xf32, #tpu.memory_space<vmem>>, vector<16xf32>,
        %get3A_1104 = arith.constant 22 : i32
        %get3A_1105 = arith.index_cast %get3A_1104 : i32 to index
        %get3A_1106 = arith.constant 16 : index
        %get3A_1107 = tpu.vector_load %arg11[%get3A_1105, %get3A_1106] {strides = array<i32>} : memref<80x64xf32, #tpu.memory_space<vmem>>, vector<16xf32>,
        %mul3A_1108 = vector.broadcast %squeeze3A_1093 : f32 to vector<16xf32>
        %mul3A_1109 = arith.mulf %get3A_1107, %mul3A_1108 : vector<16xf32>
        %swap3A_1110 = arith.constant 22 : i32
        %swap3A_1111 = arith.index_cast %swap3A_1110 : i32 to index
        %swap3A_1112 = arith.constant 16 : index
        %swap3A_1113 = tpu.vector_load %arg11[%swap3A_1111, %swap3A_1112] {strides = array<i32>} : memref<80x64xf32, #tpu.memory_space<vmem>>, vector<16xf32>,
        tpu.vector_store %arg11[%swap3A_1111, %swap3A_1112], %mul3A_1109 {strides = array<i32>} : memref<80x64xf32, #tpu.memory_space<vmem>>, vector<16xf32>,
        %get3A_1114 = arith.constant 22 : i32
        %get3A_1115 = arith.index_cast %get3A_1114 : i32 to index
        %get3A_1116 = arith.constant 32 : index
        %get3A_1117 = tpu.vector_load %arg11[%get3A_1115, %get3A_1116] {strides = array<i32>} : memref<80x64xf32, #tpu.memory_space<vmem>>, vector<16xf32>,
        %mul3A_1118 = vector.broadcast %squeeze3A_1093 : f32 to vector<16xf32>
        %mul3A_1119 = arith.mulf %get3A_1117, %mul3A_1118 : vector<16xf32>
        %swap3A_1120 = arith.constant 22 : i32
        %swap3A_1121 = arith.index_cast %swap3A_1120 : i32 to index
        %swap3A_1122 = arith.constant 32 : index
        %swap3A_1123 = tpu.vector_load %arg11[%swap3A_1121, %swap3A_1122] {strides = array<i32>} : memref<80x64xf32, #tpu.memory_space<vmem>>, vector<16xf32>,
        tpu.vector_store %arg11[%swap3A_1121, %swap3A_1122], %mul3A_1119 {strides = array<i32>} : memref<80x64xf32, #tpu.memory_space<vmem>>, vector<16xf32>,
        %get3A_1124 = arith.constant 22 : i32
        %get3A_1125 = arith.index_cast %get3A_1124 : i32 to index
        %get3A_1126 = arith.constant 48 : index
        %get3A_1127 = tpu.vector_load %arg11[%get3A_1125, %get3A_1126] {strides = array<i32>} : memref<80x64xf32, #tpu.memory_space<vmem>>, vector<16xf32>,
        %mul3A_1128 = vector.broadcast %squeeze3A_1093 : f32 to vector<16xf32>
        %mul3A_1129 = arith.mulf %get3A_1127, %mul3A_1128 : vector<16xf32>
        %swap3A_1130 = arith.constant 22 : i32
        %swap3A_1131 = arith.index_cast %swap3A_1130 : i32 to index
        %swap3A_1132 = arith.constant 48 : index
        %swap3A_1133 = tpu.vector_load %arg11[%swap3A_1131, %swap3A_1132] {strides = array<i32>} : memref<80x64xf32, #tpu.memory_space<vmem>>, vector<16xf32>,
        tpu.vector_store %arg11[%swap3A_1131, %swap3A_1132], %mul3A_1129 {strides = array<i32>} : memref<80x64xf32, #tpu.memory_space<vmem>>, vector<16xf32>,
        %slice3A_1134 = vector.extract_strided_slice %get3A_839 {offsets = [7], sizes = [1], strides = [1]} : vector<16xf32> to vector<1xf32>
        %squeeze3A_1135 = vector.extract %slice3A_1134[0] : f32 from vector<1xf32>
        %get3A_1136 = arith.constant 23 : i32
        %get3A_1137 = arith.index_cast %get3A_1136 : i32 to index
        %get3A_1138 = arith.constant 0 : index
        %get3A_1139 = tpu.vector_load %arg11[%get3A_1137, %get3A_1138] {strides = array<i32>} : memref<80x64xf32, #tpu.memory_space<vmem>>, vector<16xf32>,
        %mul3A_1140 = vector.broadcast %squeeze3A_1135 : f32 to vector<16xf32>
        %mul3A_1141 = arith.mulf %get3A_1139, %mul3A_1140 : vector<16xf32>
        %swap3A_1142 = arith.constant 23 : i32
        %swap3A_1143 = arith.index_cast %swap3A_1142 : i32 to index
        %swap3A_1144 = arith.constant 0 : index
        %swap3A_1145 = tpu.vector_load %arg11[%swap3A_1143, %swap3A_1144] {strides = array<i32>} : memref<80x64xf32, #tpu.memory_space<vmem>>, vector<16xf32>,
        tpu.vector_store %arg11[%swap3A_1143, %swap3A_1144], %mul3A_1141 {strides = array<i32>} : memref<80x64xf32, #tpu.memory_space<vmem>>, vector<16xf32>,
        %get3A_1146 = arith.constant 23 : i32
        %get3A_1147 = arith.index_cast %get3A_1146 : i32 to index
        %get3A_1148 = arith.constant 16 : index
        %get3A_1149 = tpu.vector_load %arg11[%get3A_1147, %get3A_1148] {strides = array<i32>} : memref<80x64xf32, #tpu.memory_space<vmem>>, vector<16xf32>,
        %mul3A_1150 = vector.broadcast %squeeze3A_1135 : f32 to vector<16xf32>
        %mul3A_1151 = arith.mulf %get3A_1149, %mul3A_1150 : vector<16xf32>
        %swap3A_1152 = arith.constant 23 : i32
        %swap3A_1153 = arith.index_cast %swap3A_1152 : i32 to index
        %swap3A_1154 = arith.constant 16 : index
        %swap3A_1155 = tpu.vector_load %arg11[%swap3A_1153, %swap3A_1154] {strides = array<i32>} : memref<80x64xf32, #tpu.memory_space<vmem>>, vector<16xf32>,
        tpu.vector_store %arg11[%swap3A_1153, %swap3A_1154], %mul3A_1151 {strides = array<i32>} : memref<80x64xf32, #tpu.memory_space<vmem>>, vector<16xf32>,
        %get3A_1156 = arith.constant 23 : i32
        %get3A_1157 = arith.index_cast %get3A_1156 : i32 to index
        %get3A_1158 = arith.constant 32 : index
        %get3A_1159 = tpu.vector_load %arg11[%get3A_1157, %get3A_1158] {strides = array<i32>} : memref<80x64xf32, #tpu.memory_space<vmem>>, vector<16xf32>,
        %mul3A_1160 = vector.broadcast %squeeze3A_1135 : f32 to vector<16xf32>
        %mul3A_1161 = arith.mulf %get3A_1159, %mul3A_1160 : vector<16xf32>
        %swap3A_1162 = arith.constant 23 : i32
        %swap3A_1163 = arith.index_cast %swap3A_1162 : i32 to index
        %swap3A_1164 = arith.constant 32 : index
        %swap3A_1165 = tpu.vector_load %arg11[%swap3A_1163, %swap3A_1164] {strides = array<i32>} : memref<80x64xf32, #tpu.memory_space<vmem>>, vector<16xf32>,
        tpu.vector_store %arg11[%swap3A_1163, %swap3A_1164], %mul3A_1161 {strides = array<i32>} : memref<80x64xf32, #tpu.memory_space<vmem>>, vector<16xf32>,
        %get3A_1166 = arith.constant 23 : i32
        %get3A_1167 = arith.index_cast %get3A_1166 : i32 to index
        %get3A_1168 = arith.constant 48 : index
        %get3A_1169 = tpu.vector_load %arg11[%get3A_1167, %get3A_1168] {strides = array<i32>} : memref<80x64xf32, #tpu.memory_space<vmem>>, vector<16xf32>,
        %mul3A_1170 = vector.broadcast %squeeze3A_1135 : f32 to vector<16xf32>
        %mul3A_1171 = arith.mulf %get3A_1169, %mul3A_1170 : vector<16xf32>
        %swap3A_1172 = arith.constant 23 : i32
        %swap3A_1173 = arith.index_cast %swap3A_1172 : i32 to index
        %swap3A_1174 = arith.constant 48 : index
        %swap3A_1175 = tpu.vector_load %arg11[%swap3A_1173, %swap3A_1174] {strides = array<i32>} : memref<80x64xf32, #tpu.memory_space<vmem>>, vector<16xf32>,
        tpu.vector_store %arg11[%swap3A_1173, %swap3A_1174], %mul3A_1171 {strides = array<i32>} : memref<80x64xf32, #tpu.memory_space<vmem>>, vector<16xf32>,
        %slice3A_1176 = vector.extract_strided_slice %get3A_839 {offsets = [8], sizes = [1], strides = [1]} : vector<16xf32> to vector<1xf32>
        %squeeze3A_1177 = vector.extract %slice3A_1176[0] : f32 from vector<1xf32>
        %get3A_1178 = arith.constant 24 : i32
        %get3A_1179 = arith.index_cast %get3A_1178 : i32 to index
        %get3A_1180 = arith.constant 0 : index
        %get3A_1181 = tpu.vector_load %arg11[%get3A_1179, %get3A_1180] {strides = array<i32>} : memref<80x64xf32, #tpu.memory_space<vmem>>, vector<16xf32>,
        %mul3A_1182 = vector.broadcast %squeeze3A_1177 : f32 to vector<16xf32>
        %mul3A_1183 = arith.mulf %get3A_1181, %mul3A_1182 : vector<16xf32>
        %swap3A_1184 = arith.constant 24 : i32
        %swap3A_1185 = arith.index_cast %swap3A_1184 : i32 to index
        %swap3A_1186 = arith.constant 0 : index
        %swap3A_1187 = tpu.vector_load %arg11[%swap3A_1185, %swap3A_1186] {strides = array<i32>} : memref<80x64xf32, #tpu.memory_space<vmem>>, vector<16xf32>,
        tpu.vector_store %arg11[%swap3A_1185, %swap3A_1186], %mul3A_1183 {strides = array<i32>} : memref<80x64xf32, #tpu.memory_space<vmem>>, vector<16xf32>,
        %get3A_1188 = arith.constant 24 : i32
        %get3A_1189 = arith.index_cast %get3A_1188 : i32 to index
        %get3A_1190 = arith.constant 16 : index
        %get3A_1191 = tpu.vector_load %arg11[%get3A_1189, %get3A_1190] {strides = array<i32>} : memref<80x64xf32, #tpu.memory_space<vmem>>, vector<16xf32>,
        %mul3A_1192 = vector.broadcast %squeeze3A_1177 : f32 to vector<16xf32>
        %mul3A_1193 = arith.mulf %get3A_1191, %mul3A_1192 : vector<16xf32>
        %swap3A_1194 = arith.constant 24 : i32
        %swap3A_1195 = arith.index_cast %swap3A_1194 : i32 to index
        %swap3A_1196 = arith.constant 16 : index
        %swap3A_1197 = tpu.vector_load %arg11[%swap3A_1195, %swap3A_1196] {strides = array<i32>} : memref<80x64xf32, #tpu.memory_space<vmem>>, vector<16xf32>,
        tpu.vector_store %arg11[%swap3A_1195, %swap3A_1196], %mul3A_1193 {strides = array<i32>} : memref<80x64xf32, #tpu.memory_space<vmem>>, vector<16xf32>,
        %get3A_1198 = arith.constant 24 : i32
        %get3A_1199 = arith.index_cast %get3A_1198 : i32 to index
        %get3A_1200 = arith.constant 32 : index
        %get3A_1201 = tpu.vector_load %arg11[%get3A_1199, %get3A_1200] {strides = array<i32>} : memref<80x64xf32, #tpu.memory_space<vmem>>, vector<16xf32>,
        %mul3A_1202 = vector.broadcast %squeeze3A_1177 : f32 to vector<16xf32>
        %mul3A_1203 = arith.mulf %get3A_1201, %mul3A_1202 : vector<16xf32>
        %swap3A_1204 = arith.constant 24 : i32
        %swap3A_1205 = arith.index_cast %swap3A_1204 : i32 to index
        %swap3A_1206 = arith.constant 32 : index
        %swap3A_1207 = tpu.vector_load %arg11[%swap3A_1205, %swap3A_1206] {strides = array<i32>} : memref<80x64xf32, #tpu.memory_space<vmem>>, vector<16xf32>,
        tpu.vector_store %arg11[%swap3A_1205, %swap3A_1206], %mul3A_1203 {strides = array<i32>} : memref<80x64xf32, #tpu.memory_space<vmem>>, vector<16xf32>,
        %get3A_1208 = arith.constant 24 : i32
        %get3A_1209 = arith.index_cast %get3A_1208 : i32 to index
        %get3A_1210 = arith.constant 48 : index
        %get3A_1211 = tpu.vector_load %arg11[%get3A_1209, %get3A_1210] {strides = array<i32>} : memref<80x64xf32, #tpu.memory_space<vmem>>, vector<16xf32>,
        %mul3A_1212 = vector.broadcast %squeeze3A_1177 : f32 to vector<16xf32>
        %mul3A_1213 = arith.mulf %get3A_1211, %mul3A_1212 : vector<16xf32>
        %swap3A_1214 = arith.constant 24 : i32
        %swap3A_1215 = arith.index_cast %swap3A_1214 : i32 to index
        %swap3A_1216 = arith.constant 48 : index
        %swap3A_1217 = tpu.vector_load %arg11[%swap3A_1215, %swap3A_1216] {strides = array<i32>} : memref<80x64xf32, #tpu.memory_space<vmem>>, vector<16xf32>,
        tpu.vector_store %arg11[%swap3A_1215, %swap3A_1216], %mul3A_1213 {strides = array<i32>} : memref<80x64xf32, #tpu.memory_space<vmem>>, vector<16xf32>,
        %slice3A_1218 = vector.extract_strided_slice %get3A_839 {offsets = [9], sizes = [1], strides = [1]} : vector<16xf32> to vector<1xf32>
        %squeeze3A_1219 = vector.extract %slice3A_1218[0] : f32 from vector<1xf32>
        %get3A_1220 = arith.constant 25 : i32
        %get3A_1221 = arith.index_cast %get3A_1220 : i32 to index
        %get3A_1222 = arith.constant 0 : index
        %get3A_1223 = tpu.vector_load %arg11[%get3A_1221, %get3A_1222] {strides = array<i32>} : memref<80x64xf32, #tpu.memory_space<vmem>>, vector<16xf32>,
        %mul3A_1224 = vector.broadcast %squeeze3A_1219 : f32 to vector<16xf32>
        %mul3A_1225 = arith.mulf %get3A_1223, %mul3A_1224 : vector<16xf32>
        %swap3A_1226 = arith.constant 25 : i32
        %swap3A_1227 = arith.index_cast %swap3A_1226 : i32 to index
        %swap3A_1228 = arith.constant 0 : index
        %swap3A_1229 = tpu.vector_load %arg11[%swap3A_1227, %swap3A_1228] {strides = array<i32>} : memref<80x64xf32, #tpu.memory_space<vmem>>, vector<16xf32>,
        tpu.vector_store %arg11[%swap3A_1227, %swap3A_1228], %mul3A_1225 {strides = array<i32>} : memref<80x64xf32, #tpu.memory_space<vmem>>, vector<16xf32>,
        %get3A_1230 = arith.constant 25 : i32
        %get3A_1231 = arith.index_cast %get3A_1230 : i32 to index
        %get3A_1232 = arith.constant 16 : index
        %get3A_1233 = tpu.vector_load %arg11[%get3A_1231, %get3A_1232] {strides = array<i32>} : memref<80x64xf32, #tpu.memory_space<vmem>>, vector<16xf32>,
        %mul3A_1234 = vector.broadcast %squeeze3A_1219 : f32 to vector<16xf32>
        %mul3A_1235 = arith.mulf %get3A_1233, %mul3A_1234 : vector<16xf32>
        %swap3A_1236 = arith.constant 25 : i32
        %swap3A_1237 = arith.index_cast %swap3A_1236 : i32 to index
        %swap3A_1238 = arith.constant 16 : index
        %swap3A_1239 = tpu.vector_load %arg11[%swap3A_1237, %swap3A_1238] {strides = array<i32>} : memref<80x64xf32, #tpu.memory_space<vmem>>, vector<16xf32>,
        tpu.vector_store %arg11[%swap3A_1237, %swap3A_1238], %mul3A_1235 {strides = array<i32>} : memref<80x64xf32, #tpu.memory_space<vmem>>, vector<16xf32>,
        %get3A_1240 = arith.constant 25 : i32
        %get3A_1241 = arith.index_cast %get3A_1240 : i32 to index
        %get3A_1242 = arith.constant 32 : index
        %get3A_1243 = tpu.vector_load %arg11[%get3A_1241, %get3A_1242] {strides = array<i32>} : memref<80x64xf32, #tpu.memory_space<vmem>>, vector<16xf32>,
        %mul3A_1244 = vector.broadcast %squeeze3A_1219 : f32 to vector<16xf32>
        %mul3A_1245 = arith.mulf %get3A_1243, %mul3A_1244 : vector<16xf32>
        %swap3A_1246 = arith.constant 25 : i32
        %swap3A_1247 = arith.index_cast %swap3A_1246 : i32 to index
        %swap3A_1248 = arith.constant 32 : index
        %swap3A_1249 = tpu.vector_load %arg11[%swap3A_1247, %swap3A_1248] {strides = array<i32>} : memref<80x64xf32, #tpu.memory_space<vmem>>, vector<16xf32>,
        tpu.vector_store %arg11[%swap3A_1247, %swap3A_1248], %mul3A_1245 {strides = array<i32>} : memref<80x64xf32, #tpu.memory_space<vmem>>, vector<16xf32>,
        %get3A_1250 = arith.constant 25 : i32
        %get3A_1251 = arith.index_cast %get3A_1250 : i32 to index
        %get3A_1252 = arith.constant 48 : index
        %get3A_1253 = tpu.vector_load %arg11[%get3A_1251, %get3A_1252] {strides = array<i32>} : memref<80x64xf32, #tpu.memory_space<vmem>>, vector<16xf32>,
        %mul3A_1254 = vector.broadcast %squeeze3A_1219 : f32 to vector<16xf32>
        %mul3A_1255 = arith.mulf %get3A_1253, %mul3A_1254 : vector<16xf32>
        %swap3A_1256 = arith.constant 25 : i32
        %swap3A_1257 = arith.index_cast %swap3A_1256 : i32 to index
        %swap3A_1258 = arith.constant 48 : index
        %swap3A_1259 = tpu.vector_load %arg11[%swap3A_1257, %swap3A_1258] {strides = array<i32>} : memref<80x64xf32, #tpu.memory_space<vmem>>, vector<16xf32>,
        tpu.vector_store %arg11[%swap3A_1257, %swap3A_1258], %mul3A_1255 {strides = array<i32>} : memref<80x64xf32, #tpu.memory_space<vmem>>, vector<16xf32>,
        %slice3A_1260 = vector.extract_strided_slice %get3A_839 {offsets = [10], sizes = [1], strides = [1]} : vector<16xf32> to vector<1xf32>
        %squeeze3A_1261 = vector.extract %slice3A_1260[0] : f32 from vector<1xf32>
        %get3A_1262 = arith.constant 26 : i32
        %get3A_1263 = arith.index_cast %get3A_1262 : i32 to index
        %get3A_1264 = arith.constant 0 : index
        %get3A_1265 = tpu.vector_load %arg11[%get3A_1263, %get3A_1264] {strides = array<i32>} : memref<80x64xf32, #tpu.memory_space<vmem>>, vector<16xf32>,
        %mul3A_1266 = vector.broadcast %squeeze3A_1261 : f32 to vector<16xf32>
        %mul3A_1267 = arith.mulf %get3A_1265, %mul3A_1266 : vector<16xf32>
        %swap3A_1268 = arith.constant 26 : i32
        %swap3A_1269 = arith.index_cast %swap3A_1268 : i32 to index
        %swap3A_1270 = arith.constant 0 : index
        %swap3A_1271 = tpu.vector_load %arg11[%swap3A_1269, %swap3A_1270] {strides = array<i32>} : memref<80x64xf32, #tpu.memory_space<vmem>>, vector<16xf32>,
        tpu.vector_store %arg11[%swap3A_1269, %swap3A_1270], %mul3A_1267 {strides = array<i32>} : memref<80x64xf32, #tpu.memory_space<vmem>>, vector<16xf32>,
        %get3A_1272 = arith.constant 26 : i32
        %get3A_1273 = arith.index_cast %get3A_1272 : i32 to index
        %get3A_1274 = arith.constant 16 : index
        %get3A_1275 = tpu.vector_load %arg11[%get3A_1273, %get3A_1274] {strides = array<i32>} : memref<80x64xf32, #tpu.memory_space<vmem>>, vector<16xf32>,
        %mul3A_1276 = vector.broadcast %squeeze3A_1261 : f32 to vector<16xf32>
        %mul3A_1277 = arith.mulf %get3A_1275, %mul3A_1276 : vector<16xf32>
        %swap3A_1278 = arith.constant 26 : i32
        %swap3A_1279 = arith.index_cast %swap3A_1278 : i32 to index
        %swap3A_1280 = arith.constant 16 : index
        %swap3A_1281 = tpu.vector_load %arg11[%swap3A_1279, %swap3A_1280] {strides = array<i32>} : memref<80x64xf32, #tpu.memory_space<vmem>>, vector<16xf32>,
        tpu.vector_store %arg11[%swap3A_1279, %swap3A_1280], %mul3A_1277 {strides = array<i32>} : memref<80x64xf32, #tpu.memory_space<vmem>>, vector<16xf32>,
        %get3A_1282 = arith.constant 26 : i32
        %get3A_1283 = arith.index_cast %get3A_1282 : i32 to index
        %get3A_1284 = arith.constant 32 : index
        %get3A_1285 = tpu.vector_load %arg11[%get3A_1283, %get3A_1284] {strides = array<i32>} : memref<80x64xf32, #tpu.memory_space<vmem>>, vector<16xf32>,
        %mul3A_1286 = vector.broadcast %squeeze3A_1261 : f32 to vector<16xf32>
        %mul3A_1287 = arith.mulf %get3A_1285, %mul3A_1286 : vector<16xf32>
        %swap3A_1288 = arith.constant 26 : i32
        %swap3A_1289 = arith.index_cast %swap3A_1288 : i32 to index
        %swap3A_1290 = arith.constant 32 : index
        %swap3A_1291 = tpu.vector_load %arg11[%swap3A_1289, %swap3A_1290] {strides = array<i32>} : memref<80x64xf32, #tpu.memory_space<vmem>>, vector<16xf32>,
        tpu.vector_store %arg11[%swap3A_1289, %swap3A_1290], %mul3A_1287 {strides = array<i32>} : memref<80x64xf32, #tpu.memory_space<vmem>>, vector<16xf32>,
        %get3A_1292 = arith.constant 26 : i32
        %get3A_1293 = arith.index_cast %get3A_1292 : i32 to index
        %get3A_1294 = arith.constant 48 : index
        %get3A_1295 = tpu.vector_load %arg11[%get3A_1293, %get3A_1294] {strides = array<i32>} : memref<80x64xf32, #tpu.memory_space<vmem>>, vector<16xf32>,
        %mul3A_1296 = vector.broadcast %squeeze3A_1261 : f32 to vector<16xf32>
        %mul3A_1297 = arith.mulf %get3A_1295, %mul3A_1296 : vector<16xf32>
        %swap3A_1298 = arith.constant 26 : i32
        %swap3A_1299 = arith.index_cast %swap3A_1298 : i32 to index
        %swap3A_1300 = arith.constant 48 : index
        %swap3A_1301 = tpu.vector_load %arg11[%swap3A_1299, %swap3A_1300] {strides = array<i32>} : memref<80x64xf32, #tpu.memory_space<vmem>>, vector<16xf32>,
        tpu.vector_store %arg11[%swap3A_1299, %swap3A_1300], %mul3A_1297 {strides = array<i32>} : memref<80x64xf32, #tpu.memory_space<vmem>>, vector<16xf32>,
        %slice3A_1302 = vector.extract_strided_slice %get3A_839 {offsets = [11], sizes = [1], strides = [1]} : vector<16xf32> to vector<1xf32>
        %squeeze3A_1303 = vector.extract %slice3A_1302[0] : f32 from vector<1xf32>
        %get3A_1304 = arith.constant 27 : i32
        %get3A_1305 = arith.index_cast %get3A_1304 : i32 to index
        %get3A_1306 = arith.constant 0 : index
        %get3A_1307 = tpu.vector_load %arg11[%get3A_1305, %get3A_1306] {strides = array<i32>} : memref<80x64xf32, #tpu.memory_space<vmem>>, vector<16xf32>,
        %mul3A_1308 = vector.broadcast %squeeze3A_1303 : f32 to vector<16xf32>
        %mul3A_1309 = arith.mulf %get3A_1307, %mul3A_1308 : vector<16xf32>
        %swap3A_1310 = arith.constant 27 : i32
        %swap3A_1311 = arith.index_cast %swap3A_1310 : i32 to index
        %swap3A_1312 = arith.constant 0 : index
        %swap3A_1313 = tpu.vector_load %arg11[%swap3A_1311, %swap3A_1312] {strides = array<i32>} : memref<80x64xf32, #tpu.memory_space<vmem>>, vector<16xf32>,
        tpu.vector_store %arg11[%swap3A_1311, %swap3A_1312], %mul3A_1309 {strides = array<i32>} : memref<80x64xf32, #tpu.memory_space<vmem>>, vector<16xf32>,
        %get3A_1314 = arith.constant 27 : i32
        %get3A_1315 = arith.index_cast %get3A_1314 : i32 to index
        %get3A_1316 = arith.constant 16 : index
        %get3A_1317 = tpu.vector_load %arg11[%get3A_1315, %get3A_1316] {strides = array<i32>} : memref<80x64xf32, #tpu.memory_space<vmem>>, vector<16xf32>,
        %mul3A_1318 = vector.broadcast %squeeze3A_1303 : f32 to vector<16xf32>
        %mul3A_1319 = arith.mulf %get3A_1317, %mul3A_1318 : vector<16xf32>
        %swap3A_1320 = arith.constant 27 : i32
        %swap3A_1321 = arith.index_cast %swap3A_1320 : i32 to index
        %swap3A_1322 = arith.constant 16 : index
        %swap3A_1323 = tpu.vector_load %arg11[%swap3A_1321, %swap3A_1322] {strides = array<i32>} : memref<80x64xf32, #tpu.memory_space<vmem>>, vector<16xf32>,
        tpu.vector_store %arg11[%swap3A_1321, %swap3A_1322], %mul3A_1319 {strides = array<i32>} : memref<80x64xf32, #tpu.memory_space<vmem>>, vector<16xf32>,
        %get3A_1324 = arith.constant 27 : i32
        %get3A_1325 = arith.index_cast %get3A_1324 : i32 to index
        %get3A_1326 = arith.constant 32 : index
        %get3A_1327 = tpu.vector_load %arg11[%get3A_1325, %get3A_1326] {strides = array<i32>} : memref<80x64xf32, #tpu.memory_space<vmem>>, vector<16xf32>,
        %mul3A_1328 = vector.broadcast %squeeze3A_1303 : f32 to vector<16xf32>
        %mul3A_1329 = arith.mulf %get3A_1327, %mul3A_1328 : vector<16xf32>
        %swap3A_1330 = arith.constant 27 : i32
        %swap3A_1331 = arith.index_cast %swap3A_1330 : i32 to index
        %swap3A_1332 = arith.constant 32 : index
        %swap3A_1333 = tpu.vector_load %arg11[%swap3A_1331, %swap3A_1332] {strides = array<i32>} : memref<80x64xf32, #tpu.memory_space<vmem>>, vector<16xf32>,
        tpu.vector_store %arg11[%swap3A_1331, %swap3A_1332], %mul3A_1329 {strides = array<i32>} : memref<80x64xf32, #tpu.memory_space<vmem>>, vector<16xf32>,
        %get3A_1334 = arith.constant 27 : i32
        %get3A_1335 = arith.index_cast %get3A_1334 : i32 to index
        %get3A_1336 = arith.constant 48 : index
        %get3A_1337 = tpu.vector_load %arg11[%get3A_1335, %get3A_1336] {strides = array<i32>} : memref<80x64xf32, #tpu.memory_space<vmem>>, vector<16xf32>,
        %mul3A_1338 = vector.broadcast %squeeze3A_1303 : f32 to vector<16xf32>
        %mul3A_1339 = arith.mulf %get3A_1337, %mul3A_1338 : vector<16xf32>
        %swap3A_1340 = arith.constant 27 : i32
        %swap3A_1341 = arith.index_cast %swap3A_1340 : i32 to index
        %swap3A_1342 = arith.constant 48 : index
        %swap3A_1343 = tpu.vector_load %arg11[%swap3A_1341, %swap3A_1342] {strides = array<i32>} : memref<80x64xf32, #tpu.memory_space<vmem>>, vector<16xf32>,
        tpu.vector_store %arg11[%swap3A_1341, %swap3A_1342], %mul3A_1339 {strides = array<i32>} : memref<80x64xf32, #tpu.memory_space<vmem>>, vector<16xf32>,
        %slice3A_1344 = vector.extract_strided_slice %get3A_839 {offsets = [12], sizes = [1], strides = [1]} : vector<16xf32> to vector<1xf32>
        %squeeze3A_1345 = vector.extract %slice3A_1344[0] : f32 from vector<1xf32>
        %get3A_1346 = arith.constant 28 : i32
        %get3A_1347 = arith.index_cast %get3A_1346 : i32 to index
        %get3A_1348 = arith.constant 0 : index
        %get3A_1349 = tpu.vector_load %arg11[%get3A_1347, %get3A_1348] {strides = array<i32>} : memref<80x64xf32, #tpu.memory_space<vmem>>, vector<16xf32>,
        %mul3A_1350 = vector.broadcast %squeeze3A_1345 : f32 to vector<16xf32>
        %mul3A_1351 = arith.mulf %get3A_1349, %mul3A_1350 : vector<16xf32>
        %swap3A_1352 = arith.constant 28 : i32
        %swap3A_1353 = arith.index_cast %swap3A_1352 : i32 to index
        %swap3A_1354 = arith.constant 0 : index
        %swap3A_1355 = tpu.vector_load %arg11[%swap3A_1353, %swap3A_1354] {strides = array<i32>} : memref<80x64xf32, #tpu.memory_space<vmem>>, vector<16xf32>,
        tpu.vector_store %arg11[%swap3A_1353, %swap3A_1354], %mul3A_1351 {strides = array<i32>} : memref<80x64xf32, #tpu.memory_space<vmem>>, vector<16xf32>,
        %get3A_1356 = arith.constant 28 : i32
        %get3A_1357 = arith.index_cast %get3A_1356 : i32 to index
        %get3A_1358 = arith.constant 16 : index
        %get3A_1359 = tpu.vector_load %arg11[%get3A_1357, %get3A_1358] {strides = array<i32>} : memref<80x64xf32, #tpu.memory_space<vmem>>, vector<16xf32>,
        %mul3A_1360 = vector.broadcast %squeeze3A_1345 : f32 to vector<16xf32>
        %mul3A_1361 = arith.mulf %get3A_1359, %mul3A_1360 : vector<16xf32>
        %swap3A_1362 = arith.constant 28 : i32
        %swap3A_1363 = arith.index_cast %swap3A_1362 : i32 to index
        %swap3A_1364 = arith.constant 16 : index
        %swap3A_1365 = tpu.vector_load %arg11[%swap3A_1363, %swap3A_1364] {strides = array<i32>} : memref<80x64xf32, #tpu.memory_space<vmem>>, vector<16xf32>,
        tpu.vector_store %arg11[%swap3A_1363, %swap3A_1364], %mul3A_1361 {strides = array<i32>} : memref<80x64xf32, #tpu.memory_space<vmem>>, vector<16xf32>,
        %get3A_1366 = arith.constant 28 : i32
        %get3A_1367 = arith.index_cast %get3A_1366 : i32 to index
        %get3A_1368 = arith.constant 32 : index
        %get3A_1369 = tpu.vector_load %arg11[%get3A_1367, %get3A_1368] {strides = array<i32>} : memref<80x64xf32, #tpu.memory_space<vmem>>, vector<16xf32>,
        %mul3A_1370 = vector.broadcast %squeeze3A_1345 : f32 to vector<16xf32>
        %mul3A_1371 = arith.mulf %get3A_1369, %mul3A_1370 : vector<16xf32>
        %swap3A_1372 = arith.constant 28 : i32
        %swap3A_1373 = arith.index_cast %swap3A_1372 : i32 to index
        %swap3A_1374 = arith.constant 32 : index
        %swap3A_1375 = tpu.vector_load %arg11[%swap3A_1373, %swap3A_1374] {strides = array<i32>} : memref<80x64xf32, #tpu.memory_space<vmem>>, vector<16xf32>,
        tpu.vector_store %arg11[%swap3A_1373, %swap3A_1374], %mul3A_1371 {strides = array<i32>} : memref<80x64xf32, #tpu.memory_space<vmem>>, vector<16xf32>,
        %get3A_1376 = arith.constant 28 : i32
        %get3A_1377 = arith.index_cast %get3A_1376 : i32 to index
        %get3A_1378 = arith.constant 48 : index
        %get3A_1379 = tpu.vector_load %arg11[%get3A_1377, %get3A_1378] {strides = array<i32>} : memref<80x64xf32, #tpu.memory_space<vmem>>, vector<16xf32>,
        %mul3A_1380 = vector.broadcast %squeeze3A_1345 : f32 to vector<16xf32>
        %mul3A_1381 = arith.mulf %get3A_1379, %mul3A_1380 : vector<16xf32>
        %swap3A_1382 = arith.constant 28 : i32
        %swap3A_1383 = arith.index_cast %swap3A_1382 : i32 to index
        %swap3A_1384 = arith.constant 48 : index
        %swap3A_1385 = tpu.vector_load %arg11[%swap3A_1383, %swap3A_1384] {strides = array<i32>} : memref<80x64xf32, #tpu.memory_space<vmem>>, vector<16xf32>,
        tpu.vector_store %arg11[%swap3A_1383, %swap3A_1384], %mul3A_1381 {strides = array<i32>} : memref<80x64xf32, #tpu.memory_space<vmem>>, vector<16xf32>,
        %slice3A_1386 = vector.extract_strided_slice %get3A_839 {offsets = [13], sizes = [1], strides = [1]} : vector<16xf32> to vector<1xf32>
        %squeeze3A_1387 = vector.extract %slice3A_1386[0] : f32 from vector<1xf32>
        %get3A_1388 = arith.constant 29 : i32
        %get3A_1389 = arith.index_cast %get3A_1388 : i32 to index
        %get3A_1390 = arith.constant 0 : index
        %get3A_1391 = tpu.vector_load %arg11[%get3A_1389, %get3A_1390] {strides = array<i32>} : memref<80x64xf32, #tpu.memory_space<vmem>>, vector<16xf32>,
        %mul3A_1392 = vector.broadcast %squeeze3A_1387 : f32 to vector<16xf32>
        %mul3A_1393 = arith.mulf %get3A_1391, %mul3A_1392 : vector<16xf32>
        %swap3A_1394 = arith.constant 29 : i32
        %swap3A_1395 = arith.index_cast %swap3A_1394 : i32 to index
        %swap3A_1396 = arith.constant 0 : index
        %swap3A_1397 = tpu.vector_load %arg11[%swap3A_1395, %swap3A_1396] {strides = array<i32>} : memref<80x64xf32, #tpu.memory_space<vmem>>, vector<16xf32>,
        tpu.vector_store %arg11[%swap3A_1395, %swap3A_1396], %mul3A_1393 {strides = array<i32>} : memref<80x64xf32, #tpu.memory_space<vmem>>, vector<16xf32>,
        %get3A_1398 = arith.constant 29 : i32
        %get3A_1399 = arith.index_cast %get3A_1398 : i32 to index
        %get3A_1400 = arith.constant 16 : index
        %get3A_1401 = tpu.vector_load %arg11[%get3A_1399, %get3A_1400] {strides = array<i32>} : memref<80x64xf32, #tpu.memory_space<vmem>>, vector<16xf32>,
        %mul3A_1402 = vector.broadcast %squeeze3A_1387 : f32 to vector<16xf32>
        %mul3A_1403 = arith.mulf %get3A_1401, %mul3A_1402 : vector<16xf32>
        %swap3A_1404 = arith.constant 29 : i32
        %swap3A_1405 = arith.index_cast %swap3A_1404 : i32 to index
        %swap3A_1406 = arith.constant 16 : index
        %swap3A_1407 = tpu.vector_load %arg11[%swap3A_1405, %swap3A_1406] {strides = array<i32>} : memref<80x64xf32, #tpu.memory_space<vmem>>, vector<16xf32>,
        tpu.vector_store %arg11[%swap3A_1405, %swap3A_1406], %mul3A_1403 {strides = array<i32>} : memref<80x64xf32, #tpu.memory_space<vmem>>, vector<16xf32>,
        %get3A_1408 = arith.constant 29 : i32
        %get3A_1409 = arith.index_cast %get3A_1408 : i32 to index
        %get3A_1410 = arith.constant 32 : index
        %get3A_1411 = tpu.vector_load %arg11[%get3A_1409, %get3A_1410] {strides = array<i32>} : memref<80x64xf32, #tpu.memory_space<vmem>>, vector<16xf32>,
        %mul3A_1412 = vector.broadcast %squeeze3A_1387 : f32 to vector<16xf32>
        %mul3A_1413 = arith.mulf %get3A_1411, %mul3A_1412 : vector<16xf32>
        %swap3A_1414 = arith.constant 29 : i32
        %swap3A_1415 = arith.index_cast %swap3A_1414 : i32 to index
        %swap3A_1416 = arith.constant 32 : index
        %swap3A_1417 = tpu.vector_load %arg11[%swap3A_1415, %swap3A_1416] {strides = array<i32>} : memref<80x64xf32, #tpu.memory_space<vmem>>, vector<16xf32>,
        tpu.vector_store %arg11[%swap3A_1415, %swap3A_1416], %mul3A_1413 {strides = array<i32>} : memref<80x64xf32, #tpu.memory_space<vmem>>, vector<16xf32>,
        %get3A_1418 = arith.constant 29 : i32
        %get3A_1419 = arith.index_cast %get3A_1418 : i32 to index
        %get3A_1420 = arith.constant 48 : index
        %get3A_1421 = tpu.vector_load %arg11[%get3A_1419, %get3A_1420] {strides = array<i32>} : memref<80x64xf32, #tpu.memory_space<vmem>>, vector<16xf32>,
        %mul3A_1422 = vector.broadcast %squeeze3A_1387 : f32 to vector<16xf32>
        %mul3A_1423 = arith.mulf %get3A_1421, %mul3A_1422 : vector<16xf32>
        %swap3A_1424 = arith.constant 29 : i32
        %swap3A_1425 = arith.index_cast %swap3A_1424 : i32 to index
        %swap3A_1426 = arith.constant 48 : index
        %swap3A_1427 = tpu.vector_load %arg11[%swap3A_1425, %swap3A_1426] {strides = array<i32>} : memref<80x64xf32, #tpu.memory_space<vmem>>, vector<16xf32>,
        tpu.vector_store %arg11[%swap3A_1425, %swap3A_1426], %mul3A_1423 {strides = array<i32>} : memref<80x64xf32, #tpu.memory_space<vmem>>, vector<16xf32>,
        %slice3A_1428 = vector.extract_strided_slice %get3A_839 {offsets = [14], sizes = [1], strides = [1]} : vector<16xf32> to vector<1xf32>
        %squeeze3A_1429 = vector.extract %slice3A_1428[0] : f32 from vector<1xf32>
        %get3A_1430 = arith.constant 30 : i32
        %get3A_1431 = arith.index_cast %get3A_1430 : i32 to index
        %get3A_1432 = arith.constant 0 : index
        %get3A_1433 = tpu.vector_load %arg11[%get3A_1431, %get3A_1432] {strides = array<i32>} : memref<80x64xf32, #tpu.memory_space<vmem>>, vector<16xf32>,
        %mul3A_1434 = vector.broadcast %squeeze3A_1429 : f32 to vector<16xf32>
        %mul3A_1435 = arith.mulf %get3A_1433, %mul3A_1434 : vector<16xf32>
        %swap3A_1436 = arith.constant 30 : i32
        %swap3A_1437 = arith.index_cast %swap3A_1436 : i32 to index
        %swap3A_1438 = arith.constant 0 : index
        %swap3A_1439 = tpu.vector_load %arg11[%swap3A_1437, %swap3A_1438] {strides = array<i32>} : memref<80x64xf32, #tpu.memory_space<vmem>>, vector<16xf32>,
        tpu.vector_store %arg11[%swap3A_1437, %swap3A_1438], %mul3A_1435 {strides = array<i32>} : memref<80x64xf32, #tpu.memory_space<vmem>>, vector<16xf32>,
        %get3A_1440 = arith.constant 30 : i32
        %get3A_1441 = arith.index_cast %get3A_1440 : i32 to index
        %get3A_1442 = arith.constant 16 : index
        %get3A_1443 = tpu.vector_load %arg11[%get3A_1441, %get3A_1442] {strides = array<i32>} : memref<80x64xf32, #tpu.memory_space<vmem>>, vector<16xf32>,
        %mul3A_1444 = vector.broadcast %squeeze3A_1429 : f32 to vector<16xf32>
        %mul3A_1445 = arith.mulf %get3A_1443, %mul3A_1444 : vector<16xf32>
        %swap3A_1446 = arith.constant 30 : i32
        %swap3A_1447 = arith.index_cast %swap3A_1446 : i32 to index
        %swap3A_1448 = arith.constant 16 : index
        %swap3A_1449 = tpu.vector_load %arg11[%swap3A_1447, %swap3A_1448] {strides = array<i32>} : memref<80x64xf32, #tpu.memory_space<vmem>>, vector<16xf32>,
        tpu.vector_store %arg11[%swap3A_1447, %swap3A_1448], %mul3A_1445 {strides = array<i32>} : memref<80x64xf32, #tpu.memory_space<vmem>>, vector<16xf32>,
        %get3A_1450 = arith.constant 30 : i32
        %get3A_1451 = arith.index_cast %get3A_1450 : i32 to index
        %get3A_1452 = arith.constant 32 : index
        %get3A_1453 = tpu.vector_load %arg11[%get3A_1451, %get3A_1452] {strides = array<i32>} : memref<80x64xf32, #tpu.memory_space<vmem>>, vector<16xf32>,
        %mul3A_1454 = vector.broadcast %squeeze3A_1429 : f32 to vector<16xf32>
        %mul3A_1455 = arith.mulf %get3A_1453, %mul3A_1454 : vector<16xf32>
        %swap3A_1456 = arith.constant 30 : i32
        %swap3A_1457 = arith.index_cast %swap3A_1456 : i32 to index
        %swap3A_1458 = arith.constant 32 : index
        %swap3A_1459 = tpu.vector_load %arg11[%swap3A_1457, %swap3A_1458] {strides = array<i32>} : memref<80x64xf32, #tpu.memory_space<vmem>>, vector<16xf32>,
        tpu.vector_store %arg11[%swap3A_1457, %swap3A_1458], %mul3A_1455 {strides = array<i32>} : memref<80x64xf32, #tpu.memory_space<vmem>>, vector<16xf32>,
        %get3A_1460 = arith.constant 30 : i32
        %get3A_1461 = arith.index_cast %get3A_1460 : i32 to index
        %get3A_1462 = arith.constant 48 : index
        %get3A_1463 = tpu.vector_load %arg11[%get3A_1461, %get3A_1462] {strides = array<i32>} : memref<80x64xf32, #tpu.memory_space<vmem>>, vector<16xf32>,
        %mul3A_1464 = vector.broadcast %squeeze3A_1429 : f32 to vector<16xf32>
        %mul3A_1465 = arith.mulf %get3A_1463, %mul3A_1464 : vector<16xf32>
        %swap3A_1466 = arith.constant 30 : i32
        %swap3A_1467 = arith.index_cast %swap3A_1466 : i32 to index
        %swap3A_1468 = arith.constant 48 : index
        %swap3A_1469 = tpu.vector_load %arg11[%swap3A_1467, %swap3A_1468] {strides = array<i32>} : memref<80x64xf32, #tpu.memory_space<vmem>>, vector<16xf32>,
        tpu.vector_store %arg11[%swap3A_1467, %swap3A_1468], %mul3A_1465 {strides = array<i32>} : memref<80x64xf32, #tpu.memory_space<vmem>>, vector<16xf32>,
        %slice3A_1470 = vector.extract_strided_slice %get3A_839 {offsets = [15], sizes = [1], strides = [1]} : vector<16xf32> to vector<1xf32>
        %squeeze3A_1471 = vector.extract %slice3A_1470[0] : f32 from vector<1xf32>
        %get3A_1472 = arith.constant 31 : i32
        %get3A_1473 = arith.index_cast %get3A_1472 : i32 to index
        %get3A_1474 = arith.constant 0 : index
        %get3A_1475 = tpu.vector_load %arg11[%get3A_1473, %get3A_1474] {strides = array<i32>} : memref<80x64xf32, #tpu.memory_space<vmem>>, vector<16xf32>,
        %mul3A_1476 = vector.broadcast %squeeze3A_1471 : f32 to vector<16xf32>
        %mul3A_1477 = arith.mulf %get3A_1475, %mul3A_1476 : vector<16xf32>
        %swap3A_1478 = arith.constant 31 : i32
        %swap3A_1479 = arith.index_cast %swap3A_1478 : i32 to index
        %swap3A_1480 = arith.constant 0 : index
        %swap3A_1481 = tpu.vector_load %arg11[%swap3A_1479, %swap3A_1480] {strides = array<i32>} : memref<80x64xf32, #tpu.memory_space<vmem>>, vector<16xf32>,
        tpu.vector_store %arg11[%swap3A_1479, %swap3A_1480], %mul3A_1477 {strides = array<i32>} : memref<80x64xf32, #tpu.memory_space<vmem>>, vector<16xf32>,
        %get3A_1482 = arith.constant 31 : i32
        %get3A_1483 = arith.index_cast %get3A_1482 : i32 to index
        %get3A_1484 = arith.constant 16 : index
        %get3A_1485 = tpu.vector_load %arg11[%get3A_1483, %get3A_1484] {strides = array<i32>} : memref<80x64xf32, #tpu.memory_space<vmem>>, vector<16xf32>,
        %mul3A_1486 = vector.broadcast %squeeze3A_1471 : f32 to vector<16xf32>
        %mul3A_1487 = arith.mulf %get3A_1485, %mul3A_1486 : vector<16xf32>
        %swap3A_1488 = arith.constant 31 : i32
        %swap3A_1489 = arith.index_cast %swap3A_1488 : i32 to index
        %swap3A_1490 = arith.constant 16 : index
        %swap3A_1491 = tpu.vector_load %arg11[%swap3A_1489, %swap3A_1490] {strides = array<i32>} : memref<80x64xf32, #tpu.memory_space<vmem>>, vector<16xf32>,
        tpu.vector_store %arg11[%swap3A_1489, %swap3A_1490], %mul3A_1487 {strides = array<i32>} : memref<80x64xf32, #tpu.memory_space<vmem>>, vector<16xf32>,
        %get3A_1492 = arith.constant 31 : i32
        %get3A_1493 = arith.index_cast %get3A_1492 : i32 to index
        %get3A_1494 = arith.constant 32 : index
        %get3A_1495 = tpu.vector_load %arg11[%get3A_1493, %get3A_1494] {strides = array<i32>} : memref<80x64xf32, #tpu.memory_space<vmem>>, vector<16xf32>,
        %mul3A_1496 = vector.broadcast %squeeze3A_1471 : f32 to vector<16xf32>
        %mul3A_1497 = arith.mulf %get3A_1495, %mul3A_1496 : vector<16xf32>
        %swap3A_1498 = arith.constant 31 : i32
        %swap3A_1499 = arith.index_cast %swap3A_1498 : i32 to index
        %swap3A_1500 = arith.constant 32 : index
        %swap3A_1501 = tpu.vector_load %arg11[%swap3A_1499, %swap3A_1500] {strides = array<i32>} : memref<80x64xf32, #tpu.memory_space<vmem>>, vector<16xf32>,
        tpu.vector_store %arg11[%swap3A_1499, %swap3A_1500], %mul3A_1497 {strides = array<i32>} : memref<80x64xf32, #tpu.memory_space<vmem>>, vector<16xf32>,
        %get3A_1502 = arith.constant 31 : i32
        %get3A_1503 = arith.index_cast %get3A_1502 : i32 to index
        %get3A_1504 = arith.constant 48 : index
        %get3A_1505 = tpu.vector_load %arg11[%get3A_1503, %get3A_1504] {strides = array<i32>} : memref<80x64xf32, #tpu.memory_space<vmem>>, vector<16xf32>,
        %mul3A_1506 = vector.broadcast %squeeze3A_1471 : f32 to vector<16xf32>
        %mul3A_1507 = arith.mulf %get3A_1505, %mul3A_1506 : vector<16xf32>
        %swap3A_1508 = arith.constant 31 : i32
        %swap3A_1509 = arith.index_cast %swap3A_1508 : i32 to index
        %swap3A_1510 = arith.constant 48 : index
        %swap3A_1511 = tpu.vector_load %arg11[%swap3A_1509, %swap3A_1510] {strides = array<i32>} : memref<80x64xf32, #tpu.memory_space<vmem>>, vector<16xf32>,
        tpu.vector_store %arg11[%swap3A_1509, %swap3A_1510], %mul3A_1507 {strides = array<i32>} : memref<80x64xf32, #tpu.memory_space<vmem>>, vector<16xf32>,
        %mul3A_1512 = arith.constant 80 : i32
        %mul3A_1513 = arith.muli %scan3A_152, %mul3A_1512 : i32
        %add3A_1514 = arith.constant 32 : i32
        %add3A_1515 = arith.addi %mul3A_1513, %add3A_1514 : i32
        %get3A_1516 = arith.index_cast %add3A_1515 : i32 to index
        %get3A_1517 = tpu.vector_load %arg13[%get3A_1516] {strides = array<i32>} : memref<640xf32, #tpu.memory_space<vmem>>, vector<16xf32>,
        %slice3A_1518 = vector.extract_strided_slice %get3A_1517 {offsets = [0], sizes = [1], strides = [1]} : vector<16xf32> to vector<1xf32>
        %squeeze3A_1519 = vector.extract %slice3A_1518[0] : f32 from vector<1xf32>
        %get3A_1520 = arith.constant 32 : i32
        %get3A_1521 = arith.index_cast %get3A_1520 : i32 to index
        %get3A_1522 = arith.constant 0 : index
        %get3A_1523 = tpu.vector_load %arg11[%get3A_1521, %get3A_1522] {strides = array<i32>} : memref<80x64xf32, #tpu.memory_space<vmem>>, vector<16xf32>,
        %mul3A_1524 = vector.broadcast %squeeze3A_1519 : f32 to vector<16xf32>
        %mul3A_1525 = arith.mulf %get3A_1523, %mul3A_1524 : vector<16xf32>
        %swap3A_1526 = arith.constant 32 : i32
        %swap3A_1527 = arith.index_cast %swap3A_1526 : i32 to index
        %swap3A_1528 = arith.constant 0 : index
        %swap3A_1529 = tpu.vector_load %arg11[%swap3A_1527, %swap3A_1528] {strides = array<i32>} : memref<80x64xf32, #tpu.memory_space<vmem>>, vector<16xf32>,
        tpu.vector_store %arg11[%swap3A_1527, %swap3A_1528], %mul3A_1525 {strides = array<i32>} : memref<80x64xf32, #tpu.memory_space<vmem>>, vector<16xf32>,
        %get3A_1530 = arith.constant 32 : i32
        %get3A_1531 = arith.index_cast %get3A_1530 : i32 to index
        %get3A_1532 = arith.constant 16 : index
        %get3A_1533 = tpu.vector_load %arg11[%get3A_1531, %get3A_1532] {strides = array<i32>} : memref<80x64xf32, #tpu.memory_space<vmem>>, vector<16xf32>,
        %mul3A_1534 = vector.broadcast %squeeze3A_1519 : f32 to vector<16xf32>
        %mul3A_1535 = arith.mulf %get3A_1533, %mul3A_1534 : vector<16xf32>
        %swap3A_1536 = arith.constant 32 : i32
        %swap3A_1537 = arith.index_cast %swap3A_1536 : i32 to index
        %swap3A_1538 = arith.constant 16 : index
        %swap3A_1539 = tpu.vector_load %arg11[%swap3A_1537, %swap3A_1538] {strides = array<i32>} : memref<80x64xf32, #tpu.memory_space<vmem>>, vector<16xf32>,
        tpu.vector_store %arg11[%swap3A_1537, %swap3A_1538], %mul3A_1535 {strides = array<i32>} : memref<80x64xf32, #tpu.memory_space<vmem>>, vector<16xf32>,
        %get3A_1540 = arith.constant 32 : i32
        %get3A_1541 = arith.index_cast %get3A_1540 : i32 to index
        %get3A_1542 = arith.constant 32 : index
        %get3A_1543 = tpu.vector_load %arg11[%get3A_1541, %get3A_1542] {strides = array<i32>} : memref<80x64xf32, #tpu.memory_space<vmem>>, vector<16xf32>,
        %mul3A_1544 = vector.broadcast %squeeze3A_1519 : f32 to vector<16xf32>
        %mul3A_1545 = arith.mulf %get3A_1543, %mul3A_1544 : vector<16xf32>
        %swap3A_1546 = arith.constant 32 : i32
        %swap3A_1547 = arith.index_cast %swap3A_1546 : i32 to index
        %swap3A_1548 = arith.constant 32 : index
        %swap3A_1549 = tpu.vector_load %arg11[%swap3A_1547, %swap3A_1548] {strides = array<i32>} : memref<80x64xf32, #tpu.memory_space<vmem>>, vector<16xf32>,
        tpu.vector_store %arg11[%swap3A_1547, %swap3A_1548], %mul3A_1545 {strides = array<i32>} : memref<80x64xf32, #tpu.memory_space<vmem>>, vector<16xf32>,
        %get3A_1550 = arith.constant 32 : i32
        %get3A_1551 = arith.index_cast %get3A_1550 : i32 to index
        %get3A_1552 = arith.constant 48 : index
        %get3A_1553 = tpu.vector_load %arg11[%get3A_1551, %get3A_1552] {strides = array<i32>} : memref<80x64xf32, #tpu.memory_space<vmem>>, vector<16xf32>,
        %mul3A_1554 = vector.broadcast %squeeze3A_1519 : f32 to vector<16xf32>
        %mul3A_1555 = arith.mulf %get3A_1553, %mul3A_1554 : vector<16xf32>
        %swap3A_1556 = arith.constant 32 : i32
        %swap3A_1557 = arith.index_cast %swap3A_1556 : i32 to index
        %swap3A_1558 = arith.constant 48 : index
        %swap3A_1559 = tpu.vector_load %arg11[%swap3A_1557, %swap3A_1558] {strides = array<i32>} : memref<80x64xf32, #tpu.memory_space<vmem>>, vector<16xf32>,
        tpu.vector_store %arg11[%swap3A_1557, %swap3A_1558], %mul3A_1555 {strides = array<i32>} : memref<80x64xf32, #tpu.memory_space<vmem>>, vector<16xf32>,
        %slice3A_1560 = vector.extract_strided_slice %get3A_1517 {offsets = [1], sizes = [1], strides = [1]} : vector<16xf32> to vector<1xf32>
        %squeeze3A_1561 = vector.extract %slice3A_1560[0] : f32 from vector<1xf32>
        %get3A_1562 = arith.constant 33 : i32
        %get3A_1563 = arith.index_cast %get3A_1562 : i32 to index
        %get3A_1564 = arith.constant 0 : index
        %get3A_1565 = tpu.vector_load %arg11[%get3A_1563, %get3A_1564] {strides = array<i32>} : memref<80x64xf32, #tpu.memory_space<vmem>>, vector<16xf32>,
        %mul3A_1566 = vector.broadcast %squeeze3A_1561 : f32 to vector<16xf32>
        %mul3A_1567 = arith.mulf %get3A_1565, %mul3A_1566 : vector<16xf32>
        %swap3A_1568 = arith.constant 33 : i32
        %swap3A_1569 = arith.index_cast %swap3A_1568 : i32 to index
        %swap3A_1570 = arith.constant 0 : index
        %swap3A_1571 = tpu.vector_load %arg11[%swap3A_1569, %swap3A_1570] {strides = array<i32>} : memref<80x64xf32, #tpu.memory_space<vmem>>, vector<16xf32>,
        tpu.vector_store %arg11[%swap3A_1569, %swap3A_1570], %mul3A_1567 {strides = array<i32>} : memref<80x64xf32, #tpu.memory_space<vmem>>, vector<16xf32>,
        %get3A_1572 = arith.constant 33 : i32
        %get3A_1573 = arith.index_cast %get3A_1572 : i32 to index
        %get3A_1574 = arith.constant 16 : index
        %get3A_1575 = tpu.vector_load %arg11[%get3A_1573, %get3A_1574] {strides = array<i32>} : memref<80x64xf32, #tpu.memory_space<vmem>>, vector<16xf32>,
        %mul3A_1576 = vector.broadcast %squeeze3A_1561 : f32 to vector<16xf32>
        %mul3A_1577 = arith.mulf %get3A_1575, %mul3A_1576 : vector<16xf32>
        %swap3A_1578 = arith.constant 33 : i32
        %swap3A_1579 = arith.index_cast %swap3A_1578 : i32 to index
        %swap3A_1580 = arith.constant 16 : index
        %swap3A_1581 = tpu.vector_load %arg11[%swap3A_1579, %swap3A_1580] {strides = array<i32>} : memref<80x64xf32, #tpu.memory_space<vmem>>, vector<16xf32>,
        tpu.vector_store %arg11[%swap3A_1579, %swap3A_1580], %mul3A_1577 {strides = array<i32>} : memref<80x64xf32, #tpu.memory_space<vmem>>, vector<16xf32>,
        %get3A_1582 = arith.constant 33 : i32
        %get3A_1583 = arith.index_cast %get3A_1582 : i32 to index
        %get3A_1584 = arith.constant 32 : index
        %get3A_1585 = tpu.vector_load %arg11[%get3A_1583, %get3A_1584] {strides = array<i32>} : memref<80x64xf32, #tpu.memory_space<vmem>>, vector<16xf32>,
        %mul3A_1586 = vector.broadcast %squeeze3A_1561 : f32 to vector<16xf32>
        %mul3A_1587 = arith.mulf %get3A_1585, %mul3A_1586 : vector<16xf32>
        %swap3A_1588 = arith.constant 33 : i32
        %swap3A_1589 = arith.index_cast %swap3A_1588 : i32 to index
        %swap3A_1590 = arith.constant 32 : index
        %swap3A_1591 = tpu.vector_load %arg11[%swap3A_1589, %swap3A_1590] {strides = array<i32>} : memref<80x64xf32, #tpu.memory_space<vmem>>, vector<16xf32>,
        tpu.vector_store %arg11[%swap3A_1589, %swap3A_1590], %mul3A_1587 {strides = array<i32>} : memref<80x64xf32, #tpu.memory_space<vmem>>, vector<16xf32>,
        %get3A_1592 = arith.constant 33 : i32
        %get3A_1593 = arith.index_cast %get3A_1592 : i32 to index
        %get3A_1594 = arith.constant 48 : index
        %get3A_1595 = tpu.vector_load %arg11[%get3A_1593, %get3A_1594] {strides = array<i32>} : memref<80x64xf32, #tpu.memory_space<vmem>>, vector<16xf32>,
        %mul3A_1596 = vector.broadcast %squeeze3A_1561 : f32 to vector<16xf32>
        %mul3A_1597 = arith.mulf %get3A_1595, %mul3A_1596 : vector<16xf32>
        %swap3A_1598 = arith.constant 33 : i32
        %swap3A_1599 = arith.index_cast %swap3A_1598 : i32 to index
        %swap3A_1600 = arith.constant 48 : index
        %swap3A_1601 = tpu.vector_load %arg11[%swap3A_1599, %swap3A_1600] {strides = array<i32>} : memref<80x64xf32, #tpu.memory_space<vmem>>, vector<16xf32>,
        tpu.vector_store %arg11[%swap3A_1599, %swap3A_1600], %mul3A_1597 {strides = array<i32>} : memref<80x64xf32, #tpu.memory_space<vmem>>, vector<16xf32>,
        %slice3A_1602 = vector.extract_strided_slice %get3A_1517 {offsets = [2], sizes = [1], strides = [1]} : vector<16xf32> to vector<1xf32>
        %squeeze3A_1603 = vector.extract %slice3A_1602[0] : f32 from vector<1xf32>
        %get3A_1604 = arith.constant 34 : i32
        %get3A_1605 = arith.index_cast %get3A_1604 : i32 to index
        %get3A_1606 = arith.constant 0 : index
        %get3A_1607 = tpu.vector_load %arg11[%get3A_1605, %get3A_1606] {strides = array<i32>} : memref<80x64xf32, #tpu.memory_space<vmem>>, vector<16xf32>,
        %mul3A_1608 = vector.broadcast %squeeze3A_1603 : f32 to vector<16xf32>
        %mul3A_1609 = arith.mulf %get3A_1607, %mul3A_1608 : vector<16xf32>
        %swap3A_1610 = arith.constant 34 : i32
        %swap3A_1611 = arith.index_cast %swap3A_1610 : i32 to index
        %swap3A_1612 = arith.constant 0 : index
        %swap3A_1613 = tpu.vector_load %arg11[%swap3A_1611, %swap3A_1612] {strides = array<i32>} : memref<80x64xf32, #tpu.memory_space<vmem>>, vector<16xf32>,
        tpu.vector_store %arg11[%swap3A_1611, %swap3A_1612], %mul3A_1609 {strides = array<i32>} : memref<80x64xf32, #tpu.memory_space<vmem>>, vector<16xf32>,
        %get3A_1614 = arith.constant 34 : i32
        %get3A_1615 = arith.index_cast %get3A_1614 : i32 to index
        %get3A_1616 = arith.constant 16 : index
        %get3A_1617 = tpu.vector_load %arg11[%get3A_1615, %get3A_1616] {strides = array<i32>} : memref<80x64xf32, #tpu.memory_space<vmem>>, vector<16xf32>,
        %mul3A_1618 = vector.broadcast %squeeze3A_1603 : f32 to vector<16xf32>
        %mul3A_1619 = arith.mulf %get3A_1617, %mul3A_1618 : vector<16xf32>
        %swap3A_1620 = arith.constant 34 : i32
        %swap3A_1621 = arith.index_cast %swap3A_1620 : i32 to index
        %swap3A_1622 = arith.constant 16 : index
        %swap3A_1623 = tpu.vector_load %arg11[%swap3A_1621, %swap3A_1622] {strides = array<i32>} : memref<80x64xf32, #tpu.memory_space<vmem>>, vector<16xf32>,
        tpu.vector_store %arg11[%swap3A_1621, %swap3A_1622], %mul3A_1619 {strides = array<i32>} : memref<80x64xf32, #tpu.memory_space<vmem>>, vector<16xf32>,
        %get3A_1624 = arith.constant 34 : i32
        %get3A_1625 = arith.index_cast %get3A_1624 : i32 to index
        %get3A_1626 = arith.constant 32 : index
        %get3A_1627 = tpu.vector_load %arg11[%get3A_1625, %get3A_1626] {strides = array<i32>} : memref<80x64xf32, #tpu.memory_space<vmem>>, vector<16xf32>,
        %mul3A_1628 = vector.broadcast %squeeze3A_1603 : f32 to vector<16xf32>
        %mul3A_1629 = arith.mulf %get3A_1627, %mul3A_1628 : vector<16xf32>
        %swap3A_1630 = arith.constant 34 : i32
        %swap3A_1631 = arith.index_cast %swap3A_1630 : i32 to index
        %swap3A_1632 = arith.constant 32 : index
        %swap3A_1633 = tpu.vector_load %arg11[%swap3A_1631, %swap3A_1632] {strides = array<i32>} : memref<80x64xf32, #tpu.memory_space<vmem>>, vector<16xf32>,
        tpu.vector_store %arg11[%swap3A_1631, %swap3A_1632], %mul3A_1629 {strides = array<i32>} : memref<80x64xf32, #tpu.memory_space<vmem>>, vector<16xf32>,
        %get3A_1634 = arith.constant 34 : i32
        %get3A_1635 = arith.index_cast %get3A_1634 : i32 to index
        %get3A_1636 = arith.constant 48 : index
        %get3A_1637 = tpu.vector_load %arg11[%get3A_1635, %get3A_1636] {strides = array<i32>} : memref<80x64xf32, #tpu.memory_space<vmem>>, vector<16xf32>,
        %mul3A_1638 = vector.broadcast %squeeze3A_1603 : f32 to vector<16xf32>
        %mul3A_1639 = arith.mulf %get3A_1637, %mul3A_1638 : vector<16xf32>
        %swap3A_1640 = arith.constant 34 : i32
        %swap3A_1641 = arith.index_cast %swap3A_1640 : i32 to index
        %swap3A_1642 = arith.constant 48 : index
        %swap3A_1643 = tpu.vector_load %arg11[%swap3A_1641, %swap3A_1642] {strides = array<i32>} : memref<80x64xf32, #tpu.memory_space<vmem>>, vector<16xf32>,
        tpu.vector_store %arg11[%swap3A_1641, %swap3A_1642], %mul3A_1639 {strides = array<i32>} : memref<80x64xf32, #tpu.memory_space<vmem>>, vector<16xf32>,
        %slice3A_1644 = vector.extract_strided_slice %get3A_1517 {offsets = [3], sizes = [1], strides = [1]} : vector<16xf32> to vector<1xf32>
        %squeeze3A_1645 = vector.extract %slice3A_1644[0] : f32 from vector<1xf32>
        %get3A_1646 = arith.constant 35 : i32
        %get3A_1647 = arith.index_cast %get3A_1646 : i32 to index
        %get3A_1648 = arith.constant 0 : index
        %get3A_1649 = tpu.vector_load %arg11[%get3A_1647, %get3A_1648] {strides = array<i32>} : memref<80x64xf32, #tpu.memory_space<vmem>>, vector<16xf32>,
        %mul3A_1650 = vector.broadcast %squeeze3A_1645 : f32 to vector<16xf32>
        %mul3A_1651 = arith.mulf %get3A_1649, %mul3A_1650 : vector<16xf32>
        %swap3A_1652 = arith.constant 35 : i32
        %swap3A_1653 = arith.index_cast %swap3A_1652 : i32 to index
        %swap3A_1654 = arith.constant 0 : index
        %swap3A_1655 = tpu.vector_load %arg11[%swap3A_1653, %swap3A_1654] {strides = array<i32>} : memref<80x64xf32, #tpu.memory_space<vmem>>, vector<16xf32>,
        tpu.vector_store %arg11[%swap3A_1653, %swap3A_1654], %mul3A_1651 {strides = array<i32>} : memref<80x64xf32, #tpu.memory_space<vmem>>, vector<16xf32>,
        %get3A_1656 = arith.constant 35 : i32
        %get3A_1657 = arith.index_cast %get3A_1656 : i32 to index
        %get3A_1658 = arith.constant 16 : index
        %get3A_1659 = tpu.vector_load %arg11[%get3A_1657, %get3A_1658] {strides = array<i32>} : memref<80x64xf32, #tpu.memory_space<vmem>>, vector<16xf32>,
        %mul3A_1660 = vector.broadcast %squeeze3A_1645 : f32 to vector<16xf32>
        %mul3A_1661 = arith.mulf %get3A_1659, %mul3A_1660 : vector<16xf32>
        %swap3A_1662 = arith.constant 35 : i32
        %swap3A_1663 = arith.index_cast %swap3A_1662 : i32 to index
        %swap3A_1664 = arith.constant 16 : index
        %swap3A_1665 = tpu.vector_load %arg11[%swap3A_1663, %swap3A_1664] {strides = array<i32>} : memref<80x64xf32, #tpu.memory_space<vmem>>, vector<16xf32>,
        tpu.vector_store %arg11[%swap3A_1663, %swap3A_1664], %mul3A_1661 {strides = array<i32>} : memref<80x64xf32, #tpu.memory_space<vmem>>, vector<16xf32>,
        %get3A_1666 = arith.constant 35 : i32
        %get3A_1667 = arith.index_cast %get3A_1666 : i32 to index
        %get3A_1668 = arith.constant 32 : index
        %get3A_1669 = tpu.vector_load %arg11[%get3A_1667, %get3A_1668] {strides = array<i32>} : memref<80x64xf32, #tpu.memory_space<vmem>>, vector<16xf32>,
        %mul3A_1670 = vector.broadcast %squeeze3A_1645 : f32 to vector<16xf32>
        %mul3A_1671 = arith.mulf %get3A_1669, %mul3A_1670 : vector<16xf32>
        %swap3A_1672 = arith.constant 35 : i32
        %swap3A_1673 = arith.index_cast %swap3A_1672 : i32 to index
        %swap3A_1674 = arith.constant 32 : index
        %swap3A_1675 = tpu.vector_load %arg11[%swap3A_1673, %swap3A_1674] {strides = array<i32>} : memref<80x64xf32, #tpu.memory_space<vmem>>, vector<16xf32>,
        tpu.vector_store %arg11[%swap3A_1673, %swap3A_1674], %mul3A_1671 {strides = array<i32>} : memref<80x64xf32, #tpu.memory_space<vmem>>, vector<16xf32>,
        %get3A_1676 = arith.constant 35 : i32
        %get3A_1677 = arith.index_cast %get3A_1676 : i32 to index
        %get3A_1678 = arith.constant 48 : index
        %get3A_1679 = tpu.vector_load %arg11[%get3A_1677, %get3A_1678] {strides = array<i32>} : memref<80x64xf32, #tpu.memory_space<vmem>>, vector<16xf32>,
        %mul3A_1680 = vector.broadcast %squeeze3A_1645 : f32 to vector<16xf32>
        %mul3A_1681 = arith.mulf %get3A_1679, %mul3A_1680 : vector<16xf32>
        %swap3A_1682 = arith.constant 35 : i32
        %swap3A_1683 = arith.index_cast %swap3A_1682 : i32 to index
        %swap3A_1684 = arith.constant 48 : index
        %swap3A_1685 = tpu.vector_load %arg11[%swap3A_1683, %swap3A_1684] {strides = array<i32>} : memref<80x64xf32, #tpu.memory_space<vmem>>, vector<16xf32>,
        tpu.vector_store %arg11[%swap3A_1683, %swap3A_1684], %mul3A_1681 {strides = array<i32>} : memref<80x64xf32, #tpu.memory_space<vmem>>, vector<16xf32>,
        %slice3A_1686 = vector.extract_strided_slice %get3A_1517 {offsets = [4], sizes = [1], strides = [1]} : vector<16xf32> to vector<1xf32>
        %squeeze3A_1687 = vector.extract %slice3A_1686[0] : f32 from vector<1xf32>
        %get3A_1688 = arith.constant 36 : i32
        %get3A_1689 = arith.index_cast %get3A_1688 : i32 to index
        %get3A_1690 = arith.constant 0 : index
        %get3A_1691 = tpu.vector_load %arg11[%get3A_1689, %get3A_1690] {strides = array<i32>} : memref<80x64xf32, #tpu.memory_space<vmem>>, vector<16xf32>,
        %mul3A_1692 = vector.broadcast %squeeze3A_1687 : f32 to vector<16xf32>
        %mul3A_1693 = arith.mulf %get3A_1691, %mul3A_1692 : vector<16xf32>
        %swap3A_1694 = arith.constant 36 : i32
        %swap3A_1695 = arith.index_cast %swap3A_1694 : i32 to index
        %swap3A_1696 = arith.constant 0 : index
        %swap3A_1697 = tpu.vector_load %arg11[%swap3A_1695, %swap3A_1696] {strides = array<i32>} : memref<80x64xf32, #tpu.memory_space<vmem>>, vector<16xf32>,
        tpu.vector_store %arg11[%swap3A_1695, %swap3A_1696], %mul3A_1693 {strides = array<i32>} : memref<80x64xf32, #tpu.memory_space<vmem>>, vector<16xf32>,
        %get3A_1698 = arith.constant 36 : i32
        %get3A_1699 = arith.index_cast %get3A_1698 : i32 to index
        %get3A_1700 = arith.constant 16 : index
        %get3A_1701 = tpu.vector_load %arg11[%get3A_1699, %get3A_1700] {strides = array<i32>} : memref<80x64xf32, #tpu.memory_space<vmem>>, vector<16xf32>,
        %mul3A_1702 = vector.broadcast %squeeze3A_1687 : f32 to vector<16xf32>
        %mul3A_1703 = arith.mulf %get3A_1701, %mul3A_1702 : vector<16xf32>
        %swap3A_1704 = arith.constant 36 : i32
        %swap3A_1705 = arith.index_cast %swap3A_1704 : i32 to index
        %swap3A_1706 = arith.constant 16 : index
        %swap3A_1707 = tpu.vector_load %arg11[%swap3A_1705, %swap3A_1706] {strides = array<i32>} : memref<80x64xf32, #tpu.memory_space<vmem>>, vector<16xf32>,
        tpu.vector_store %arg11[%swap3A_1705, %swap3A_1706], %mul3A_1703 {strides = array<i32>} : memref<80x64xf32, #tpu.memory_space<vmem>>, vector<16xf32>,
        %get3A_1708 = arith.constant 36 : i32
        %get3A_1709 = arith.index_cast %get3A_1708 : i32 to index
        %get3A_1710 = arith.constant 32 : index
        %get3A_1711 = tpu.vector_load %arg11[%get3A_1709, %get3A_1710] {strides = array<i32>} : memref<80x64xf32, #tpu.memory_space<vmem>>, vector<16xf32>,
        %mul3A_1712 = vector.broadcast %squeeze3A_1687 : f32 to vector<16xf32>
        %mul3A_1713 = arith.mulf %get3A_1711, %mul3A_1712 : vector<16xf32>
        %swap3A_1714 = arith.constant 36 : i32
        %swap3A_1715 = arith.index_cast %swap3A_1714 : i32 to index
        %swap3A_1716 = arith.constant 32 : index
        %swap3A_1717 = tpu.vector_load %arg11[%swap3A_1715, %swap3A_1716] {strides = array<i32>} : memref<80x64xf32, #tpu.memory_space<vmem>>, vector<16xf32>,
        tpu.vector_store %arg11[%swap3A_1715, %swap3A_1716], %mul3A_1713 {strides = array<i32>} : memref<80x64xf32, #tpu.memory_space<vmem>>, vector<16xf32>,
        %get3A_1718 = arith.constant 36 : i32
        %get3A_1719 = arith.index_cast %get3A_1718 : i32 to index
        %get3A_1720 = arith.constant 48 : index
        %get3A_1721 = tpu.vector_load %arg11[%get3A_1719, %get3A_1720] {strides = array<i32>} : memref<80x64xf32, #tpu.memory_space<vmem>>, vector<16xf32>,
        %mul3A_1722 = vector.broadcast %squeeze3A_1687 : f32 to vector<16xf32>
        %mul3A_1723 = arith.mulf %get3A_1721, %mul3A_1722 : vector<16xf32>
        %swap3A_1724 = arith.constant 36 : i32
        %swap3A_1725 = arith.index_cast %swap3A_1724 : i32 to index
        %swap3A_1726 = arith.constant 48 : index
        %swap3A_1727 = tpu.vector_load %arg11[%swap3A_1725, %swap3A_1726] {strides = array<i32>} : memref<80x64xf32, #tpu.memory_space<vmem>>, vector<16xf32>,
        tpu.vector_store %arg11[%swap3A_1725, %swap3A_1726], %mul3A_1723 {strides = array<i32>} : memref<80x64xf32, #tpu.memory_space<vmem>>, vector<16xf32>,
        %slice3A_1728 = vector.extract_strided_slice %get3A_1517 {offsets = [5], sizes = [1], strides = [1]} : vector<16xf32> to vector<1xf32>
        %squeeze3A_1729 = vector.extract %slice3A_1728[0] : f32 from vector<1xf32>
        %get3A_1730 = arith.constant 37 : i32
        %get3A_1731 = arith.index_cast %get3A_1730 : i32 to index
        %get3A_1732 = arith.constant 0 : index
        %get3A_1733 = tpu.vector_load %arg11[%get3A_1731, %get3A_1732] {strides = array<i32>} : memref<80x64xf32, #tpu.memory_space<vmem>>, vector<16xf32>,
        %mul3A_1734 = vector.broadcast %squeeze3A_1729 : f32 to vector<16xf32>
        %mul3A_1735 = arith.mulf %get3A_1733, %mul3A_1734 : vector<16xf32>
        %swap3A_1736 = arith.constant 37 : i32
        %swap3A_1737 = arith.index_cast %swap3A_1736 : i32 to index
        %swap3A_1738 = arith.constant 0 : index
        %swap3A_1739 = tpu.vector_load %arg11[%swap3A_1737, %swap3A_1738] {strides = array<i32>} : memref<80x64xf32, #tpu.memory_space<vmem>>, vector<16xf32>,
        tpu.vector_store %arg11[%swap3A_1737, %swap3A_1738], %mul3A_1735 {strides = array<i32>} : memref<80x64xf32, #tpu.memory_space<vmem>>, vector<16xf32>,
        %get3A_1740 = arith.constant 37 : i32
        %get3A_1741 = arith.index_cast %get3A_1740 : i32 to index
        %get3A_1742 = arith.constant 16 : index
        %get3A_1743 = tpu.vector_load %arg11[%get3A_1741, %get3A_1742] {strides = array<i32>} : memref<80x64xf32, #tpu.memory_space<vmem>>, vector<16xf32>,
        %mul3A_1744 = vector.broadcast %squeeze3A_1729 : f32 to vector<16xf32>
        %mul3A_1745 = arith.mulf %get3A_1743, %mul3A_1744 : vector<16xf32>
        %swap3A_1746 = arith.constant 37 : i32
        %swap3A_1747 = arith.index_cast %swap3A_1746 : i32 to index
        %swap3A_1748 = arith.constant 16 : index
        %swap3A_1749 = tpu.vector_load %arg11[%swap3A_1747, %swap3A_1748] {strides = array<i32>} : memref<80x64xf32, #tpu.memory_space<vmem>>, vector<16xf32>,
        tpu.vector_store %arg11[%swap3A_1747, %swap3A_1748], %mul3A_1745 {strides = array<i32>} : memref<80x64xf32, #tpu.memory_space<vmem>>, vector<16xf32>,
        %get3A_1750 = arith.constant 37 : i32
        %get3A_1751 = arith.index_cast %get3A_1750 : i32 to index
        %get3A_1752 = arith.constant 32 : index
        %get3A_1753 = tpu.vector_load %arg11[%get3A_1751, %get3A_1752] {strides = array<i32>} : memref<80x64xf32, #tpu.memory_space<vmem>>, vector<16xf32>,
        %mul3A_1754 = vector.broadcast %squeeze3A_1729 : f32 to vector<16xf32>
        %mul3A_1755 = arith.mulf %get3A_1753, %mul3A_1754 : vector<16xf32>
        %swap3A_1756 = arith.constant 37 : i32
        %swap3A_1757 = arith.index_cast %swap3A_1756 : i32 to index
        %swap3A_1758 = arith.constant 32 : index
        %swap3A_1759 = tpu.vector_load %arg11[%swap3A_1757, %swap3A_1758] {strides = array<i32>} : memref<80x64xf32, #tpu.memory_space<vmem>>, vector<16xf32>,
        tpu.vector_store %arg11[%swap3A_1757, %swap3A_1758], %mul3A_1755 {strides = array<i32>} : memref<80x64xf32, #tpu.memory_space<vmem>>, vector<16xf32>,
        %get3A_1760 = arith.constant 37 : i32
        %get3A_1761 = arith.index_cast %get3A_1760 : i32 to index
        %get3A_1762 = arith.constant 48 : index
        %get3A_1763 = tpu.vector_load %arg11[%get3A_1761, %get3A_1762] {strides = array<i32>} : memref<80x64xf32, #tpu.memory_space<vmem>>, vector<16xf32>,
        %mul3A_1764 = vector.broadcast %squeeze3A_1729 : f32 to vector<16xf32>
        %mul3A_1765 = arith.mulf %get3A_1763, %mul3A_1764 : vector<16xf32>
        %swap3A_1766 = arith.constant 37 : i32
        %swap3A_1767 = arith.index_cast %swap3A_1766 : i32 to index
        %swap3A_1768 = arith.constant 48 : index
        %swap3A_1769 = tpu.vector_load %arg11[%swap3A_1767, %swap3A_1768] {strides = array<i32>} : memref<80x64xf32, #tpu.memory_space<vmem>>, vector<16xf32>,
        tpu.vector_store %arg11[%swap3A_1767, %swap3A_1768], %mul3A_1765 {strides = array<i32>} : memref<80x64xf32, #tpu.memory_space<vmem>>, vector<16xf32>,
        %slice3A_1770 = vector.extract_strided_slice %get3A_1517 {offsets = [6], sizes = [1], strides = [1]} : vector<16xf32> to vector<1xf32>
        %squeeze3A_1771 = vector.extract %slice3A_1770[0] : f32 from vector<1xf32>
        %get3A_1772 = arith.constant 38 : i32
        %get3A_1773 = arith.index_cast %get3A_1772 : i32 to index
        %get3A_1774 = arith.constant 0 : index
        %get3A_1775 = tpu.vector_load %arg11[%get3A_1773, %get3A_1774] {strides = array<i32>} : memref<80x64xf32, #tpu.memory_space<vmem>>, vector<16xf32>,
        %mul3A_1776 = vector.broadcast %squeeze3A_1771 : f32 to vector<16xf32>
        %mul3A_1777 = arith.mulf %get3A_1775, %mul3A_1776 : vector<16xf32>
        %swap3A_1778 = arith.constant 38 : i32
        %swap3A_1779 = arith.index_cast %swap3A_1778 : i32 to index
        %swap3A_1780 = arith.constant 0 : index
        %swap3A_1781 = tpu.vector_load %arg11[%swap3A_1779, %swap3A_1780] {strides = array<i32>} : memref<80x64xf32, #tpu.memory_space<vmem>>, vector<16xf32>,
        tpu.vector_store %arg11[%swap3A_1779, %swap3A_1780], %mul3A_1777 {strides = array<i32>} : memref<80x64xf32, #tpu.memory_space<vmem>>, vector<16xf32>,
        %get3A_1782 = arith.constant 38 : i32
        %get3A_1783 = arith.index_cast %get3A_1782 : i32 to index
        %get3A_1784 = arith.constant 16 : index
        %get3A_1785 = tpu.vector_load %arg11[%get3A_1783, %get3A_1784] {strides = array<i32>} : memref<80x64xf32, #tpu.memory_space<vmem>>, vector<16xf32>,
        %mul3A_1786 = vector.broadcast %squeeze3A_1771 : f32 to vector<16xf32>
        %mul3A_1787 = arith.mulf %get3A_1785, %mul3A_1786 : vector<16xf32>
        %swap3A_1788 = arith.constant 38 : i32
        %swap3A_1789 = arith.index_cast %swap3A_1788 : i32 to index
        %swap3A_1790 = arith.constant 16 : index
        %swap3A_1791 = tpu.vector_load %arg11[%swap3A_1789, %swap3A_1790] {strides = array<i32>} : memref<80x64xf32, #tpu.memory_space<vmem>>, vector<16xf32>,
        tpu.vector_store %arg11[%swap3A_1789, %swap3A_1790], %mul3A_1787 {strides = array<i32>} : memref<80x64xf32, #tpu.memory_space<vmem>>, vector<16xf32>,
        %get3A_1792 = arith.constant 38 : i32
        %get3A_1793 = arith.index_cast %get3A_1792 : i32 to index
        %get3A_1794 = arith.constant 32 : index
        %get3A_1795 = tpu.vector_load %arg11[%get3A_1793, %get3A_1794] {strides = array<i32>} : memref<80x64xf32, #tpu.memory_space<vmem>>, vector<16xf32>,
        %mul3A_1796 = vector.broadcast %squeeze3A_1771 : f32 to vector<16xf32>
        %mul3A_1797 = arith.mulf %get3A_1795, %mul3A_1796 : vector<16xf32>
        %swap3A_1798 = arith.constant 38 : i32
        %swap3A_1799 = arith.index_cast %swap3A_1798 : i32 to index
        %swap3A_1800 = arith.constant 32 : index
        %swap3A_1801 = tpu.vector_load %arg11[%swap3A_1799, %swap3A_1800] {strides = array<i32>} : memref<80x64xf32, #tpu.memory_space<vmem>>, vector<16xf32>,
        tpu.vector_store %arg11[%swap3A_1799, %swap3A_1800], %mul3A_1797 {strides = array<i32>} : memref<80x64xf32, #tpu.memory_space<vmem>>, vector<16xf32>,
        %get3A_1802 = arith.constant 38 : i32
        %get3A_1803 = arith.index_cast %get3A_1802 : i32 to index
        %get3A_1804 = arith.constant 48 : index
        %get3A_1805 = tpu.vector_load %arg11[%get3A_1803, %get3A_1804] {strides = array<i32>} : memref<80x64xf32, #tpu.memory_space<vmem>>, vector<16xf32>,
        %mul3A_1806 = vector.broadcast %squeeze3A_1771 : f32 to vector<16xf32>
        %mul3A_1807 = arith.mulf %get3A_1805, %mul3A_1806 : vector<16xf32>
        %swap3A_1808 = arith.constant 38 : i32
        %swap3A_1809 = arith.index_cast %swap3A_1808 : i32 to index
        %swap3A_1810 = arith.constant 48 : index
        %swap3A_1811 = tpu.vector_load %arg11[%swap3A_1809, %swap3A_1810] {strides = array<i32>} : memref<80x64xf32, #tpu.memory_space<vmem>>, vector<16xf32>,
        tpu.vector_store %arg11[%swap3A_1809, %swap3A_1810], %mul3A_1807 {strides = array<i32>} : memref<80x64xf32, #tpu.memory_space<vmem>>, vector<16xf32>,
        %slice3A_1812 = vector.extract_strided_slice %get3A_1517 {offsets = [7], sizes = [1], strides = [1]} : vector<16xf32> to vector<1xf32>
        %squeeze3A_1813 = vector.extract %slice3A_1812[0] : f32 from vector<1xf32>
        %get3A_1814 = arith.constant 39 : i32
        %get3A_1815 = arith.index_cast %get3A_1814 : i32 to index
        %get3A_1816 = arith.constant 0 : index
        %get3A_1817 = tpu.vector_load %arg11[%get3A_1815, %get3A_1816] {strides = array<i32>} : memref<80x64xf32, #tpu.memory_space<vmem>>, vector<16xf32>,
        %mul3A_1818 = vector.broadcast %squeeze3A_1813 : f32 to vector<16xf32>
        %mul3A_1819 = arith.mulf %get3A_1817, %mul3A_1818 : vector<16xf32>
        %swap3A_1820 = arith.constant 39 : i32
        %swap3A_1821 = arith.index_cast %swap3A_1820 : i32 to index
        %swap3A_1822 = arith.constant 0 : index
        %swap3A_1823 = tpu.vector_load %arg11[%swap3A_1821, %swap3A_1822] {strides = array<i32>} : memref<80x64xf32, #tpu.memory_space<vmem>>, vector<16xf32>,
        tpu.vector_store %arg11[%swap3A_1821, %swap3A_1822], %mul3A_1819 {strides = array<i32>} : memref<80x64xf32, #tpu.memory_space<vmem>>, vector<16xf32>,
        %get3A_1824 = arith.constant 39 : i32
        %get3A_1825 = arith.index_cast %get3A_1824 : i32 to index
        %get3A_1826 = arith.constant 16 : index
        %get3A_1827 = tpu.vector_load %arg11[%get3A_1825, %get3A_1826] {strides = array<i32>} : memref<80x64xf32, #tpu.memory_space<vmem>>, vector<16xf32>,
        %mul3A_1828 = vector.broadcast %squeeze3A_1813 : f32 to vector<16xf32>
        %mul3A_1829 = arith.mulf %get3A_1827, %mul3A_1828 : vector<16xf32>
        %swap3A_1830 = arith.constant 39 : i32
        %swap3A_1831 = arith.index_cast %swap3A_1830 : i32 to index
        %swap3A_1832 = arith.constant 16 : index
        %swap3A_1833 = tpu.vector_load %arg11[%swap3A_1831, %swap3A_1832] {strides = array<i32>} : memref<80x64xf32, #tpu.memory_space<vmem>>, vector<16xf32>,
        tpu.vector_store %arg11[%swap3A_1831, %swap3A_1832], %mul3A_1829 {strides = array<i32>} : memref<80x64xf32, #tpu.memory_space<vmem>>, vector<16xf32>,
        %get3A_1834 = arith.constant 39 : i32
        %get3A_1835 = arith.index_cast %get3A_1834 : i32 to index
        %get3A_1836 = arith.constant 32 : index
        %get3A_1837 = tpu.vector_load %arg11[%get3A_1835, %get3A_1836] {strides = array<i32>} : memref<80x64xf32, #tpu.memory_space<vmem>>, vector<16xf32>,
        %mul3A_1838 = vector.broadcast %squeeze3A_1813 : f32 to vector<16xf32>
        %mul3A_1839 = arith.mulf %get3A_1837, %mul3A_1838 : vector<16xf32>
        %swap3A_1840 = arith.constant 39 : i32
        %swap3A_1841 = arith.index_cast %swap3A_1840 : i32 to index
        %swap3A_1842 = arith.constant 32 : index
        %swap3A_1843 = tpu.vector_load %arg11[%swap3A_1841, %swap3A_1842] {strides = array<i32>} : memref<80x64xf32, #tpu.memory_space<vmem>>, vector<16xf32>,
        tpu.vector_store %arg11[%swap3A_1841, %swap3A_1842], %mul3A_1839 {strides = array<i32>} : memref<80x64xf32, #tpu.memory_space<vmem>>, vector<16xf32>,
        %get3A_1844 = arith.constant 39 : i32
        %get3A_1845 = arith.index_cast %get3A_1844 : i32 to index
        %get3A_1846 = arith.constant 48 : index
        %get3A_1847 = tpu.vector_load %arg11[%get3A_1845, %get3A_1846] {strides = array<i32>} : memref<80x64xf32, #tpu.memory_space<vmem>>, vector<16xf32>,
        %mul3A_1848 = vector.broadcast %squeeze3A_1813 : f32 to vector<16xf32>
        %mul3A_1849 = arith.mulf %get3A_1847, %mul3A_1848 : vector<16xf32>
        %swap3A_1850 = arith.constant 39 : i32
        %swap3A_1851 = arith.index_cast %swap3A_1850 : i32 to index
        %swap3A_1852 = arith.constant 48 : index
        %swap3A_1853 = tpu.vector_load %arg11[%swap3A_1851, %swap3A_1852] {strides = array<i32>} : memref<80x64xf32, #tpu.memory_space<vmem>>, vector<16xf32>,
        tpu.vector_store %arg11[%swap3A_1851, %swap3A_1852], %mul3A_1849 {strides = array<i32>} : memref<80x64xf32, #tpu.memory_space<vmem>>, vector<16xf32>,
        %slice3A_1854 = vector.extract_strided_slice %get3A_1517 {offsets = [8], sizes = [1], strides = [1]} : vector<16xf32> to vector<1xf32>
        %squeeze3A_1855 = vector.extract %slice3A_1854[0] : f32 from vector<1xf32>
        %get3A_1856 = arith.constant 40 : i32
        %get3A_1857 = arith.index_cast %get3A_1856 : i32 to index
        %get3A_1858 = arith.constant 0 : index
        %get3A_1859 = tpu.vector_load %arg11[%get3A_1857, %get3A_1858] {strides = array<i32>} : memref<80x64xf32, #tpu.memory_space<vmem>>, vector<16xf32>,
        %mul3A_1860 = vector.broadcast %squeeze3A_1855 : f32 to vector<16xf32>
        %mul3A_1861 = arith.mulf %get3A_1859, %mul3A_1860 : vector<16xf32>
        %swap3A_1862 = arith.constant 40 : i32
        %swap3A_1863 = arith.index_cast %swap3A_1862 : i32 to index
        %swap3A_1864 = arith.constant 0 : index
        %swap3A_1865 = tpu.vector_load %arg11[%swap3A_1863, %swap3A_1864] {strides = array<i32>} : memref<80x64xf32, #tpu.memory_space<vmem>>, vector<16xf32>,
        tpu.vector_store %arg11[%swap3A_1863, %swap3A_1864], %mul3A_1861 {strides = array<i32>} : memref<80x64xf32, #tpu.memory_space<vmem>>, vector<16xf32>,
        %get3A_1866 = arith.constant 40 : i32
        %get3A_1867 = arith.index_cast %get3A_1866 : i32 to index
        %get3A_1868 = arith.constant 16 : index
        %get3A_1869 = tpu.vector_load %arg11[%get3A_1867, %get3A_1868] {strides = array<i32>} : memref<80x64xf32, #tpu.memory_space<vmem>>, vector<16xf32>,
        %mul3A_1870 = vector.broadcast %squeeze3A_1855 : f32 to vector<16xf32>
        %mul3A_1871 = arith.mulf %get3A_1869, %mul3A_1870 : vector<16xf32>
        %swap3A_1872 = arith.constant 40 : i32
        %swap3A_1873 = arith.index_cast %swap3A_1872 : i32 to index
        %swap3A_1874 = arith.constant 16 : index
        %swap3A_1875 = tpu.vector_load %arg11[%swap3A_1873, %swap3A_1874] {strides = array<i32>} : memref<80x64xf32, #tpu.memory_space<vmem>>, vector<16xf32>,
        tpu.vector_store %arg11[%swap3A_1873, %swap3A_1874], %mul3A_1871 {strides = array<i32>} : memref<80x64xf32, #tpu.memory_space<vmem>>, vector<16xf32>,
        %get3A_1876 = arith.constant 40 : i32
        %get3A_1877 = arith.index_cast %get3A_1876 : i32 to index
        %get3A_1878 = arith.constant 32 : index
        %get3A_1879 = tpu.vector_load %arg11[%get3A_1877, %get3A_1878] {strides = array<i32>} : memref<80x64xf32, #tpu.memory_space<vmem>>, vector<16xf32>,
        %mul3A_1880 = vector.broadcast %squeeze3A_1855 : f32 to vector<16xf32>
        %mul3A_1881 = arith.mulf %get3A_1879, %mul3A_1880 : vector<16xf32>
        %swap3A_1882 = arith.constant 40 : i32
        %swap3A_1883 = arith.index_cast %swap3A_1882 : i32 to index
        %swap3A_1884 = arith.constant 32 : index
        %swap3A_1885 = tpu.vector_load %arg11[%swap3A_1883, %swap3A_1884] {strides = array<i32>} : memref<80x64xf32, #tpu.memory_space<vmem>>, vector<16xf32>,
        tpu.vector_store %arg11[%swap3A_1883, %swap3A_1884], %mul3A_1881 {strides = array<i32>} : memref<80x64xf32, #tpu.memory_space<vmem>>, vector<16xf32>,
        %get3A_1886 = arith.constant 40 : i32
        %get3A_1887 = arith.index_cast %get3A_1886 : i32 to index
        %get3A_1888 = arith.constant 48 : index
        %get3A_1889 = tpu.vector_load %arg11[%get3A_1887, %get3A_1888] {strides = array<i32>} : memref<80x64xf32, #tpu.memory_space<vmem>>, vector<16xf32>,
        %mul3A_1890 = vector.broadcast %squeeze3A_1855 : f32 to vector<16xf32>
        %mul3A_1891 = arith.mulf %get3A_1889, %mul3A_1890 : vector<16xf32>
        %swap3A_1892 = arith.constant 40 : i32
        %swap3A_1893 = arith.index_cast %swap3A_1892 : i32 to index
        %swap3A_1894 = arith.constant 48 : index
        %swap3A_1895 = tpu.vector_load %arg11[%swap3A_1893, %swap3A_1894] {strides = array<i32>} : memref<80x64xf32, #tpu.memory_space<vmem>>, vector<16xf32>,
        tpu.vector_store %arg11[%swap3A_1893, %swap3A_1894], %mul3A_1891 {strides = array<i32>} : memref<80x64xf32, #tpu.memory_space<vmem>>, vector<16xf32>,
        %slice3A_1896 = vector.extract_strided_slice %get3A_1517 {offsets = [9], sizes = [1], strides = [1]} : vector<16xf32> to vector<1xf32>
        %squeeze3A_1897 = vector.extract %slice3A_1896[0] : f32 from vector<1xf32>
        %get3A_1898 = arith.constant 41 : i32
        %get3A_1899 = arith.index_cast %get3A_1898 : i32 to index
        %get3A_1900 = arith.constant 0 : index
        %get3A_1901 = tpu.vector_load %arg11[%get3A_1899, %get3A_1900] {strides = array<i32>} : memref<80x64xf32, #tpu.memory_space<vmem>>, vector<16xf32>,
        %mul3A_1902 = vector.broadcast %squeeze3A_1897 : f32 to vector<16xf32>
        %mul3A_1903 = arith.mulf %get3A_1901, %mul3A_1902 : vector<16xf32>
        %swap3A_1904 = arith.constant 41 : i32
        %swap3A_1905 = arith.index_cast %swap3A_1904 : i32 to index
        %swap3A_1906 = arith.constant 0 : index
        %swap3A_1907 = tpu.vector_load %arg11[%swap3A_1905, %swap3A_1906] {strides = array<i32>} : memref<80x64xf32, #tpu.memory_space<vmem>>, vector<16xf32>,
        tpu.vector_store %arg11[%swap3A_1905, %swap3A_1906], %mul3A_1903 {strides = array<i32>} : memref<80x64xf32, #tpu.memory_space<vmem>>, vector<16xf32>,
        %get3A_1908 = arith.constant 41 : i32
        %get3A_1909 = arith.index_cast %get3A_1908 : i32 to index
        %get3A_1910 = arith.constant 16 : index
        %get3A_1911 = tpu.vector_load %arg11[%get3A_1909, %get3A_1910] {strides = array<i32>} : memref<80x64xf32, #tpu.memory_space<vmem>>, vector<16xf32>,
        %mul3A_1912 = vector.broadcast %squeeze3A_1897 : f32 to vector<16xf32>
        %mul3A_1913 = arith.mulf %get3A_1911, %mul3A_1912 : vector<16xf32>
        %swap3A_1914 = arith.constant 41 : i32
        %swap3A_1915 = arith.index_cast %swap3A_1914 : i32 to index
        %swap3A_1916 = arith.constant 16 : index
        %swap3A_1917 = tpu.vector_load %arg11[%swap3A_1915, %swap3A_1916] {strides = array<i32>} : memref<80x64xf32, #tpu.memory_space<vmem>>, vector<16xf32>,
        tpu.vector_store %arg11[%swap3A_1915, %swap3A_1916], %mul3A_1913 {strides = array<i32>} : memref<80x64xf32, #tpu.memory_space<vmem>>, vector<16xf32>,
        %get3A_1918 = arith.constant 41 : i32
        %get3A_1919 = arith.index_cast %get3A_1918 : i32 to index
        %get3A_1920 = arith.constant 32 : index
        %get3A_1921 = tpu.vector_load %arg11[%get3A_1919, %get3A_1920] {strides = array<i32>} : memref<80x64xf32, #tpu.memory_space<vmem>>, vector<16xf32>,
        %mul3A_1922 = vector.broadcast %squeeze3A_1897 : f32 to vector<16xf32>
        %mul3A_1923 = arith.mulf %get3A_1921, %mul3A_1922 : vector<16xf32>
        %swap3A_1924 = arith.constant 41 : i32
        %swap3A_1925 = arith.index_cast %swap3A_1924 : i32 to index
        %swap3A_1926 = arith.constant 32 : index
        %swap3A_1927 = tpu.vector_load %arg11[%swap3A_1925, %swap3A_1926] {strides = array<i32>} : memref<80x64xf32, #tpu.memory_space<vmem>>, vector<16xf32>,
        tpu.vector_store %arg11[%swap3A_1925, %swap3A_1926], %mul3A_1923 {strides = array<i32>} : memref<80x64xf32, #tpu.memory_space<vmem>>, vector<16xf32>,
        %get3A_1928 = arith.constant 41 : i32
        %get3A_1929 = arith.index_cast %get3A_1928 : i32 to index
        %get3A_1930 = arith.constant 48 : index
        %get3A_1931 = tpu.vector_load %arg11[%get3A_1929, %get3A_1930] {strides = array<i32>} : memref<80x64xf32, #tpu.memory_space<vmem>>, vector<16xf32>,
        %mul3A_1932 = vector.broadcast %squeeze3A_1897 : f32 to vector<16xf32>
        %mul3A_1933 = arith.mulf %get3A_1931, %mul3A_1932 : vector<16xf32>
        %swap3A_1934 = arith.constant 41 : i32
        %swap3A_1935 = arith.index_cast %swap3A_1934 : i32 to index
        %swap3A_1936 = arith.constant 48 : index
        %swap3A_1937 = tpu.vector_load %arg11[%swap3A_1935, %swap3A_1936] {strides = array<i32>} : memref<80x64xf32, #tpu.memory_space<vmem>>, vector<16xf32>,
        tpu.vector_store %arg11[%swap3A_1935, %swap3A_1936], %mul3A_1933 {strides = array<i32>} : memref<80x64xf32, #tpu.memory_space<vmem>>, vector<16xf32>,
        %slice3A_1938 = vector.extract_strided_slice %get3A_1517 {offsets = [10], sizes = [1], strides = [1]} : vector<16xf32> to vector<1xf32>
        %squeeze3A_1939 = vector.extract %slice3A_1938[0] : f32 from vector<1xf32>
        %get3A_1940 = arith.constant 42 : i32
        %get3A_1941 = arith.index_cast %get3A_1940 : i32 to index
        %get3A_1942 = arith.constant 0 : index
        %get3A_1943 = tpu.vector_load %arg11[%get3A_1941, %get3A_1942] {strides = array<i32>} : memref<80x64xf32, #tpu.memory_space<vmem>>, vector<16xf32>,
        %mul3A_1944 = vector.broadcast %squeeze3A_1939 : f32 to vector<16xf32>
        %mul3A_1945 = arith.mulf %get3A_1943, %mul3A_1944 : vector<16xf32>
        %swap3A_1946 = arith.constant 42 : i32
        %swap3A_1947 = arith.index_cast %swap3A_1946 : i32 to index
        %swap3A_1948 = arith.constant 0 : index
        %swap3A_1949 = tpu.vector_load %arg11[%swap3A_1947, %swap3A_1948] {strides = array<i32>} : memref<80x64xf32, #tpu.memory_space<vmem>>, vector<16xf32>,
        tpu.vector_store %arg11[%swap3A_1947, %swap3A_1948], %mul3A_1945 {strides = array<i32>} : memref<80x64xf32, #tpu.memory_space<vmem>>, vector<16xf32>,
        %get3A_1950 = arith.constant 42 : i32
        %get3A_1951 = arith.index_cast %get3A_1950 : i32 to index
        %get3A_1952 = arith.constant 16 : index
        %get3A_1953 = tpu.vector_load %arg11[%get3A_1951, %get3A_1952] {strides = array<i32>} : memref<80x64xf32, #tpu.memory_space<vmem>>, vector<16xf32>,
        %mul3A_1954 = vector.broadcast %squeeze3A_1939 : f32 to vector<16xf32>
        %mul3A_1955 = arith.mulf %get3A_1953, %mul3A_1954 : vector<16xf32>
        %swap3A_1956 = arith.constant 42 : i32
        %swap3A_1957 = arith.index_cast %swap3A_1956 : i32 to index
        %swap3A_1958 = arith.constant 16 : index
        %swap3A_1959 = tpu.vector_load %arg11[%swap3A_1957, %swap3A_1958] {strides = array<i32>} : memref<80x64xf32, #tpu.memory_space<vmem>>, vector<16xf32>,
        tpu.vector_store %arg11[%swap3A_1957, %swap3A_1958], %mul3A_1955 {strides = array<i32>} : memref<80x64xf32, #tpu.memory_space<vmem>>, vector<16xf32>,
        %get3A_1960 = arith.constant 42 : i32
        %get3A_1961 = arith.index_cast %get3A_1960 : i32 to index
        %get3A_1962 = arith.constant 32 : index
        %get3A_1963 = tpu.vector_load %arg11[%get3A_1961, %get3A_1962] {strides = array<i32>} : memref<80x64xf32, #tpu.memory_space<vmem>>, vector<16xf32>,
        %mul3A_1964 = vector.broadcast %squeeze3A_1939 : f32 to vector<16xf32>
        %mul3A_1965 = arith.mulf %get3A_1963, %mul3A_1964 : vector<16xf32>
        %swap3A_1966 = arith.constant 42 : i32
        %swap3A_1967 = arith.index_cast %swap3A_1966 : i32 to index
        %swap3A_1968 = arith.constant 32 : index
        %swap3A_1969 = tpu.vector_load %arg11[%swap3A_1967, %swap3A_1968] {strides = array<i32>} : memref<80x64xf32, #tpu.memory_space<vmem>>, vector<16xf32>,
        tpu.vector_store %arg11[%swap3A_1967, %swap3A_1968], %mul3A_1965 {strides = array<i32>} : memref<80x64xf32, #tpu.memory_space<vmem>>, vector<16xf32>,
        %get3A_1970 = arith.constant 42 : i32
        %get3A_1971 = arith.index_cast %get3A_1970 : i32 to index
        %get3A_1972 = arith.constant 48 : index
        %get3A_1973 = tpu.vector_load %arg11[%get3A_1971, %get3A_1972] {strides = array<i32>} : memref<80x64xf32, #tpu.memory_space<vmem>>, vector<16xf32>,
        %mul3A_1974 = vector.broadcast %squeeze3A_1939 : f32 to vector<16xf32>
        %mul3A_1975 = arith.mulf %get3A_1973, %mul3A_1974 : vector<16xf32>
        %swap3A_1976 = arith.constant 42 : i32
        %swap3A_1977 = arith.index_cast %swap3A_1976 : i32 to index
        %swap3A_1978 = arith.constant 48 : index
        %swap3A_1979 = tpu.vector_load %arg11[%swap3A_1977, %swap3A_1978] {strides = array<i32>} : memref<80x64xf32, #tpu.memory_space<vmem>>, vector<16xf32>,
        tpu.vector_store %arg11[%swap3A_1977, %swap3A_1978], %mul3A_1975 {strides = array<i32>} : memref<80x64xf32, #tpu.memory_space<vmem>>, vector<16xf32>,
        %slice3A_1980 = vector.extract_strided_slice %get3A_1517 {offsets = [11], sizes = [1], strides = [1]} : vector<16xf32> to vector<1xf32>
        %squeeze3A_1981 = vector.extract %slice3A_1980[0] : f32 from vector<1xf32>
        %get3A_1982 = arith.constant 43 : i32
        %get3A_1983 = arith.index_cast %get3A_1982 : i32 to index
        %get3A_1984 = arith.constant 0 : index
        %get3A_1985 = tpu.vector_load %arg11[%get3A_1983, %get3A_1984] {strides = array<i32>} : memref<80x64xf32, #tpu.memory_space<vmem>>, vector<16xf32>,
        %mul3A_1986 = vector.broadcast %squeeze3A_1981 : f32 to vector<16xf32>
        %mul3A_1987 = arith.mulf %get3A_1985, %mul3A_1986 : vector<16xf32>
        %swap3A_1988 = arith.constant 43 : i32
        %swap3A_1989 = arith.index_cast %swap3A_1988 : i32 to index
        %swap3A_1990 = arith.constant 0 : index
        %swap3A_1991 = tpu.vector_load %arg11[%swap3A_1989, %swap3A_1990] {strides = array<i32>} : memref<80x64xf32, #tpu.memory_space<vmem>>, vector<16xf32>,
        tpu.vector_store %arg11[%swap3A_1989, %swap3A_1990], %mul3A_1987 {strides = array<i32>} : memref<80x64xf32, #tpu.memory_space<vmem>>, vector<16xf32>,
        %get3A_1992 = arith.constant 43 : i32
        %get3A_1993 = arith.index_cast %get3A_1992 : i32 to index
        %get3A_1994 = arith.constant 16 : index
        %get3A_1995 = tpu.vector_load %arg11[%get3A_1993, %get3A_1994] {strides = array<i32>} : memref<80x64xf32, #tpu.memory_space<vmem>>, vector<16xf32>,
        %mul3A_1996 = vector.broadcast %squeeze3A_1981 : f32 to vector<16xf32>
        %mul3A_1997 = arith.mulf %get3A_1995, %mul3A_1996 : vector<16xf32>
        %swap3A_1998 = arith.constant 43 : i32
        %swap3A_1999 = arith.index_cast %swap3A_1998 : i32 to index
        %swap3A_2000 = arith.constant 16 : index
        %swap3A_2001 = tpu.vector_load %arg11[%swap3A_1999, %swap3A_2000] {strides = array<i32>} : memref<80x64xf32, #tpu.memory_space<vmem>>, vector<16xf32>,
        tpu.vector_store %arg11[%swap3A_1999, %swap3A_2000], %mul3A_1997 {strides = array<i32>} : memref<80x64xf32, #tpu.memory_space<vmem>>, vector<16xf32>,
        %get3A_2002 = arith.constant 43 : i32
        %get3A_2003 = arith.index_cast %get3A_2002 : i32 to index
        %get3A_2004 = arith.constant 32 : index
        %get3A_2005 = tpu.vector_load %arg11[%get3A_2003, %get3A_2004] {strides = array<i32>} : memref<80x64xf32, #tpu.memory_space<vmem>>, vector<16xf32>,
        %mul3A_2006 = vector.broadcast %squeeze3A_1981 : f32 to vector<16xf32>
        %mul3A_2007 = arith.mulf %get3A_2005, %mul3A_2006 : vector<16xf32>
        %swap3A_2008 = arith.constant 43 : i32
        %swap3A_2009 = arith.index_cast %swap3A_2008 : i32 to index
        %swap3A_2010 = arith.constant 32 : index
        %swap3A_2011 = tpu.vector_load %arg11[%swap3A_2009, %swap3A_2010] {strides = array<i32>} : memref<80x64xf32, #tpu.memory_space<vmem>>, vector<16xf32>,
        tpu.vector_store %arg11[%swap3A_2009, %swap3A_2010], %mul3A_2007 {strides = array<i32>} : memref<80x64xf32, #tpu.memory_space<vmem>>, vector<16xf32>,
        %get3A_2012 = arith.constant 43 : i32
        %get3A_2013 = arith.index_cast %get3A_2012 : i32 to index
        %get3A_2014 = arith.constant 48 : index
        %get3A_2015 = tpu.vector_load %arg11[%get3A_2013, %get3A_2014] {strides = array<i32>} : memref<80x64xf32, #tpu.memory_space<vmem>>, vector<16xf32>,
        %mul3A_2016 = vector.broadcast %squeeze3A_1981 : f32 to vector<16xf32>
        %mul3A_2017 = arith.mulf %get3A_2015, %mul3A_2016 : vector<16xf32>
        %swap3A_2018 = arith.constant 43 : i32
        %swap3A_2019 = arith.index_cast %swap3A_2018 : i32 to index
        %swap3A_2020 = arith.constant 48 : index
        %swap3A_2021 = tpu.vector_load %arg11[%swap3A_2019, %swap3A_2020] {strides = array<i32>} : memref<80x64xf32, #tpu.memory_space<vmem>>, vector<16xf32>,
        tpu.vector_store %arg11[%swap3A_2019, %swap3A_2020], %mul3A_2017 {strides = array<i32>} : memref<80x64xf32, #tpu.memory_space<vmem>>, vector<16xf32>,
        %slice3A_2022 = vector.extract_strided_slice %get3A_1517 {offsets = [12], sizes = [1], strides = [1]} : vector<16xf32> to vector<1xf32>
        %squeeze3A_2023 = vector.extract %slice3A_2022[0] : f32 from vector<1xf32>
        %get3A_2024 = arith.constant 44 : i32
        %get3A_2025 = arith.index_cast %get3A_2024 : i32 to index
        %get3A_2026 = arith.constant 0 : index
        %get3A_2027 = tpu.vector_load %arg11[%get3A_2025, %get3A_2026] {strides = array<i32>} : memref<80x64xf32, #tpu.memory_space<vmem>>, vector<16xf32>,
        %mul3A_2028 = vector.broadcast %squeeze3A_2023 : f32 to vector<16xf32>
        %mul3A_2029 = arith.mulf %get3A_2027, %mul3A_2028 : vector<16xf32>
        %swap3A_2030 = arith.constant 44 : i32
        %swap3A_2031 = arith.index_cast %swap3A_2030 : i32 to index
        %swap3A_2032 = arith.constant 0 : index
        %swap3A_2033 = tpu.vector_load %arg11[%swap3A_2031, %swap3A_2032] {strides = array<i32>} : memref<80x64xf32, #tpu.memory_space<vmem>>, vector<16xf32>,
        tpu.vector_store %arg11[%swap3A_2031, %swap3A_2032], %mul3A_2029 {strides = array<i32>} : memref<80x64xf32, #tpu.memory_space<vmem>>, vector<16xf32>,
        %get3A_2034 = arith.constant 44 : i32
        %get3A_2035 = arith.index_cast %get3A_2034 : i32 to index
        %get3A_2036 = arith.constant 16 : index
        %get3A_2037 = tpu.vector_load %arg11[%get3A_2035, %get3A_2036] {strides = array<i32>} : memref<80x64xf32, #tpu.memory_space<vmem>>, vector<16xf32>,
        %mul3A_2038 = vector.broadcast %squeeze3A_2023 : f32 to vector<16xf32>
        %mul3A_2039 = arith.mulf %get3A_2037, %mul3A_2038 : vector<16xf32>
        %swap3A_2040 = arith.constant 44 : i32
        %swap3A_2041 = arith.index_cast %swap3A_2040 : i32 to index
        %swap3A_2042 = arith.constant 16 : index
        %swap3A_2043 = tpu.vector_load %arg11[%swap3A_2041, %swap3A_2042] {strides = array<i32>} : memref<80x64xf32, #tpu.memory_space<vmem>>, vector<16xf32>,
        tpu.vector_store %arg11[%swap3A_2041, %swap3A_2042], %mul3A_2039 {strides = array<i32>} : memref<80x64xf32, #tpu.memory_space<vmem>>, vector<16xf32>,
        %get3A_2044 = arith.constant 44 : i32
        %get3A_2045 = arith.index_cast %get3A_2044 : i32 to index
        %get3A_2046 = arith.constant 32 : index
        %get3A_2047 = tpu.vector_load %arg11[%get3A_2045, %get3A_2046] {strides = array<i32>} : memref<80x64xf32, #tpu.memory_space<vmem>>, vector<16xf32>,
        %mul3A_2048 = vector.broadcast %squeeze3A_2023 : f32 to vector<16xf32>
        %mul3A_2049 = arith.mulf %get3A_2047, %mul3A_2048 : vector<16xf32>
        %swap3A_2050 = arith.constant 44 : i32
        %swap3A_2051 = arith.index_cast %swap3A_2050 : i32 to index
        %swap3A_2052 = arith.constant 32 : index
        %swap3A_2053 = tpu.vector_load %arg11[%swap3A_2051, %swap3A_2052] {strides = array<i32>} : memref<80x64xf32, #tpu.memory_space<vmem>>, vector<16xf32>,
        tpu.vector_store %arg11[%swap3A_2051, %swap3A_2052], %mul3A_2049 {strides = array<i32>} : memref<80x64xf32, #tpu.memory_space<vmem>>, vector<16xf32>,
        %get3A_2054 = arith.constant 44 : i32
        %get3A_2055 = arith.index_cast %get3A_2054 : i32 to index
        %get3A_2056 = arith.constant 48 : index
        %get3A_2057 = tpu.vector_load %arg11[%get3A_2055, %get3A_2056] {strides = array<i32>} : memref<80x64xf32, #tpu.memory_space<vmem>>, vector<16xf32>,
        %mul3A_2058 = vector.broadcast %squeeze3A_2023 : f32 to vector<16xf32>
        %mul3A_2059 = arith.mulf %get3A_2057, %mul3A_2058 : vector<16xf32>
        %swap3A_2060 = arith.constant 44 : i32
        %swap3A_2061 = arith.index_cast %swap3A_2060 : i32 to index
        %swap3A_2062 = arith.constant 48 : index
        %swap3A_2063 = tpu.vector_load %arg11[%swap3A_2061, %swap3A_2062] {strides = array<i32>} : memref<80x64xf32, #tpu.memory_space<vmem>>, vector<16xf32>,
        tpu.vector_store %arg11[%swap3A_2061, %swap3A_2062], %mul3A_2059 {strides = array<i32>} : memref<80x64xf32, #tpu.memory_space<vmem>>, vector<16xf32>,
        %slice3A_2064 = vector.extract_strided_slice %get3A_1517 {offsets = [13], sizes = [1], strides = [1]} : vector<16xf32> to vector<1xf32>
        %squeeze3A_2065 = vector.extract %slice3A_2064[0] : f32 from vector<1xf32>
        %get3A_2066 = arith.constant 45 : i32
        %get3A_2067 = arith.index_cast %get3A_2066 : i32 to index
        %get3A_2068 = arith.constant 0 : index
        %get3A_2069 = tpu.vector_load %arg11[%get3A_2067, %get3A_2068] {strides = array<i32>} : memref<80x64xf32, #tpu.memory_space<vmem>>, vector<16xf32>,
        %mul3A_2070 = vector.broadcast %squeeze3A_2065 : f32 to vector<16xf32>
        %mul3A_2071 = arith.mulf %get3A_2069, %mul3A_2070 : vector<16xf32>
        %swap3A_2072 = arith.constant 45 : i32
        %swap3A_2073 = arith.index_cast %swap3A_2072 : i32 to index
        %swap3A_2074 = arith.constant 0 : index
        %swap3A_2075 = tpu.vector_load %arg11[%swap3A_2073, %swap3A_2074] {strides = array<i32>} : memref<80x64xf32, #tpu.memory_space<vmem>>, vector<16xf32>,
        tpu.vector_store %arg11[%swap3A_2073, %swap3A_2074], %mul3A_2071 {strides = array<i32>} : memref<80x64xf32, #tpu.memory_space<vmem>>, vector<16xf32>,
        %get3A_2076 = arith.constant 45 : i32
        %get3A_2077 = arith.index_cast %get3A_2076 : i32 to index
        %get3A_2078 = arith.constant 16 : index
        %get3A_2079 = tpu.vector_load %arg11[%get3A_2077, %get3A_2078] {strides = array<i32>} : memref<80x64xf32, #tpu.memory_space<vmem>>, vector<16xf32>,
        %mul3A_2080 = vector.broadcast %squeeze3A_2065 : f32 to vector<16xf32>
        %mul3A_2081 = arith.mulf %get3A_2079, %mul3A_2080 : vector<16xf32>
        %swap3A_2082 = arith.constant 45 : i32
        %swap3A_2083 = arith.index_cast %swap3A_2082 : i32 to index
        %swap3A_2084 = arith.constant 16 : index
        %swap3A_2085 = tpu.vector_load %arg11[%swap3A_2083, %swap3A_2084] {strides = array<i32>} : memref<80x64xf32, #tpu.memory_space<vmem>>, vector<16xf32>,
        tpu.vector_store %arg11[%swap3A_2083, %swap3A_2084], %mul3A_2081 {strides = array<i32>} : memref<80x64xf32, #tpu.memory_space<vmem>>, vector<16xf32>,
        %get3A_2086 = arith.constant 45 : i32
        %get3A_2087 = arith.index_cast %get3A_2086 : i32 to index
        %get3A_2088 = arith.constant 32 : index
        %get3A_2089 = tpu.vector_load %arg11[%get3A_2087, %get3A_2088] {strides = array<i32>} : memref<80x64xf32, #tpu.memory_space<vmem>>, vector<16xf32>,
        %mul3A_2090 = vector.broadcast %squeeze3A_2065 : f32 to vector<16xf32>
        %mul3A_2091 = arith.mulf %get3A_2089, %mul3A_2090 : vector<16xf32>
        %swap3A_2092 = arith.constant 45 : i32
        %swap3A_2093 = arith.index_cast %swap3A_2092 : i32 to index
        %swap3A_2094 = arith.constant 32 : index
        %swap3A_2095 = tpu.vector_load %arg11[%swap3A_2093, %swap3A_2094] {strides = array<i32>} : memref<80x64xf32, #tpu.memory_space<vmem>>, vector<16xf32>,
        tpu.vector_store %arg11[%swap3A_2093, %swap3A_2094], %mul3A_2091 {strides = array<i32>} : memref<80x64xf32, #tpu.memory_space<vmem>>, vector<16xf32>,
        %get3A_2096 = arith.constant 45 : i32
        %get3A_2097 = arith.index_cast %get3A_2096 : i32 to index
        %get3A_2098 = arith.constant 48 : index
        %get3A_2099 = tpu.vector_load %arg11[%get3A_2097, %get3A_2098] {strides = array<i32>} : memref<80x64xf32, #tpu.memory_space<vmem>>, vector<16xf32>,
        %mul3A_2100 = vector.broadcast %squeeze3A_2065 : f32 to vector<16xf32>
        %mul3A_2101 = arith.mulf %get3A_2099, %mul3A_2100 : vector<16xf32>
        %swap3A_2102 = arith.constant 45 : i32
        %swap3A_2103 = arith.index_cast %swap3A_2102 : i32 to index
        %swap3A_2104 = arith.constant 48 : index
        %swap3A_2105 = tpu.vector_load %arg11[%swap3A_2103, %swap3A_2104] {strides = array<i32>} : memref<80x64xf32, #tpu.memory_space<vmem>>, vector<16xf32>,
        tpu.vector_store %arg11[%swap3A_2103, %swap3A_2104], %mul3A_2101 {strides = array<i32>} : memref<80x64xf32, #tpu.memory_space<vmem>>, vector<16xf32>,
        %slice3A_2106 = vector.extract_strided_slice %get3A_1517 {offsets = [14], sizes = [1], strides = [1]} : vector<16xf32> to vector<1xf32>
        %squeeze3A_2107 = vector.extract %slice3A_2106[0] : f32 from vector<1xf32>
        %get3A_2108 = arith.constant 46 : i32
        %get3A_2109 = arith.index_cast %get3A_2108 : i32 to index
        %get3A_2110 = arith.constant 0 : index
        %get3A_2111 = tpu.vector_load %arg11[%get3A_2109, %get3A_2110] {strides = array<i32>} : memref<80x64xf32, #tpu.memory_space<vmem>>, vector<16xf32>,
        %mul3A_2112 = vector.broadcast %squeeze3A_2107 : f32 to vector<16xf32>
        %mul3A_2113 = arith.mulf %get3A_2111, %mul3A_2112 : vector<16xf32>
        %swap3A_2114 = arith.constant 46 : i32
        %swap3A_2115 = arith.index_cast %swap3A_2114 : i32 to index
        %swap3A_2116 = arith.constant 0 : index
        %swap3A_2117 = tpu.vector_load %arg11[%swap3A_2115, %swap3A_2116] {strides = array<i32>} : memref<80x64xf32, #tpu.memory_space<vmem>>, vector<16xf32>,
        tpu.vector_store %arg11[%swap3A_2115, %swap3A_2116], %mul3A_2113 {strides = array<i32>} : memref<80x64xf32, #tpu.memory_space<vmem>>, vector<16xf32>,
        %get3A_2118 = arith.constant 46 : i32
        %get3A_2119 = arith.index_cast %get3A_2118 : i32 to index
        %get3A_2120 = arith.constant 16 : index
        %get3A_2121 = tpu.vector_load %arg11[%get3A_2119, %get3A_2120] {strides = array<i32>} : memref<80x64xf32, #tpu.memory_space<vmem>>, vector<16xf32>,
        %mul3A_2122 = vector.broadcast %squeeze3A_2107 : f32 to vector<16xf32>
        %mul3A_2123 = arith.mulf %get3A_2121, %mul3A_2122 : vector<16xf32>
        %swap3A_2124 = arith.constant 46 : i32
        %swap3A_2125 = arith.index_cast %swap3A_2124 : i32 to index
        %swap3A_2126 = arith.constant 16 : index
        %swap3A_2127 = tpu.vector_load %arg11[%swap3A_2125, %swap3A_2126] {strides = array<i32>} : memref<80x64xf32, #tpu.memory_space<vmem>>, vector<16xf32>,
        tpu.vector_store %arg11[%swap3A_2125, %swap3A_2126], %mul3A_2123 {strides = array<i32>} : memref<80x64xf32, #tpu.memory_space<vmem>>, vector<16xf32>,
        %get3A_2128 = arith.constant 46 : i32
        %get3A_2129 = arith.index_cast %get3A_2128 : i32 to index
        %get3A_2130 = arith.constant 32 : index
        %get3A_2131 = tpu.vector_load %arg11[%get3A_2129, %get3A_2130] {strides = array<i32>} : memref<80x64xf32, #tpu.memory_space<vmem>>, vector<16xf32>,
        %mul3A_2132 = vector.broadcast %squeeze3A_2107 : f32 to vector<16xf32>
        %mul3A_2133 = arith.mulf %get3A_2131, %mul3A_2132 : vector<16xf32>
        %swap3A_2134 = arith.constant 46 : i32
        %swap3A_2135 = arith.index_cast %swap3A_2134 : i32 to index
        %swap3A_2136 = arith.constant 32 : index
        %swap3A_2137 = tpu.vector_load %arg11[%swap3A_2135, %swap3A_2136] {strides = array<i32>} : memref<80x64xf32, #tpu.memory_space<vmem>>, vector<16xf32>,
        tpu.vector_store %arg11[%swap3A_2135, %swap3A_2136], %mul3A_2133 {strides = array<i32>} : memref<80x64xf32, #tpu.memory_space<vmem>>, vector<16xf32>,
        %get3A_2138 = arith.constant 46 : i32
        %get3A_2139 = arith.index_cast %get3A_2138 : i32 to index
        %get3A_2140 = arith.constant 48 : index
        %get3A_2141 = tpu.vector_load %arg11[%get3A_2139, %get3A_2140] {strides = array<i32>} : memref<80x64xf32, #tpu.memory_space<vmem>>, vector<16xf32>,
        %mul3A_2142 = vector.broadcast %squeeze3A_2107 : f32 to vector<16xf32>
        %mul3A_2143 = arith.mulf %get3A_2141, %mul3A_2142 : vector<16xf32>
        %swap3A_2144 = arith.constant 46 : i32
        %swap3A_2145 = arith.index_cast %swap3A_2144 : i32 to index
        %swap3A_2146 = arith.constant 48 : index
        %swap3A_2147 = tpu.vector_load %arg11[%swap3A_2145, %swap3A_2146] {strides = array<i32>} : memref<80x64xf32, #tpu.memory_space<vmem>>, vector<16xf32>,
        tpu.vector_store %arg11[%swap3A_2145, %swap3A_2146], %mul3A_2143 {strides = array<i32>} : memref<80x64xf32, #tpu.memory_space<vmem>>, vector<16xf32>,
        %slice3A_2148 = vector.extract_strided_slice %get3A_1517 {offsets = [15], sizes = [1], strides = [1]} : vector<16xf32> to vector<1xf32>
        %squeeze3A_2149 = vector.extract %slice3A_2148[0] : f32 from vector<1xf32>
        %get3A_2150 = arith.constant 47 : i32
        %get3A_2151 = arith.index_cast %get3A_2150 : i32 to index
        %get3A_2152 = arith.constant 0 : index
        %get3A_2153 = tpu.vector_load %arg11[%get3A_2151, %get3A_2152] {strides = array<i32>} : memref<80x64xf32, #tpu.memory_space<vmem>>, vector<16xf32>,
        %mul3A_2154 = vector.broadcast %squeeze3A_2149 : f32 to vector<16xf32>
        %mul3A_2155 = arith.mulf %get3A_2153, %mul3A_2154 : vector<16xf32>
        %swap3A_2156 = arith.constant 47 : i32
        %swap3A_2157 = arith.index_cast %swap3A_2156 : i32 to index
        %swap3A_2158 = arith.constant 0 : index
        %swap3A_2159 = tpu.vector_load %arg11[%swap3A_2157, %swap3A_2158] {strides = array<i32>} : memref<80x64xf32, #tpu.memory_space<vmem>>, vector<16xf32>,
        tpu.vector_store %arg11[%swap3A_2157, %swap3A_2158], %mul3A_2155 {strides = array<i32>} : memref<80x64xf32, #tpu.memory_space<vmem>>, vector<16xf32>,
        %get3A_2160 = arith.constant 47 : i32
        %get3A_2161 = arith.index_cast %get3A_2160 : i32 to index
        %get3A_2162 = arith.constant 16 : index
        %get3A_2163 = tpu.vector_load %arg11[%get3A_2161, %get3A_2162] {strides = array<i32>} : memref<80x64xf32, #tpu.memory_space<vmem>>, vector<16xf32>,
        %mul3A_2164 = vector.broadcast %squeeze3A_2149 : f32 to vector<16xf32>
        %mul3A_2165 = arith.mulf %get3A_2163, %mul3A_2164 : vector<16xf32>
        %swap3A_2166 = arith.constant 47 : i32
        %swap3A_2167 = arith.index_cast %swap3A_2166 : i32 to index
        %swap3A_2168 = arith.constant 16 : index
        %swap3A_2169 = tpu.vector_load %arg11[%swap3A_2167, %swap3A_2168] {strides = array<i32>} : memref<80x64xf32, #tpu.memory_space<vmem>>, vector<16xf32>,
        tpu.vector_store %arg11[%swap3A_2167, %swap3A_2168], %mul3A_2165 {strides = array<i32>} : memref<80x64xf32, #tpu.memory_space<vmem>>, vector<16xf32>,
        %get3A_2170 = arith.constant 47 : i32
        %get3A_2171 = arith.index_cast %get3A_2170 : i32 to index
        %get3A_2172 = arith.constant 32 : index
        %get3A_2173 = tpu.vector_load %arg11[%get3A_2171, %get3A_2172] {strides = array<i32>} : memref<80x64xf32, #tpu.memory_space<vmem>>, vector<16xf32>,
        %mul3A_2174 = vector.broadcast %squeeze3A_2149 : f32 to vector<16xf32>
        %mul3A_2175 = arith.mulf %get3A_2173, %mul3A_2174 : vector<16xf32>
        %swap3A_2176 = arith.constant 47 : i32
        %swap3A_2177 = arith.index_cast %swap3A_2176 : i32 to index
        %swap3A_2178 = arith.constant 32 : index
        %swap3A_2179 = tpu.vector_load %arg11[%swap3A_2177, %swap3A_2178] {strides = array<i32>} : memref<80x64xf32, #tpu.memory_space<vmem>>, vector<16xf32>,
        tpu.vector_store %arg11[%swap3A_2177, %swap3A_2178], %mul3A_2175 {strides = array<i32>} : memref<80x64xf32, #tpu.memory_space<vmem>>, vector<16xf32>,
        %get3A_2180 = arith.constant 47 : i32
        %get3A_2181 = arith.index_cast %get3A_2180 : i32 to index
        %get3A_2182 = arith.constant 48 : index
        %get3A_2183 = tpu.vector_load %arg11[%get3A_2181, %get3A_2182] {strides = array<i32>} : memref<80x64xf32, #tpu.memory_space<vmem>>, vector<16xf32>,
        %mul3A_2184 = vector.broadcast %squeeze3A_2149 : f32 to vector<16xf32>
        %mul3A_2185 = arith.mulf %get3A_2183, %mul3A_2184 : vector<16xf32>
        %swap3A_2186 = arith.constant 47 : i32
        %swap3A_2187 = arith.index_cast %swap3A_2186 : i32 to index
        %swap3A_2188 = arith.constant 48 : index
        %swap3A_2189 = tpu.vector_load %arg11[%swap3A_2187, %swap3A_2188] {strides = array<i32>} : memref<80x64xf32, #tpu.memory_space<vmem>>, vector<16xf32>,
        tpu.vector_store %arg11[%swap3A_2187, %swap3A_2188], %mul3A_2185 {strides = array<i32>} : memref<80x64xf32, #tpu.memory_space<vmem>>, vector<16xf32>,
        %mul3A_2190 = arith.constant 80 : i32
        %mul3A_2191 = arith.muli %scan3A_152, %mul3A_2190 : i32
        %add3A_2192 = arith.constant 48 : i32
        %add3A_2193 = arith.addi %mul3A_2191, %add3A_2192 : i32
        %get3A_2194 = arith.index_cast %add3A_2193 : i32 to index
        %get3A_2195 = tpu.vector_load %arg13[%get3A_2194] {strides = array<i32>} : memref<640xf32, #tpu.memory_space<vmem>>, vector<16xf32>,
        %slice3A_2196 = vector.extract_strided_slice %get3A_2195 {offsets = [0], sizes = [1], strides = [1]} : vector<16xf32> to vector<1xf32>
        %squeeze3A_2197 = vector.extract %slice3A_2196[0] : f32 from vector<1xf32>
        %get3A_2198 = arith.constant 48 : i32
        %get3A_2199 = arith.index_cast %get3A_2198 : i32 to index
        %get3A_2200 = arith.constant 0 : index
        %get3A_2201 = tpu.vector_load %arg11[%get3A_2199, %get3A_2200] {strides = array<i32>} : memref<80x64xf32, #tpu.memory_space<vmem>>, vector<16xf32>,
        %mul3A_2202 = vector.broadcast %squeeze3A_2197 : f32 to vector<16xf32>
        %mul3A_2203 = arith.mulf %get3A_2201, %mul3A_2202 : vector<16xf32>
        %swap3A_2204 = arith.constant 48 : i32
        %swap3A_2205 = arith.index_cast %swap3A_2204 : i32 to index
        %swap3A_2206 = arith.constant 0 : index
        %swap3A_2207 = tpu.vector_load %arg11[%swap3A_2205, %swap3A_2206] {strides = array<i32>} : memref<80x64xf32, #tpu.memory_space<vmem>>, vector<16xf32>,
        tpu.vector_store %arg11[%swap3A_2205, %swap3A_2206], %mul3A_2203 {strides = array<i32>} : memref<80x64xf32, #tpu.memory_space<vmem>>, vector<16xf32>,
        %get3A_2208 = arith.constant 48 : i32
        %get3A_2209 = arith.index_cast %get3A_2208 : i32 to index
        %get3A_2210 = arith.constant 16 : index
        %get3A_2211 = tpu.vector_load %arg11[%get3A_2209, %get3A_2210] {strides = array<i32>} : memref<80x64xf32, #tpu.memory_space<vmem>>, vector<16xf32>,
        %mul3A_2212 = vector.broadcast %squeeze3A_2197 : f32 to vector<16xf32>
        %mul3A_2213 = arith.mulf %get3A_2211, %mul3A_2212 : vector<16xf32>
        %swap3A_2214 = arith.constant 48 : i32
        %swap3A_2215 = arith.index_cast %swap3A_2214 : i32 to index
        %swap3A_2216 = arith.constant 16 : index
        %swap3A_2217 = tpu.vector_load %arg11[%swap3A_2215, %swap3A_2216] {strides = array<i32>} : memref<80x64xf32, #tpu.memory_space<vmem>>, vector<16xf32>,
        tpu.vector_store %arg11[%swap3A_2215, %swap3A_2216], %mul3A_2213 {strides = array<i32>} : memref<80x64xf32, #tpu.memory_space<vmem>>, vector<16xf32>,
        %get3A_2218 = arith.constant 48 : i32
        %get3A_2219 = arith.index_cast %get3A_2218 : i32 to index
        %get3A_2220 = arith.constant 32 : index
        %get3A_2221 = tpu.vector_load %arg11[%get3A_2219, %get3A_2220] {strides = array<i32>} : memref<80x64xf32, #tpu.memory_space<vmem>>, vector<16xf32>,
        %mul3A_2222 = vector.broadcast %squeeze3A_2197 : f32 to vector<16xf32>
        %mul3A_2223 = arith.mulf %get3A_2221, %mul3A_2222 : vector<16xf32>
        %swap3A_2224 = arith.constant 48 : i32
        %swap3A_2225 = arith.index_cast %swap3A_2224 : i32 to index
        %swap3A_2226 = arith.constant 32 : index
        %swap3A_2227 = tpu.vector_load %arg11[%swap3A_2225, %swap3A_2226] {strides = array<i32>} : memref<80x64xf32, #tpu.memory_space<vmem>>, vector<16xf32>,
        tpu.vector_store %arg11[%swap3A_2225, %swap3A_2226], %mul3A_2223 {strides = array<i32>} : memref<80x64xf32, #tpu.memory_space<vmem>>, vector<16xf32>,
        %get3A_2228 = arith.constant 48 : i32
        %get3A_2229 = arith.index_cast %get3A_2228 : i32 to index
        %get3A_2230 = arith.constant 48 : index
        %get3A_2231 = tpu.vector_load %arg11[%get3A_2229, %get3A_2230] {strides = array<i32>} : memref<80x64xf32, #tpu.memory_space<vmem>>, vector<16xf32>,
        %mul3A_2232 = vector.broadcast %squeeze3A_2197 : f32 to vector<16xf32>
        %mul3A_2233 = arith.mulf %get3A_2231, %mul3A_2232 : vector<16xf32>
        %swap3A_2234 = arith.constant 48 : i32
        %swap3A_2235 = arith.index_cast %swap3A_2234 : i32 to index
        %swap3A_2236 = arith.constant 48 : index
        %swap3A_2237 = tpu.vector_load %arg11[%swap3A_2235, %swap3A_2236] {strides = array<i32>} : memref<80x64xf32, #tpu.memory_space<vmem>>, vector<16xf32>,
        tpu.vector_store %arg11[%swap3A_2235, %swap3A_2236], %mul3A_2233 {strides = array<i32>} : memref<80x64xf32, #tpu.memory_space<vmem>>, vector<16xf32>,
        %slice3A_2238 = vector.extract_strided_slice %get3A_2195 {offsets = [1], sizes = [1], strides = [1]} : vector<16xf32> to vector<1xf32>
        %squeeze3A_2239 = vector.extract %slice3A_2238[0] : f32 from vector<1xf32>
        %get3A_2240 = arith.constant 49 : i32
        %get3A_2241 = arith.index_cast %get3A_2240 : i32 to index
        %get3A_2242 = arith.constant 0 : index
        %get3A_2243 = tpu.vector_load %arg11[%get3A_2241, %get3A_2242] {strides = array<i32>} : memref<80x64xf32, #tpu.memory_space<vmem>>, vector<16xf32>,
        %mul3A_2244 = vector.broadcast %squeeze3A_2239 : f32 to vector<16xf32>
        %mul3A_2245 = arith.mulf %get3A_2243, %mul3A_2244 : vector<16xf32>
        %swap3A_2246 = arith.constant 49 : i32
        %swap3A_2247 = arith.index_cast %swap3A_2246 : i32 to index
        %swap3A_2248 = arith.constant 0 : index
        %swap3A_2249 = tpu.vector_load %arg11[%swap3A_2247, %swap3A_2248] {strides = array<i32>} : memref<80x64xf32, #tpu.memory_space<vmem>>, vector<16xf32>,
        tpu.vector_store %arg11[%swap3A_2247, %swap3A_2248], %mul3A_2245 {strides = array<i32>} : memref<80x64xf32, #tpu.memory_space<vmem>>, vector<16xf32>,
        %get3A_2250 = arith.constant 49 : i32
        %get3A_2251 = arith.index_cast %get3A_2250 : i32 to index
        %get3A_2252 = arith.constant 16 : index
        %get3A_2253 = tpu.vector_load %arg11[%get3A_2251, %get3A_2252] {strides = array<i32>} : memref<80x64xf32, #tpu.memory_space<vmem>>, vector<16xf32>,
        %mul3A_2254 = vector.broadcast %squeeze3A_2239 : f32 to vector<16xf32>
        %mul3A_2255 = arith.mulf %get3A_2253, %mul3A_2254 : vector<16xf32>
        %swap3A_2256 = arith.constant 49 : i32
        %swap3A_2257 = arith.index_cast %swap3A_2256 : i32 to index
        %swap3A_2258 = arith.constant 16 : index
        %swap3A_2259 = tpu.vector_load %arg11[%swap3A_2257, %swap3A_2258] {strides = array<i32>} : memref<80x64xf32, #tpu.memory_space<vmem>>, vector<16xf32>,
        tpu.vector_store %arg11[%swap3A_2257, %swap3A_2258], %mul3A_2255 {strides = array<i32>} : memref<80x64xf32, #tpu.memory_space<vmem>>, vector<16xf32>,
        %get3A_2260 = arith.constant 49 : i32
        %get3A_2261 = arith.index_cast %get3A_2260 : i32 to index
        %get3A_2262 = arith.constant 32 : index
        %get3A_2263 = tpu.vector_load %arg11[%get3A_2261, %get3A_2262] {strides = array<i32>} : memref<80x64xf32, #tpu.memory_space<vmem>>, vector<16xf32>,
        %mul3A_2264 = vector.broadcast %squeeze3A_2239 : f32 to vector<16xf32>
        %mul3A_2265 = arith.mulf %get3A_2263, %mul3A_2264 : vector<16xf32>
        %swap3A_2266 = arith.constant 49 : i32
        %swap3A_2267 = arith.index_cast %swap3A_2266 : i32 to index
        %swap3A_2268 = arith.constant 32 : index
        %swap3A_2269 = tpu.vector_load %arg11[%swap3A_2267, %swap3A_2268] {strides = array<i32>} : memref<80x64xf32, #tpu.memory_space<vmem>>, vector<16xf32>,
        tpu.vector_store %arg11[%swap3A_2267, %swap3A_2268], %mul3A_2265 {strides = array<i32>} : memref<80x64xf32, #tpu.memory_space<vmem>>, vector<16xf32>,
        %get3A_2270 = arith.constant 49 : i32
        %get3A_2271 = arith.index_cast %get3A_2270 : i32 to index
        %get3A_2272 = arith.constant 48 : index
        %get3A_2273 = tpu.vector_load %arg11[%get3A_2271, %get3A_2272] {strides = array<i32>} : memref<80x64xf32, #tpu.memory_space<vmem>>, vector<16xf32>,
        %mul3A_2274 = vector.broadcast %squeeze3A_2239 : f32 to vector<16xf32>
        %mul3A_2275 = arith.mulf %get3A_2273, %mul3A_2274 : vector<16xf32>
        %swap3A_2276 = arith.constant 49 : i32
        %swap3A_2277 = arith.index_cast %swap3A_2276 : i32 to index
        %swap3A_2278 = arith.constant 48 : index
        %swap3A_2279 = tpu.vector_load %arg11[%swap3A_2277, %swap3A_2278] {strides = array<i32>} : memref<80x64xf32, #tpu.memory_space<vmem>>, vector<16xf32>,
        tpu.vector_store %arg11[%swap3A_2277, %swap3A_2278], %mul3A_2275 {strides = array<i32>} : memref<80x64xf32, #tpu.memory_space<vmem>>, vector<16xf32>,
        %slice3A_2280 = vector.extract_strided_slice %get3A_2195 {offsets = [2], sizes = [1], strides = [1]} : vector<16xf32> to vector<1xf32>
        %squeeze3A_2281 = vector.extract %slice3A_2280[0] : f32 from vector<1xf32>
        %get3A_2282 = arith.constant 50 : i32
        %get3A_2283 = arith.index_cast %get3A_2282 : i32 to index
        %get3A_2284 = arith.constant 0 : index
        %get3A_2285 = tpu.vector_load %arg11[%get3A_2283, %get3A_2284] {strides = array<i32>} : memref<80x64xf32, #tpu.memory_space<vmem>>, vector<16xf32>,
        %mul3A_2286 = vector.broadcast %squeeze3A_2281 : f32 to vector<16xf32>
        %mul3A_2287 = arith.mulf %get3A_2285, %mul3A_2286 : vector<16xf32>
        %swap3A_2288 = arith.constant 50 : i32
        %swap3A_2289 = arith.index_cast %swap3A_2288 : i32 to index
        %swap3A_2290 = arith.constant 0 : index
        %swap3A_2291 = tpu.vector_load %arg11[%swap3A_2289, %swap3A_2290] {strides = array<i32>} : memref<80x64xf32, #tpu.memory_space<vmem>>, vector<16xf32>,
        tpu.vector_store %arg11[%swap3A_2289, %swap3A_2290], %mul3A_2287 {strides = array<i32>} : memref<80x64xf32, #tpu.memory_space<vmem>>, vector<16xf32>,
        %get3A_2292 = arith.constant 50 : i32
        %get3A_2293 = arith.index_cast %get3A_2292 : i32 to index
        %get3A_2294 = arith.constant 16 : index
        %get3A_2295 = tpu.vector_load %arg11[%get3A_2293, %get3A_2294] {strides = array<i32>} : memref<80x64xf32, #tpu.memory_space<vmem>>, vector<16xf32>,
        %mul3A_2296 = vector.broadcast %squeeze3A_2281 : f32 to vector<16xf32>
        %mul3A_2297 = arith.mulf %get3A_2295, %mul3A_2296 : vector<16xf32>
        %swap3A_2298 = arith.constant 50 : i32
        %swap3A_2299 = arith.index_cast %swap3A_2298 : i32 to index
        %swap3A_2300 = arith.constant 16 : index
        %swap3A_2301 = tpu.vector_load %arg11[%swap3A_2299, %swap3A_2300] {strides = array<i32>} : memref<80x64xf32, #tpu.memory_space<vmem>>, vector<16xf32>,
        tpu.vector_store %arg11[%swap3A_2299, %swap3A_2300], %mul3A_2297 {strides = array<i32>} : memref<80x64xf32, #tpu.memory_space<vmem>>, vector<16xf32>,
        %get3A_2302 = arith.constant 50 : i32
        %get3A_2303 = arith.index_cast %get3A_2302 : i32 to index
        %get3A_2304 = arith.constant 32 : index
        %get3A_2305 = tpu.vector_load %arg11[%get3A_2303, %get3A_2304] {strides = array<i32>} : memref<80x64xf32, #tpu.memory_space<vmem>>, vector<16xf32>,
        %mul3A_2306 = vector.broadcast %squeeze3A_2281 : f32 to vector<16xf32>
        %mul3A_2307 = arith.mulf %get3A_2305, %mul3A_2306 : vector<16xf32>
        %swap3A_2308 = arith.constant 50 : i32
        %swap3A_2309 = arith.index_cast %swap3A_2308 : i32 to index
        %swap3A_2310 = arith.constant 32 : index
        %swap3A_2311 = tpu.vector_load %arg11[%swap3A_2309, %swap3A_2310] {strides = array<i32>} : memref<80x64xf32, #tpu.memory_space<vmem>>, vector<16xf32>,
        tpu.vector_store %arg11[%swap3A_2309, %swap3A_2310], %mul3A_2307 {strides = array<i32>} : memref<80x64xf32, #tpu.memory_space<vmem>>, vector<16xf32>,
        %get3A_2312 = arith.constant 50 : i32
        %get3A_2313 = arith.index_cast %get3A_2312 : i32 to index
        %get3A_2314 = arith.constant 48 : index
        %get3A_2315 = tpu.vector_load %arg11[%get3A_2313, %get3A_2314] {strides = array<i32>} : memref<80x64xf32, #tpu.memory_space<vmem>>, vector<16xf32>,
        %mul3A_2316 = vector.broadcast %squeeze3A_2281 : f32 to vector<16xf32>
        %mul3A_2317 = arith.mulf %get3A_2315, %mul3A_2316 : vector<16xf32>
        %swap3A_2318 = arith.constant 50 : i32
        %swap3A_2319 = arith.index_cast %swap3A_2318 : i32 to index
        %swap3A_2320 = arith.constant 48 : index
        %swap3A_2321 = tpu.vector_load %arg11[%swap3A_2319, %swap3A_2320] {strides = array<i32>} : memref<80x64xf32, #tpu.memory_space<vmem>>, vector<16xf32>,
        tpu.vector_store %arg11[%swap3A_2319, %swap3A_2320], %mul3A_2317 {strides = array<i32>} : memref<80x64xf32, #tpu.memory_space<vmem>>, vector<16xf32>,
        %slice3A_2322 = vector.extract_strided_slice %get3A_2195 {offsets = [3], sizes = [1], strides = [1]} : vector<16xf32> to vector<1xf32>
        %squeeze3A_2323 = vector.extract %slice3A_2322[0] : f32 from vector<1xf32>
        %get3A_2324 = arith.constant 51 : i32
        %get3A_2325 = arith.index_cast %get3A_2324 : i32 to index
        %get3A_2326 = arith.constant 0 : index
        %get3A_2327 = tpu.vector_load %arg11[%get3A_2325, %get3A_2326] {strides = array<i32>} : memref<80x64xf32, #tpu.memory_space<vmem>>, vector<16xf32>,
        %mul3A_2328 = vector.broadcast %squeeze3A_2323 : f32 to vector<16xf32>
        %mul3A_2329 = arith.mulf %get3A_2327, %mul3A_2328 : vector<16xf32>
        %swap3A_2330 = arith.constant 51 : i32
        %swap3A_2331 = arith.index_cast %swap3A_2330 : i32 to index
        %swap3A_2332 = arith.constant 0 : index
        %swap3A_2333 = tpu.vector_load %arg11[%swap3A_2331, %swap3A_2332] {strides = array<i32>} : memref<80x64xf32, #tpu.memory_space<vmem>>, vector<16xf32>,
        tpu.vector_store %arg11[%swap3A_2331, %swap3A_2332], %mul3A_2329 {strides = array<i32>} : memref<80x64xf32, #tpu.memory_space<vmem>>, vector<16xf32>,
        %get3A_2334 = arith.constant 51 : i32
        %get3A_2335 = arith.index_cast %get3A_2334 : i32 to index
        %get3A_2336 = arith.constant 16 : index
        %get3A_2337 = tpu.vector_load %arg11[%get3A_2335, %get3A_2336] {strides = array<i32>} : memref<80x64xf32, #tpu.memory_space<vmem>>, vector<16xf32>,
        %mul3A_2338 = vector.broadcast %squeeze3A_2323 : f32 to vector<16xf32>
        %mul3A_2339 = arith.mulf %get3A_2337, %mul3A_2338 : vector<16xf32>
        %swap3A_2340 = arith.constant 51 : i32
        %swap3A_2341 = arith.index_cast %swap3A_2340 : i32 to index
        %swap3A_2342 = arith.constant 16 : index
        %swap3A_2343 = tpu.vector_load %arg11[%swap3A_2341, %swap3A_2342] {strides = array<i32>} : memref<80x64xf32, #tpu.memory_space<vmem>>, vector<16xf32>,
        tpu.vector_store %arg11[%swap3A_2341, %swap3A_2342], %mul3A_2339 {strides = array<i32>} : memref<80x64xf32, #tpu.memory_space<vmem>>, vector<16xf32>,
        %get3A_2344 = arith.constant 51 : i32
        %get3A_2345 = arith.index_cast %get3A_2344 : i32 to index
        %get3A_2346 = arith.constant 32 : index
        %get3A_2347 = tpu.vector_load %arg11[%get3A_2345, %get3A_2346] {strides = array<i32>} : memref<80x64xf32, #tpu.memory_space<vmem>>, vector<16xf32>,
        %mul3A_2348 = vector.broadcast %squeeze3A_2323 : f32 to vector<16xf32>
        %mul3A_2349 = arith.mulf %get3A_2347, %mul3A_2348 : vector<16xf32>
        %swap3A_2350 = arith.constant 51 : i32
        %swap3A_2351 = arith.index_cast %swap3A_2350 : i32 to index
        %swap3A_2352 = arith.constant 32 : index
        %swap3A_2353 = tpu.vector_load %arg11[%swap3A_2351, %swap3A_2352] {strides = array<i32>} : memref<80x64xf32, #tpu.memory_space<vmem>>, vector<16xf32>,
        tpu.vector_store %arg11[%swap3A_2351, %swap3A_2352], %mul3A_2349 {strides = array<i32>} : memref<80x64xf32, #tpu.memory_space<vmem>>, vector<16xf32>,
        %get3A_2354 = arith.constant 51 : i32
        %get3A_2355 = arith.index_cast %get3A_2354 : i32 to index
        %get3A_2356 = arith.constant 48 : index
        %get3A_2357 = tpu.vector_load %arg11[%get3A_2355, %get3A_2356] {strides = array<i32>} : memref<80x64xf32, #tpu.memory_space<vmem>>, vector<16xf32>,
        %mul3A_2358 = vector.broadcast %squeeze3A_2323 : f32 to vector<16xf32>
        %mul3A_2359 = arith.mulf %get3A_2357, %mul3A_2358 : vector<16xf32>
        %swap3A_2360 = arith.constant 51 : i32
        %swap3A_2361 = arith.index_cast %swap3A_2360 : i32 to index
        %swap3A_2362 = arith.constant 48 : index
        %swap3A_2363 = tpu.vector_load %arg11[%swap3A_2361, %swap3A_2362] {strides = array<i32>} : memref<80x64xf32, #tpu.memory_space<vmem>>, vector<16xf32>,
        tpu.vector_store %arg11[%swap3A_2361, %swap3A_2362], %mul3A_2359 {strides = array<i32>} : memref<80x64xf32, #tpu.memory_space<vmem>>, vector<16xf32>,
        %slice3A_2364 = vector.extract_strided_slice %get3A_2195 {offsets = [4], sizes = [1], strides = [1]} : vector<16xf32> to vector<1xf32>
        %squeeze3A_2365 = vector.extract %slice3A_2364[0] : f32 from vector<1xf32>
        %get3A_2366 = arith.constant 52 : i32
        %get3A_2367 = arith.index_cast %get3A_2366 : i32 to index
        %get3A_2368 = arith.constant 0 : index
        %get3A_2369 = tpu.vector_load %arg11[%get3A_2367, %get3A_2368] {strides = array<i32>} : memref<80x64xf32, #tpu.memory_space<vmem>>, vector<16xf32>,
        %mul3A_2370 = vector.broadcast %squeeze3A_2365 : f32 to vector<16xf32>
        %mul3A_2371 = arith.mulf %get3A_2369, %mul3A_2370 : vector<16xf32>
        %swap3A_2372 = arith.constant 52 : i32
        %swap3A_2373 = arith.index_cast %swap3A_2372 : i32 to index
        %swap3A_2374 = arith.constant 0 : index
        %swap3A_2375 = tpu.vector_load %arg11[%swap3A_2373, %swap3A_2374] {strides = array<i32>} : memref<80x64xf32, #tpu.memory_space<vmem>>, vector<16xf32>,
        tpu.vector_store %arg11[%swap3A_2373, %swap3A_2374], %mul3A_2371 {strides = array<i32>} : memref<80x64xf32, #tpu.memory_space<vmem>>, vector<16xf32>,
        %get3A_2376 = arith.constant 52 : i32
        %get3A_2377 = arith.index_cast %get3A_2376 : i32 to index
        %get3A_2378 = arith.constant 16 : index
        %get3A_2379 = tpu.vector_load %arg11[%get3A_2377, %get3A_2378] {strides = array<i32>} : memref<80x64xf32, #tpu.memory_space<vmem>>, vector<16xf32>,
        %mul3A_2380 = vector.broadcast %squeeze3A_2365 : f32 to vector<16xf32>
        %mul3A_2381 = arith.mulf %get3A_2379, %mul3A_2380 : vector<16xf32>
        %swap3A_2382 = arith.constant 52 : i32
        %swap3A_2383 = arith.index_cast %swap3A_2382 : i32 to index
        %swap3A_2384 = arith.constant 16 : index
        %swap3A_2385 = tpu.vector_load %arg11[%swap3A_2383, %swap3A_2384] {strides = array<i32>} : memref<80x64xf32, #tpu.memory_space<vmem>>, vector<16xf32>,
        tpu.vector_store %arg11[%swap3A_2383, %swap3A_2384], %mul3A_2381 {strides = array<i32>} : memref<80x64xf32, #tpu.memory_space<vmem>>, vector<16xf32>,
        %get3A_2386 = arith.constant 52 : i32
        %get3A_2387 = arith.index_cast %get3A_2386 : i32 to index
        %get3A_2388 = arith.constant 32 : index
        %get3A_2389 = tpu.vector_load %arg11[%get3A_2387, %get3A_2388] {strides = array<i32>} : memref<80x64xf32, #tpu.memory_space<vmem>>, vector<16xf32>,
        %mul3A_2390 = vector.broadcast %squeeze3A_2365 : f32 to vector<16xf32>
        %mul3A_2391 = arith.mulf %get3A_2389, %mul3A_2390 : vector<16xf32>
        %swap3A_2392 = arith.constant 52 : i32
        %swap3A_2393 = arith.index_cast %swap3A_2392 : i32 to index
        %swap3A_2394 = arith.constant 32 : index
        %swap3A_2395 = tpu.vector_load %arg11[%swap3A_2393, %swap3A_2394] {strides = array<i32>} : memref<80x64xf32, #tpu.memory_space<vmem>>, vector<16xf32>,
        tpu.vector_store %arg11[%swap3A_2393, %swap3A_2394], %mul3A_2391 {strides = array<i32>} : memref<80x64xf32, #tpu.memory_space<vmem>>, vector<16xf32>,
        %get3A_2396 = arith.constant 52 : i32
        %get3A_2397 = arith.index_cast %get3A_2396 : i32 to index
        %get3A_2398 = arith.constant 48 : index
        %get3A_2399 = tpu.vector_load %arg11[%get3A_2397, %get3A_2398] {strides = array<i32>} : memref<80x64xf32, #tpu.memory_space<vmem>>, vector<16xf32>,
        %mul3A_2400 = vector.broadcast %squeeze3A_2365 : f32 to vector<16xf32>
        %mul3A_2401 = arith.mulf %get3A_2399, %mul3A_2400 : vector<16xf32>
        %swap3A_2402 = arith.constant 52 : i32
        %swap3A_2403 = arith.index_cast %swap3A_2402 : i32 to index
        %swap3A_2404 = arith.constant 48 : index
        %swap3A_2405 = tpu.vector_load %arg11[%swap3A_2403, %swap3A_2404] {strides = array<i32>} : memref<80x64xf32, #tpu.memory_space<vmem>>, vector<16xf32>,
        tpu.vector_store %arg11[%swap3A_2403, %swap3A_2404], %mul3A_2401 {strides = array<i32>} : memref<80x64xf32, #tpu.memory_space<vmem>>, vector<16xf32>,
        %slice3A_2406 = vector.extract_strided_slice %get3A_2195 {offsets = [5], sizes = [1], strides = [1]} : vector<16xf32> to vector<1xf32>
        %squeeze3A_2407 = vector.extract %slice3A_2406[0] : f32 from vector<1xf32>
        %get3A_2408 = arith.constant 53 : i32
        %get3A_2409 = arith.index_cast %get3A_2408 : i32 to index
        %get3A_2410 = arith.constant 0 : index
        %get3A_2411 = tpu.vector_load %arg11[%get3A_2409, %get3A_2410] {strides = array<i32>} : memref<80x64xf32, #tpu.memory_space<vmem>>, vector<16xf32>,
        %mul3A_2412 = vector.broadcast %squeeze3A_2407 : f32 to vector<16xf32>
        %mul3A_2413 = arith.mulf %get3A_2411, %mul3A_2412 : vector<16xf32>
        %swap3A_2414 = arith.constant 53 : i32
        %swap3A_2415 = arith.index_cast %swap3A_2414 : i32 to index
        %swap3A_2416 = arith.constant 0 : index
        %swap3A_2417 = tpu.vector_load %arg11[%swap3A_2415, %swap3A_2416] {strides = array<i32>} : memref<80x64xf32, #tpu.memory_space<vmem>>, vector<16xf32>,
        tpu.vector_store %arg11[%swap3A_2415, %swap3A_2416], %mul3A_2413 {strides = array<i32>} : memref<80x64xf32, #tpu.memory_space<vmem>>, vector<16xf32>,
        %get3A_2418 = arith.constant 53 : i32
        %get3A_2419 = arith.index_cast %get3A_2418 : i32 to index
        %get3A_2420 = arith.constant 16 : index
        %get3A_2421 = tpu.vector_load %arg11[%get3A_2419, %get3A_2420] {strides = array<i32>} : memref<80x64xf32, #tpu.memory_space<vmem>>, vector<16xf32>,
        %mul3A_2422 = vector.broadcast %squeeze3A_2407 : f32 to vector<16xf32>
        %mul3A_2423 = arith.mulf %get3A_2421, %mul3A_2422 : vector<16xf32>
        %swap3A_2424 = arith.constant 53 : i32
        %swap3A_2425 = arith.index_cast %swap3A_2424 : i32 to index
        %swap3A_2426 = arith.constant 16 : index
        %swap3A_2427 = tpu.vector_load %arg11[%swap3A_2425, %swap3A_2426] {strides = array<i32>} : memref<80x64xf32, #tpu.memory_space<vmem>>, vector<16xf32>,
        tpu.vector_store %arg11[%swap3A_2425, %swap3A_2426], %mul3A_2423 {strides = array<i32>} : memref<80x64xf32, #tpu.memory_space<vmem>>, vector<16xf32>,
        %get3A_2428 = arith.constant 53 : i32
        %get3A_2429 = arith.index_cast %get3A_2428 : i32 to index
        %get3A_2430 = arith.constant 32 : index
        %get3A_2431 = tpu.vector_load %arg11[%get3A_2429, %get3A_2430] {strides = array<i32>} : memref<80x64xf32, #tpu.memory_space<vmem>>, vector<16xf32>,
        %mul3A_2432 = vector.broadcast %squeeze3A_2407 : f32 to vector<16xf32>
        %mul3A_2433 = arith.mulf %get3A_2431, %mul3A_2432 : vector<16xf32>
        %swap3A_2434 = arith.constant 53 : i32
        %swap3A_2435 = arith.index_cast %swap3A_2434 : i32 to index
        %swap3A_2436 = arith.constant 32 : index
        %swap3A_2437 = tpu.vector_load %arg11[%swap3A_2435, %swap3A_2436] {strides = array<i32>} : memref<80x64xf32, #tpu.memory_space<vmem>>, vector<16xf32>,
        tpu.vector_store %arg11[%swap3A_2435, %swap3A_2436], %mul3A_2433 {strides = array<i32>} : memref<80x64xf32, #tpu.memory_space<vmem>>, vector<16xf32>,
        %get3A_2438 = arith.constant 53 : i32
        %get3A_2439 = arith.index_cast %get3A_2438 : i32 to index
        %get3A_2440 = arith.constant 48 : index
        %get3A_2441 = tpu.vector_load %arg11[%get3A_2439, %get3A_2440] {strides = array<i32>} : memref<80x64xf32, #tpu.memory_space<vmem>>, vector<16xf32>,
        %mul3A_2442 = vector.broadcast %squeeze3A_2407 : f32 to vector<16xf32>
        %mul3A_2443 = arith.mulf %get3A_2441, %mul3A_2442 : vector<16xf32>
        %swap3A_2444 = arith.constant 53 : i32
        %swap3A_2445 = arith.index_cast %swap3A_2444 : i32 to index
        %swap3A_2446 = arith.constant 48 : index
        %swap3A_2447 = tpu.vector_load %arg11[%swap3A_2445, %swap3A_2446] {strides = array<i32>} : memref<80x64xf32, #tpu.memory_space<vmem>>, vector<16xf32>,
        tpu.vector_store %arg11[%swap3A_2445, %swap3A_2446], %mul3A_2443 {strides = array<i32>} : memref<80x64xf32, #tpu.memory_space<vmem>>, vector<16xf32>,
        %slice3A_2448 = vector.extract_strided_slice %get3A_2195 {offsets = [6], sizes = [1], strides = [1]} : vector<16xf32> to vector<1xf32>
        %squeeze3A_2449 = vector.extract %slice3A_2448[0] : f32 from vector<1xf32>
        %get3A_2450 = arith.constant 54 : i32
        %get3A_2451 = arith.index_cast %get3A_2450 : i32 to index
        %get3A_2452 = arith.constant 0 : index
        %get3A_2453 = tpu.vector_load %arg11[%get3A_2451, %get3A_2452] {strides = array<i32>} : memref<80x64xf32, #tpu.memory_space<vmem>>, vector<16xf32>,
        %mul3A_2454 = vector.broadcast %squeeze3A_2449 : f32 to vector<16xf32>
        %mul3A_2455 = arith.mulf %get3A_2453, %mul3A_2454 : vector<16xf32>
        %swap3A_2456 = arith.constant 54 : i32
        %swap3A_2457 = arith.index_cast %swap3A_2456 : i32 to index
        %swap3A_2458 = arith.constant 0 : index
        %swap3A_2459 = tpu.vector_load %arg11[%swap3A_2457, %swap3A_2458] {strides = array<i32>} : memref<80x64xf32, #tpu.memory_space<vmem>>, vector<16xf32>,
        tpu.vector_store %arg11[%swap3A_2457, %swap3A_2458], %mul3A_2455 {strides = array<i32>} : memref<80x64xf32, #tpu.memory_space<vmem>>, vector<16xf32>,
        %get3A_2460 = arith.constant 54 : i32
        %get3A_2461 = arith.index_cast %get3A_2460 : i32 to index
        %get3A_2462 = arith.constant 16 : index
        %get3A_2463 = tpu.vector_load %arg11[%get3A_2461, %get3A_2462] {strides = array<i32>} : memref<80x64xf32, #tpu.memory_space<vmem>>, vector<16xf32>,
        %mul3A_2464 = vector.broadcast %squeeze3A_2449 : f32 to vector<16xf32>
        %mul3A_2465 = arith.mulf %get3A_2463, %mul3A_2464 : vector<16xf32>
        %swap3A_2466 = arith.constant 54 : i32
        %swap3A_2467 = arith.index_cast %swap3A_2466 : i32 to index
        %swap3A_2468 = arith.constant 16 : index
        %swap3A_2469 = tpu.vector_load %arg11[%swap3A_2467, %swap3A_2468] {strides = array<i32>} : memref<80x64xf32, #tpu.memory_space<vmem>>, vector<16xf32>,
        tpu.vector_store %arg11[%swap3A_2467, %swap3A_2468], %mul3A_2465 {strides = array<i32>} : memref<80x64xf32, #tpu.memory_space<vmem>>, vector<16xf32>,
        %get3A_2470 = arith.constant 54 : i32
        %get3A_2471 = arith.index_cast %get3A_2470 : i32 to index
        %get3A_2472 = arith.constant 32 : index
        %get3A_2473 = tpu.vector_load %arg11[%get3A_2471, %get3A_2472] {strides = array<i32>} : memref<80x64xf32, #tpu.memory_space<vmem>>, vector<16xf32>,
        %mul3A_2474 = vector.broadcast %squeeze3A_2449 : f32 to vector<16xf32>
        %mul3A_2475 = arith.mulf %get3A_2473, %mul3A_2474 : vector<16xf32>
        %swap3A_2476 = arith.constant 54 : i32
        %swap3A_2477 = arith.index_cast %swap3A_2476 : i32 to index
        %swap3A_2478 = arith.constant 32 : index
        %swap3A_2479 = tpu.vector_load %arg11[%swap3A_2477, %swap3A_2478] {strides = array<i32>} : memref<80x64xf32, #tpu.memory_space<vmem>>, vector<16xf32>,
        tpu.vector_store %arg11[%swap3A_2477, %swap3A_2478], %mul3A_2475 {strides = array<i32>} : memref<80x64xf32, #tpu.memory_space<vmem>>, vector<16xf32>,
        %get3A_2480 = arith.constant 54 : i32
        %get3A_2481 = arith.index_cast %get3A_2480 : i32 to index
        %get3A_2482 = arith.constant 48 : index
        %get3A_2483 = tpu.vector_load %arg11[%get3A_2481, %get3A_2482] {strides = array<i32>} : memref<80x64xf32, #tpu.memory_space<vmem>>, vector<16xf32>,
        %mul3A_2484 = vector.broadcast %squeeze3A_2449 : f32 to vector<16xf32>
        %mul3A_2485 = arith.mulf %get3A_2483, %mul3A_2484 : vector<16xf32>
        %swap3A_2486 = arith.constant 54 : i32
        %swap3A_2487 = arith.index_cast %swap3A_2486 : i32 to index
        %swap3A_2488 = arith.constant 48 : index
        %swap3A_2489 = tpu.vector_load %arg11[%swap3A_2487, %swap3A_2488] {strides = array<i32>} : memref<80x64xf32, #tpu.memory_space<vmem>>, vector<16xf32>,
        tpu.vector_store %arg11[%swap3A_2487, %swap3A_2488], %mul3A_2485 {strides = array<i32>} : memref<80x64xf32, #tpu.memory_space<vmem>>, vector<16xf32>,
        %slice3A_2490 = vector.extract_strided_slice %get3A_2195 {offsets = [7], sizes = [1], strides = [1]} : vector<16xf32> to vector<1xf32>
        %squeeze3A_2491 = vector.extract %slice3A_2490[0] : f32 from vector<1xf32>
        %get3A_2492 = arith.constant 55 : i32
        %get3A_2493 = arith.index_cast %get3A_2492 : i32 to index
        %get3A_2494 = arith.constant 0 : index
        %get3A_2495 = tpu.vector_load %arg11[%get3A_2493, %get3A_2494] {strides = array<i32>} : memref<80x64xf32, #tpu.memory_space<vmem>>, vector<16xf32>,
        %mul3A_2496 = vector.broadcast %squeeze3A_2491 : f32 to vector<16xf32>
        %mul3A_2497 = arith.mulf %get3A_2495, %mul3A_2496 : vector<16xf32>
        %swap3A_2498 = arith.constant 55 : i32
        %swap3A_2499 = arith.index_cast %swap3A_2498 : i32 to index
        %swap3A_2500 = arith.constant 0 : index
        %swap3A_2501 = tpu.vector_load %arg11[%swap3A_2499, %swap3A_2500] {strides = array<i32>} : memref<80x64xf32, #tpu.memory_space<vmem>>, vector<16xf32>,
        tpu.vector_store %arg11[%swap3A_2499, %swap3A_2500], %mul3A_2497 {strides = array<i32>} : memref<80x64xf32, #tpu.memory_space<vmem>>, vector<16xf32>,
        %get3A_2502 = arith.constant 55 : i32
        %get3A_2503 = arith.index_cast %get3A_2502 : i32 to index
        %get3A_2504 = arith.constant 16 : index
        %get3A_2505 = tpu.vector_load %arg11[%get3A_2503, %get3A_2504] {strides = array<i32>} : memref<80x64xf32, #tpu.memory_space<vmem>>, vector<16xf32>,
        %mul3A_2506 = vector.broadcast %squeeze3A_2491 : f32 to vector<16xf32>
        %mul3A_2507 = arith.mulf %get3A_2505, %mul3A_2506 : vector<16xf32>
        %swap3A_2508 = arith.constant 55 : i32
        %swap3A_2509 = arith.index_cast %swap3A_2508 : i32 to index
        %swap3A_2510 = arith.constant 16 : index
        %swap3A_2511 = tpu.vector_load %arg11[%swap3A_2509, %swap3A_2510] {strides = array<i32>} : memref<80x64xf32, #tpu.memory_space<vmem>>, vector<16xf32>,
        tpu.vector_store %arg11[%swap3A_2509, %swap3A_2510], %mul3A_2507 {strides = array<i32>} : memref<80x64xf32, #tpu.memory_space<vmem>>, vector<16xf32>,
        %get3A_2512 = arith.constant 55 : i32
        %get3A_2513 = arith.index_cast %get3A_2512 : i32 to index
        %get3A_2514 = arith.constant 32 : index
        %get3A_2515 = tpu.vector_load %arg11[%get3A_2513, %get3A_2514] {strides = array<i32>} : memref<80x64xf32, #tpu.memory_space<vmem>>, vector<16xf32>,
        %mul3A_2516 = vector.broadcast %squeeze3A_2491 : f32 to vector<16xf32>
        %mul3A_2517 = arith.mulf %get3A_2515, %mul3A_2516 : vector<16xf32>
        %swap3A_2518 = arith.constant 55 : i32
        %swap3A_2519 = arith.index_cast %swap3A_2518 : i32 to index
        %swap3A_2520 = arith.constant 32 : index
        %swap3A_2521 = tpu.vector_load %arg11[%swap3A_2519, %swap3A_2520] {strides = array<i32>} : memref<80x64xf32, #tpu.memory_space<vmem>>, vector<16xf32>,
        tpu.vector_store %arg11[%swap3A_2519, %swap3A_2520], %mul3A_2517 {strides = array<i32>} : memref<80x64xf32, #tpu.memory_space<vmem>>, vector<16xf32>,
        %get3A_2522 = arith.constant 55 : i32
        %get3A_2523 = arith.index_cast %get3A_2522 : i32 to index
        %get3A_2524 = arith.constant 48 : index
        %get3A_2525 = tpu.vector_load %arg11[%get3A_2523, %get3A_2524] {strides = array<i32>} : memref<80x64xf32, #tpu.memory_space<vmem>>, vector<16xf32>,
        %mul3A_2526 = vector.broadcast %squeeze3A_2491 : f32 to vector<16xf32>
        %mul3A_2527 = arith.mulf %get3A_2525, %mul3A_2526 : vector<16xf32>
        %swap3A_2528 = arith.constant 55 : i32
        %swap3A_2529 = arith.index_cast %swap3A_2528 : i32 to index
        %swap3A_2530 = arith.constant 48 : index
        %swap3A_2531 = tpu.vector_load %arg11[%swap3A_2529, %swap3A_2530] {strides = array<i32>} : memref<80x64xf32, #tpu.memory_space<vmem>>, vector<16xf32>,
        tpu.vector_store %arg11[%swap3A_2529, %swap3A_2530], %mul3A_2527 {strides = array<i32>} : memref<80x64xf32, #tpu.memory_space<vmem>>, vector<16xf32>,
        %slice3A_2532 = vector.extract_strided_slice %get3A_2195 {offsets = [8], sizes = [1], strides = [1]} : vector<16xf32> to vector<1xf32>
        %squeeze3A_2533 = vector.extract %slice3A_2532[0] : f32 from vector<1xf32>
        %get3A_2534 = arith.constant 56 : i32
        %get3A_2535 = arith.index_cast %get3A_2534 : i32 to index
        %get3A_2536 = arith.constant 0 : index
        %get3A_2537 = tpu.vector_load %arg11[%get3A_2535, %get3A_2536] {strides = array<i32>} : memref<80x64xf32, #tpu.memory_space<vmem>>, vector<16xf32>,
        %mul3A_2538 = vector.broadcast %squeeze3A_2533 : f32 to vector<16xf32>
        %mul3A_2539 = arith.mulf %get3A_2537, %mul3A_2538 : vector<16xf32>
        %swap3A_2540 = arith.constant 56 : i32
        %swap3A_2541 = arith.index_cast %swap3A_2540 : i32 to index
        %swap3A_2542 = arith.constant 0 : index
        %swap3A_2543 = tpu.vector_load %arg11[%swap3A_2541, %swap3A_2542] {strides = array<i32>} : memref<80x64xf32, #tpu.memory_space<vmem>>, vector<16xf32>,
        tpu.vector_store %arg11[%swap3A_2541, %swap3A_2542], %mul3A_2539 {strides = array<i32>} : memref<80x64xf32, #tpu.memory_space<vmem>>, vector<16xf32>,
        %get3A_2544 = arith.constant 56 : i32
        %get3A_2545 = arith.index_cast %get3A_2544 : i32 to index
        %get3A_2546 = arith.constant 16 : index
        %get3A_2547 = tpu.vector_load %arg11[%get3A_2545, %get3A_2546] {strides = array<i32>} : memref<80x64xf32, #tpu.memory_space<vmem>>, vector<16xf32>,
        %mul3A_2548 = vector.broadcast %squeeze3A_2533 : f32 to vector<16xf32>
        %mul3A_2549 = arith.mulf %get3A_2547, %mul3A_2548 : vector<16xf32>
        %swap3A_2550 = arith.constant 56 : i32
        %swap3A_2551 = arith.index_cast %swap3A_2550 : i32 to index
        %swap3A_2552 = arith.constant 16 : index
        %swap3A_2553 = tpu.vector_load %arg11[%swap3A_2551, %swap3A_2552] {strides = array<i32>} : memref<80x64xf32, #tpu.memory_space<vmem>>, vector<16xf32>,
        tpu.vector_store %arg11[%swap3A_2551, %swap3A_2552], %mul3A_2549 {strides = array<i32>} : memref<80x64xf32, #tpu.memory_space<vmem>>, vector<16xf32>,
        %get3A_2554 = arith.constant 56 : i32
        %get3A_2555 = arith.index_cast %get3A_2554 : i32 to index
        %get3A_2556 = arith.constant 32 : index
        %get3A_2557 = tpu.vector_load %arg11[%get3A_2555, %get3A_2556] {strides = array<i32>} : memref<80x64xf32, #tpu.memory_space<vmem>>, vector<16xf32>,
        %mul3A_2558 = vector.broadcast %squeeze3A_2533 : f32 to vector<16xf32>
        %mul3A_2559 = arith.mulf %get3A_2557, %mul3A_2558 : vector<16xf32>
        %swap3A_2560 = arith.constant 56 : i32
        %swap3A_2561 = arith.index_cast %swap3A_2560 : i32 to index
        %swap3A_2562 = arith.constant 32 : index
        %swap3A_2563 = tpu.vector_load %arg11[%swap3A_2561, %swap3A_2562] {strides = array<i32>} : memref<80x64xf32, #tpu.memory_space<vmem>>, vector<16xf32>,
        tpu.vector_store %arg11[%swap3A_2561, %swap3A_2562], %mul3A_2559 {strides = array<i32>} : memref<80x64xf32, #tpu.memory_space<vmem>>, vector<16xf32>,
        %get3A_2564 = arith.constant 56 : i32
        %get3A_2565 = arith.index_cast %get3A_2564 : i32 to index
        %get3A_2566 = arith.constant 48 : index
        %get3A_2567 = tpu.vector_load %arg11[%get3A_2565, %get3A_2566] {strides = array<i32>} : memref<80x64xf32, #tpu.memory_space<vmem>>, vector<16xf32>,
        %mul3A_2568 = vector.broadcast %squeeze3A_2533 : f32 to vector<16xf32>
        %mul3A_2569 = arith.mulf %get3A_2567, %mul3A_2568 : vector<16xf32>
        %swap3A_2570 = arith.constant 56 : i32
        %swap3A_2571 = arith.index_cast %swap3A_2570 : i32 to index
        %swap3A_2572 = arith.constant 48 : index
        %swap3A_2573 = tpu.vector_load %arg11[%swap3A_2571, %swap3A_2572] {strides = array<i32>} : memref<80x64xf32, #tpu.memory_space<vmem>>, vector<16xf32>,
        tpu.vector_store %arg11[%swap3A_2571, %swap3A_2572], %mul3A_2569 {strides = array<i32>} : memref<80x64xf32, #tpu.memory_space<vmem>>, vector<16xf32>,
        %slice3A_2574 = vector.extract_strided_slice %get3A_2195 {offsets = [9], sizes = [1], strides = [1]} : vector<16xf32> to vector<1xf32>
        %squeeze3A_2575 = vector.extract %slice3A_2574[0] : f32 from vector<1xf32>
        %get3A_2576 = arith.constant 57 : i32
        %get3A_2577 = arith.index_cast %get3A_2576 : i32 to index
        %get3A_2578 = arith.constant 0 : index
        %get3A_2579 = tpu.vector_load %arg11[%get3A_2577, %get3A_2578] {strides = array<i32>} : memref<80x64xf32, #tpu.memory_space<vmem>>, vector<16xf32>,
        %mul3A_2580 = vector.broadcast %squeeze3A_2575 : f32 to vector<16xf32>
        %mul3A_2581 = arith.mulf %get3A_2579, %mul3A_2580 : vector<16xf32>
        %swap3A_2582 = arith.constant 57 : i32
        %swap3A_2583 = arith.index_cast %swap3A_2582 : i32 to index
        %swap3A_2584 = arith.constant 0 : index
        %swap3A_2585 = tpu.vector_load %arg11[%swap3A_2583, %swap3A_2584] {strides = array<i32>} : memref<80x64xf32, #tpu.memory_space<vmem>>, vector<16xf32>,
        tpu.vector_store %arg11[%swap3A_2583, %swap3A_2584], %mul3A_2581 {strides = array<i32>} : memref<80x64xf32, #tpu.memory_space<vmem>>, vector<16xf32>,
        %get3A_2586 = arith.constant 57 : i32
        %get3A_2587 = arith.index_cast %get3A_2586 : i32 to index
        %get3A_2588 = arith.constant 16 : index
        %get3A_2589 = tpu.vector_load %arg11[%get3A_2587, %get3A_2588] {strides = array<i32>} : memref<80x64xf32, #tpu.memory_space<vmem>>, vector<16xf32>,
        %mul3A_2590 = vector.broadcast %squeeze3A_2575 : f32 to vector<16xf32>
        %mul3A_2591 = arith.mulf %get3A_2589, %mul3A_2590 : vector<16xf32>
        %swap3A_2592 = arith.constant 57 : i32
        %swap3A_2593 = arith.index_cast %swap3A_2592 : i32 to index
        %swap3A_2594 = arith.constant 16 : index
        %swap3A_2595 = tpu.vector_load %arg11[%swap3A_2593, %swap3A_2594] {strides = array<i32>} : memref<80x64xf32, #tpu.memory_space<vmem>>, vector<16xf32>,
        tpu.vector_store %arg11[%swap3A_2593, %swap3A_2594], %mul3A_2591 {strides = array<i32>} : memref<80x64xf32, #tpu.memory_space<vmem>>, vector<16xf32>,
        %get3A_2596 = arith.constant 57 : i32
        %get3A_2597 = arith.index_cast %get3A_2596 : i32 to index
        %get3A_2598 = arith.constant 32 : index
        %get3A_2599 = tpu.vector_load %arg11[%get3A_2597, %get3A_2598] {strides = array<i32>} : memref<80x64xf32, #tpu.memory_space<vmem>>, vector<16xf32>,
        %mul3A_2600 = vector.broadcast %squeeze3A_2575 : f32 to vector<16xf32>
        %mul3A_2601 = arith.mulf %get3A_2599, %mul3A_2600 : vector<16xf32>
        %swap3A_2602 = arith.constant 57 : i32
        %swap3A_2603 = arith.index_cast %swap3A_2602 : i32 to index
        %swap3A_2604 = arith.constant 32 : index
        %swap3A_2605 = tpu.vector_load %arg11[%swap3A_2603, %swap3A_2604] {strides = array<i32>} : memref<80x64xf32, #tpu.memory_space<vmem>>, vector<16xf32>,
        tpu.vector_store %arg11[%swap3A_2603, %swap3A_2604], %mul3A_2601 {strides = array<i32>} : memref<80x64xf32, #tpu.memory_space<vmem>>, vector<16xf32>,
        %get3A_2606 = arith.constant 57 : i32
        %get3A_2607 = arith.index_cast %get3A_2606 : i32 to index
        %get3A_2608 = arith.constant 48 : index
        %get3A_2609 = tpu.vector_load %arg11[%get3A_2607, %get3A_2608] {strides = array<i32>} : memref<80x64xf32, #tpu.memory_space<vmem>>, vector<16xf32>,
        %mul3A_2610 = vector.broadcast %squeeze3A_2575 : f32 to vector<16xf32>
        %mul3A_2611 = arith.mulf %get3A_2609, %mul3A_2610 : vector<16xf32>
        %swap3A_2612 = arith.constant 57 : i32
        %swap3A_2613 = arith.index_cast %swap3A_2612 : i32 to index
        %swap3A_2614 = arith.constant 48 : index
        %swap3A_2615 = tpu.vector_load %arg11[%swap3A_2613, %swap3A_2614] {strides = array<i32>} : memref<80x64xf32, #tpu.memory_space<vmem>>, vector<16xf32>,
        tpu.vector_store %arg11[%swap3A_2613, %swap3A_2614], %mul3A_2611 {strides = array<i32>} : memref<80x64xf32, #tpu.memory_space<vmem>>, vector<16xf32>,
        %slice3A_2616 = vector.extract_strided_slice %get3A_2195 {offsets = [10], sizes = [1], strides = [1]} : vector<16xf32> to vector<1xf32>
        %squeeze3A_2617 = vector.extract %slice3A_2616[0] : f32 from vector<1xf32>
        %get3A_2618 = arith.constant 58 : i32
        %get3A_2619 = arith.index_cast %get3A_2618 : i32 to index
        %get3A_2620 = arith.constant 0 : index
        %get3A_2621 = tpu.vector_load %arg11[%get3A_2619, %get3A_2620] {strides = array<i32>} : memref<80x64xf32, #tpu.memory_space<vmem>>, vector<16xf32>,
        %mul3A_2622 = vector.broadcast %squeeze3A_2617 : f32 to vector<16xf32>
        %mul3A_2623 = arith.mulf %get3A_2621, %mul3A_2622 : vector<16xf32>
        %swap3A_2624 = arith.constant 58 : i32
        %swap3A_2625 = arith.index_cast %swap3A_2624 : i32 to index
        %swap3A_2626 = arith.constant 0 : index
        %swap3A_2627 = tpu.vector_load %arg11[%swap3A_2625, %swap3A_2626] {strides = array<i32>} : memref<80x64xf32, #tpu.memory_space<vmem>>, vector<16xf32>,
        tpu.vector_store %arg11[%swap3A_2625, %swap3A_2626], %mul3A_2623 {strides = array<i32>} : memref<80x64xf32, #tpu.memory_space<vmem>>, vector<16xf32>,
        %get3A_2628 = arith.constant 58 : i32
        %get3A_2629 = arith.index_cast %get3A_2628 : i32 to index
        %get3A_2630 = arith.constant 16 : index
        %get3A_2631 = tpu.vector_load %arg11[%get3A_2629, %get3A_2630] {strides = array<i32>} : memref<80x64xf32, #tpu.memory_space<vmem>>, vector<16xf32>,
        %mul3A_2632 = vector.broadcast %squeeze3A_2617 : f32 to vector<16xf32>
        %mul3A_2633 = arith.mulf %get3A_2631, %mul3A_2632 : vector<16xf32>
        %swap3A_2634 = arith.constant 58 : i32
        %swap3A_2635 = arith.index_cast %swap3A_2634 : i32 to index
        %swap3A_2636 = arith.constant 16 : index
        %swap3A_2637 = tpu.vector_load %arg11[%swap3A_2635, %swap3A_2636] {strides = array<i32>} : memref<80x64xf32, #tpu.memory_space<vmem>>, vector<16xf32>,
        tpu.vector_store %arg11[%swap3A_2635, %swap3A_2636], %mul3A_2633 {strides = array<i32>} : memref<80x64xf32, #tpu.memory_space<vmem>>, vector<16xf32>,
        %get3A_2638 = arith.constant 58 : i32
        %get3A_2639 = arith.index_cast %get3A_2638 : i32 to index
        %get3A_2640 = arith.constant 32 : index
        %get3A_2641 = tpu.vector_load %arg11[%get3A_2639, %get3A_2640] {strides = array<i32>} : memref<80x64xf32, #tpu.memory_space<vmem>>, vector<16xf32>,
        %mul3A_2642 = vector.broadcast %squeeze3A_2617 : f32 to vector<16xf32>
        %mul3A_2643 = arith.mulf %get3A_2641, %mul3A_2642 : vector<16xf32>
        %swap3A_2644 = arith.constant 58 : i32
        %swap3A_2645 = arith.index_cast %swap3A_2644 : i32 to index
        %swap3A_2646 = arith.constant 32 : index
        %swap3A_2647 = tpu.vector_load %arg11[%swap3A_2645, %swap3A_2646] {strides = array<i32>} : memref<80x64xf32, #tpu.memory_space<vmem>>, vector<16xf32>,
        tpu.vector_store %arg11[%swap3A_2645, %swap3A_2646], %mul3A_2643 {strides = array<i32>} : memref<80x64xf32, #tpu.memory_space<vmem>>, vector<16xf32>,
        %get3A_2648 = arith.constant 58 : i32
        %get3A_2649 = arith.index_cast %get3A_2648 : i32 to index
        %get3A_2650 = arith.constant 48 : index
        %get3A_2651 = tpu.vector_load %arg11[%get3A_2649, %get3A_2650] {strides = array<i32>} : memref<80x64xf32, #tpu.memory_space<vmem>>, vector<16xf32>,
        %mul3A_2652 = vector.broadcast %squeeze3A_2617 : f32 to vector<16xf32>
        %mul3A_2653 = arith.mulf %get3A_2651, %mul3A_2652 : vector<16xf32>
        %swap3A_2654 = arith.constant 58 : i32
        %swap3A_2655 = arith.index_cast %swap3A_2654 : i32 to index
        %swap3A_2656 = arith.constant 48 : index
        %swap3A_2657 = tpu.vector_load %arg11[%swap3A_2655, %swap3A_2656] {strides = array<i32>} : memref<80x64xf32, #tpu.memory_space<vmem>>, vector<16xf32>,
        tpu.vector_store %arg11[%swap3A_2655, %swap3A_2656], %mul3A_2653 {strides = array<i32>} : memref<80x64xf32, #tpu.memory_space<vmem>>, vector<16xf32>,
        %slice3A_2658 = vector.extract_strided_slice %get3A_2195 {offsets = [11], sizes = [1], strides = [1]} : vector<16xf32> to vector<1xf32>
        %squeeze3A_2659 = vector.extract %slice3A_2658[0] : f32 from vector<1xf32>
        %get3A_2660 = arith.constant 59 : i32
        %get3A_2661 = arith.index_cast %get3A_2660 : i32 to index
        %get3A_2662 = arith.constant 0 : index
        %get3A_2663 = tpu.vector_load %arg11[%get3A_2661, %get3A_2662] {strides = array<i32>} : memref<80x64xf32, #tpu.memory_space<vmem>>, vector<16xf32>,
        %mul3A_2664 = vector.broadcast %squeeze3A_2659 : f32 to vector<16xf32>
        %mul3A_2665 = arith.mulf %get3A_2663, %mul3A_2664 : vector<16xf32>
        %swap3A_2666 = arith.constant 59 : i32
        %swap3A_2667 = arith.index_cast %swap3A_2666 : i32 to index
        %swap3A_2668 = arith.constant 0 : index
        %swap3A_2669 = tpu.vector_load %arg11[%swap3A_2667, %swap3A_2668] {strides = array<i32>} : memref<80x64xf32, #tpu.memory_space<vmem>>, vector<16xf32>,
        tpu.vector_store %arg11[%swap3A_2667, %swap3A_2668], %mul3A_2665 {strides = array<i32>} : memref<80x64xf32, #tpu.memory_space<vmem>>, vector<16xf32>,
        %get3A_2670 = arith.constant 59 : i32
        %get3A_2671 = arith.index_cast %get3A_2670 : i32 to index
        %get3A_2672 = arith.constant 16 : index
        %get3A_2673 = tpu.vector_load %arg11[%get3A_2671, %get3A_2672] {strides = array<i32>} : memref<80x64xf32, #tpu.memory_space<vmem>>, vector<16xf32>,
        %mul3A_2674 = vector.broadcast %squeeze3A_2659 : f32 to vector<16xf32>
        %mul3A_2675 = arith.mulf %get3A_2673, %mul3A_2674 : vector<16xf32>
        %swap3A_2676 = arith.constant 59 : i32
        %swap3A_2677 = arith.index_cast %swap3A_2676 : i32 to index
        %swap3A_2678 = arith.constant 16 : index
        %swap3A_2679 = tpu.vector_load %arg11[%swap3A_2677, %swap3A_2678] {strides = array<i32>} : memref<80x64xf32, #tpu.memory_space<vmem>>, vector<16xf32>,
        tpu.vector_store %arg11[%swap3A_2677, %swap3A_2678], %mul3A_2675 {strides = array<i32>} : memref<80x64xf32, #tpu.memory_space<vmem>>, vector<16xf32>,
        %get3A_2680 = arith.constant 59 : i32
        %get3A_2681 = arith.index_cast %get3A_2680 : i32 to index
        %get3A_2682 = arith.constant 32 : index
        %get3A_2683 = tpu.vector_load %arg11[%get3A_2681, %get3A_2682] {strides = array<i32>} : memref<80x64xf32, #tpu.memory_space<vmem>>, vector<16xf32>,
        %mul3A_2684 = vector.broadcast %squeeze3A_2659 : f32 to vector<16xf32>
        %mul3A_2685 = arith.mulf %get3A_2683, %mul3A_2684 : vector<16xf32>
        %swap3A_2686 = arith.constant 59 : i32
        %swap3A_2687 = arith.index_cast %swap3A_2686 : i32 to index
        %swap3A_2688 = arith.constant 32 : index
        %swap3A_2689 = tpu.vector_load %arg11[%swap3A_2687, %swap3A_2688] {strides = array<i32>} : memref<80x64xf32, #tpu.memory_space<vmem>>, vector<16xf32>,
        tpu.vector_store %arg11[%swap3A_2687, %swap3A_2688], %mul3A_2685 {strides = array<i32>} : memref<80x64xf32, #tpu.memory_space<vmem>>, vector<16xf32>,
        %get3A_2690 = arith.constant 59 : i32
        %get3A_2691 = arith.index_cast %get3A_2690 : i32 to index
        %get3A_2692 = arith.constant 48 : index
        %get3A_2693 = tpu.vector_load %arg11[%get3A_2691, %get3A_2692] {strides = array<i32>} : memref<80x64xf32, #tpu.memory_space<vmem>>, vector<16xf32>,
        %mul3A_2694 = vector.broadcast %squeeze3A_2659 : f32 to vector<16xf32>
        %mul3A_2695 = arith.mulf %get3A_2693, %mul3A_2694 : vector<16xf32>
        %swap3A_2696 = arith.constant 59 : i32
        %swap3A_2697 = arith.index_cast %swap3A_2696 : i32 to index
        %swap3A_2698 = arith.constant 48 : index
        %swap3A_2699 = tpu.vector_load %arg11[%swap3A_2697, %swap3A_2698] {strides = array<i32>} : memref<80x64xf32, #tpu.memory_space<vmem>>, vector<16xf32>,
        tpu.vector_store %arg11[%swap3A_2697, %swap3A_2698], %mul3A_2695 {strides = array<i32>} : memref<80x64xf32, #tpu.memory_space<vmem>>, vector<16xf32>,
        %slice3A_2700 = vector.extract_strided_slice %get3A_2195 {offsets = [12], sizes = [1], strides = [1]} : vector<16xf32> to vector<1xf32>
        %squeeze3A_2701 = vector.extract %slice3A_2700[0] : f32 from vector<1xf32>
        %get3A_2702 = arith.constant 60 : i32
        %get3A_2703 = arith.index_cast %get3A_2702 : i32 to index
        %get3A_2704 = arith.constant 0 : index
        %get3A_2705 = tpu.vector_load %arg11[%get3A_2703, %get3A_2704] {strides = array<i32>} : memref<80x64xf32, #tpu.memory_space<vmem>>, vector<16xf32>,
        %mul3A_2706 = vector.broadcast %squeeze3A_2701 : f32 to vector<16xf32>
        %mul3A_2707 = arith.mulf %get3A_2705, %mul3A_2706 : vector<16xf32>
        %swap3A_2708 = arith.constant 60 : i32
        %swap3A_2709 = arith.index_cast %swap3A_2708 : i32 to index
        %swap3A_2710 = arith.constant 0 : index
        %swap3A_2711 = tpu.vector_load %arg11[%swap3A_2709, %swap3A_2710] {strides = array<i32>} : memref<80x64xf32, #tpu.memory_space<vmem>>, vector<16xf32>,
        tpu.vector_store %arg11[%swap3A_2709, %swap3A_2710], %mul3A_2707 {strides = array<i32>} : memref<80x64xf32, #tpu.memory_space<vmem>>, vector<16xf32>,
        %get3A_2712 = arith.constant 60 : i32
        %get3A_2713 = arith.index_cast %get3A_2712 : i32 to index
        %get3A_2714 = arith.constant 16 : index
        %get3A_2715 = tpu.vector_load %arg11[%get3A_2713, %get3A_2714] {strides = array<i32>} : memref<80x64xf32, #tpu.memory_space<vmem>>, vector<16xf32>,
        %mul3A_2716 = vector.broadcast %squeeze3A_2701 : f32 to vector<16xf32>
        %mul3A_2717 = arith.mulf %get3A_2715, %mul3A_2716 : vector<16xf32>
        %swap3A_2718 = arith.constant 60 : i32
        %swap3A_2719 = arith.index_cast %swap3A_2718 : i32 to index
        %swap3A_2720 = arith.constant 16 : index
        %swap3A_2721 = tpu.vector_load %arg11[%swap3A_2719, %swap3A_2720] {strides = array<i32>} : memref<80x64xf32, #tpu.memory_space<vmem>>, vector<16xf32>,
        tpu.vector_store %arg11[%swap3A_2719, %swap3A_2720], %mul3A_2717 {strides = array<i32>} : memref<80x64xf32, #tpu.memory_space<vmem>>, vector<16xf32>,
        %get3A_2722 = arith.constant 60 : i32
        %get3A_2723 = arith.index_cast %get3A_2722 : i32 to index
        %get3A_2724 = arith.constant 32 : index
        %get3A_2725 = tpu.vector_load %arg11[%get3A_2723, %get3A_2724] {strides = array<i32>} : memref<80x64xf32, #tpu.memory_space<vmem>>, vector<16xf32>,
        %mul3A_2726 = vector.broadcast %squeeze3A_2701 : f32 to vector<16xf32>
        %mul3A_2727 = arith.mulf %get3A_2725, %mul3A_2726 : vector<16xf32>
        %swap3A_2728 = arith.constant 60 : i32
        %swap3A_2729 = arith.index_cast %swap3A_2728 : i32 to index
        %swap3A_2730 = arith.constant 32 : index
        %swap3A_2731 = tpu.vector_load %arg11[%swap3A_2729, %swap3A_2730] {strides = array<i32>} : memref<80x64xf32, #tpu.memory_space<vmem>>, vector<16xf32>,
        tpu.vector_store %arg11[%swap3A_2729, %swap3A_2730], %mul3A_2727 {strides = array<i32>} : memref<80x64xf32, #tpu.memory_space<vmem>>, vector<16xf32>,
        %get3A_2732 = arith.constant 60 : i32
        %get3A_2733 = arith.index_cast %get3A_2732 : i32 to index
        %get3A_2734 = arith.constant 48 : index
        %get3A_2735 = tpu.vector_load %arg11[%get3A_2733, %get3A_2734] {strides = array<i32>} : memref<80x64xf32, #tpu.memory_space<vmem>>, vector<16xf32>,
        %mul3A_2736 = vector.broadcast %squeeze3A_2701 : f32 to vector<16xf32>
        %mul3A_2737 = arith.mulf %get3A_2735, %mul3A_2736 : vector<16xf32>
        %swap3A_2738 = arith.constant 60 : i32
        %swap3A_2739 = arith.index_cast %swap3A_2738 : i32 to index
        %swap3A_2740 = arith.constant 48 : index
        %swap3A_2741 = tpu.vector_load %arg11[%swap3A_2739, %swap3A_2740] {strides = array<i32>} : memref<80x64xf32, #tpu.memory_space<vmem>>, vector<16xf32>,
        tpu.vector_store %arg11[%swap3A_2739, %swap3A_2740], %mul3A_2737 {strides = array<i32>} : memref<80x64xf32, #tpu.memory_space<vmem>>, vector<16xf32>,
        %slice3A_2742 = vector.extract_strided_slice %get3A_2195 {offsets = [13], sizes = [1], strides = [1]} : vector<16xf32> to vector<1xf32>
        %squeeze3A_2743 = vector.extract %slice3A_2742[0] : f32 from vector<1xf32>
        %get3A_2744 = arith.constant 61 : i32
        %get3A_2745 = arith.index_cast %get3A_2744 : i32 to index
        %get3A_2746 = arith.constant 0 : index
        %get3A_2747 = tpu.vector_load %arg11[%get3A_2745, %get3A_2746] {strides = array<i32>} : memref<80x64xf32, #tpu.memory_space<vmem>>, vector<16xf32>,
        %mul3A_2748 = vector.broadcast %squeeze3A_2743 : f32 to vector<16xf32>
        %mul3A_2749 = arith.mulf %get3A_2747, %mul3A_2748 : vector<16xf32>
        %swap3A_2750 = arith.constant 61 : i32
        %swap3A_2751 = arith.index_cast %swap3A_2750 : i32 to index
        %swap3A_2752 = arith.constant 0 : index
        %swap3A_2753 = tpu.vector_load %arg11[%swap3A_2751, %swap3A_2752] {strides = array<i32>} : memref<80x64xf32, #tpu.memory_space<vmem>>, vector<16xf32>,
        tpu.vector_store %arg11[%swap3A_2751, %swap3A_2752], %mul3A_2749 {strides = array<i32>} : memref<80x64xf32, #tpu.memory_space<vmem>>, vector<16xf32>,
        %get3A_2754 = arith.constant 61 : i32
        %get3A_2755 = arith.index_cast %get3A_2754 : i32 to index
        %get3A_2756 = arith.constant 16 : index
        %get3A_2757 = tpu.vector_load %arg11[%get3A_2755, %get3A_2756] {strides = array<i32>} : memref<80x64xf32, #tpu.memory_space<vmem>>, vector<16xf32>,
        %mul3A_2758 = vector.broadcast %squeeze3A_2743 : f32 to vector<16xf32>
        %mul3A_2759 = arith.mulf %get3A_2757, %mul3A_2758 : vector<16xf32>
        %swap3A_2760 = arith.constant 61 : i32
        %swap3A_2761 = arith.index_cast %swap3A_2760 : i32 to index
        %swap3A_2762 = arith.constant 16 : index
        %swap3A_2763 = tpu.vector_load %arg11[%swap3A_2761, %swap3A_2762] {strides = array<i32>} : memref<80x64xf32, #tpu.memory_space<vmem>>, vector<16xf32>,
        tpu.vector_store %arg11[%swap3A_2761, %swap3A_2762], %mul3A_2759 {strides = array<i32>} : memref<80x64xf32, #tpu.memory_space<vmem>>, vector<16xf32>,
        %get3A_2764 = arith.constant 61 : i32
        %get3A_2765 = arith.index_cast %get3A_2764 : i32 to index
        %get3A_2766 = arith.constant 32 : index
        %get3A_2767 = tpu.vector_load %arg11[%get3A_2765, %get3A_2766] {strides = array<i32>} : memref<80x64xf32, #tpu.memory_space<vmem>>, vector<16xf32>,
        %mul3A_2768 = vector.broadcast %squeeze3A_2743 : f32 to vector<16xf32>
        %mul3A_2769 = arith.mulf %get3A_2767, %mul3A_2768 : vector<16xf32>
        %swap3A_2770 = arith.constant 61 : i32
        %swap3A_2771 = arith.index_cast %swap3A_2770 : i32 to index
        %swap3A_2772 = arith.constant 32 : index
        %swap3A_2773 = tpu.vector_load %arg11[%swap3A_2771, %swap3A_2772] {strides = array<i32>} : memref<80x64xf32, #tpu.memory_space<vmem>>, vector<16xf32>,
        tpu.vector_store %arg11[%swap3A_2771, %swap3A_2772], %mul3A_2769 {strides = array<i32>} : memref<80x64xf32, #tpu.memory_space<vmem>>, vector<16xf32>,
        %get3A_2774 = arith.constant 61 : i32
        %get3A_2775 = arith.index_cast %get3A_2774 : i32 to index
        %get3A_2776 = arith.constant 48 : index
        %get3A_2777 = tpu.vector_load %arg11[%get3A_2775, %get3A_2776] {strides = array<i32>} : memref<80x64xf32, #tpu.memory_space<vmem>>, vector<16xf32>,
        %mul3A_2778 = vector.broadcast %squeeze3A_2743 : f32 to vector<16xf32>
        %mul3A_2779 = arith.mulf %get3A_2777, %mul3A_2778 : vector<16xf32>
        %swap3A_2780 = arith.constant 61 : i32
        %swap3A_2781 = arith.index_cast %swap3A_2780 : i32 to index
        %swap3A_2782 = arith.constant 48 : index
        %swap3A_2783 = tpu.vector_load %arg11[%swap3A_2781, %swap3A_2782] {strides = array<i32>} : memref<80x64xf32, #tpu.memory_space<vmem>>, vector<16xf32>,
        tpu.vector_store %arg11[%swap3A_2781, %swap3A_2782], %mul3A_2779 {strides = array<i32>} : memref<80x64xf32, #tpu.memory_space<vmem>>, vector<16xf32>,
        %slice3A_2784 = vector.extract_strided_slice %get3A_2195 {offsets = [14], sizes = [1], strides = [1]} : vector<16xf32> to vector<1xf32>
        %squeeze3A_2785 = vector.extract %slice3A_2784[0] : f32 from vector<1xf32>
        %get3A_2786 = arith.constant 62 : i32
        %get3A_2787 = arith.index_cast %get3A_2786 : i32 to index
        %get3A_2788 = arith.constant 0 : index
        %get3A_2789 = tpu.vector_load %arg11[%get3A_2787, %get3A_2788] {strides = array<i32>} : memref<80x64xf32, #tpu.memory_space<vmem>>, vector<16xf32>,
        %mul3A_2790 = vector.broadcast %squeeze3A_2785 : f32 to vector<16xf32>
        %mul3A_2791 = arith.mulf %get3A_2789, %mul3A_2790 : vector<16xf32>
        %swap3A_2792 = arith.constant 62 : i32
        %swap3A_2793 = arith.index_cast %swap3A_2792 : i32 to index
        %swap3A_2794 = arith.constant 0 : index
        %swap3A_2795 = tpu.vector_load %arg11[%swap3A_2793, %swap3A_2794] {strides = array<i32>} : memref<80x64xf32, #tpu.memory_space<vmem>>, vector<16xf32>,
        tpu.vector_store %arg11[%swap3A_2793, %swap3A_2794], %mul3A_2791 {strides = array<i32>} : memref<80x64xf32, #tpu.memory_space<vmem>>, vector<16xf32>,
        %get3A_2796 = arith.constant 62 : i32
        %get3A_2797 = arith.index_cast %get3A_2796 : i32 to index
        %get3A_2798 = arith.constant 16 : index
        %get3A_2799 = tpu.vector_load %arg11[%get3A_2797, %get3A_2798] {strides = array<i32>} : memref<80x64xf32, #tpu.memory_space<vmem>>, vector<16xf32>,
        %mul3A_2800 = vector.broadcast %squeeze3A_2785 : f32 to vector<16xf32>
        %mul3A_2801 = arith.mulf %get3A_2799, %mul3A_2800 : vector<16xf32>
        %swap3A_2802 = arith.constant 62 : i32
        %swap3A_2803 = arith.index_cast %swap3A_2802 : i32 to index
        %swap3A_2804 = arith.constant 16 : index
        %swap3A_2805 = tpu.vector_load %arg11[%swap3A_2803, %swap3A_2804] {strides = array<i32>} : memref<80x64xf32, #tpu.memory_space<vmem>>, vector<16xf32>,
        tpu.vector_store %arg11[%swap3A_2803, %swap3A_2804], %mul3A_2801 {strides = array<i32>} : memref<80x64xf32, #tpu.memory_space<vmem>>, vector<16xf32>,
        %get3A_2806 = arith.constant 62 : i32
        %get3A_2807 = arith.index_cast %get3A_2806 : i32 to index
        %get3A_2808 = arith.constant 32 : index
        %get3A_2809 = tpu.vector_load %arg11[%get3A_2807, %get3A_2808] {strides = array<i32>} : memref<80x64xf32, #tpu.memory_space<vmem>>, vector<16xf32>,
        %mul3A_2810 = vector.broadcast %squeeze3A_2785 : f32 to vector<16xf32>
        %mul3A_2811 = arith.mulf %get3A_2809, %mul3A_2810 : vector<16xf32>
        %swap3A_2812 = arith.constant 62 : i32
        %swap3A_2813 = arith.index_cast %swap3A_2812 : i32 to index
        %swap3A_2814 = arith.constant 32 : index
        %swap3A_2815 = tpu.vector_load %arg11[%swap3A_2813, %swap3A_2814] {strides = array<i32>} : memref<80x64xf32, #tpu.memory_space<vmem>>, vector<16xf32>,
        tpu.vector_store %arg11[%swap3A_2813, %swap3A_2814], %mul3A_2811 {strides = array<i32>} : memref<80x64xf32, #tpu.memory_space<vmem>>, vector<16xf32>,
        %get3A_2816 = arith.constant 62 : i32
        %get3A_2817 = arith.index_cast %get3A_2816 : i32 to index
        %get3A_2818 = arith.constant 48 : index
        %get3A_2819 = tpu.vector_load %arg11[%get3A_2817, %get3A_2818] {strides = array<i32>} : memref<80x64xf32, #tpu.memory_space<vmem>>, vector<16xf32>,
        %mul3A_2820 = vector.broadcast %squeeze3A_2785 : f32 to vector<16xf32>
        %mul3A_2821 = arith.mulf %get3A_2819, %mul3A_2820 : vector<16xf32>
        %swap3A_2822 = arith.constant 62 : i32
        %swap3A_2823 = arith.index_cast %swap3A_2822 : i32 to index
        %swap3A_2824 = arith.constant 48 : index
        %swap3A_2825 = tpu.vector_load %arg11[%swap3A_2823, %swap3A_2824] {strides = array<i32>} : memref<80x64xf32, #tpu.memory_space<vmem>>, vector<16xf32>,
        tpu.vector_store %arg11[%swap3A_2823, %swap3A_2824], %mul3A_2821 {strides = array<i32>} : memref<80x64xf32, #tpu.memory_space<vmem>>, vector<16xf32>,
        %slice3A_2826 = vector.extract_strided_slice %get3A_2195 {offsets = [15], sizes = [1], strides = [1]} : vector<16xf32> to vector<1xf32>
        %squeeze3A_2827 = vector.extract %slice3A_2826[0] : f32 from vector<1xf32>
        %get3A_2828 = arith.constant 63 : i32
        %get3A_2829 = arith.index_cast %get3A_2828 : i32 to index
        %get3A_2830 = arith.constant 0 : index
        %get3A_2831 = tpu.vector_load %arg11[%get3A_2829, %get3A_2830] {strides = array<i32>} : memref<80x64xf32, #tpu.memory_space<vmem>>, vector<16xf32>,
        %mul3A_2832 = vector.broadcast %squeeze3A_2827 : f32 to vector<16xf32>
        %mul3A_2833 = arith.mulf %get3A_2831, %mul3A_2832 : vector<16xf32>
        %swap3A_2834 = arith.constant 63 : i32
        %swap3A_2835 = arith.index_cast %swap3A_2834 : i32 to index
        %swap3A_2836 = arith.constant 0 : index
        %swap3A_2837 = tpu.vector_load %arg11[%swap3A_2835, %swap3A_2836] {strides = array<i32>} : memref<80x64xf32, #tpu.memory_space<vmem>>, vector<16xf32>,
        tpu.vector_store %arg11[%swap3A_2835, %swap3A_2836], %mul3A_2833 {strides = array<i32>} : memref<80x64xf32, #tpu.memory_space<vmem>>, vector<16xf32>,
        %get3A_2838 = arith.constant 63 : i32
        %get3A_2839 = arith.index_cast %get3A_2838 : i32 to index
        %get3A_2840 = arith.constant 16 : index
        %get3A_2841 = tpu.vector_load %arg11[%get3A_2839, %get3A_2840] {strides = array<i32>} : memref<80x64xf32, #tpu.memory_space<vmem>>, vector<16xf32>,
        %mul3A_2842 = vector.broadcast %squeeze3A_2827 : f32 to vector<16xf32>
        %mul3A_2843 = arith.mulf %get3A_2841, %mul3A_2842 : vector<16xf32>
        %swap3A_2844 = arith.constant 63 : i32
        %swap3A_2845 = arith.index_cast %swap3A_2844 : i32 to index
        %swap3A_2846 = arith.constant 16 : index
        %swap3A_2847 = tpu.vector_load %arg11[%swap3A_2845, %swap3A_2846] {strides = array<i32>} : memref<80x64xf32, #tpu.memory_space<vmem>>, vector<16xf32>,
        tpu.vector_store %arg11[%swap3A_2845, %swap3A_2846], %mul3A_2843 {strides = array<i32>} : memref<80x64xf32, #tpu.memory_space<vmem>>, vector<16xf32>,
        %get3A_2848 = arith.constant 63 : i32
        %get3A_2849 = arith.index_cast %get3A_2848 : i32 to index
        %get3A_2850 = arith.constant 32 : index
        %get3A_2851 = tpu.vector_load %arg11[%get3A_2849, %get3A_2850] {strides = array<i32>} : memref<80x64xf32, #tpu.memory_space<vmem>>, vector<16xf32>,
        %mul3A_2852 = vector.broadcast %squeeze3A_2827 : f32 to vector<16xf32>
        %mul3A_2853 = arith.mulf %get3A_2851, %mul3A_2852 : vector<16xf32>
        %swap3A_2854 = arith.constant 63 : i32
        %swap3A_2855 = arith.index_cast %swap3A_2854 : i32 to index
        %swap3A_2856 = arith.constant 32 : index
        %swap3A_2857 = tpu.vector_load %arg11[%swap3A_2855, %swap3A_2856] {strides = array<i32>} : memref<80x64xf32, #tpu.memory_space<vmem>>, vector<16xf32>,
        tpu.vector_store %arg11[%swap3A_2855, %swap3A_2856], %mul3A_2853 {strides = array<i32>} : memref<80x64xf32, #tpu.memory_space<vmem>>, vector<16xf32>,
        %get3A_2858 = arith.constant 63 : i32
        %get3A_2859 = arith.index_cast %get3A_2858 : i32 to index
        %get3A_2860 = arith.constant 48 : index
        %get3A_2861 = tpu.vector_load %arg11[%get3A_2859, %get3A_2860] {strides = array<i32>} : memref<80x64xf32, #tpu.memory_space<vmem>>, vector<16xf32>,
        %mul3A_2862 = vector.broadcast %squeeze3A_2827 : f32 to vector<16xf32>
        %mul3A_2863 = arith.mulf %get3A_2861, %mul3A_2862 : vector<16xf32>
        %swap3A_2864 = arith.constant 63 : i32
        %swap3A_2865 = arith.index_cast %swap3A_2864 : i32 to index
        %swap3A_2866 = arith.constant 48 : index
        %swap3A_2867 = tpu.vector_load %arg11[%swap3A_2865, %swap3A_2866] {strides = array<i32>} : memref<80x64xf32, #tpu.memory_space<vmem>>, vector<16xf32>,
        tpu.vector_store %arg11[%swap3A_2865, %swap3A_2866], %mul3A_2863 {strides = array<i32>} : memref<80x64xf32, #tpu.memory_space<vmem>>, vector<16xf32>,
        %mul3A_2868 = arith.constant 80 : i32
        %mul3A_2869 = arith.muli %scan3A_152, %mul3A_2868 : i32
        %add3A_2870 = arith.constant 64 : i32
        %add3A_2871 = arith.addi %mul3A_2869, %add3A_2870 : i32
        %get3A_2872 = arith.index_cast %add3A_2871 : i32 to index
        %get3A_2873 = tpu.vector_load %arg13[%get3A_2872] {strides = array<i32>} : memref<640xf32, #tpu.memory_space<vmem>>, vector<16xf32>,
        %slice3A_2874 = vector.extract_strided_slice %get3A_2873 {offsets = [0], sizes = [1], strides = [1]} : vector<16xf32> to vector<1xf32>
        %squeeze3A_2875 = vector.extract %slice3A_2874[0] : f32 from vector<1xf32>
        %get3A_2876 = arith.constant 64 : i32
        %get3A_2877 = arith.index_cast %get3A_2876 : i32 to index
        %get3A_2878 = arith.constant 0 : index
        %get3A_2879 = tpu.vector_load %arg11[%get3A_2877, %get3A_2878] {strides = array<i32>} : memref<80x64xf32, #tpu.memory_space<vmem>>, vector<16xf32>,
        %mul3A_2880 = vector.broadcast %squeeze3A_2875 : f32 to vector<16xf32>
        %mul3A_2881 = arith.mulf %get3A_2879, %mul3A_2880 : vector<16xf32>
        %swap3A_2882 = arith.constant 64 : i32
        %swap3A_2883 = arith.index_cast %swap3A_2882 : i32 to index
        %swap3A_2884 = arith.constant 0 : index
        %swap3A_2885 = tpu.vector_load %arg11[%swap3A_2883, %swap3A_2884] {strides = array<i32>} : memref<80x64xf32, #tpu.memory_space<vmem>>, vector<16xf32>,
        tpu.vector_store %arg11[%swap3A_2883, %swap3A_2884], %mul3A_2881 {strides = array<i32>} : memref<80x64xf32, #tpu.memory_space<vmem>>, vector<16xf32>,
        %get3A_2886 = arith.constant 64 : i32
        %get3A_2887 = arith.index_cast %get3A_2886 : i32 to index
        %get3A_2888 = arith.constant 16 : index
        %get3A_2889 = tpu.vector_load %arg11[%get3A_2887, %get3A_2888] {strides = array<i32>} : memref<80x64xf32, #tpu.memory_space<vmem>>, vector<16xf32>,
        %mul3A_2890 = vector.broadcast %squeeze3A_2875 : f32 to vector<16xf32>
        %mul3A_2891 = arith.mulf %get3A_2889, %mul3A_2890 : vector<16xf32>
        %swap3A_2892 = arith.constant 64 : i32
        %swap3A_2893 = arith.index_cast %swap3A_2892 : i32 to index
        %swap3A_2894 = arith.constant 16 : index
        %swap3A_2895 = tpu.vector_load %arg11[%swap3A_2893, %swap3A_2894] {strides = array<i32>} : memref<80x64xf32, #tpu.memory_space<vmem>>, vector<16xf32>,
        tpu.vector_store %arg11[%swap3A_2893, %swap3A_2894], %mul3A_2891 {strides = array<i32>} : memref<80x64xf32, #tpu.memory_space<vmem>>, vector<16xf32>,
        %get3A_2896 = arith.constant 64 : i32
        %get3A_2897 = arith.index_cast %get3A_2896 : i32 to index
        %get3A_2898 = arith.constant 32 : index
        %get3A_2899 = tpu.vector_load %arg11[%get3A_2897, %get3A_2898] {strides = array<i32>} : memref<80x64xf32, #tpu.memory_space<vmem>>, vector<16xf32>,
        %mul3A_2900 = vector.broadcast %squeeze3A_2875 : f32 to vector<16xf32>
        %mul3A_2901 = arith.mulf %get3A_2899, %mul3A_2900 : vector<16xf32>
        %swap3A_2902 = arith.constant 64 : i32
        %swap3A_2903 = arith.index_cast %swap3A_2902 : i32 to index
        %swap3A_2904 = arith.constant 32 : index
        %swap3A_2905 = tpu.vector_load %arg11[%swap3A_2903, %swap3A_2904] {strides = array<i32>} : memref<80x64xf32, #tpu.memory_space<vmem>>, vector<16xf32>,
        tpu.vector_store %arg11[%swap3A_2903, %swap3A_2904], %mul3A_2901 {strides = array<i32>} : memref<80x64xf32, #tpu.memory_space<vmem>>, vector<16xf32>,
        %get3A_2906 = arith.constant 64 : i32
        %get3A_2907 = arith.index_cast %get3A_2906 : i32 to index
        %get3A_2908 = arith.constant 48 : index
        %get3A_2909 = tpu.vector_load %arg11[%get3A_2907, %get3A_2908] {strides = array<i32>} : memref<80x64xf32, #tpu.memory_space<vmem>>, vector<16xf32>,
        %mul3A_2910 = vector.broadcast %squeeze3A_2875 : f32 to vector<16xf32>
        %mul3A_2911 = arith.mulf %get3A_2909, %mul3A_2910 : vector<16xf32>
        %swap3A_2912 = arith.constant 64 : i32
        %swap3A_2913 = arith.index_cast %swap3A_2912 : i32 to index
        %swap3A_2914 = arith.constant 48 : index
        %swap3A_2915 = tpu.vector_load %arg11[%swap3A_2913, %swap3A_2914] {strides = array<i32>} : memref<80x64xf32, #tpu.memory_space<vmem>>, vector<16xf32>,
        tpu.vector_store %arg11[%swap3A_2913, %swap3A_2914], %mul3A_2911 {strides = array<i32>} : memref<80x64xf32, #tpu.memory_space<vmem>>, vector<16xf32>,
        %slice3A_2916 = vector.extract_strided_slice %get3A_2873 {offsets = [1], sizes = [1], strides = [1]} : vector<16xf32> to vector<1xf32>
        %squeeze3A_2917 = vector.extract %slice3A_2916[0] : f32 from vector<1xf32>
        %get3A_2918 = arith.constant 65 : i32
        %get3A_2919 = arith.index_cast %get3A_2918 : i32 to index
        %get3A_2920 = arith.constant 0 : index
        %get3A_2921 = tpu.vector_load %arg11[%get3A_2919, %get3A_2920] {strides = array<i32>} : memref<80x64xf32, #tpu.memory_space<vmem>>, vector<16xf32>,
        %mul3A_2922 = vector.broadcast %squeeze3A_2917 : f32 to vector<16xf32>
        %mul3A_2923 = arith.mulf %get3A_2921, %mul3A_2922 : vector<16xf32>
        %swap3A_2924 = arith.constant 65 : i32
        %swap3A_2925 = arith.index_cast %swap3A_2924 : i32 to index
        %swap3A_2926 = arith.constant 0 : index
        %swap3A_2927 = tpu.vector_load %arg11[%swap3A_2925, %swap3A_2926] {strides = array<i32>} : memref<80x64xf32, #tpu.memory_space<vmem>>, vector<16xf32>,
        tpu.vector_store %arg11[%swap3A_2925, %swap3A_2926], %mul3A_2923 {strides = array<i32>} : memref<80x64xf32, #tpu.memory_space<vmem>>, vector<16xf32>,
        %get3A_2928 = arith.constant 65 : i32
        %get3A_2929 = arith.index_cast %get3A_2928 : i32 to index
        %get3A_2930 = arith.constant 16 : index
        %get3A_2931 = tpu.vector_load %arg11[%get3A_2929, %get3A_2930] {strides = array<i32>} : memref<80x64xf32, #tpu.memory_space<vmem>>, vector<16xf32>,
        %mul3A_2932 = vector.broadcast %squeeze3A_2917 : f32 to vector<16xf32>
        %mul3A_2933 = arith.mulf %get3A_2931, %mul3A_2932 : vector<16xf32>
        %swap3A_2934 = arith.constant 65 : i32
        %swap3A_2935 = arith.index_cast %swap3A_2934 : i32 to index
        %swap3A_2936 = arith.constant 16 : index
        %swap3A_2937 = tpu.vector_load %arg11[%swap3A_2935, %swap3A_2936] {strides = array<i32>} : memref<80x64xf32, #tpu.memory_space<vmem>>, vector<16xf32>,
        tpu.vector_store %arg11[%swap3A_2935, %swap3A_2936], %mul3A_2933 {strides = array<i32>} : memref<80x64xf32, #tpu.memory_space<vmem>>, vector<16xf32>,
        %get3A_2938 = arith.constant 65 : i32
        %get3A_2939 = arith.index_cast %get3A_2938 : i32 to index
        %get3A_2940 = arith.constant 32 : index
        %get3A_2941 = tpu.vector_load %arg11[%get3A_2939, %get3A_2940] {strides = array<i32>} : memref<80x64xf32, #tpu.memory_space<vmem>>, vector<16xf32>,
        %mul3A_2942 = vector.broadcast %squeeze3A_2917 : f32 to vector<16xf32>
        %mul3A_2943 = arith.mulf %get3A_2941, %mul3A_2942 : vector<16xf32>
        %swap3A_2944 = arith.constant 65 : i32
        %swap3A_2945 = arith.index_cast %swap3A_2944 : i32 to index
        %swap3A_2946 = arith.constant 32 : index
        %swap3A_2947 = tpu.vector_load %arg11[%swap3A_2945, %swap3A_2946] {strides = array<i32>} : memref<80x64xf32, #tpu.memory_space<vmem>>, vector<16xf32>,
        tpu.vector_store %arg11[%swap3A_2945, %swap3A_2946], %mul3A_2943 {strides = array<i32>} : memref<80x64xf32, #tpu.memory_space<vmem>>, vector<16xf32>,
        %get3A_2948 = arith.constant 65 : i32
        %get3A_2949 = arith.index_cast %get3A_2948 : i32 to index
        %get3A_2950 = arith.constant 48 : index
        %get3A_2951 = tpu.vector_load %arg11[%get3A_2949, %get3A_2950] {strides = array<i32>} : memref<80x64xf32, #tpu.memory_space<vmem>>, vector<16xf32>,
        %mul3A_2952 = vector.broadcast %squeeze3A_2917 : f32 to vector<16xf32>
        %mul3A_2953 = arith.mulf %get3A_2951, %mul3A_2952 : vector<16xf32>
        %swap3A_2954 = arith.constant 65 : i32
        %swap3A_2955 = arith.index_cast %swap3A_2954 : i32 to index
        %swap3A_2956 = arith.constant 48 : index
        %swap3A_2957 = tpu.vector_load %arg11[%swap3A_2955, %swap3A_2956] {strides = array<i32>} : memref<80x64xf32, #tpu.memory_space<vmem>>, vector<16xf32>,
        tpu.vector_store %arg11[%swap3A_2955, %swap3A_2956], %mul3A_2953 {strides = array<i32>} : memref<80x64xf32, #tpu.memory_space<vmem>>, vector<16xf32>,
        %slice3A_2958 = vector.extract_strided_slice %get3A_2873 {offsets = [2], sizes = [1], strides = [1]} : vector<16xf32> to vector<1xf32>
        %squeeze3A_2959 = vector.extract %slice3A_2958[0] : f32 from vector<1xf32>
        %get3A_2960 = arith.constant 66 : i32
        %get3A_2961 = arith.index_cast %get3A_2960 : i32 to index
        %get3A_2962 = arith.constant 0 : index
        %get3A_2963 = tpu.vector_load %arg11[%get3A_2961, %get3A_2962] {strides = array<i32>} : memref<80x64xf32, #tpu.memory_space<vmem>>, vector<16xf32>,
        %mul3A_2964 = vector.broadcast %squeeze3A_2959 : f32 to vector<16xf32>
        %mul3A_2965 = arith.mulf %get3A_2963, %mul3A_2964 : vector<16xf32>
        %swap3A_2966 = arith.constant 66 : i32
        %swap3A_2967 = arith.index_cast %swap3A_2966 : i32 to index
        %swap3A_2968 = arith.constant 0 : index
        %swap3A_2969 = tpu.vector_load %arg11[%swap3A_2967, %swap3A_2968] {strides = array<i32>} : memref<80x64xf32, #tpu.memory_space<vmem>>, vector<16xf32>,
        tpu.vector_store %arg11[%swap3A_2967, %swap3A_2968], %mul3A_2965 {strides = array<i32>} : memref<80x64xf32, #tpu.memory_space<vmem>>, vector<16xf32>,
        %get3A_2970 = arith.constant 66 : i32
        %get3A_2971 = arith.index_cast %get3A_2970 : i32 to index
        %get3A_2972 = arith.constant 16 : index
        %get3A_2973 = tpu.vector_load %arg11[%get3A_2971, %get3A_2972] {strides = array<i32>} : memref<80x64xf32, #tpu.memory_space<vmem>>, vector<16xf32>,
        %mul3A_2974 = vector.broadcast %squeeze3A_2959 : f32 to vector<16xf32>
        %mul3A_2975 = arith.mulf %get3A_2973, %mul3A_2974 : vector<16xf32>
        %swap3A_2976 = arith.constant 66 : i32
        %swap3A_2977 = arith.index_cast %swap3A_2976 : i32 to index
        %swap3A_2978 = arith.constant 16 : index
        %swap3A_2979 = tpu.vector_load %arg11[%swap3A_2977, %swap3A_2978] {strides = array<i32>} : memref<80x64xf32, #tpu.memory_space<vmem>>, vector<16xf32>,
        tpu.vector_store %arg11[%swap3A_2977, %swap3A_2978], %mul3A_2975 {strides = array<i32>} : memref<80x64xf32, #tpu.memory_space<vmem>>, vector<16xf32>,
        %get3A_2980 = arith.constant 66 : i32
        %get3A_2981 = arith.index_cast %get3A_2980 : i32 to index
        %get3A_2982 = arith.constant 32 : index
        %get3A_2983 = tpu.vector_load %arg11[%get3A_2981, %get3A_2982] {strides = array<i32>} : memref<80x64xf32, #tpu.memory_space<vmem>>, vector<16xf32>,
        %mul3A_2984 = vector.broadcast %squeeze3A_2959 : f32 to vector<16xf32>
        %mul3A_2985 = arith.mulf %get3A_2983, %mul3A_2984 : vector<16xf32>
        %swap3A_2986 = arith.constant 66 : i32
        %swap3A_2987 = arith.index_cast %swap3A_2986 : i32 to index
        %swap3A_2988 = arith.constant 32 : index
        %swap3A_2989 = tpu.vector_load %arg11[%swap3A_2987, %swap3A_2988] {strides = array<i32>} : memref<80x64xf32, #tpu.memory_space<vmem>>, vector<16xf32>,
        tpu.vector_store %arg11[%swap3A_2987, %swap3A_2988], %mul3A_2985 {strides = array<i32>} : memref<80x64xf32, #tpu.memory_space<vmem>>, vector<16xf32>,
        %get3A_2990 = arith.constant 66 : i32
        %get3A_2991 = arith.index_cast %get3A_2990 : i32 to index
        %get3A_2992 = arith.constant 48 : index
        %get3A_2993 = tpu.vector_load %arg11[%get3A_2991, %get3A_2992] {strides = array<i32>} : memref<80x64xf32, #tpu.memory_space<vmem>>, vector<16xf32>,
        %mul3A_2994 = vector.broadcast %squeeze3A_2959 : f32 to vector<16xf32>
        %mul3A_2995 = arith.mulf %get3A_2993, %mul3A_2994 : vector<16xf32>
        %swap3A_2996 = arith.constant 66 : i32
        %swap3A_2997 = arith.index_cast %swap3A_2996 : i32 to index
        %swap3A_2998 = arith.constant 48 : index
        %swap3A_2999 = tpu.vector_load %arg11[%swap3A_2997, %swap3A_2998] {strides = array<i32>} : memref<80x64xf32, #tpu.memory_space<vmem>>, vector<16xf32>,
        tpu.vector_store %arg11[%swap3A_2997, %swap3A_2998], %mul3A_2995 {strides = array<i32>} : memref<80x64xf32, #tpu.memory_space<vmem>>, vector<16xf32>,
        %slice3A_3000 = vector.extract_strided_slice %get3A_2873 {offsets = [3], sizes = [1], strides = [1]} : vector<16xf32> to vector<1xf32>
        %squeeze3A_3001 = vector.extract %slice3A_3000[0] : f32 from vector<1xf32>
        %get3A_3002 = arith.constant 67 : i32
        %get3A_3003 = arith.index_cast %get3A_3002 : i32 to index
        %get3A_3004 = arith.constant 0 : index
        %get3A_3005 = tpu.vector_load %arg11[%get3A_3003, %get3A_3004] {strides = array<i32>} : memref<80x64xf32, #tpu.memory_space<vmem>>, vector<16xf32>,
        %mul3A_3006 = vector.broadcast %squeeze3A_3001 : f32 to vector<16xf32>
        %mul3A_3007 = arith.mulf %get3A_3005, %mul3A_3006 : vector<16xf32>
        %swap3A_3008 = arith.constant 67 : i32
        %swap3A_3009 = arith.index_cast %swap3A_3008 : i32 to index
        %swap3A_3010 = arith.constant 0 : index
        %swap3A_3011 = tpu.vector_load %arg11[%swap3A_3009, %swap3A_3010] {strides = array<i32>} : memref<80x64xf32, #tpu.memory_space<vmem>>, vector<16xf32>,
        tpu.vector_store %arg11[%swap3A_3009, %swap3A_3010], %mul3A_3007 {strides = array<i32>} : memref<80x64xf32, #tpu.memory_space<vmem>>, vector<16xf32>,
        %get3A_3012 = arith.constant 67 : i32
        %get3A_3013 = arith.index_cast %get3A_3012 : i32 to index
        %get3A_3014 = arith.constant 16 : index
        %get3A_3015 = tpu.vector_load %arg11[%get3A_3013, %get3A_3014] {strides = array<i32>} : memref<80x64xf32, #tpu.memory_space<vmem>>, vector<16xf32>,
        %mul3A_3016 = vector.broadcast %squeeze3A_3001 : f32 to vector<16xf32>
        %mul3A_3017 = arith.mulf %get3A_3015, %mul3A_3016 : vector<16xf32>
        %swap3A_3018 = arith.constant 67 : i32
        %swap3A_3019 = arith.index_cast %swap3A_3018 : i32 to index
        %swap3A_3020 = arith.constant 16 : index
        %swap3A_3021 = tpu.vector_load %arg11[%swap3A_3019, %swap3A_3020] {strides = array<i32>} : memref<80x64xf32, #tpu.memory_space<vmem>>, vector<16xf32>,
        tpu.vector_store %arg11[%swap3A_3019, %swap3A_3020], %mul3A_3017 {strides = array<i32>} : memref<80x64xf32, #tpu.memory_space<vmem>>, vector<16xf32>,
        %get3A_3022 = arith.constant 67 : i32
        %get3A_3023 = arith.index_cast %get3A_3022 : i32 to index
        %get3A_3024 = arith.constant 32 : index
        %get3A_3025 = tpu.vector_load %arg11[%get3A_3023, %get3A_3024] {strides = array<i32>} : memref<80x64xf32, #tpu.memory_space<vmem>>, vector<16xf32>,
        %mul3A_3026 = vector.broadcast %squeeze3A_3001 : f32 to vector<16xf32>
        %mul3A_3027 = arith.mulf %get3A_3025, %mul3A_3026 : vector<16xf32>
        %swap3A_3028 = arith.constant 67 : i32
        %swap3A_3029 = arith.index_cast %swap3A_3028 : i32 to index
        %swap3A_3030 = arith.constant 32 : index
        %swap3A_3031 = tpu.vector_load %arg11[%swap3A_3029, %swap3A_3030] {strides = array<i32>} : memref<80x64xf32, #tpu.memory_space<vmem>>, vector<16xf32>,
        tpu.vector_store %arg11[%swap3A_3029, %swap3A_3030], %mul3A_3027 {strides = array<i32>} : memref<80x64xf32, #tpu.memory_space<vmem>>, vector<16xf32>,
        %get3A_3032 = arith.constant 67 : i32
        %get3A_3033 = arith.index_cast %get3A_3032 : i32 to index
        %get3A_3034 = arith.constant 48 : index
        %get3A_3035 = tpu.vector_load %arg11[%get3A_3033, %get3A_3034] {strides = array<i32>} : memref<80x64xf32, #tpu.memory_space<vmem>>, vector<16xf32>,
        %mul3A_3036 = vector.broadcast %squeeze3A_3001 : f32 to vector<16xf32>
        %mul3A_3037 = arith.mulf %get3A_3035, %mul3A_3036 : vector<16xf32>
        %swap3A_3038 = arith.constant 67 : i32
        %swap3A_3039 = arith.index_cast %swap3A_3038 : i32 to index
        %swap3A_3040 = arith.constant 48 : index
        %swap3A_3041 = tpu.vector_load %arg11[%swap3A_3039, %swap3A_3040] {strides = array<i32>} : memref<80x64xf32, #tpu.memory_space<vmem>>, vector<16xf32>,
        tpu.vector_store %arg11[%swap3A_3039, %swap3A_3040], %mul3A_3037 {strides = array<i32>} : memref<80x64xf32, #tpu.memory_space<vmem>>, vector<16xf32>,
        %slice3A_3042 = vector.extract_strided_slice %get3A_2873 {offsets = [4], sizes = [1], strides = [1]} : vector<16xf32> to vector<1xf32>
        %squeeze3A_3043 = vector.extract %slice3A_3042[0] : f32 from vector<1xf32>
        %get3A_3044 = arith.constant 68 : i32
        %get3A_3045 = arith.index_cast %get3A_3044 : i32 to index
        %get3A_3046 = arith.constant 0 : index
        %get3A_3047 = tpu.vector_load %arg11[%get3A_3045, %get3A_3046] {strides = array<i32>} : memref<80x64xf32, #tpu.memory_space<vmem>>, vector<16xf32>,
        %mul3A_3048 = vector.broadcast %squeeze3A_3043 : f32 to vector<16xf32>
        %mul3A_3049 = arith.mulf %get3A_3047, %mul3A_3048 : vector<16xf32>
        %swap3A_3050 = arith.constant 68 : i32
        %swap3A_3051 = arith.index_cast %swap3A_3050 : i32 to index
        %swap3A_3052 = arith.constant 0 : index
        %swap3A_3053 = tpu.vector_load %arg11[%swap3A_3051, %swap3A_3052] {strides = array<i32>} : memref<80x64xf32, #tpu.memory_space<vmem>>, vector<16xf32>,
        tpu.vector_store %arg11[%swap3A_3051, %swap3A_3052], %mul3A_3049 {strides = array<i32>} : memref<80x64xf32, #tpu.memory_space<vmem>>, vector<16xf32>,
        %get3A_3054 = arith.constant 68 : i32
        %get3A_3055 = arith.index_cast %get3A_3054 : i32 to index
        %get3A_3056 = arith.constant 16 : index
        %get3A_3057 = tpu.vector_load %arg11[%get3A_3055, %get3A_3056] {strides = array<i32>} : memref<80x64xf32, #tpu.memory_space<vmem>>, vector<16xf32>,
        %mul3A_3058 = vector.broadcast %squeeze3A_3043 : f32 to vector<16xf32>
        %mul3A_3059 = arith.mulf %get3A_3057, %mul3A_3058 : vector<16xf32>
        %swap3A_3060 = arith.constant 68 : i32
        %swap3A_3061 = arith.index_cast %swap3A_3060 : i32 to index
        %swap3A_3062 = arith.constant 16 : index
        %swap3A_3063 = tpu.vector_load %arg11[%swap3A_3061, %swap3A_3062] {strides = array<i32>} : memref<80x64xf32, #tpu.memory_space<vmem>>, vector<16xf32>,
        tpu.vector_store %arg11[%swap3A_3061, %swap3A_3062], %mul3A_3059 {strides = array<i32>} : memref<80x64xf32, #tpu.memory_space<vmem>>, vector<16xf32>,
        %get3A_3064 = arith.constant 68 : i32
        %get3A_3065 = arith.index_cast %get3A_3064 : i32 to index
        %get3A_3066 = arith.constant 32 : index
        %get3A_3067 = tpu.vector_load %arg11[%get3A_3065, %get3A_3066] {strides = array<i32>} : memref<80x64xf32, #tpu.memory_space<vmem>>, vector<16xf32>,
        %mul3A_3068 = vector.broadcast %squeeze3A_3043 : f32 to vector<16xf32>
        %mul3A_3069 = arith.mulf %get3A_3067, %mul3A_3068 : vector<16xf32>
        %swap3A_3070 = arith.constant 68 : i32
        %swap3A_3071 = arith.index_cast %swap3A_3070 : i32 to index
        %swap3A_3072 = arith.constant 32 : index
        %swap3A_3073 = tpu.vector_load %arg11[%swap3A_3071, %swap3A_3072] {strides = array<i32>} : memref<80x64xf32, #tpu.memory_space<vmem>>, vector<16xf32>,
        tpu.vector_store %arg11[%swap3A_3071, %swap3A_3072], %mul3A_3069 {strides = array<i32>} : memref<80x64xf32, #tpu.memory_space<vmem>>, vector<16xf32>,
        %get3A_3074 = arith.constant 68 : i32
        %get3A_3075 = arith.index_cast %get3A_3074 : i32 to index
        %get3A_3076 = arith.constant 48 : index
        %get3A_3077 = tpu.vector_load %arg11[%get3A_3075, %get3A_3076] {strides = array<i32>} : memref<80x64xf32, #tpu.memory_space<vmem>>, vector<16xf32>,
        %mul3A_3078 = vector.broadcast %squeeze3A_3043 : f32 to vector<16xf32>
        %mul3A_3079 = arith.mulf %get3A_3077, %mul3A_3078 : vector<16xf32>
        %swap3A_3080 = arith.constant 68 : i32
        %swap3A_3081 = arith.index_cast %swap3A_3080 : i32 to index
        %swap3A_3082 = arith.constant 48 : index
        %swap3A_3083 = tpu.vector_load %arg11[%swap3A_3081, %swap3A_3082] {strides = array<i32>} : memref<80x64xf32, #tpu.memory_space<vmem>>, vector<16xf32>,
        tpu.vector_store %arg11[%swap3A_3081, %swap3A_3082], %mul3A_3079 {strides = array<i32>} : memref<80x64xf32, #tpu.memory_space<vmem>>, vector<16xf32>,
        %slice3A_3084 = vector.extract_strided_slice %get3A_2873 {offsets = [5], sizes = [1], strides = [1]} : vector<16xf32> to vector<1xf32>
        %squeeze3A_3085 = vector.extract %slice3A_3084[0] : f32 from vector<1xf32>
        %get3A_3086 = arith.constant 69 : i32
        %get3A_3087 = arith.index_cast %get3A_3086 : i32 to index
        %get3A_3088 = arith.constant 0 : index
        %get3A_3089 = tpu.vector_load %arg11[%get3A_3087, %get3A_3088] {strides = array<i32>} : memref<80x64xf32, #tpu.memory_space<vmem>>, vector<16xf32>,
        %mul3A_3090 = vector.broadcast %squeeze3A_3085 : f32 to vector<16xf32>
        %mul3A_3091 = arith.mulf %get3A_3089, %mul3A_3090 : vector<16xf32>
        %swap3A_3092 = arith.constant 69 : i32
        %swap3A_3093 = arith.index_cast %swap3A_3092 : i32 to index
        %swap3A_3094 = arith.constant 0 : index
        %swap3A_3095 = tpu.vector_load %arg11[%swap3A_3093, %swap3A_3094] {strides = array<i32>} : memref<80x64xf32, #tpu.memory_space<vmem>>, vector<16xf32>,
        tpu.vector_store %arg11[%swap3A_3093, %swap3A_3094], %mul3A_3091 {strides = array<i32>} : memref<80x64xf32, #tpu.memory_space<vmem>>, vector<16xf32>,
        %get3A_3096 = arith.constant 69 : i32
        %get3A_3097 = arith.index_cast %get3A_3096 : i32 to index
        %get3A_3098 = arith.constant 16 : index
        %get3A_3099 = tpu.vector_load %arg11[%get3A_3097, %get3A_3098] {strides = array<i32>} : memref<80x64xf32, #tpu.memory_space<vmem>>, vector<16xf32>,
        %mul3A_3100 = vector.broadcast %squeeze3A_3085 : f32 to vector<16xf32>
        %mul3A_3101 = arith.mulf %get3A_3099, %mul3A_3100 : vector<16xf32>
        %swap3A_3102 = arith.constant 69 : i32
        %swap3A_3103 = arith.index_cast %swap3A_3102 : i32 to index
        %swap3A_3104 = arith.constant 16 : index
        %swap3A_3105 = tpu.vector_load %arg11[%swap3A_3103, %swap3A_3104] {strides = array<i32>} : memref<80x64xf32, #tpu.memory_space<vmem>>, vector<16xf32>,
        tpu.vector_store %arg11[%swap3A_3103, %swap3A_3104], %mul3A_3101 {strides = array<i32>} : memref<80x64xf32, #tpu.memory_space<vmem>>, vector<16xf32>,
        %get3A_3106 = arith.constant 69 : i32
        %get3A_3107 = arith.index_cast %get3A_3106 : i32 to index
        %get3A_3108 = arith.constant 32 : index
        %get3A_3109 = tpu.vector_load %arg11[%get3A_3107, %get3A_3108] {strides = array<i32>} : memref<80x64xf32, #tpu.memory_space<vmem>>, vector<16xf32>,
        %mul3A_3110 = vector.broadcast %squeeze3A_3085 : f32 to vector<16xf32>
        %mul3A_3111 = arith.mulf %get3A_3109, %mul3A_3110 : vector<16xf32>
        %swap3A_3112 = arith.constant 69 : i32
        %swap3A_3113 = arith.index_cast %swap3A_3112 : i32 to index
        %swap3A_3114 = arith.constant 32 : index
        %swap3A_3115 = tpu.vector_load %arg11[%swap3A_3113, %swap3A_3114] {strides = array<i32>} : memref<80x64xf32, #tpu.memory_space<vmem>>, vector<16xf32>,
        tpu.vector_store %arg11[%swap3A_3113, %swap3A_3114], %mul3A_3111 {strides = array<i32>} : memref<80x64xf32, #tpu.memory_space<vmem>>, vector<16xf32>,
        %get3A_3116 = arith.constant 69 : i32
        %get3A_3117 = arith.index_cast %get3A_3116 : i32 to index
        %get3A_3118 = arith.constant 48 : index
        %get3A_3119 = tpu.vector_load %arg11[%get3A_3117, %get3A_3118] {strides = array<i32>} : memref<80x64xf32, #tpu.memory_space<vmem>>, vector<16xf32>,
        %mul3A_3120 = vector.broadcast %squeeze3A_3085 : f32 to vector<16xf32>
        %mul3A_3121 = arith.mulf %get3A_3119, %mul3A_3120 : vector<16xf32>
        %swap3A_3122 = arith.constant 69 : i32
        %swap3A_3123 = arith.index_cast %swap3A_3122 : i32 to index
        %swap3A_3124 = arith.constant 48 : index
        %swap3A_3125 = tpu.vector_load %arg11[%swap3A_3123, %swap3A_3124] {strides = array<i32>} : memref<80x64xf32, #tpu.memory_space<vmem>>, vector<16xf32>,
        tpu.vector_store %arg11[%swap3A_3123, %swap3A_3124], %mul3A_3121 {strides = array<i32>} : memref<80x64xf32, #tpu.memory_space<vmem>>, vector<16xf32>,
        %slice3A_3126 = vector.extract_strided_slice %get3A_2873 {offsets = [6], sizes = [1], strides = [1]} : vector<16xf32> to vector<1xf32>
        %squeeze3A_3127 = vector.extract %slice3A_3126[0] : f32 from vector<1xf32>
        %get3A_3128 = arith.constant 70 : i32
        %get3A_3129 = arith.index_cast %get3A_3128 : i32 to index
        %get3A_3130 = arith.constant 0 : index
        %get3A_3131 = tpu.vector_load %arg11[%get3A_3129, %get3A_3130] {strides = array<i32>} : memref<80x64xf32, #tpu.memory_space<vmem>>, vector<16xf32>,
        %mul3A_3132 = vector.broadcast %squeeze3A_3127 : f32 to vector<16xf32>
        %mul3A_3133 = arith.mulf %get3A_3131, %mul3A_3132 : vector<16xf32>
        %swap3A_3134 = arith.constant 70 : i32
        %swap3A_3135 = arith.index_cast %swap3A_3134 : i32 to index
        %swap3A_3136 = arith.constant 0 : index
        %swap3A_3137 = tpu.vector_load %arg11[%swap3A_3135, %swap3A_3136] {strides = array<i32>} : memref<80x64xf32, #tpu.memory_space<vmem>>, vector<16xf32>,
        tpu.vector_store %arg11[%swap3A_3135, %swap3A_3136], %mul3A_3133 {strides = array<i32>} : memref<80x64xf32, #tpu.memory_space<vmem>>, vector<16xf32>,
        %get3A_3138 = arith.constant 70 : i32
        %get3A_3139 = arith.index_cast %get3A_3138 : i32 to index
        %get3A_3140 = arith.constant 16 : index
        %get3A_3141 = tpu.vector_load %arg11[%get3A_3139, %get3A_3140] {strides = array<i32>} : memref<80x64xf32, #tpu.memory_space<vmem>>, vector<16xf32>,
        %mul3A_3142 = vector.broadcast %squeeze3A_3127 : f32 to vector<16xf32>
        %mul3A_3143 = arith.mulf %get3A_3141, %mul3A_3142 : vector<16xf32>
        %swap3A_3144 = arith.constant 70 : i32
        %swap3A_3145 = arith.index_cast %swap3A_3144 : i32 to index
        %swap3A_3146 = arith.constant 16 : index
        %swap3A_3147 = tpu.vector_load %arg11[%swap3A_3145, %swap3A_3146] {strides = array<i32>} : memref<80x64xf32, #tpu.memory_space<vmem>>, vector<16xf32>,
        tpu.vector_store %arg11[%swap3A_3145, %swap3A_3146], %mul3A_3143 {strides = array<i32>} : memref<80x64xf32, #tpu.memory_space<vmem>>, vector<16xf32>,
        %get3A_3148 = arith.constant 70 : i32
        %get3A_3149 = arith.index_cast %get3A_3148 : i32 to index
        %get3A_3150 = arith.constant 32 : index
        %get3A_3151 = tpu.vector_load %arg11[%get3A_3149, %get3A_3150] {strides = array<i32>} : memref<80x64xf32, #tpu.memory_space<vmem>>, vector<16xf32>,
        %mul3A_3152 = vector.broadcast %squeeze3A_3127 : f32 to vector<16xf32>
        %mul3A_3153 = arith.mulf %get3A_3151, %mul3A_3152 : vector<16xf32>
        %swap3A_3154 = arith.constant 70 : i32
        %swap3A_3155 = arith.index_cast %swap3A_3154 : i32 to index
        %swap3A_3156 = arith.constant 32 : index
        %swap3A_3157 = tpu.vector_load %arg11[%swap3A_3155, %swap3A_3156] {strides = array<i32>} : memref<80x64xf32, #tpu.memory_space<vmem>>, vector<16xf32>,
        tpu.vector_store %arg11[%swap3A_3155, %swap3A_3156], %mul3A_3153 {strides = array<i32>} : memref<80x64xf32, #tpu.memory_space<vmem>>, vector<16xf32>,
        %get3A_3158 = arith.constant 70 : i32
        %get3A_3159 = arith.index_cast %get3A_3158 : i32 to index
        %get3A_3160 = arith.constant 48 : index
        %get3A_3161 = tpu.vector_load %arg11[%get3A_3159, %get3A_3160] {strides = array<i32>} : memref<80x64xf32, #tpu.memory_space<vmem>>, vector<16xf32>,
        %mul3A_3162 = vector.broadcast %squeeze3A_3127 : f32 to vector<16xf32>
        %mul3A_3163 = arith.mulf %get3A_3161, %mul3A_3162 : vector<16xf32>
        %swap3A_3164 = arith.constant 70 : i32
        %swap3A_3165 = arith.index_cast %swap3A_3164 : i32 to index
        %swap3A_3166 = arith.constant 48 : index
        %swap3A_3167 = tpu.vector_load %arg11[%swap3A_3165, %swap3A_3166] {strides = array<i32>} : memref<80x64xf32, #tpu.memory_space<vmem>>, vector<16xf32>,
        tpu.vector_store %arg11[%swap3A_3165, %swap3A_3166], %mul3A_3163 {strides = array<i32>} : memref<80x64xf32, #tpu.memory_space<vmem>>, vector<16xf32>,
        %slice3A_3168 = vector.extract_strided_slice %get3A_2873 {offsets = [7], sizes = [1], strides = [1]} : vector<16xf32> to vector<1xf32>
        %squeeze3A_3169 = vector.extract %slice3A_3168[0] : f32 from vector<1xf32>
        %get3A_3170 = arith.constant 71 : i32
        %get3A_3171 = arith.index_cast %get3A_3170 : i32 to index
        %get3A_3172 = arith.constant 0 : index
        %get3A_3173 = tpu.vector_load %arg11[%get3A_3171, %get3A_3172] {strides = array<i32>} : memref<80x64xf32, #tpu.memory_space<vmem>>, vector<16xf32>,
        %mul3A_3174 = vector.broadcast %squeeze3A_3169 : f32 to vector<16xf32>
        %mul3A_3175 = arith.mulf %get3A_3173, %mul3A_3174 : vector<16xf32>
        %swap3A_3176 = arith.constant 71 : i32
        %swap3A_3177 = arith.index_cast %swap3A_3176 : i32 to index
        %swap3A_3178 = arith.constant 0 : index
        %swap3A_3179 = tpu.vector_load %arg11[%swap3A_3177, %swap3A_3178] {strides = array<i32>} : memref<80x64xf32, #tpu.memory_space<vmem>>, vector<16xf32>,
        tpu.vector_store %arg11[%swap3A_3177, %swap3A_3178], %mul3A_3175 {strides = array<i32>} : memref<80x64xf32, #tpu.memory_space<vmem>>, vector<16xf32>,
        %get3A_3180 = arith.constant 71 : i32
        %get3A_3181 = arith.index_cast %get3A_3180 : i32 to index
        %get3A_3182 = arith.constant 16 : index
        %get3A_3183 = tpu.vector_load %arg11[%get3A_3181, %get3A_3182] {strides = array<i32>} : memref<80x64xf32, #tpu.memory_space<vmem>>, vector<16xf32>,
        %mul3A_3184 = vector.broadcast %squeeze3A_3169 : f32 to vector<16xf32>
        %mul3A_3185 = arith.mulf %get3A_3183, %mul3A_3184 : vector<16xf32>
        %swap3A_3186 = arith.constant 71 : i32
        %swap3A_3187 = arith.index_cast %swap3A_3186 : i32 to index
        %swap3A_3188 = arith.constant 16 : index
        %swap3A_3189 = tpu.vector_load %arg11[%swap3A_3187, %swap3A_3188] {strides = array<i32>} : memref<80x64xf32, #tpu.memory_space<vmem>>, vector<16xf32>,
        tpu.vector_store %arg11[%swap3A_3187, %swap3A_3188], %mul3A_3185 {strides = array<i32>} : memref<80x64xf32, #tpu.memory_space<vmem>>, vector<16xf32>,
        %get3A_3190 = arith.constant 71 : i32
        %get3A_3191 = arith.index_cast %get3A_3190 : i32 to index
        %get3A_3192 = arith.constant 32 : index
        %get3A_3193 = tpu.vector_load %arg11[%get3A_3191, %get3A_3192] {strides = array<i32>} : memref<80x64xf32, #tpu.memory_space<vmem>>, vector<16xf32>,
        %mul3A_3194 = vector.broadcast %squeeze3A_3169 : f32 to vector<16xf32>
        %mul3A_3195 = arith.mulf %get3A_3193, %mul3A_3194 : vector<16xf32>
        %swap3A_3196 = arith.constant 71 : i32
        %swap3A_3197 = arith.index_cast %swap3A_3196 : i32 to index
        %swap3A_3198 = arith.constant 32 : index
        %swap3A_3199 = tpu.vector_load %arg11[%swap3A_3197, %swap3A_3198] {strides = array<i32>} : memref<80x64xf32, #tpu.memory_space<vmem>>, vector<16xf32>,
        tpu.vector_store %arg11[%swap3A_3197, %swap3A_3198], %mul3A_3195 {strides = array<i32>} : memref<80x64xf32, #tpu.memory_space<vmem>>, vector<16xf32>,
        %get3A_3200 = arith.constant 71 : i32
        %get3A_3201 = arith.index_cast %get3A_3200 : i32 to index
        %get3A_3202 = arith.constant 48 : index
        %get3A_3203 = tpu.vector_load %arg11[%get3A_3201, %get3A_3202] {strides = array<i32>} : memref<80x64xf32, #tpu.memory_space<vmem>>, vector<16xf32>,
        %mul3A_3204 = vector.broadcast %squeeze3A_3169 : f32 to vector<16xf32>
        %mul3A_3205 = arith.mulf %get3A_3203, %mul3A_3204 : vector<16xf32>
        %swap3A_3206 = arith.constant 71 : i32
        %swap3A_3207 = arith.index_cast %swap3A_3206 : i32 to index
        %swap3A_3208 = arith.constant 48 : index
        %swap3A_3209 = tpu.vector_load %arg11[%swap3A_3207, %swap3A_3208] {strides = array<i32>} : memref<80x64xf32, #tpu.memory_space<vmem>>, vector<16xf32>,
        tpu.vector_store %arg11[%swap3A_3207, %swap3A_3208], %mul3A_3205 {strides = array<i32>} : memref<80x64xf32, #tpu.memory_space<vmem>>, vector<16xf32>,
        %slice3A_3210 = vector.extract_strided_slice %get3A_2873 {offsets = [8], sizes = [1], strides = [1]} : vector<16xf32> to vector<1xf32>
        %squeeze3A_3211 = vector.extract %slice3A_3210[0] : f32 from vector<1xf32>
        %get3A_3212 = arith.constant 72 : i32
        %get3A_3213 = arith.index_cast %get3A_3212 : i32 to index
        %get3A_3214 = arith.constant 0 : index
        %get3A_3215 = tpu.vector_load %arg11[%get3A_3213, %get3A_3214] {strides = array<i32>} : memref<80x64xf32, #tpu.memory_space<vmem>>, vector<16xf32>,
        %mul3A_3216 = vector.broadcast %squeeze3A_3211 : f32 to vector<16xf32>
        %mul3A_3217 = arith.mulf %get3A_3215, %mul3A_3216 : vector<16xf32>
        %swap3A_3218 = arith.constant 72 : i32
        %swap3A_3219 = arith.index_cast %swap3A_3218 : i32 to index
        %swap3A_3220 = arith.constant 0 : index
        %swap3A_3221 = tpu.vector_load %arg11[%swap3A_3219, %swap3A_3220] {strides = array<i32>} : memref<80x64xf32, #tpu.memory_space<vmem>>, vector<16xf32>,
        tpu.vector_store %arg11[%swap3A_3219, %swap3A_3220], %mul3A_3217 {strides = array<i32>} : memref<80x64xf32, #tpu.memory_space<vmem>>, vector<16xf32>,
        %get3A_3222 = arith.constant 72 : i32
        %get3A_3223 = arith.index_cast %get3A_3222 : i32 to index
        %get3A_3224 = arith.constant 16 : index
        %get3A_3225 = tpu.vector_load %arg11[%get3A_3223, %get3A_3224] {strides = array<i32>} : memref<80x64xf32, #tpu.memory_space<vmem>>, vector<16xf32>,
        %mul3A_3226 = vector.broadcast %squeeze3A_3211 : f32 to vector<16xf32>
        %mul3A_3227 = arith.mulf %get3A_3225, %mul3A_3226 : vector<16xf32>
        %swap3A_3228 = arith.constant 72 : i32
        %swap3A_3229 = arith.index_cast %swap3A_3228 : i32 to index
        %swap3A_3230 = arith.constant 16 : index
        %swap3A_3231 = tpu.vector_load %arg11[%swap3A_3229, %swap3A_3230] {strides = array<i32>} : memref<80x64xf32, #tpu.memory_space<vmem>>, vector<16xf32>,
        tpu.vector_store %arg11[%swap3A_3229, %swap3A_3230], %mul3A_3227 {strides = array<i32>} : memref<80x64xf32, #tpu.memory_space<vmem>>, vector<16xf32>,
        %get3A_3232 = arith.constant 72 : i32
        %get3A_3233 = arith.index_cast %get3A_3232 : i32 to index
        %get3A_3234 = arith.constant 32 : index
        %get3A_3235 = tpu.vector_load %arg11[%get3A_3233, %get3A_3234] {strides = array<i32>} : memref<80x64xf32, #tpu.memory_space<vmem>>, vector<16xf32>,
        %mul3A_3236 = vector.broadcast %squeeze3A_3211 : f32 to vector<16xf32>
        %mul3A_3237 = arith.mulf %get3A_3235, %mul3A_3236 : vector<16xf32>
        %swap3A_3238 = arith.constant 72 : i32
        %swap3A_3239 = arith.index_cast %swap3A_3238 : i32 to index
        %swap3A_3240 = arith.constant 32 : index
        %swap3A_3241 = tpu.vector_load %arg11[%swap3A_3239, %swap3A_3240] {strides = array<i32>} : memref<80x64xf32, #tpu.memory_space<vmem>>, vector<16xf32>,
        tpu.vector_store %arg11[%swap3A_3239, %swap3A_3240], %mul3A_3237 {strides = array<i32>} : memref<80x64xf32, #tpu.memory_space<vmem>>, vector<16xf32>,
        %get3A_3242 = arith.constant 72 : i32
        %get3A_3243 = arith.index_cast %get3A_3242 : i32 to index
        %get3A_3244 = arith.constant 48 : index
        %get3A_3245 = tpu.vector_load %arg11[%get3A_3243, %get3A_3244] {strides = array<i32>} : memref<80x64xf32, #tpu.memory_space<vmem>>, vector<16xf32>,
        %mul3A_3246 = vector.broadcast %squeeze3A_3211 : f32 to vector<16xf32>
        %mul3A_3247 = arith.mulf %get3A_3245, %mul3A_3246 : vector<16xf32>
        %swap3A_3248 = arith.constant 72 : i32
        %swap3A_3249 = arith.index_cast %swap3A_3248 : i32 to index
        %swap3A_3250 = arith.constant 48 : index
        %swap3A_3251 = tpu.vector_load %arg11[%swap3A_3249, %swap3A_3250] {strides = array<i32>} : memref<80x64xf32, #tpu.memory_space<vmem>>, vector<16xf32>,
        tpu.vector_store %arg11[%swap3A_3249, %swap3A_3250], %mul3A_3247 {strides = array<i32>} : memref<80x64xf32, #tpu.memory_space<vmem>>, vector<16xf32>,
        %slice3A_3252 = vector.extract_strided_slice %get3A_2873 {offsets = [9], sizes = [1], strides = [1]} : vector<16xf32> to vector<1xf32>
        %squeeze3A_3253 = vector.extract %slice3A_3252[0] : f32 from vector<1xf32>
        %get3A_3254 = arith.constant 73 : i32
        %get3A_3255 = arith.index_cast %get3A_3254 : i32 to index
        %get3A_3256 = arith.constant 0 : index
        %get3A_3257 = tpu.vector_load %arg11[%get3A_3255, %get3A_3256] {strides = array<i32>} : memref<80x64xf32, #tpu.memory_space<vmem>>, vector<16xf32>,
        %mul3A_3258 = vector.broadcast %squeeze3A_3253 : f32 to vector<16xf32>
        %mul3A_3259 = arith.mulf %get3A_3257, %mul3A_3258 : vector<16xf32>
        %swap3A_3260 = arith.constant 73 : i32
        %swap3A_3261 = arith.index_cast %swap3A_3260 : i32 to index
        %swap3A_3262 = arith.constant 0 : index
        %swap3A_3263 = tpu.vector_load %arg11[%swap3A_3261, %swap3A_3262] {strides = array<i32>} : memref<80x64xf32, #tpu.memory_space<vmem>>, vector<16xf32>,
        tpu.vector_store %arg11[%swap3A_3261, %swap3A_3262], %mul3A_3259 {strides = array<i32>} : memref<80x64xf32, #tpu.memory_space<vmem>>, vector<16xf32>,
        %get3A_3264 = arith.constant 73 : i32
        %get3A_3265 = arith.index_cast %get3A_3264 : i32 to index
        %get3A_3266 = arith.constant 16 : index
        %get3A_3267 = tpu.vector_load %arg11[%get3A_3265, %get3A_3266] {strides = array<i32>} : memref<80x64xf32, #tpu.memory_space<vmem>>, vector<16xf32>,
        %mul3A_3268 = vector.broadcast %squeeze3A_3253 : f32 to vector<16xf32>
        %mul3A_3269 = arith.mulf %get3A_3267, %mul3A_3268 : vector<16xf32>
        %swap3A_3270 = arith.constant 73 : i32
        %swap3A_3271 = arith.index_cast %swap3A_3270 : i32 to index
        %swap3A_3272 = arith.constant 16 : index
        %swap3A_3273 = tpu.vector_load %arg11[%swap3A_3271, %swap3A_3272] {strides = array<i32>} : memref<80x64xf32, #tpu.memory_space<vmem>>, vector<16xf32>,
        tpu.vector_store %arg11[%swap3A_3271, %swap3A_3272], %mul3A_3269 {strides = array<i32>} : memref<80x64xf32, #tpu.memory_space<vmem>>, vector<16xf32>,
        %get3A_3274 = arith.constant 73 : i32
        %get3A_3275 = arith.index_cast %get3A_3274 : i32 to index
        %get3A_3276 = arith.constant 32 : index
        %get3A_3277 = tpu.vector_load %arg11[%get3A_3275, %get3A_3276] {strides = array<i32>} : memref<80x64xf32, #tpu.memory_space<vmem>>, vector<16xf32>,
        %mul3A_3278 = vector.broadcast %squeeze3A_3253 : f32 to vector<16xf32>
        %mul3A_3279 = arith.mulf %get3A_3277, %mul3A_3278 : vector<16xf32>
        %swap3A_3280 = arith.constant 73 : i32
        %swap3A_3281 = arith.index_cast %swap3A_3280 : i32 to index
        %swap3A_3282 = arith.constant 32 : index
        %swap3A_3283 = tpu.vector_load %arg11[%swap3A_3281, %swap3A_3282] {strides = array<i32>} : memref<80x64xf32, #tpu.memory_space<vmem>>, vector<16xf32>,
        tpu.vector_store %arg11[%swap3A_3281, %swap3A_3282], %mul3A_3279 {strides = array<i32>} : memref<80x64xf32, #tpu.memory_space<vmem>>, vector<16xf32>,
        %get3A_3284 = arith.constant 73 : i32
        %get3A_3285 = arith.index_cast %get3A_3284 : i32 to index
        %get3A_3286 = arith.constant 48 : index
        %get3A_3287 = tpu.vector_load %arg11[%get3A_3285, %get3A_3286] {strides = array<i32>} : memref<80x64xf32, #tpu.memory_space<vmem>>, vector<16xf32>,
        %mul3A_3288 = vector.broadcast %squeeze3A_3253 : f32 to vector<16xf32>
        %mul3A_3289 = arith.mulf %get3A_3287, %mul3A_3288 : vector<16xf32>
        %swap3A_3290 = arith.constant 73 : i32
        %swap3A_3291 = arith.index_cast %swap3A_3290 : i32 to index
        %swap3A_3292 = arith.constant 48 : index
        %swap3A_3293 = tpu.vector_load %arg11[%swap3A_3291, %swap3A_3292] {strides = array<i32>} : memref<80x64xf32, #tpu.memory_space<vmem>>, vector<16xf32>,
        tpu.vector_store %arg11[%swap3A_3291, %swap3A_3292], %mul3A_3289 {strides = array<i32>} : memref<80x64xf32, #tpu.memory_space<vmem>>, vector<16xf32>,
        %slice3A_3294 = vector.extract_strided_slice %get3A_2873 {offsets = [10], sizes = [1], strides = [1]} : vector<16xf32> to vector<1xf32>
        %squeeze3A_3295 = vector.extract %slice3A_3294[0] : f32 from vector<1xf32>
        %get3A_3296 = arith.constant 74 : i32
        %get3A_3297 = arith.index_cast %get3A_3296 : i32 to index
        %get3A_3298 = arith.constant 0 : index
        %get3A_3299 = tpu.vector_load %arg11[%get3A_3297, %get3A_3298] {strides = array<i32>} : memref<80x64xf32, #tpu.memory_space<vmem>>, vector<16xf32>,
        %mul3A_3300 = vector.broadcast %squeeze3A_3295 : f32 to vector<16xf32>
        %mul3A_3301 = arith.mulf %get3A_3299, %mul3A_3300 : vector<16xf32>
        %swap3A_3302 = arith.constant 74 : i32
        %swap3A_3303 = arith.index_cast %swap3A_3302 : i32 to index
        %swap3A_3304 = arith.constant 0 : index
        %swap3A_3305 = tpu.vector_load %arg11[%swap3A_3303, %swap3A_3304] {strides = array<i32>} : memref<80x64xf32, #tpu.memory_space<vmem>>, vector<16xf32>,
        tpu.vector_store %arg11[%swap3A_3303, %swap3A_3304], %mul3A_3301 {strides = array<i32>} : memref<80x64xf32, #tpu.memory_space<vmem>>, vector<16xf32>,
        %get3A_3306 = arith.constant 74 : i32
        %get3A_3307 = arith.index_cast %get3A_3306 : i32 to index
        %get3A_3308 = arith.constant 16 : index
        %get3A_3309 = tpu.vector_load %arg11[%get3A_3307, %get3A_3308] {strides = array<i32>} : memref<80x64xf32, #tpu.memory_space<vmem>>, vector<16xf32>,
        %mul3A_3310 = vector.broadcast %squeeze3A_3295 : f32 to vector<16xf32>
        %mul3A_3311 = arith.mulf %get3A_3309, %mul3A_3310 : vector<16xf32>
        %swap3A_3312 = arith.constant 74 : i32
        %swap3A_3313 = arith.index_cast %swap3A_3312 : i32 to index
        %swap3A_3314 = arith.constant 16 : index
        %swap3A_3315 = tpu.vector_load %arg11[%swap3A_3313, %swap3A_3314] {strides = array<i32>} : memref<80x64xf32, #tpu.memory_space<vmem>>, vector<16xf32>,
        tpu.vector_store %arg11[%swap3A_3313, %swap3A_3314], %mul3A_3311 {strides = array<i32>} : memref<80x64xf32, #tpu.memory_space<vmem>>, vector<16xf32>,
        %get3A_3316 = arith.constant 74 : i32
        %get3A_3317 = arith.index_cast %get3A_3316 : i32 to index
        %get3A_3318 = arith.constant 32 : index
        %get3A_3319 = tpu.vector_load %arg11[%get3A_3317, %get3A_3318] {strides = array<i32>} : memref<80x64xf32, #tpu.memory_space<vmem>>, vector<16xf32>,
        %mul3A_3320 = vector.broadcast %squeeze3A_3295 : f32 to vector<16xf32>
        %mul3A_3321 = arith.mulf %get3A_3319, %mul3A_3320 : vector<16xf32>
        %swap3A_3322 = arith.constant 74 : i32
        %swap3A_3323 = arith.index_cast %swap3A_3322 : i32 to index
        %swap3A_3324 = arith.constant 32 : index
        %swap3A_3325 = tpu.vector_load %arg11[%swap3A_3323, %swap3A_3324] {strides = array<i32>} : memref<80x64xf32, #tpu.memory_space<vmem>>, vector<16xf32>,
        tpu.vector_store %arg11[%swap3A_3323, %swap3A_3324], %mul3A_3321 {strides = array<i32>} : memref<80x64xf32, #tpu.memory_space<vmem>>, vector<16xf32>,
        %get3A_3326 = arith.constant 74 : i32
        %get3A_3327 = arith.index_cast %get3A_3326 : i32 to index
        %get3A_3328 = arith.constant 48 : index
        %get3A_3329 = tpu.vector_load %arg11[%get3A_3327, %get3A_3328] {strides = array<i32>} : memref<80x64xf32, #tpu.memory_space<vmem>>, vector<16xf32>,
        %mul3A_3330 = vector.broadcast %squeeze3A_3295 : f32 to vector<16xf32>
        %mul3A_3331 = arith.mulf %get3A_3329, %mul3A_3330 : vector<16xf32>
        %swap3A_3332 = arith.constant 74 : i32
        %swap3A_3333 = arith.index_cast %swap3A_3332 : i32 to index
        %swap3A_3334 = arith.constant 48 : index
        %swap3A_3335 = tpu.vector_load %arg11[%swap3A_3333, %swap3A_3334] {strides = array<i32>} : memref<80x64xf32, #tpu.memory_space<vmem>>, vector<16xf32>,
        tpu.vector_store %arg11[%swap3A_3333, %swap3A_3334], %mul3A_3331 {strides = array<i32>} : memref<80x64xf32, #tpu.memory_space<vmem>>, vector<16xf32>,
        %slice3A_3336 = vector.extract_strided_slice %get3A_2873 {offsets = [11], sizes = [1], strides = [1]} : vector<16xf32> to vector<1xf32>
        %squeeze3A_3337 = vector.extract %slice3A_3336[0] : f32 from vector<1xf32>
        %get3A_3338 = arith.constant 75 : i32
        %get3A_3339 = arith.index_cast %get3A_3338 : i32 to index
        %get3A_3340 = arith.constant 0 : index
        %get3A_3341 = tpu.vector_load %arg11[%get3A_3339, %get3A_3340] {strides = array<i32>} : memref<80x64xf32, #tpu.memory_space<vmem>>, vector<16xf32>,
        %mul3A_3342 = vector.broadcast %squeeze3A_3337 : f32 to vector<16xf32>
        %mul3A_3343 = arith.mulf %get3A_3341, %mul3A_3342 : vector<16xf32>
        %swap3A_3344 = arith.constant 75 : i32
        %swap3A_3345 = arith.index_cast %swap3A_3344 : i32 to index
        %swap3A_3346 = arith.constant 0 : index
        %swap3A_3347 = tpu.vector_load %arg11[%swap3A_3345, %swap3A_3346] {strides = array<i32>} : memref<80x64xf32, #tpu.memory_space<vmem>>, vector<16xf32>,
        tpu.vector_store %arg11[%swap3A_3345, %swap3A_3346], %mul3A_3343 {strides = array<i32>} : memref<80x64xf32, #tpu.memory_space<vmem>>, vector<16xf32>,
        %get3A_3348 = arith.constant 75 : i32
        %get3A_3349 = arith.index_cast %get3A_3348 : i32 to index
        %get3A_3350 = arith.constant 16 : index
        %get3A_3351 = tpu.vector_load %arg11[%get3A_3349, %get3A_3350] {strides = array<i32>} : memref<80x64xf32, #tpu.memory_space<vmem>>, vector<16xf32>,
        %mul3A_3352 = vector.broadcast %squeeze3A_3337 : f32 to vector<16xf32>
        %mul3A_3353 = arith.mulf %get3A_3351, %mul3A_3352 : vector<16xf32>
        %swap3A_3354 = arith.constant 75 : i32
        %swap3A_3355 = arith.index_cast %swap3A_3354 : i32 to index
        %swap3A_3356 = arith.constant 16 : index
        %swap3A_3357 = tpu.vector_load %arg11[%swap3A_3355, %swap3A_3356] {strides = array<i32>} : memref<80x64xf32, #tpu.memory_space<vmem>>, vector<16xf32>,
        tpu.vector_store %arg11[%swap3A_3355, %swap3A_3356], %mul3A_3353 {strides = array<i32>} : memref<80x64xf32, #tpu.memory_space<vmem>>, vector<16xf32>,
        %get3A_3358 = arith.constant 75 : i32
        %get3A_3359 = arith.index_cast %get3A_3358 : i32 to index
        %get3A_3360 = arith.constant 32 : index
        %get3A_3361 = tpu.vector_load %arg11[%get3A_3359, %get3A_3360] {strides = array<i32>} : memref<80x64xf32, #tpu.memory_space<vmem>>, vector<16xf32>,
        %mul3A_3362 = vector.broadcast %squeeze3A_3337 : f32 to vector<16xf32>
        %mul3A_3363 = arith.mulf %get3A_3361, %mul3A_3362 : vector<16xf32>
        %swap3A_3364 = arith.constant 75 : i32
        %swap3A_3365 = arith.index_cast %swap3A_3364 : i32 to index
        %swap3A_3366 = arith.constant 32 : index
        %swap3A_3367 = tpu.vector_load %arg11[%swap3A_3365, %swap3A_3366] {strides = array<i32>} : memref<80x64xf32, #tpu.memory_space<vmem>>, vector<16xf32>,
        tpu.vector_store %arg11[%swap3A_3365, %swap3A_3366], %mul3A_3363 {strides = array<i32>} : memref<80x64xf32, #tpu.memory_space<vmem>>, vector<16xf32>,
        %get3A_3368 = arith.constant 75 : i32
        %get3A_3369 = arith.index_cast %get3A_3368 : i32 to index
        %get3A_3370 = arith.constant 48 : index
        %get3A_3371 = tpu.vector_load %arg11[%get3A_3369, %get3A_3370] {strides = array<i32>} : memref<80x64xf32, #tpu.memory_space<vmem>>, vector<16xf32>,
        %mul3A_3372 = vector.broadcast %squeeze3A_3337 : f32 to vector<16xf32>
        %mul3A_3373 = arith.mulf %get3A_3371, %mul3A_3372 : vector<16xf32>
        %swap3A_3374 = arith.constant 75 : i32
        %swap3A_3375 = arith.index_cast %swap3A_3374 : i32 to index
        %swap3A_3376 = arith.constant 48 : index
        %swap3A_3377 = tpu.vector_load %arg11[%swap3A_3375, %swap3A_3376] {strides = array<i32>} : memref<80x64xf32, #tpu.memory_space<vmem>>, vector<16xf32>,
        tpu.vector_store %arg11[%swap3A_3375, %swap3A_3376], %mul3A_3373 {strides = array<i32>} : memref<80x64xf32, #tpu.memory_space<vmem>>, vector<16xf32>,
        %slice3A_3378 = vector.extract_strided_slice %get3A_2873 {offsets = [12], sizes = [1], strides = [1]} : vector<16xf32> to vector<1xf32>
        %squeeze3A_3379 = vector.extract %slice3A_3378[0] : f32 from vector<1xf32>
        %get3A_3380 = arith.constant 76 : i32
        %get3A_3381 = arith.index_cast %get3A_3380 : i32 to index
        %get3A_3382 = arith.constant 0 : index
        %get3A_3383 = tpu.vector_load %arg11[%get3A_3381, %get3A_3382] {strides = array<i32>} : memref<80x64xf32, #tpu.memory_space<vmem>>, vector<16xf32>,
        %mul3A_3384 = vector.broadcast %squeeze3A_3379 : f32 to vector<16xf32>
        %mul3A_3385 = arith.mulf %get3A_3383, %mul3A_3384 : vector<16xf32>
        %swap3A_3386 = arith.constant 76 : i32
        %swap3A_3387 = arith.index_cast %swap3A_3386 : i32 to index
        %swap3A_3388 = arith.constant 0 : index
        %swap3A_3389 = tpu.vector_load %arg11[%swap3A_3387, %swap3A_3388] {strides = array<i32>} : memref<80x64xf32, #tpu.memory_space<vmem>>, vector<16xf32>,
        tpu.vector_store %arg11[%swap3A_3387, %swap3A_3388], %mul3A_3385 {strides = array<i32>} : memref<80x64xf32, #tpu.memory_space<vmem>>, vector<16xf32>,
        %get3A_3390 = arith.constant 76 : i32
        %get3A_3391 = arith.index_cast %get3A_3390 : i32 to index
        %get3A_3392 = arith.constant 16 : index
        %get3A_3393 = tpu.vector_load %arg11[%get3A_3391, %get3A_3392] {strides = array<i32>} : memref<80x64xf32, #tpu.memory_space<vmem>>, vector<16xf32>,
        %mul3A_3394 = vector.broadcast %squeeze3A_3379 : f32 to vector<16xf32>
        %mul3A_3395 = arith.mulf %get3A_3393, %mul3A_3394 : vector<16xf32>
        %swap3A_3396 = arith.constant 76 : i32
        %swap3A_3397 = arith.index_cast %swap3A_3396 : i32 to index
        %swap3A_3398 = arith.constant 16 : index
        %swap3A_3399 = tpu.vector_load %arg11[%swap3A_3397, %swap3A_3398] {strides = array<i32>} : memref<80x64xf32, #tpu.memory_space<vmem>>, vector<16xf32>,
        tpu.vector_store %arg11[%swap3A_3397, %swap3A_3398], %mul3A_3395 {strides = array<i32>} : memref<80x64xf32, #tpu.memory_space<vmem>>, vector<16xf32>,
        %get3A_3400 = arith.constant 76 : i32
        %get3A_3401 = arith.index_cast %get3A_3400 : i32 to index
        %get3A_3402 = arith.constant 32 : index
        %get3A_3403 = tpu.vector_load %arg11[%get3A_3401, %get3A_3402] {strides = array<i32>} : memref<80x64xf32, #tpu.memory_space<vmem>>, vector<16xf32>,
        %mul3A_3404 = vector.broadcast %squeeze3A_3379 : f32 to vector<16xf32>
        %mul3A_3405 = arith.mulf %get3A_3403, %mul3A_3404 : vector<16xf32>
        %swap3A_3406 = arith.constant 76 : i32
        %swap3A_3407 = arith.index_cast %swap3A_3406 : i32 to index
        %swap3A_3408 = arith.constant 32 : index
        %swap3A_3409 = tpu.vector_load %arg11[%swap3A_3407, %swap3A_3408] {strides = array<i32>} : memref<80x64xf32, #tpu.memory_space<vmem>>, vector<16xf32>,
        tpu.vector_store %arg11[%swap3A_3407, %swap3A_3408], %mul3A_3405 {strides = array<i32>} : memref<80x64xf32, #tpu.memory_space<vmem>>, vector<16xf32>,
        %get3A_3410 = arith.constant 76 : i32
        %get3A_3411 = arith.index_cast %get3A_3410 : i32 to index
        %get3A_3412 = arith.constant 48 : index
        %get3A_3413 = tpu.vector_load %arg11[%get3A_3411, %get3A_3412] {strides = array<i32>} : memref<80x64xf32, #tpu.memory_space<vmem>>, vector<16xf32>,
        %mul3A_3414 = vector.broadcast %squeeze3A_3379 : f32 to vector<16xf32>
        %mul3A_3415 = arith.mulf %get3A_3413, %mul3A_3414 : vector<16xf32>
        %swap3A_3416 = arith.constant 76 : i32
        %swap3A_3417 = arith.index_cast %swap3A_3416 : i32 to index
        %swap3A_3418 = arith.constant 48 : index
        %swap3A_3419 = tpu.vector_load %arg11[%swap3A_3417, %swap3A_3418] {strides = array<i32>} : memref<80x64xf32, #tpu.memory_space<vmem>>, vector<16xf32>,
        tpu.vector_store %arg11[%swap3A_3417, %swap3A_3418], %mul3A_3415 {strides = array<i32>} : memref<80x64xf32, #tpu.memory_space<vmem>>, vector<16xf32>,
        %slice3A_3420 = vector.extract_strided_slice %get3A_2873 {offsets = [13], sizes = [1], strides = [1]} : vector<16xf32> to vector<1xf32>
        %squeeze3A_3421 = vector.extract %slice3A_3420[0] : f32 from vector<1xf32>
        %get3A_3422 = arith.constant 77 : i32
        %get3A_3423 = arith.index_cast %get3A_3422 : i32 to index
        %get3A_3424 = arith.constant 0 : index
        %get3A_3425 = tpu.vector_load %arg11[%get3A_3423, %get3A_3424] {strides = array<i32>} : memref<80x64xf32, #tpu.memory_space<vmem>>, vector<16xf32>,
        %mul3A_3426 = vector.broadcast %squeeze3A_3421 : f32 to vector<16xf32>
        %mul3A_3427 = arith.mulf %get3A_3425, %mul3A_3426 : vector<16xf32>
        %swap3A_3428 = arith.constant 77 : i32
        %swap3A_3429 = arith.index_cast %swap3A_3428 : i32 to index
        %swap3A_3430 = arith.constant 0 : index
        %swap3A_3431 = tpu.vector_load %arg11[%swap3A_3429, %swap3A_3430] {strides = array<i32>} : memref<80x64xf32, #tpu.memory_space<vmem>>, vector<16xf32>,
        tpu.vector_store %arg11[%swap3A_3429, %swap3A_3430], %mul3A_3427 {strides = array<i32>} : memref<80x64xf32, #tpu.memory_space<vmem>>, vector<16xf32>,
        %get3A_3432 = arith.constant 77 : i32
        %get3A_3433 = arith.index_cast %get3A_3432 : i32 to index
        %get3A_3434 = arith.constant 16 : index
        %get3A_3435 = tpu.vector_load %arg11[%get3A_3433, %get3A_3434] {strides = array<i32>} : memref<80x64xf32, #tpu.memory_space<vmem>>, vector<16xf32>,
        %mul3A_3436 = vector.broadcast %squeeze3A_3421 : f32 to vector<16xf32>
        %mul3A_3437 = arith.mulf %get3A_3435, %mul3A_3436 : vector<16xf32>
        %swap3A_3438 = arith.constant 77 : i32
        %swap3A_3439 = arith.index_cast %swap3A_3438 : i32 to index
        %swap3A_3440 = arith.constant 16 : index
        %swap3A_3441 = tpu.vector_load %arg11[%swap3A_3439, %swap3A_3440] {strides = array<i32>} : memref<80x64xf32, #tpu.memory_space<vmem>>, vector<16xf32>,
        tpu.vector_store %arg11[%swap3A_3439, %swap3A_3440], %mul3A_3437 {strides = array<i32>} : memref<80x64xf32, #tpu.memory_space<vmem>>, vector<16xf32>,
        %get3A_3442 = arith.constant 77 : i32
        %get3A_3443 = arith.index_cast %get3A_3442 : i32 to index
        %get3A_3444 = arith.constant 32 : index
        %get3A_3445 = tpu.vector_load %arg11[%get3A_3443, %get3A_3444] {strides = array<i32>} : memref<80x64xf32, #tpu.memory_space<vmem>>, vector<16xf32>,
        %mul3A_3446 = vector.broadcast %squeeze3A_3421 : f32 to vector<16xf32>
        %mul3A_3447 = arith.mulf %get3A_3445, %mul3A_3446 : vector<16xf32>
        %swap3A_3448 = arith.constant 77 : i32
        %swap3A_3449 = arith.index_cast %swap3A_3448 : i32 to index
        %swap3A_3450 = arith.constant 32 : index
        %swap3A_3451 = tpu.vector_load %arg11[%swap3A_3449, %swap3A_3450] {strides = array<i32>} : memref<80x64xf32, #tpu.memory_space<vmem>>, vector<16xf32>,
        tpu.vector_store %arg11[%swap3A_3449, %swap3A_3450], %mul3A_3447 {strides = array<i32>} : memref<80x64xf32, #tpu.memory_space<vmem>>, vector<16xf32>,
        %get3A_3452 = arith.constant 77 : i32
        %get3A_3453 = arith.index_cast %get3A_3452 : i32 to index
        %get3A_3454 = arith.constant 48 : index
        %get3A_3455 = tpu.vector_load %arg11[%get3A_3453, %get3A_3454] {strides = array<i32>} : memref<80x64xf32, #tpu.memory_space<vmem>>, vector<16xf32>,
        %mul3A_3456 = vector.broadcast %squeeze3A_3421 : f32 to vector<16xf32>
        %mul3A_3457 = arith.mulf %get3A_3455, %mul3A_3456 : vector<16xf32>
        %swap3A_3458 = arith.constant 77 : i32
        %swap3A_3459 = arith.index_cast %swap3A_3458 : i32 to index
        %swap3A_3460 = arith.constant 48 : index
        %swap3A_3461 = tpu.vector_load %arg11[%swap3A_3459, %swap3A_3460] {strides = array<i32>} : memref<80x64xf32, #tpu.memory_space<vmem>>, vector<16xf32>,
        tpu.vector_store %arg11[%swap3A_3459, %swap3A_3460], %mul3A_3457 {strides = array<i32>} : memref<80x64xf32, #tpu.memory_space<vmem>>, vector<16xf32>,
        %slice3A_3462 = vector.extract_strided_slice %get3A_2873 {offsets = [14], sizes = [1], strides = [1]} : vector<16xf32> to vector<1xf32>
        %squeeze3A_3463 = vector.extract %slice3A_3462[0] : f32 from vector<1xf32>
        %get3A_3464 = arith.constant 78 : i32
        %get3A_3465 = arith.index_cast %get3A_3464 : i32 to index
        %get3A_3466 = arith.constant 0 : index
        %get3A_3467 = tpu.vector_load %arg11[%get3A_3465, %get3A_3466] {strides = array<i32>} : memref<80x64xf32, #tpu.memory_space<vmem>>, vector<16xf32>,
        %mul3A_3468 = vector.broadcast %squeeze3A_3463 : f32 to vector<16xf32>
        %mul3A_3469 = arith.mulf %get3A_3467, %mul3A_3468 : vector<16xf32>
        %swap3A_3470 = arith.constant 78 : i32
        %swap3A_3471 = arith.index_cast %swap3A_3470 : i32 to index
        %swap3A_3472 = arith.constant 0 : index
        %swap3A_3473 = tpu.vector_load %arg11[%swap3A_3471, %swap3A_3472] {strides = array<i32>} : memref<80x64xf32, #tpu.memory_space<vmem>>, vector<16xf32>,
        tpu.vector_store %arg11[%swap3A_3471, %swap3A_3472], %mul3A_3469 {strides = array<i32>} : memref<80x64xf32, #tpu.memory_space<vmem>>, vector<16xf32>,
        %get3A_3474 = arith.constant 78 : i32
        %get3A_3475 = arith.index_cast %get3A_3474 : i32 to index
        %get3A_3476 = arith.constant 16 : index
        %get3A_3477 = tpu.vector_load %arg11[%get3A_3475, %get3A_3476] {strides = array<i32>} : memref<80x64xf32, #tpu.memory_space<vmem>>, vector<16xf32>,
        %mul3A_3478 = vector.broadcast %squeeze3A_3463 : f32 to vector<16xf32>
        %mul3A_3479 = arith.mulf %get3A_3477, %mul3A_3478 : vector<16xf32>
        %swap3A_3480 = arith.constant 78 : i32
        %swap3A_3481 = arith.index_cast %swap3A_3480 : i32 to index
        %swap3A_3482 = arith.constant 16 : index
        %swap3A_3483 = tpu.vector_load %arg11[%swap3A_3481, %swap3A_3482] {strides = array<i32>} : memref<80x64xf32, #tpu.memory_space<vmem>>, vector<16xf32>,
        tpu.vector_store %arg11[%swap3A_3481, %swap3A_3482], %mul3A_3479 {strides = array<i32>} : memref<80x64xf32, #tpu.memory_space<vmem>>, vector<16xf32>,
        %get3A_3484 = arith.constant 78 : i32
        %get3A_3485 = arith.index_cast %get3A_3484 : i32 to index
        %get3A_3486 = arith.constant 32 : index
        %get3A_3487 = tpu.vector_load %arg11[%get3A_3485, %get3A_3486] {strides = array<i32>} : memref<80x64xf32, #tpu.memory_space<vmem>>, vector<16xf32>,
        %mul3A_3488 = vector.broadcast %squeeze3A_3463 : f32 to vector<16xf32>
        %mul3A_3489 = arith.mulf %get3A_3487, %mul3A_3488 : vector<16xf32>
        %swap3A_3490 = arith.constant 78 : i32
        %swap3A_3491 = arith.index_cast %swap3A_3490 : i32 to index
        %swap3A_3492 = arith.constant 32 : index
        %swap3A_3493 = tpu.vector_load %arg11[%swap3A_3491, %swap3A_3492] {strides = array<i32>} : memref<80x64xf32, #tpu.memory_space<vmem>>, vector<16xf32>,
        tpu.vector_store %arg11[%swap3A_3491, %swap3A_3492], %mul3A_3489 {strides = array<i32>} : memref<80x64xf32, #tpu.memory_space<vmem>>, vector<16xf32>,
        %get3A_3494 = arith.constant 78 : i32
        %get3A_3495 = arith.index_cast %get3A_3494 : i32 to index
        %get3A_3496 = arith.constant 48 : index
        %get3A_3497 = tpu.vector_load %arg11[%get3A_3495, %get3A_3496] {strides = array<i32>} : memref<80x64xf32, #tpu.memory_space<vmem>>, vector<16xf32>,
        %mul3A_3498 = vector.broadcast %squeeze3A_3463 : f32 to vector<16xf32>
        %mul3A_3499 = arith.mulf %get3A_3497, %mul3A_3498 : vector<16xf32>
        %swap3A_3500 = arith.constant 78 : i32
        %swap3A_3501 = arith.index_cast %swap3A_3500 : i32 to index
        %swap3A_3502 = arith.constant 48 : index
        %swap3A_3503 = tpu.vector_load %arg11[%swap3A_3501, %swap3A_3502] {strides = array<i32>} : memref<80x64xf32, #tpu.memory_space<vmem>>, vector<16xf32>,
        tpu.vector_store %arg11[%swap3A_3501, %swap3A_3502], %mul3A_3499 {strides = array<i32>} : memref<80x64xf32, #tpu.memory_space<vmem>>, vector<16xf32>,
        %slice3A_3504 = vector.extract_strided_slice %get3A_2873 {offsets = [15], sizes = [1], strides = [1]} : vector<16xf32> to vector<1xf32>
        %squeeze3A_3505 = vector.extract %slice3A_3504[0] : f32 from vector<1xf32>
        %get3A_3506 = arith.constant 79 : i32
        %get3A_3507 = arith.index_cast %get3A_3506 : i32 to index
        %get3A_3508 = arith.constant 0 : index
        %get3A_3509 = tpu.vector_load %arg11[%get3A_3507, %get3A_3508] {strides = array<i32>} : memref<80x64xf32, #tpu.memory_space<vmem>>, vector<16xf32>,
        %mul3A_3510 = vector.broadcast %squeeze3A_3505 : f32 to vector<16xf32>
        %mul3A_3511 = arith.mulf %get3A_3509, %mul3A_3510 : vector<16xf32>
        %swap3A_3512 = arith.constant 79 : i32
        %swap3A_3513 = arith.index_cast %swap3A_3512 : i32 to index
        %swap3A_3514 = arith.constant 0 : index
        %swap3A_3515 = tpu.vector_load %arg11[%swap3A_3513, %swap3A_3514] {strides = array<i32>} : memref<80x64xf32, #tpu.memory_space<vmem>>, vector<16xf32>,
        tpu.vector_store %arg11[%swap3A_3513, %swap3A_3514], %mul3A_3511 {strides = array<i32>} : memref<80x64xf32, #tpu.memory_space<vmem>>, vector<16xf32>,
        %get3A_3516 = arith.constant 79 : i32
        %get3A_3517 = arith.index_cast %get3A_3516 : i32 to index
        %get3A_3518 = arith.constant 16 : index
        %get3A_3519 = tpu.vector_load %arg11[%get3A_3517, %get3A_3518] {strides = array<i32>} : memref<80x64xf32, #tpu.memory_space<vmem>>, vector<16xf32>,
        %mul3A_3520 = vector.broadcast %squeeze3A_3505 : f32 to vector<16xf32>
        %mul3A_3521 = arith.mulf %get3A_3519, %mul3A_3520 : vector<16xf32>
        %swap3A_3522 = arith.constant 79 : i32
        %swap3A_3523 = arith.index_cast %swap3A_3522 : i32 to index
        %swap3A_3524 = arith.constant 16 : index
        %swap3A_3525 = tpu.vector_load %arg11[%swap3A_3523, %swap3A_3524] {strides = array<i32>} : memref<80x64xf32, #tpu.memory_space<vmem>>, vector<16xf32>,
        tpu.vector_store %arg11[%swap3A_3523, %swap3A_3524], %mul3A_3521 {strides = array<i32>} : memref<80x64xf32, #tpu.memory_space<vmem>>, vector<16xf32>,
        %get3A_3526 = arith.constant 79 : i32
        %get3A_3527 = arith.index_cast %get3A_3526 : i32 to index
        %get3A_3528 = arith.constant 32 : index
        %get3A_3529 = tpu.vector_load %arg11[%get3A_3527, %get3A_3528] {strides = array<i32>} : memref<80x64xf32, #tpu.memory_space<vmem>>, vector<16xf32>,
        %mul3A_3530 = vector.broadcast %squeeze3A_3505 : f32 to vector<16xf32>
        %mul3A_3531 = arith.mulf %get3A_3529, %mul3A_3530 : vector<16xf32>
        %swap3A_3532 = arith.constant 79 : i32
        %swap3A_3533 = arith.index_cast %swap3A_3532 : i32 to index
        %swap3A_3534 = arith.constant 32 : index
        %swap3A_3535 = tpu.vector_load %arg11[%swap3A_3533, %swap3A_3534] {strides = array<i32>} : memref<80x64xf32, #tpu.memory_space<vmem>>, vector<16xf32>,
        tpu.vector_store %arg11[%swap3A_3533, %swap3A_3534], %mul3A_3531 {strides = array<i32>} : memref<80x64xf32, #tpu.memory_space<vmem>>, vector<16xf32>,
        %get3A_3536 = arith.constant 79 : i32
        %get3A_3537 = arith.index_cast %get3A_3536 : i32 to index
        %get3A_3538 = arith.constant 48 : index
        %get3A_3539 = tpu.vector_load %arg11[%get3A_3537, %get3A_3538] {strides = array<i32>} : memref<80x64xf32, #tpu.memory_space<vmem>>, vector<16xf32>,
        %mul3A_3540 = vector.broadcast %squeeze3A_3505 : f32 to vector<16xf32>
        %mul3A_3541 = arith.mulf %get3A_3539, %mul3A_3540 : vector<16xf32>
        %swap3A_3542 = arith.constant 79 : i32
        %swap3A_3543 = arith.index_cast %swap3A_3542 : i32 to index
        %swap3A_3544 = arith.constant 48 : index
        %swap3A_3545 = tpu.vector_load %arg11[%swap3A_3543, %swap3A_3544] {strides = array<i32>} : memref<80x64xf32, #tpu.memory_space<vmem>>, vector<16xf32>,
        tpu.vector_store %arg11[%swap3A_3543, %swap3A_3544], %mul3A_3541 {strides = array<i32>} : memref<80x64xf32, #tpu.memory_space<vmem>>, vector<16xf32>,
        %mul3A_3546 = arith.constant 64 : i32
        %mul3A_3547 = arith.muli %arg0, %mul3A_3546 : i32
        "tpu.region"() ({
          %run_scoped3A = tpu.sem_alloc : memref<!tpu.dma_semaphore, #tpu.memory_space<semaphore_mem>>
          %dma_start3A_3548 = tpu.memref_slice %arg5[%add3A_155, %mul3A_3547] : memref<10000x128xf32, #tpu.memory_space<hbm>> -> memref<80x64xf32, #tpu.memory_space<hbm>>
          %dma_start3A_3549 = tpu.memref_slice %arg5[%add3A_155, %mul3A_3547] : memref<10000x128xf32, #tpu.memory_space<hbm>> -> memref<80x64xf32, #tpu.memory_space<hbm>>
          tpu.enqueue_dma source(%arg11 : memref<80x64xf32, #tpu.memory_space<vmem>>) target(%dma_start3A_3549 : memref<80x64xf32, #tpu.memory_space<hbm>>) target_semaphore(%run_scoped3A : memref<!tpu.dma_semaphore, #tpu.memory_space<semaphore_mem>>)
          %dma_wait3A_3550 = tpu.memref_slice %arg5[%add3A_155, %mul3A_3547] : memref<10000x128xf32, #tpu.memory_space<hbm>> -> memref<80x64xf32, #tpu.memory_space<hbm>>
          %dma_wait3A_3551 = tpu.memref_slice %arg5[%add3A_155, %mul3A_3547] : memref<10000x128xf32, #tpu.memory_space<hbm>> -> memref<80x64xf32, #tpu.memory_space<hbm>>
          tpu.wait_dma2 semaphore(%run_scoped3A : memref<!tpu.dma_semaphore, #tpu.memory_space<semaphore_mem>>) src(%arg11 : memref<80x64xf32, #tpu.memory_space<vmem>>) dst(%dma_wait3A_3551 : memref<80x64xf32, #tpu.memory_space<hbm>>)
          tpu.yield
        }) : () -> ()
      } else {
      }
    }
    %scan3A_151 = arith.constant 8 : i32
    return
  }
}

</mosaic_0001>

<sc_bundles>
// kernel: kernel.3.cloned.1.call-start
scs
__scs_entry_jumppad:
0x0: {  	(pc) =	sbr.rel $0x88, $3  }
0x1: {  	(tag) =	ssettag $0x0;
	lr =	simm.s32 $0x1  }
0x2: {  	[smem:$0x3F9F] =	sst lr;
	_ =	strace $0xD0000000  }
0x3: {  	_ = 	snop  }
0x4: {  	_ = 	snop  }
0x5: {  	_ = 	snop  }
0x6: {  	_ = 	snop  }
0x7: {  	_ = 	snop  }
__scs_overlays_trampoline_lowered:
0x8: {  	[smem:$0x3FAE] =	sst s0  }
0x9: {  	[smem:$0x3FAF] =	sst s1  }
0xa: {  	[smem:$0x3FB0] =	sst s2  }
0xb: {  	[smem:$0x3FB1] =	sst s3  }
0xc: {  	[smem:$0x3FB2] =	sst s4  }
0xd: {  	[smem:$0x3FB3] =	sst s5  }
0xe: {  	[smem:$0x3FB4] =	sst s6  }
0xf: {  	[smem:$0x3FB5] =	sst s7  }
0x10: {  	[smem:$0x3FB6] =	sst s8  }
0x11: {  	[smem:$0x3FB7] =	sst s9;
	s0 =	simm.s32 @!p0 $0x0  }
0x12: {  	s1 =	sld [smem:$0x3F9D];
	s0 =	simm.s32 @p0 $0x1  }
0x13: {  	[smem:$0x3FB8] =	sst s0;
	s0 =	simm.s32 @!p1 $0x0  }
0x14: {  	s2 =	sld [smem:$0x3F9C];
	s0 =	simm.s32 @p1 $0x1  }
0x15: {  	[smem:$0x3FB9] =	sst s0;
	s0 =	simm.s32 @!p2 $0x0  }
0x16: {  	s3 =	sld [smem:$0x3FDB];
	s0 =	simm.s32 @p2 $0x1  }
0x17: {  	s4 =	simm.s32 $0x1BF5;
	[smem:$0x3FBB] =	sst s0  }
0x18: {  	s0 =	sld [smem:$0x3F9E];
	_ =	swait.ge [sflag:s4], $0x0  }
0x19: {  	s7 =	sld [smem:$0x3F9F]  }
0x1a: {  	s8 =	sadd.s32 $0xFFFFE003, lr  }
0x1b: {  	s9 =	sadd.s32 $0xFFFFFEF7, lr;
	s5 =	simm.s32 $0xFFFFFFFF;
	p2 =	slt.u32 s8, $0xFFFFF086  }
0x1c: {  	p1 =	slt.u32 s9, $0xF7A;
	s5 =	simm.s32 @!p2 $0x0  }
0x1d: {  	s5 =	simm.s32 @p1 $0x1;
	p0 =	seq.s32 s7, s2  }
0x1e: {  	s7 =	smul.u32 @!p0 $0xF7A, s2;
	p2 =	seq.s32 @!p0 s5, $0x0  }
0x1f: {  	s9 =	smul.u32 $0xF7A, s1;
	s8 =	simm.s32 @!p0 $0x1BF5;
	p2 =	por !p2, p0  }
0x20: {  	[sflag:s8] =	ssyncset.s32 @!p0 $0xFFFFF086;
	s6 =	sadd.s32 @!p0 s3, s7;
	s7 =	simm.s32 @!p0 $0x108  }
0x21: {  	s3 =	sadd.s32 s3, s9;
	s6 =	sadd.s32 @!p0 $0x88, s6;
	s7 =	simm.s32 @p2 $0x1082  }
0x22: {  	[simem:s7], [sflag:s8] =	dma.local @!p0 [hbm:s6], $0xF7A  }
0x23: {  	s9 =	sor.u32 $0xD0000000, s2;
	s6 =	simm.s32 $0x108;
	_ =	swait.ge @!p0 [sflag:s8], $0x0  }
0x24: {  	s3 =	sadd.s32 $0x88, s3;
	s6 =	simm.s32 @!p1 $0x1082;
	[sflag:s4] =	ssyncset.s32 $0xFFFFF086  }
0x25: {  	[simem:s6], [sflag:s4] =	dma.local [hbm:s3], $0xF7A  }
0x26: {  	[smem:$0x3F9F] =	sst s1;
	(tag) =	ssettag s2;
	_ =	strace s9  }
0x27: {  	s1 =	sld [smem:$0x3FAF]  }
0x28: {  	s2 =	sld [smem:$0x3FB0]  }
0x29: {  	s4 =	sld [smem:$0x3FB2]  }
0x2a: {  	p0 =	seq.s32 s5, $0x0;
	s5 =	sld [smem:$0x3FB3]  }
0x2b: {  	s6 =	sld [smem:$0x3FB4]  }
0x2c: {  	s7 =	sld [smem:$0x3FB5]  }
0x2d: {  	s3 =	simm.s32 $0x108;
	s8 =	sld [smem:$0x3FB6]  }
0x2e: {  	s3 =	simm.s32 @!p0 $0x1082;
	s9 =	sld [smem:$0x3FB7]  }
0x2f: {  	lr =	sadd.s32 s0, s3;
	s0 =	sld [smem:$0x3FAE]  }
0x30: {  	s3 =	sld [smem:$0x3FB1]  }
0x31: {  	[smem:$0x3FBA] =	sst s10  }
0x32: {  	s10 =	sld [smem:$0x3FB8];
	_ =	sdelay $0x3  }
0x33: {  	p0 =	seq.s32 s10, $0x1;
	s10 =	sld [smem:$0x3FBA];
	_ =	sdelay $0x3  }
0x34: {  	[smem:$0x3FBA] =	sst s10  }
0x35: {  	s10 =	sld [smem:$0x3FB9];
	_ =	sdelay $0x3  }
0x36: {  	p1 =	seq.s32 s10, $0x1;
	s10 =	sld [smem:$0x3FBA];
	_ =	sdelay $0x3  }
0x37: {  	[smem:$0x3FBA] =	sst s10  }
0x38: {  	s10 =	sld [smem:$0x3FBB]  }
0x39: {  	_ = 	snop;
	(pc) =	sbr.ind lr, $3  }
0x3a: {  	_ = 	snop  }
0x3b: {  	_ = 	snop  }
0x3c: {  	p2 =	seq.s32 s10, $0x1;
	s10 =	sld [smem:$0x3FBA]  }
0x3d: {  	_ =	shalt  }
0x3e: {  	_ =	shalt  }
0x3f: {  	_ =	shalt  }
0x40: {  	_ =	shalt  }
0x41: {  	_ =	shalt  }
0x42: {  	_ =	shalt  }
0x43: {  	_ =	shalt  }
0x44: {  	_ =	shalt  }
0x45: {  	_ =	shalt  }
0x46: {  	_ =	shalt  }
0x47: {  	_ =	shalt  }
0x48: {  	_ =	shalt  }
0x49: {  	_ =	shalt  }
0x4a: {  	_ =	shalt  }
0x4b: {  	_ =	shalt  }
0x4c: {  	_ =	shalt  }
0x4d: {  	_ =	shalt  }
0x4e: {  	_ =	shalt  }
0x4f: {  	_ =	shalt  }
0x50: {  	_ =	shalt  }
0x51: {  	_ =	shalt  }
0x52: {  	_ =	shalt  }
0x53: {  	_ =	shalt  }
0x54: {  	_ =	shalt  }
0x55: {  	_ =	shalt  }
0x56: {  	_ =	shalt  }
0x57: {  	_ =	shalt  }
0x58: {  	_ =	shalt  }
0x59: {  	_ =	shalt  }
0x5a: {  	_ =	shalt  }
0x5b: {  	_ =	shalt  }
0x5c: {  	_ =	shalt  }
0x5d: {  	_ =	shalt  }
0x5e: {  	_ =	shalt  }
0x5f: {  	_ =	shalt  }
0x60: {  	_ =	shalt  }
0x61: {  	_ =	shalt  }
0x62: {  	_ =	shalt  }
0x63: {  	_ =	shalt  }
0x64: {  	_ =	shalt  }
0x65: {  	_ =	shalt  }
0x66: {  	_ =	shalt  }
0x67: {  	_ =	shalt  }
0x68: {  	_ =	shalt  }
0x69: {  	_ =	shalt  }
0x6a: {  	_ =	shalt  }
0x6b: {  	_ =	shalt  }
0x6c: {  	_ =	shalt  }
0x6d: {  	_ =	shalt  }
0x6e: {  	_ =	shalt  }
0x6f: {  	_ =	shalt  }
0x70: {  	_ =	shalt  }
0x71: {  	_ =	shalt  }
0x72: {  	_ =	shalt  }
0x73: {  	_ =	shalt  }
0x74: {  	_ =	shalt  }
0x75: {  	_ =	shalt  }
0x76: {  	_ =	shalt  }
0x77: {  	_ =	shalt  }
0x78: {  	_ =	shalt  }
0x79: {  	_ =	shalt  }
0x7a: {  	_ =	shalt  }
0x7b: {  	_ =	shalt  }
0x7c: {  	_ =	shalt  }
0x7d: {  	_ =	shalt  }
0x7e: {  	_ =	shalt  }
0x7f: {  	_ =	shalt  }
0x80: {  	_ =	shalt  }
0x81: {  	_ =	shalt  }
0x82: {  	_ =	shalt  }
0x83: {  	_ =	shalt  }
0x84: {  	_ =	shalt  }
0x85: {  	_ =	shalt  }
0x86: {  	_ =	shalt  }
0x87: {  	_ =	shalt  }
.Lfunc_end0:
.L_simem_size_0:
called_computation_lowered:
.L_overlay_start_0:
0x88: {  	s2 =	sld [smem:$0x3FD9]  }
0x89: {  	s3 =	sld [smem:$0x3FFE];
	_ =	sdelay $0x1  }
0x8a: {  	s1 =	srdreg.scid  }
0x8b: {  	s0 =	sand.u32 $0x1, s1  }
0x8c: {  	s17 =	sshll.u32 s0, $0xA;
	s2 =	sadd.s32 s3, s2  }
0x8d: {  	s2 =	sadd.s32 s2, s17  }
0x8e: {  	[smem:$0x3FC6] =	sst s2  }
0x8f: {  	_ = 	snop  }
0x90: {  	s2 =	sld [smem:$0x3FC9]  }
0x91: {  	s18 =	sld [smem:$0x3FD0];
	(tm) =	ssettm $0x1  }
0x92: {  	s4 =	sld [smem:$0x3FFB];
	_ =	sdelay $0x3  }
0x93: {  	_ =	strace s4  }
0x94: {  	s4 =	sld [smem:$0x3FFC];
	_ =	sdelay $0x3  }
0x95: {  	_ =	strace s4  }
0x96: {  	s4 =	sld [smem:$0x3FFD];
	_ =	sdelay $0x3  }
0x97: {  	_ =	strace s4  }
0x98: {  	_ =	strace $0x8FFFFFFF  }
0x99: {  	s19 =	sld [smem:$0x3FDB];
	_ =	sdelay $0x1  }
0x9a: {  	s5 =	simm.s32 $_scs_section_size  }
0x9b: {  	s6 =	simm.s32 $_size__tile_overlayer_lowered;
	s7 =	simm.s32 $_tile_overlayer_lowered  }
0x9c: {  	s22 =	simm.s32 $0x1BFF;
	s21 =	sshll.u32 s7, $0x1;
	s4 =	sadd.s32 s5, s19  }
0x9d: {  	s8 =	simm.s32 $0x0;
	s20 =	sshll.u32 s6, $0x1;
	s6 =	sadd.s32 s21, s4  }
0x9e: {  	[timem:s8], [sflag:s22] =	dma.local [hbm:s6], s20  }
0x9f: {  	_ =	swait.ge [sflag:s22], s20  }
0xa0: {  	s5 =	ssub.s32 $0x0, s20;
	[sflag:s22] =	ssyncset.done $0x0  }
0xa1: {  	[sflag:s22] =	ssyncadd.s32 s5;
	_ =	sdelay $0x1  }
0xa2: {  	s23 =	simm.s32 $0x1B8B  }
0xa3: {  	_ =	swait.ge [sflag:s23], $0x1  }
0xa4: {  	[sflag:s23] =	ssyncset.done $0x0  }
0xa5: {  	s25 =	simm.s32 $0x1B8E;
	s24 =	sld [smem:$0x3FFE];
	[sflag:s23] =	ssyncadd.s32 $0xFFFFFFFF  }
0xa6: {  	s26 =	simm.s32 $execute0_lowered;
	[smem:$0x3FD2] =	sst s25  }
0xa7: {  	s6 =	sshll.u32 s26, $0x1;
	_ =	strace $0x80000046;
	[dreg:$0x1] =	wrdreg $0xFFFFFFFF  }
0xa8: {  	s28 =	simm.s32 $_size_execute0_lowered;
	s4 =	sadd.s32 s4, s6;
	[dreg:$0x0] =	wrdreg $0x0  }
0xa9: {  	s6 =	sshll.u32 s28, $0x1;
	[dreg:$0x2] =	wrdreg s4  }
0xaa: {  	[dreg:$0x3] =	wrdreg s6  }
0xab: {  	[dreg:$0x4] =	wrdreg $0xC0  }
0xac: {  	_ =	task [dreg:s8], $0x5FFFF  }
0xad: {  	[dreg:$0x1] =	wrdreg $0xFFFFFFFF  }
0xae: {  	[dreg:$0x0] =	wrdreg $0x60  }
0xaf: {  	[dreg:$0x2] =	wrdreg s2  }
0xb0: {  	[dreg:$0x3] =	wrdreg s24  }
0xb1: {  	[dreg:$0x4] =	wrdreg s18  }
0xb2: {  	[dreg:$0x5] =	wrdreg $0xBC000  }
0xb3: {  	[dreg:$0x6] =	wrdreg $0x15C000  }
0xb4: {  	[dreg:$0x7] =	wrdreg $0x15E800  }
0xb5: {  	[dreg:$0x8] =	wrdreg $0x9  }
0xb6: {  	_ =	task.clear_ibuf [dreg:s8], $0x9FFFF;
	_ =	strace $0x90000046  }
0xb7: {  	s29 =	simm.s32 $0x9;
	_ =	strace $0x80000048  }
0xb8: {  	_ =	swait.ge [sflag:s29], $0x1  }
0xb9: {  	[sflag:s29] =	ssyncadd.s32 $0xFFFFFFFF  }
0xba: {  	_ =	strace $0x90000048  }
0xbb: {  	_ =	sfence  }
0xbc: {  	s30 =	sld [smem:$0x0];
	_ =	sdelay $0x2  }
0xbd: {  	s31 =	sshll.u32 s1, $0xD;
	s1 =	sshrl.u32 s1, $0x2  }
0xbe: {  	s3 =	sand.u32 $0x4000, s31;
	s1 =	sadd.s32 s1, s30  }
0xbf: {  	s0 =	sor.u32 s3, s0;
	s1 =	sshll.u32 s1, $0x11  }
0xc0: {  	s0 =	sor.u32 s1, s0  }
0xc1: {  	s0 =	sadd.s32 $0x8F2B, s0  }
0xc2: {  	[sflag:s0] =	ssyncadd.remote.s32 $0x1  }
0xc3: {  	_ =	sfence.sel $0xFFFF  }
0xc4: {  	[dreg:$0x0] =	wrdreg $0xFFFFFFFF;
	(pc) =	sbr.abs _section_cstart, $3  }
0xc5: {  	[dreg:$0x1] =	wrdreg $0xFFFFFFFF  }
0xc6: {  	_ =	task.clear_ibuf [dreg:s8], $0x2FFFF;
	_ =	strace $0x9FFFFFFF  }
0xc7: {  	(tm) =	ssettm $0x7FFFFFFF  }
tec
execute0_lowered:
.L_overlay_start_1:
0x0: {  	(tag) =	ssettag $0x1  }
0x1: {  	s0 =	rddreg [dreg:$0x0]  }
0x2: {  	s9 =	rddreg [dreg:$0x1]  }
0x3: {  	s1 =	rddreg [dreg:$0x2]  }
0x4: {  	s2 =	rddreg [dreg:$0x3]  }
0x5: {  	s4 =	rddreg [dreg:$0x4];
	s11 =	stileid.u32  }
0x6: {  	s5 =	rddreg [dreg:$0x5];
	s6 =	smul.u32 $0x28000, s11  }
0x7: {  	s3 =	srdreg.scid;
	s15 =	simm.s32 $0x0;
	s12 =	smul.u32 $0x280, s11  }
0x8: {  	s28 =	simm.s32 $0x8;
	s30 =	simm.s32 $0x2;
	s23 =	smul.u32 $0x13880, s11  }
0x9: {  	s31 =	simm.s32 $0x3;
	s29 =	simm.s32 $0x2000;
	s26 =	smul.u32 $0x27100, s11  }
0xa: {  	s3 =	sand.u32 $0x1, s3;
	[smem:$0x7FF] =	sst s15;
	s13 =	smul.u32 $0x14000, s11  }
0xb: {  	s9 =	sadd.s32 $0xA000, s9;
	s17 =	smul.u32 $0x5000, s11;
	s7 =	ssub.s32 $0x2, s3  }
0xc: {  	_ =	strace $0x80000047;
	[dreg:$0x8] =	wrdreg s9;
	s3 =	sshll.u32 s3, $0x6  }
0xd: {  	s6 =	sshrl.u32 s6, $0x2;
	s10 =	sadd.s32 s12, s4;
	[dreg:$0x15] =	wrdreg s17  }
0xe: {  	s8 =	sshrl.u32 s7, $0x1;
	s19 =	sadd.s32 s6, s2;
	[dreg:$0x12] =	wrdreg s10  }
0xf: {  	s16 =	sor.u32 s3, s13;
	s6 =	sadd.s32 $0x1400, s19;
	[dreg:$0x9] =	wrdreg s19  }
0x10: {  	s17 =	simm.s32 $0x4;
	s20 =	sadd.s32 $0x2800, s19;
	[dreg:$0xb] =	wrdreg s6  }
0x11: {  	s13 =	simm.s32 $0x1E80;
	s21 =	sadd.s32 $0x3C00, s19;
	[dreg:$0xc] =	wrdreg s20  }
0x12: {  	s7 =	ssub.s32 s7, s8;
	s22 =	sadd.s32 $0x5000, s19;
	[dreg:$0xd] =	wrdreg s21  }
0x13: {  	s8 =	sshrl.u32 s26, $0x2;
	s24 =	sadd.s32 $0x6400, s19;
	[dreg:$0xe] =	wrdreg s22  }
0x14: {  	s10 =	sshll.u32 s11, $0x6;
	s25 =	sadd.s32 $0x7800, s19;
	[dreg:$0xf] =	wrdreg s24  }
0x15: {  	s26 =	simm.s32 $0x1;
	s9 =	sadd.s32 $0x8C00, s19;
	[dreg:$0x10] =	wrdreg s25  }
0x16: {  	s11 =	simm.s32 $0xA;
	s14 =	sor.u32 $0x1C03, s10;
	[dreg:$0x11] =	wrdreg s9  }
0x17: {  	s8 =	sadd.s32 s8, s5;
	s18 =	smax.u32 s7, $0x1;
	[dreg:$0x14] =	wrdreg s14  }
0x18: {  	s10 =	simm.s32 $0x4000;
	s6 =	sor.u32 s3, s23;
	[dreg:$0x16] =	wrdreg s18  }
0x19: {  	s19 =	sshrl.u32 s8, $0x3;
	s20 =	smov.u32 s12;
	s3 =	simm.s32 $0x1000  }
0x1a: {  	s24 =	simm.s32 $0x80;
	s12 =	simm.s32 $0x6000;
	s14 =	simm.s32 $0x8000  }
0x1b: {  	s18 =	simm.s32 $0x5;
	s21 =	simm.s32 $0x6;
	s22 =	simm.s32 $0x1E00  }
.Ltmp0:
0x1c: {  	s25 =	simm.s32 $0x1F00;
	s6 =	sshrl.u32 s6, $0x3;
	(pc) =	sbr.rel .LBB2_1-.Ltmp0, $4  }
0x1d: {  	s23 =	simm.s32 $0x1F80;
	[dreg:$0x18] =	wrdreg s19;
	s0 =	sadd.s32 s0, s6  }
0x1e: {  	s19 =	simm.s32 $0x9;
	[dreg:$0x13] =	wrdreg s0;
	s0 =	sshrl.u32 s16, $0x3  }
0x1f: {  	[dreg:$0xa] =	wrdreg s20;
	s16 =	simm.s32 $0xA000;
	s0 =	sadd.s32 s0, s1  }
0x20: {  	v0 =	vimm.f32 $0.0e+00;
	v1 =	vimm.f32 $1.000000000e+00;
	s1 =	simm.s32 $0x7;
	[dreg:$0x17] =	wrdreg s0;
	s0 =	simm.s32 $0xB  }
.LBB2_13:
0x21: {  	s15 =	rddreg [dreg:$0x7]  }
0x22: {  	s6 =	rddreg [dreg:$0x16];
	s15 =	sadd.s32 $0x1, s15  }
0x23: {  	p0 =	sne.s32 s15, s6  }
.Ltmp1:
0x24: {  	_ = 	snop;
	(pc) =	sbr.rel @!p0 .LBB2_14-.Ltmp1, $1  }
0x25: {  	_ =	sdelay $0x3  }
.LBB2_1:
0x26: {  	[dreg:$0x7] =	wrdreg s15;
	s9 =	simm.s32 $0x100;
	s7 =	simm.s32 $0x0  }
.LBB2_2:
0x27: {  	p0 =	sne.s32 s9, $0x4F00;
	[tilespmem:s7+$0xA330] =	vst v0;
	s15 =	smov.u32 s9;
	s9 =	sadd.s32 $0x100, s9  }
.Ltmp2:
0x28: {  	[tilespmem:s7+$0xA320] =	vst v0;
	(pc) =	sbr.rel @p0 .LBB2_2-.Ltmp2, $3  }
0x29: {  	[tilespmem:s7+$0xA300] =	vst v0  }
0x2a: {  	[tilespmem:s7+$0xA310] =	vst v0;
	_ =	sdelay $0x1  }
0x2b: {  	s7 =	sshra.s32 s15, $0x2  }
0x2c: {  	[tilespmem:s7+$0xA330] =	vst v0  }
0x2d: {  	[tilespmem:s7+$0xA320] =	vst v0  }
0x2e: {  	[tilespmem:s7+$0xA300] =	vst v0  }
0x2f: {  	[tilespmem:s7+$0xA310] =	vst v0  }
0x30: {  	[tilespmem:$0xA080] =	vst v0  }
0x31: {  	[tilespmem:$0xA090] =	vst v0  }
0x32: {  	[tilespmem:$0xA0A0] =	vst v0  }
0x33: {  	[tilespmem:$0xA0B0] =	vst v0  }
0x34: {  	[tilespmem:$0xA0C0] =	vst v0  }
0x35: {  	[tilespmem:$0xA0D0] =	vst v0  }
0x36: {  	[tilespmem:$0xA0E0] =	vst v0  }
0x37: {  	[tilespmem:$0xA0F0] =	vst v0  }
0x38: {  	[tilespmem:$0xA100] =	vst v0  }
0x39: {  	[tilespmem:$0xA110] =	vst v0  }
0x3a: {  	[tilespmem:$0xA120] =	vst v0  }
0x3b: {  	[tilespmem:$0xA130] =	vst v0  }
0x3c: {  	[tilespmem:$0xA140] =	vst v0  }
0x3d: {  	[tilespmem:$0xA150] =	vst v0  }
0x3e: {  	[tilespmem:$0xA160] =	vst v0  }
0x3f: {  	[tilespmem:$0xA170] =	vst v0  }
0x40: {  	[tilespmem:$0xA180] =	vst v0  }
0x41: {  	[tilespmem:$0xA190] =	vst v0  }
0x42: {  	[tilespmem:$0xA1A0] =	vst v0  }
0x43: {  	[tilespmem:$0xA1B0] =	vst v0  }
0x44: {  	[tilespmem:$0xA1C0] =	vst v0  }
0x45: {  	[tilespmem:$0xA1D0] =	vst v0  }
0x46: {  	[tilespmem:$0xA1E0] =	vst v0  }
0x47: {  	[tilespmem:$0xA1F0] =	vst v0  }
0x48: {  	[tilespmem:$0xA200] =	vst v0  }
0x49: {  	[tilespmem:$0xA210] =	vst v0  }
0x4a: {  	[tilespmem:$0xA220] =	vst v0  }
0x4b: {  	[tilespmem:$0xA230] =	vst v0  }
0x4c: {  	[tilespmem:$0xA240] =	vst v0  }
0x4d: {  	[tilespmem:$0xA250] =	vst v0  }
0x4e: {  	[tilespmem:$0xA260] =	vst v0  }
0x4f: {  	[tilespmem:$0xA270] =	vst v0  }
0x50: {  	[tilespmem:$0xA280] =	vst v0  }
0x51: {  	[tilespmem:$0xA290] =	vst v0  }
0x52: {  	[tilespmem:$0xA2A0] =	vst v0  }
0x53: {  	[tilespmem:$0xA2B0] =	vst v0  }
0x54: {  	[tilespmem:$0xA2C0] =	vst v0  }
0x55: {  	[tilespmem:$0xA2D0] =	vst v0  }
0x56: {  	[tilespmem:$0xA2E0] =	vst v0  }
0x57: {  	[tilespmem:$0xA2F0] =	vst v0  }
0x58: {  	[tilespmem:$0xA000] =	vst v1  }
0x59: {  	[tilespmem:$0xA010] =	vst v1  }
0x5a: {  	[tilespmem:$0xA020] =	vst v1  }
0x5b: {  	[tilespmem:$0xA030] =	vst v1  }
0x5c: {  	[tilespmem:$0xA040] =	vst v1  }
0x5d: {  	s6 =	rddreg [dreg:$0x9];
	[tilespmem:$0xA050] =	vst v1  }
0x5e: {  	s9 =	rddreg [dreg:$0xb];
	[tilespmem:$0xA060] =	vst v1  }
0x5f: {  	s7 =	simm.s32 $0xA300;
	s15 =	rddreg [dreg:$0xc];
	[tilespmem:$0xA070] =	vst v1  }
0x60: {  	[spmem:s6] =	stream.linear.scatter [tilespmem:s7], [sflag:$0x1], $0x1400, $0x38;
	[tilespmem:$0x1FAC0] =	vst v63  }
0x61: {  	s20 =	rddreg [dreg:$0xd]  }
0x62: {  	[spmem:s9] =	stream.linear.scatter [tilespmem:s7], [sflag:$0x1], $0x1400, $0x38;
	[tilespmem:$0x1FAC0] =	vst v63  }
0x63: {  	s8 =	rddreg [dreg:$0xe]  }
0x64: {  	[spmem:s15] =	stream.linear.scatter [tilespmem:s7], [sflag:$0x1], $0x1400, $0x38;
	[tilespmem:$0x1FAC0] =	vst v63  }
0x65: {  	s9 =	rddreg [dreg:$0xf]  }
0x66: {  	[spmem:s20] =	stream.linear.scatter [tilespmem:s7], [sflag:$0x1], $0x1400, $0x38;
	[tilespmem:$0x1FAC0] =	vst v63  }
0x67: {  	s15 =	rddreg [dreg:$0x10]  }
0x68: {  	[spmem:s8] =	stream.linear.scatter [tilespmem:s7], [sflag:$0x1], $0x1400, $0x38;
	[tilespmem:$0x1FAC0] =	vst v63  }
0x69: {  	s20 =	rddreg [dreg:$0x11]  }
0x6a: {  	[spmem:s9] =	stream.linear.scatter [tilespmem:s7], [sflag:$0x1], $0x1400, $0x38;
	[tilespmem:$0x1FAC0] =	vst v63  }
0x6b: {  	s8 =	rddreg [dreg:$0x12]  }
0x6c: {  	[spmem:s15] =	stream.linear.scatter [tilespmem:s7], [sflag:$0x1], $0x1400, $0x38;
	[tilespmem:$0x1FAC0] =	vst v63  }
0x6d: {  	s15 =	rddreg [dreg:$0x13]  }
0x6e: {  	[spmem:s20] =	stream.linear.scatter [tilespmem:s7], [sflag:$0x1], $0x1400, $0x38;
	[tilespmem:$0x1FAC0] =	vst v63  }
0x6f: {  	s9 =	simm.s32 $0xA080;
	s20 =	rddreg [dreg:$0x14]  }
0x70: {  	[spmem:s8] =	stream.linear.scatter [tilespmem:s9], [sflag:$0x2], $0x280, $0x38;
	[tilespmem:$0x1FAC0] =	vst v63  }
0x71: {  	s8 =	rddreg [dreg:$0x18];
	s9 =	simm.s32 $0x10  }
0x72: {  	[spmem:s8@s28], [sflag:s20] =	dma.strided [hbm:s15@s9], $0x1388, s26, $0x8   }
0x73: {  	_ =	swait.ge [sflag:s26], $0x1400  }
0x74: {  	[sflag:s26] =	ssyncset.done $0x0  }
0x75: {  	[sflag:s26] =	ssyncadd.s32 $0xFFFFEC00  }
0x76: {  	_ =	swait.ge [sflag:s26], $0x1400  }
0x77: {  	[sflag:s26] =	ssyncset.done $0x0  }
0x78: {  	[sflag:s26] =	ssyncadd.s32 $0xFFFFEC00  }
0x79: {  	_ =	swait.ge [sflag:s26], $0x1400  }
0x7a: {  	[sflag:s26] =	ssyncset.done $0x0  }
0x7b: {  	[sflag:s26] =	ssyncadd.s32 $0xFFFFEC00  }
0x7c: {  	_ =	swait.ge [sflag:s26], $0x1400  }
0x7d: {  	[sflag:s26] =	ssyncset.done $0x0  }
0x7e: {  	[sflag:s26] =	ssyncadd.s32 $0xFFFFEC00  }
0x7f: {  	_ =	swait.ge [sflag:s26], $0x1400  }
0x80: {  	[sflag:s26] =	ssyncset.done $0x0  }
0x81: {  	[sflag:s26] =	ssyncadd.s32 $0xFFFFEC00  }
0x82: {  	_ =	swait.ge [sflag:s26], $0x1400  }
0x83: {  	[sflag:s26] =	ssyncset.done $0x0  }
0x84: {  	[sflag:s26] =	ssyncadd.s32 $0xFFFFEC00  }
0x85: {  	_ =	swait.ge [sflag:s26], $0x1400  }
0x86: {  	[sflag:s26] =	ssyncset.done $0x0  }
0x87: {  	[sflag:s26] =	ssyncadd.s32 $0xFFFFEC00  }
0x88: {  	_ =	swait.ge [sflag:s26], $0x1400  }
0x89: {  	[sflag:s26] =	ssyncset.done $0x0  }
0x8a: {  	[sflag:s26] =	ssyncadd.s32 $0xFFFFEC00  }
0x8b: {  	_ =	swait.ge [sflag:s30], $0x280  }
0x8c: {  	[sflag:s30] =	ssyncset.done $0x0  }
0x8d: {  	[sflag:s30] =	ssyncadd.s32 $0xFFFFFD80  }
0x8e: {  	_ =	swait.ge [sflag:s31], $0x1388  }
0x8f: {  	[sflag:s31] =	ssyncset.done $0x0  }
0x90: {  	[sflag:s31] =	ssyncadd.s32 $0xFFFFEC78  }
0x91: {  	s7 =	simm.s32 $0x0;
	s9 =	simm.s32 $0x0;
	[bflag:$0x0] =	sbarrier.arrive $0xFFFF  }
.LBB2_4:
0x92: {  	s15 =	sshll.u32 s9, $0xC;
	s6 =	rddreg [dreg:$0x15]  }
0x93: {  	s15 =	sadd.s32 s6, s15  }
0x94: {  	s8 =	rddreg [dreg:$0x8];
	s15 =	sshrl.u32 s15, $0x3  }
0x95: {  	s20 =	sadd.s32 s8, s15  }
0x96: {  	[tilespmem:s7], [sflag:$0xB] =	stream.linear.gather [hbm4b:s20+s7], $0x1000, $0x38;
	[tilespmem:$0x1FAC0] =	vst v63  }
0x97: {  	_ =	swait.ge [sflag:s0], $0x1000  }
0x98: {  	[sflag:s0] =	ssyncset.done $0x0  }
0x99: {  	[sflag:s0] =	ssyncadd.s32 $0xFFFFF000  }
0x9a: {  	s20 =	rddreg [dreg:$0x1]  }
0x9b: {  	s15 =	sadd.s32 s20, s15  }
0x9c: {  	[tilespmem:s3], [sflag:$0xB] =	stream.linear.gather [hbm4b:s15+s7], $0x1000, $0x38;
	[tilespmem:$0x1FAC0] =	vst v63  }
0x9d: {  	_ =	swait.ge [sflag:s0], $0x1000  }
0x9e: {  	[sflag:s0] =	ssyncset.done $0x0  }
0x9f: {  	[sflag:s0] =	ssyncadd.s32 $0xFFFFF000  }
0xa0: {  	[tilespmem:s29], [sflag:$0x1] =	stream.indirect.gather [spmem:s5], $0x40, s7, s24, $0xb8;
	[tilespmem:$0x1FAC0] =	vst v63  }
0xa1: {  	_ = 	snop  }
0xa2: {  	[tilespmem:s10], [sflag:$0x2] =	stream.indirect.gather [spmem:s5], $0x40, s24, s24, $0xb8;
	[tilespmem:$0x1FAC0] =	vst v63  }
0xa3: {  	s8 =	simm.s32 $0x100  }
0xa4: {  	[tilespmem:s12], [sflag:$0x3] =	stream.indirect.gather [spmem:s5], $0x40, s8, s24, $0xb8;
	[tilespmem:$0x1FAC0] =	vst v63  }
0xa5: {  	s15 =	simm.s32 $0x180  }
0xa6: {  	[tilespmem:s14], [sflag:$0x4] =	stream.indirect.gather [spmem:s5], $0x40, s15, s24, $0xb8;
	[tilespmem:$0x1FAC0] =	vst v63  }
0xa7: {  	_ =	swait.ge [sflag:s26], $0x2000  }
0xa8: {  	[sflag:s26] =	ssyncset.done $0x0  }
0xa9: {  	[sflag:s26] =	ssyncadd.s32 $0xFFFFE000  }
0xaa: {  	_ =	swait.ge [sflag:s30], $0x2000  }
0xab: {  	[sflag:s30] =	ssyncset.done $0x0  }
0xac: {  	[sflag:s30] =	ssyncadd.s32 $0xFFFFE000  }
0xad: {  	[spmem:s2] =	stream.indirect.scatter.add.f32 [tilespmem:s29], [sflag:$0x5], $0x40, s3, s24, $0xb8;
	[tilespmem:$0x1FAC0] =	vst v63  }
0xae: {  	s20 =	simm.s32 $0x1080  }
0xaf: {  	[spmem:s2] =	stream.indirect.scatter.add.f32 [tilespmem:s10], [sflag:$0x6], $0x40, s20, s24, $0xb8;
	[tilespmem:$0x1FAC0] =	vst v63  }
0xb0: {  	_ = 	snop  }
0xb1: {  	[spmem:s4] =	stream.indirect.scatter.add.f32 [tilespmem:s16], [sflag:$0x9], $0x1, s3, s24, $0xb8;
	[tilespmem:$0x1FAC0] =	vst v63  }
0xb2: {  	_ = 	snop  }
0xb3: {  	[spmem:s4] =	stream.indirect.scatter.add.f32 [tilespmem:s16], [sflag:$0x9], $0x1, s20, s24, $0xb8;
	[tilespmem:$0x1FAC0] =	vst v63  }
0xb4: {  	_ =	swait.ge [sflag:s18], $0x2000  }
0xb5: {  	[sflag:s18] =	ssyncset.done $0x0  }
0xb6: {  	[sflag:s18] =	ssyncadd.s32 $0xFFFFE000  }
0xb7: {  	_ =	swait.ge [sflag:s19], $0x80  }
0xb8: {  	[sflag:s19] =	ssyncset.done $0x0  }
0xb9: {  	[sflag:s19] =	ssyncadd.s32 $0xFFFFFF80  }
0xba: {  	_ =	swait.ge [sflag:s21], $0x2000  }
0xbb: {  	[sflag:s21] =	ssyncset.done $0x0  }
0xbc: {  	[sflag:s21] =	ssyncadd.s32 $0xFFFFE000  }
0xbd: {  	_ =	swait.ge [sflag:s19], $0x80  }
0xbe: {  	[sflag:s19] =	ssyncset.done $0x0  }
0xbf: {  	s8 =	simm.s32 $0x200;
	[sflag:s19] =	ssyncadd.s32 $0xFFFFFF80  }
0xc0: {  	[tilespmem:s29], [sflag:$0x1] =	stream.indirect.gather [spmem:s5], $0x40, s8, s24, $0xb8;
	[tilespmem:$0x1FAC0] =	vst v63  }
0xc1: {  	s15 =	simm.s32 $0x280  }
0xc2: {  	[tilespmem:s10], [sflag:$0x2] =	stream.indirect.gather [spmem:s5], $0x40, s15, s24, $0xb8;
	[tilespmem:$0x1FAC0] =	vst v63  }
0xc3: {  	_ =	swait.ge [sflag:s31], $0x2000  }
0xc4: {  	[sflag:s31] =	ssyncset.done $0x0  }
0xc5: {  	[sflag:s31] =	ssyncadd.s32 $0xFFFFE000  }
0xc6: {  	_ =	swait.ge [sflag:s17], $0x2000  }
0xc7: {  	[sflag:s17] =	ssyncset.done $0x0  }
0xc8: {  	s20 =	simm.s32 $0x1100;
	[sflag:s17] =	ssyncadd.s32 $0xFFFFE000  }
0xc9: {  	[spmem:s2] =	stream.indirect.scatter.add.f32 [tilespmem:s12], [sflag:$0x7], $0x40, s20, s24, $0xb8;
	[tilespmem:$0x1FAC0] =	vst v63  }
0xca: {  	s8 =	simm.s32 $0x1180  }
0xcb: {  	[spmem:s2] =	stream.indirect.scatter.add.f32 [tilespmem:s14], [sflag:$0x8], $0x40, s8, s24, $0xb8;
	[tilespmem:$0x1FAC0] =	vst v63  }
0xcc: {  	_ = 	snop  }
0xcd: {  	[spmem:s4] =	stream.indirect.scatter.add.f32 [tilespmem:s16], [sflag:$0xA], $0x1, s20, s24, $0xb8;
	[tilespmem:$0x1FAC0] =	vst v63  }
0xce: {  	_ = 	snop  }
0xcf: {  	[spmem:s4] =	stream.indirect.scatter.add.f32 [tilespmem:s16], [sflag:$0xA], $0x1, s8, s24, $0xb8;
	[tilespmem:$0x1FAC0] =	vst v63  }
0xd0: {  	_ =	swait.ge [sflag:s1], $0x2000  }
0xd1: {  	[sflag:s1] =	ssyncset.done $0x0  }
0xd2: {  	[sflag:s1] =	ssyncadd.s32 $0xFFFFE000  }
0xd3: {  	_ =	swait.ge [sflag:s11], $0x80  }
0xd4: {  	[sflag:s11] =	ssyncset.done $0x0  }
0xd5: {  	[sflag:s11] =	ssyncadd.s32 $0xFFFFFF80  }
0xd6: {  	_ =	swait.ge [sflag:s28], $0x2000  }
0xd7: {  	[sflag:s28] =	ssyncset.done $0x0  }
0xd8: {  	[sflag:s28] =	ssyncadd.s32 $0xFFFFE000  }
0xd9: {  	_ =	swait.ge [sflag:s11], $0x80  }
0xda: {  	[sflag:s11] =	ssyncset.done $0x0  }
0xdb: {  	s8 =	simm.s32 $0x300;
	[sflag:s11] =	ssyncadd.s32 $0xFFFFFF80  }
0xdc: {  	[tilespmem:s12], [sflag:$0x3] =	stream.indirect.gather [spmem:s5], $0x40, s8, s24, $0xb8;
	[tilespmem:$0x1FAC0] =	vst v63  }
0xdd: {  	s20 =	simm.s32 $0x380  }
0xde: {  	[tilespmem:s14], [sflag:$0x4] =	stream.indirect.gather [spmem:s5], $0x40, s20, s24, $0xb8;
	[tilespmem:$0x1FAC0] =	vst v63  }
0xdf: {  	_ =	swait.ge [sflag:s26], $0x2000  }
0xe0: {  	[sflag:s26] =	ssyncset.done $0x0  }
0xe1: {  	[sflag:s26] =	ssyncadd.s32 $0xFFFFE000  }
0xe2: {  	_ =	swait.ge [sflag:s30], $0x2000  }
0xe3: {  	[sflag:s30] =	ssyncset.done $0x0  }
0xe4: {  	s6 =	simm.s32 $0x1200;
	[sflag:s30] =	ssyncadd.s32 $0xFFFFE000  }
0xe5: {  	[spmem:s2] =	stream.indirect.scatter.add.f32 [tilespmem:s29], [sflag:$0x5], $0x40, s6, s24, $0xb8;
	[tilespmem:$0x1FAC0] =	vst v63  }
0xe6: {  	s8 =	simm.s32 $0x1280  }
0xe7: {  	[spmem:s2] =	stream.indirect.scatter.add.f32 [tilespmem:s10], [sflag:$0x6], $0x40, s8, s24, $0xb8;
	[tilespmem:$0x1FAC0] =	vst v63  }
0xe8: {  	_ = 	snop  }
0xe9: {  	[spmem:s4] =	stream.indirect.scatter.add.f32 [tilespmem:s16], [sflag:$0x9], $0x1, s6, s24, $0xb8;
	[tilespmem:$0x1FAC0] =	vst v63  }
0xea: {  	_ = 	snop  }
0xeb: {  	[spmem:s4] =	stream.indirect.scatter.add.f32 [tilespmem:s16], [sflag:$0x9], $0x1, s8, s24, $0xb8;
	[tilespmem:$0x1FAC0] =	vst v63  }
0xec: {  	_ =	swait.ge [sflag:s18], $0x2000  }
0xed: {  	[sflag:s18] =	ssyncset.done $0x0  }
0xee: {  	[sflag:s18] =	ssyncadd.s32 $0xFFFFE000  }
0xef: {  	_ =	swait.ge [sflag:s19], $0x80  }
0xf0: {  	[sflag:s19] =	ssyncset.done $0x0  }
0xf1: {  	[sflag:s19] =	ssyncadd.s32 $0xFFFFFF80  }
0xf2: {  	_ =	swait.ge [sflag:s21], $0x2000  }
0xf3: {  	[sflag:s21] =	ssyncset.done $0x0  }
0xf4: {  	[sflag:s21] =	ssyncadd.s32 $0xFFFFE000  }
0xf5: {  	_ =	swait.ge [sflag:s19], $0x80  }
0xf6: {  	[sflag:s19] =	ssyncset.done $0x0  }
0xf7: {  	s20 =	simm.s32 $0x400;
	[sflag:s19] =	ssyncadd.s32 $0xFFFFFF80  }
0xf8: {  	[tilespmem:s29], [sflag:$0x1] =	stream.indirect.gather [spmem:s5], $0x40, s20, s24, $0xb8;
	[tilespmem:$0x1FAC0] =	vst v63  }
0xf9: {  	s6 =	simm.s32 $0x480  }
0xfa: {  	[tilespmem:s10], [sflag:$0x2] =	stream.indirect.gather [spmem:s5], $0x40, s6, s24, $0xb8;
	[tilespmem:$0x1FAC0] =	vst v63  }
0xfb: {  	_ =	swait.ge [sflag:s31], $0x2000  }
0xfc: {  	[sflag:s31] =	ssyncset.done $0x0  }
0xfd: {  	[sflag:s31] =	ssyncadd.s32 $0xFFFFE000  }
0xfe: {  	_ =	swait.ge [sflag:s17], $0x2000  }
0xff: {  	[sflag:s17] =	ssyncset.done $0x0  }
0x100: {  	s8 =	simm.s32 $0x1300;
	[sflag:s17] =	ssyncadd.s32 $0xFFFFE000  }
0x101: {  	[spmem:s2] =	stream.indirect.scatter.add.f32 [tilespmem:s12], [sflag:$0x7], $0x40, s8, s24, $0xb8;
	[tilespmem:$0x1FAC0] =	vst v63  }
0x102: {  	s20 =	simm.s32 $0x1380  }
0x103: {  	[spmem:s2] =	stream.indirect.scatter.add.f32 [tilespmem:s14], [sflag:$0x8], $0x40, s20, s24, $0xb8;
	[tilespmem:$0x1FAC0] =	vst v63  }
0x104: {  	s15 =	simm.s32 $0x800  }
0x105: {  	[spmem:s4] =	stream.indirect.scatter.add.f32 [tilespmem:s16], [sflag:$0xA], $0x1, s8, s24, $0xb8;
	[tilespmem:$0x1FAC0] =	vst v63  }
.LBB2_5:
0x106: {  	[spmem:s4] =	stream.indirect.scatter.add.f32 [tilespmem:s16], [sflag:$0xA], $0x1, s20, s24, $0xb8;
	[tilespmem:$0x1FAC0] =	vst v63  }
0x107: {  	s20 =	smov.u32 s15  }
0x108: {  	p0 =	sne.s32 s15, $0x2800;
	s15 =	sadd.s32 $0x800, s15;
	_ =	swait.ge [sflag:s1], $0x2000  }
0x109: {  	[sflag:s1] =	ssyncset.done $0x0  }
0x10a: {  	[sflag:s1] =	ssyncadd.s32 $0xFFFFE000  }
0x10b: {  	_ =	swait.ge [sflag:s11], $0x80  }
0x10c: {  	[sflag:s11] =	ssyncset.done $0x0  }
0x10d: {  	[sflag:s11] =	ssyncadd.s32 $0xFFFFFF80  }
0x10e: {  	_ =	swait.ge [sflag:s28], $0x2000  }
0x10f: {  	[sflag:s28] =	ssyncset.done $0x0  }
0x110: {  	[sflag:s28] =	ssyncadd.s32 $0xFFFFE000  }
0x111: {  	_ =	swait.ge [sflag:s11], $0x80  }
0x112: {  	s20 =	sshra.s32 s20, $0x2;
	[sflag:s11] =	ssyncset.done $0x0  }
0x113: {  	s8 =	sadd.s32 $0x300, s20;
	[sflag:s11] =	ssyncadd.s32 $0xFFFFFF80  }
0x114: {  	[tilespmem:s12], [sflag:$0x3] =	stream.indirect.gather [spmem:s5], $0x40, s8, s24, $0xb8;
	[tilespmem:$0x1FAC0] =	vst v63  }
0x115: {  	s8 =	sadd.s32 $0x380, s20  }
0x116: {  	[tilespmem:s14], [sflag:$0x4] =	stream.indirect.gather [spmem:s5], $0x40, s8, s24, $0xb8;
	[tilespmem:$0x1FAC0] =	vst v63  }
0x117: {  	_ =	swait.ge [sflag:s26], $0x2000  }
0x118: {  	[sflag:s26] =	ssyncset.done $0x0  }
0x119: {  	[sflag:s26] =	ssyncadd.s32 $0xFFFFE000  }
0x11a: {  	_ =	swait.ge [sflag:s30], $0x2000  }
0x11b: {  	[sflag:s30] =	ssyncset.done $0x0  }
0x11c: {  	s8 =	sadd.s32 $0x1200, s20;
	[sflag:s30] =	ssyncadd.s32 $0xFFFFE000  }
0x11d: {  	[spmem:s2] =	stream.indirect.scatter.add.f32 [tilespmem:s29], [sflag:$0x5], $0x40, s8, s24, $0xb8;
	[tilespmem:$0x1FAC0] =	vst v63  }
0x11e: {  	s6 =	sadd.s32 $0x1280, s20  }
0x11f: {  	[spmem:s2] =	stream.indirect.scatter.add.f32 [tilespmem:s10], [sflag:$0x6], $0x40, s6, s24, $0xb8;
	[tilespmem:$0x1FAC0] =	vst v63  }
0x120: {  	_ = 	snop  }
0x121: {  	[spmem:s4] =	stream.indirect.scatter.add.f32 [tilespmem:s16], [sflag:$0x9], $0x1, s8, s24, $0xb8;
	[tilespmem:$0x1FAC0] =	vst v63  }
0x122: {  	_ = 	snop  }
0x123: {  	[spmem:s4] =	stream.indirect.scatter.add.f32 [tilespmem:s16], [sflag:$0x9], $0x1, s6, s24, $0xb8;
	[tilespmem:$0x1FAC0] =	vst v63  }
0x124: {  	_ =	swait.ge [sflag:s18], $0x2000  }
0x125: {  	[sflag:s18] =	ssyncset.done $0x0  }
0x126: {  	[sflag:s18] =	ssyncadd.s32 $0xFFFFE000  }
0x127: {  	_ =	swait.ge [sflag:s19], $0x80  }
0x128: {  	[sflag:s19] =	ssyncset.done $0x0  }
0x129: {  	[sflag:s19] =	ssyncadd.s32 $0xFFFFFF80  }
0x12a: {  	_ =	swait.ge [sflag:s21], $0x2000  }
0x12b: {  	[sflag:s21] =	ssyncset.done $0x0  }
0x12c: {  	[sflag:s21] =	ssyncadd.s32 $0xFFFFE000  }
0x12d: {  	_ =	swait.ge [sflag:s19], $0x80  }
0x12e: {  	[sflag:s19] =	ssyncset.done $0x0  }
0x12f: {  	s6 =	sadd.s32 $0x400, s20;
	[sflag:s19] =	ssyncadd.s32 $0xFFFFFF80  }
0x130: {  	[tilespmem:s29], [sflag:$0x1] =	stream.indirect.gather [spmem:s5], $0x40, s6, s24, $0xb8;
	[tilespmem:$0x1FAC0] =	vst v63  }
0x131: {  	s6 =	sadd.s32 $0x480, s20  }
0x132: {  	[tilespmem:s10], [sflag:$0x2] =	stream.indirect.gather [spmem:s5], $0x40, s6, s24, $0xb8;
	[tilespmem:$0x1FAC0] =	vst v63  }
0x133: {  	_ =	swait.ge [sflag:s31], $0x2000  }
0x134: {  	[sflag:s31] =	ssyncset.done $0x0  }
0x135: {  	[sflag:s31] =	ssyncadd.s32 $0xFFFFE000  }
0x136: {  	_ =	swait.ge [sflag:s17], $0x2000  }
0x137: {  	[sflag:s17] =	ssyncset.done $0x0  }
0x138: {  	s6 =	sadd.s32 $0x1300, s20;
	[sflag:s17] =	ssyncadd.s32 $0xFFFFE000  }
0x139: {  	[spmem:s2] =	stream.indirect.scatter.add.f32 [tilespmem:s12], [sflag:$0x7], $0x40, s6, s24, $0xb8;
	[tilespmem:$0x1FAC0] =	vst v63  }
.Ltmp3:
0x13a: {  	_ = 	snop;
	(pc) =	sbr.rel @p0 .LBB2_5-.Ltmp3, $4  }
0x13b: {  	s20 =	sadd.s32 $0x1380, s20  }
0x13c: {  	[spmem:s2] =	stream.indirect.scatter.add.f32 [tilespmem:s14], [sflag:$0x8], $0x40, s20, s24, $0xb8;
	[tilespmem:$0x1FAC0] =	vst v63  }
0x13d: {  	_ = 	snop  }
0x13e: {  	[spmem:s4] =	stream.indirect.scatter.add.f32 [tilespmem:s16], [sflag:$0xA], $0x1, s6, s24, $0xb8;
	[tilespmem:$0x1FAC0] =	vst v63  }
0x13f: {  	[spmem:s4] =	stream.indirect.scatter.add.f32 [tilespmem:s16], [sflag:$0xA], $0x1, s20, s24, $0xb8;
	[tilespmem:$0x1FAC0] =	vst v63  }
0x140: {  	_ =	swait.ge [sflag:s1], $0x2000  }
0x141: {  	[sflag:s1] =	ssyncset.done $0x0  }
0x142: {  	[sflag:s1] =	ssyncadd.s32 $0xFFFFE000  }
0x143: {  	_ =	swait.ge [sflag:s11], $0x80  }
0x144: {  	[sflag:s11] =	ssyncset.done $0x0  }
0x145: {  	[sflag:s11] =	ssyncadd.s32 $0xFFFFFF80  }
0x146: {  	_ =	swait.ge [sflag:s28], $0x2000  }
0x147: {  	[sflag:s28] =	ssyncset.done $0x0  }
0x148: {  	[sflag:s28] =	ssyncadd.s32 $0xFFFFE000  }
0x149: {  	_ =	swait.ge [sflag:s11], $0x80  }
0x14a: {  	[sflag:s11] =	ssyncset.done $0x0  }
0x14b: {  	s6 =	simm.s32 $0xF00;
	[sflag:s11] =	ssyncadd.s32 $0xFFFFFF80  }
0x14c: {  	[tilespmem:s12], [sflag:$0x3] =	stream.indirect.gather [spmem:s5], $0x40, s6, s24, $0xb8;
	[tilespmem:$0x1FAC0] =	vst v63  }
0x14d: {  	s20 =	simm.s32 $0xF80  }
0x14e: {  	[tilespmem:s14], [sflag:$0x4] =	stream.indirect.gather [spmem:s5], $0x40, s20, s24, $0xb8;
	[tilespmem:$0x1FAC0] =	vst v63  }
0x14f: {  	_ =	swait.ge [sflag:s26], $0x2000  }
0x150: {  	[sflag:s26] =	ssyncset.done $0x0  }
0x151: {  	[sflag:s26] =	ssyncadd.s32 $0xFFFFE000  }
0x152: {  	_ =	swait.ge [sflag:s30], $0x2000  }
0x153: {  	[sflag:s30] =	ssyncset.done $0x0  }
0x154: {  	[sflag:s30] =	ssyncadd.s32 $0xFFFFE000  }
0x155: {  	[spmem:s2] =	stream.indirect.scatter.add.f32 [tilespmem:s29], [sflag:$0x5], $0x40, s22, s24, $0xb8;
	[tilespmem:$0x1FAC0] =	vst v63  }
0x156: {  	_ = 	snop  }
0x157: {  	[spmem:s2] =	stream.indirect.scatter.add.f32 [tilespmem:s10], [sflag:$0x6], $0x40, s13, s24, $0xb8;
	[tilespmem:$0x1FAC0] =	vst v63  }
0x158: {  	_ = 	snop  }
0x159: {  	[spmem:s4] =	stream.indirect.scatter.add.f32 [tilespmem:s16], [sflag:$0x9], $0x1, s22, s24, $0xb8;
	[tilespmem:$0x1FAC0] =	vst v63  }
0x15a: {  	_ = 	snop  }
0x15b: {  	[spmem:s4] =	stream.indirect.scatter.add.f32 [tilespmem:s16], [sflag:$0x9], $0x1, s13, s24, $0xb8;
	[tilespmem:$0x1FAC0] =	vst v63  }
0x15c: {  	_ =	swait.ge [sflag:s18], $0x2000  }
0x15d: {  	[sflag:s18] =	ssyncset.done $0x0  }
0x15e: {  	[sflag:s18] =	ssyncadd.s32 $0xFFFFE000  }
0x15f: {  	_ =	swait.ge [sflag:s19], $0x80  }
0x160: {  	[sflag:s19] =	ssyncset.done $0x0  }
0x161: {  	[sflag:s19] =	ssyncadd.s32 $0xFFFFFF80  }
0x162: {  	_ =	swait.ge [sflag:s21], $0x2000  }
0x163: {  	[sflag:s21] =	ssyncset.done $0x0  }
0x164: {  	[sflag:s21] =	ssyncadd.s32 $0xFFFFE000  }
0x165: {  	_ =	swait.ge [sflag:s19], $0x80  }
0x166: {  	[sflag:s19] =	ssyncset.done $0x0  }
0x167: {  	[sflag:s19] =	ssyncadd.s32 $0xFFFFFF80  }
0x168: {  	_ =	swait.ge [sflag:s31], $0x2000  }
0x169: {  	[sflag:s31] =	ssyncset.done $0x0  }
0x16a: {  	[sflag:s31] =	ssyncadd.s32 $0xFFFFE000  }
0x16b: {  	_ =	swait.ge [sflag:s17], $0x2000  }
0x16c: {  	[sflag:s17] =	ssyncset.done $0x0  }
0x16d: {  	[sflag:s17] =	ssyncadd.s32 $0xFFFFE000  }
0x16e: {  	[spmem:s2] =	stream.indirect.scatter.add.f32 [tilespmem:s12], [sflag:$0x7], $0x40, s25, s24, $0xb8;
	[tilespmem:$0x1FAC0] =	vst v63  }
0x16f: {  	_ = 	snop  }
0x170: {  	[spmem:s2] =	stream.indirect.scatter.add.f32 [tilespmem:s14], [sflag:$0x8], $0x40, s23, s24, $0xb8;
	[tilespmem:$0x1FAC0] =	vst v63  }
0x171: {  	_ = 	snop  }
0x172: {  	[spmem:s4] =	stream.indirect.scatter.add.f32 [tilespmem:s16], [sflag:$0xA], $0x1, s25, s24, $0xb8;
	[tilespmem:$0x1FAC0] =	vst v63  }
0x173: {  	_ = 	snop  }
0x174: {  	[spmem:s4] =	stream.indirect.scatter.add.f32 [tilespmem:s16], [sflag:$0xA], $0x1, s23, s24, $0xb8;
	[tilespmem:$0x1FAC0] =	vst v63  }
0x175: {  	_ =	swait.ge [sflag:s1], $0x2000  }
0x176: {  	[sflag:s1] =	ssyncset.done $0x0  }
0x177: {  	[sflag:s1] =	ssyncadd.s32 $0xFFFFE000  }
0x178: {  	_ =	swait.ge [sflag:s11], $0x80  }
0x179: {  	[sflag:s11] =	ssyncset.done $0x0  }
0x17a: {  	s9 =	sadd.s32 $0x1, s9;
	[sflag:s11] =	ssyncadd.s32 $0xFFFFFF80  }
0x17b: {  	p0 =	sne.s32 s9, $0x5;
	_ =	swait.ge [sflag:s28], $0x2000  }
.Ltmp4:
0x17c: {  	[sflag:s28] =	ssyncset.done $0x0;
	(pc) =	sbr.rel @p0 .LBB2_4-.Ltmp4, $4  }
0x17d: {  	[sflag:s28] =	ssyncadd.s32 $0xFFFFE000  }
0x17e: {  	_ =	swait.ge [sflag:s11], $0x80  }
0x17f: {  	[sflag:s11] =	ssyncset.done $0x0  }
0x180: {  	[sflag:s11] =	ssyncadd.s32 $0xFFFFFF80  }
0x181: {  	[bflag:$0x0] =	sbarrier.arrive $0xFFFF  }
0x182: {  	s7 =	simm.s32 $0xB700;
	s6 =	rddreg [dreg:$0x12]  }
0x183: {  	[tilespmem:s7], [sflag:$0xB] =	stream.linear.gather [spmem:s6], $0x280, $0x38;
	[tilespmem:$0x1FAC0] =	vst v63  }
0x184: {  	_ =	swait.ge [sflag:s0], $0x280  }
0x185: {  	[sflag:s0] =	ssyncset.done $0x0  }
0x186: {  	s9 =	simm.s32 $0x0;
	[sflag:s0] =	ssyncadd.s32 $0xFFFFFD80  }
0x187: {  	v2 =	vld [tilespmem:s9+$0xB700];
	_ =	sdelay $0x4  }
0x188: {  	s15 =	simm.s32 $0x10;
	v3 =	vmax.f32 v2, $1.000000000e+00  }
0x189: {  	v2 =	vld [tilespmem:s15+$0xB700];
	(erf) = vrcp.f32 v3;
	_ =	sdelay $0x3  }
0x18a: {  	s20 =	simm.s32 $0x80;
	s7 =	simm.s32 $0x0  }
.LBB2_8:
0x18b: {  	s6 =	sshra.s32 s20, $0x2;
	p0 =	sne.s32 s20, $0x9C0;
	s20 =	sadd.s32 $0x40, s20;
	v3 =	vmax.f32 v2, $1.000000000e+00  }
.Ltmp5:
0x18c: {  	v2 =	vld [tilespmem:s6+$0xB700];
	(erf) = vrcp.f32 v3;
	(pc) =	sbr.rel @p0 .LBB2_8-.Ltmp5, $3  }
0x18d: {  	_ =	sdelay $0x1  }
0x18e: {  	v3 =	vpop (erf)  }
0x18f: {  	[tilespmem:s9+$0xB980] =	vst v3;
	s9 =	smov.u32 s15;
	s15 =	smov.u32 s6  }
0x190: {  	v2 =	vmax.f32 v2, $1.000000000e+00  }
0x191: {  	(erf) = vrcp.f32 v2;
	_ =	sdelay $0x5  }
.Ltmp6:
0x192: {  	_ = 	snop;
	(pc) =	sbr.rel .LBB2_10-.Ltmp6, $4  }
0x193: {  	_ = 	snop  }
0x194: {  	s20 =	rddreg [dreg:$0x9];
	v2 =	vpop (erf)  }
0x195: {  	s8 =	rddreg [dreg:$0xa];
	[tilespmem:s9+$0xB980] =	vst v2;
	v2 =	vpop (erf)  }
0x196: {  	s9 =	simm.s32 $0xB9A0;
	[tilespmem:s15+$0xB980] =	vst v2;
	s15 =	rddreg [dreg:$0x17]  }
.LBB2_12:
0x197: {  	s7 =	sadd.s32 $0x50, s7  }
0x198: {  	p0 =	sne.s32 s7, $0x280  }
.Ltmp7:
0x199: {  	_ = 	snop;
	(pc) =	sbr.rel @!p0 .LBB2_13-.Ltmp7, $2  }
0x19a: {  	_ =	sdelay $0x2  }
0x19b: {  	s15 =	sadd.s32 $0x500, s15;
	s20 =	sadd.s32 $0x1400, s20;
	s9 =	sadd.s32 $0x50, s9  }
.LBB2_10:
0x19c: {  	s6 =	sadd.s32 s7, s8  }
0x19d: {  	p0 =	sgt.u32 s6, $0x26C0  }
.Ltmp8:
0x19e: {  	_ = 	snop;
	(pc) =	sbr.rel @p0 .LBB2_12-.Ltmp8, $1  }
0x19f: {  	_ =	sdelay $0x3  }
0x1a0: {  	s6 =	simm.s32 $0xA300;
	s22 =	simm.s32 $0xC  }
0x1a1: {  	[tilespmem:s6], [sflag:$0xC] =	stream.linear.gather [spmem:s20], $0x1400, $0x38;
	[tilespmem:$0x1FAC0] =	vst v63  }
0x1a2: {  	_ =	swait.ge [sflag:s22], $0x1400  }
0x1a3: {  	[sflag:s22] =	ssyncset.done $0x0  }
0x1a4: {  	[sflag:s22] =	ssyncadd.s32 $0xFFFFEC00  }
0x1a5: {  	v2 =	vld [tilespmem:s9+$0xFFFFFFE0];
	_ =	sdelay $0x1  }
0x1a6: {  	v3 =	vld [tilespmem:$0xA300]  }
0x1a7: {  	v4 =	vld [tilespmem:$0xA310]  }
0x1a8: {  	v5 =	vld [tilespmem:$0xA320]  }
0x1a9: {  	v7 =	vld [tilespmem:$0xA330];
	v6 =	vbroadcast v2, $0x0  }
0x1aa: {  	v8 =	vld [tilespmem:$0xA340]  }
0x1ab: {  	v9 =	vld [tilespmem:$0xA350];
	v3 =	vmul.f32 v6, v3  }
0x1ac: {  	v10 =	vld [tilespmem:$0xA360];
	v4 =	vmul.f32 v4, v6  }
0x1ad: {  	v11 =	vld [tilespmem:$0xA370];
	v56 =	vbroadcast v2, $0x1;
	[tilespmem:$0xA300] =	vst v3;
	v3 =	vmul.f32 v5, v6  }
0x1ae: {  	v58 =	vld [tilespmem:$0xA380];
	v57 =	vmul.f32 v7, v6;
	[tilespmem:$0xA310] =	vst v4  }
0x1af: {  	v59 =	vld [tilespmem:$0xA390];
	[tilespmem:$0xA320] =	vst v3;
	v3 =	vmul.f32 v8, v56  }
0x1b0: {  	v61 =	vld [tilespmem:$0xA3A0];
	v60 =	vmul.f32 v9, v56;
	[tilespmem:$0xA330] =	vst v57  }
0x1b1: {  	v63 =	vld [tilespmem:$0xA3B0];
	v62 =	vbroadcast v2, $0x2;
	[tilespmem:$0xA340] =	vst v3;
	v3 =	vmul.f32 v10, v56  }
0x1b2: {  	v12 =	vld [tilespmem:$0xA3C0];
	v11 =	vmul.f32 v11, v56;
	[tilespmem:$0xA350] =	vst v60  }
0x1b3: {  	v13 =	vld [tilespmem:$0xA3D0];
	[tilespmem:$0xA360] =	vst v3;
	v3 =	vmul.f32 v58, v62  }
0x1b4: {  	v15 =	vld [tilespmem:$0xA3E0];
	v14 =	vmul.f32 v59, v62;
	[tilespmem:$0xA370] =	vst v11  }
0x1b5: {  	v17 =	vld [tilespmem:$0xA3F0];
	v16 =	vbroadcast v2, $0x3;
	[tilespmem:$0xA380] =	vst v3;
	v3 =	vmul.f32 v61, v62  }
0x1b6: {  	v19 =	vld [tilespmem:$0xA400];
	v18 =	vmul.f32 v63, v62;
	[tilespmem:$0xA390] =	vst v14  }
0x1b7: {  	v20 =	vld [tilespmem:$0xA410];
	[tilespmem:$0xA3A0] =	vst v3;
	v3 =	vmul.f32 v12, v16  }
0x1b8: {  	v22 =	vld [tilespmem:$0xA420];
	v21 =	vmul.f32 v13, v16;
	[tilespmem:$0xA3B0] =	vst v18  }
0x1b9: {  	v24 =	vld [tilespmem:$0xA430];
	v23 =	vbroadcast v2, $0x4;
	[tilespmem:$0xA3C0] =	vst v3;
	v3 =	vmul.f32 v15, v16  }
0x1ba: {  	v26 =	vld [tilespmem:$0xA440];
	v25 =	vmul.f32 v17, v16;
	[tilespmem:$0xA3D0] =	vst v21  }
0x1bb: {  	v27 =	vld [tilespmem:$0xA450];
	[tilespmem:$0xA3E0] =	vst v3;
	v3 =	vmul.f32 v19, v23  }
0x1bc: {  	v29 =	vld [tilespmem:$0xA460];
	v28 =	vmul.f32 v20, v23;
	[tilespmem:$0xA3F0] =	vst v25  }
0x1bd: {  	v31 =	vld [tilespmem:$0xA470];
	v30 =	vbroadcast v2, $0x5;
	[tilespmem:$0xA400] =	vst v3;
	v3 =	vmul.f32 v22, v23  }
0x1be: {  	v33 =	vld [tilespmem:$0xA480];
	v32 =	vmul.f32 v24, v23;
	[tilespmem:$0xA410] =	vst v28  }
0x1bf: {  	v34 =	vld [tilespmem:$0xA490];
	[tilespmem:$0xA420] =	vst v3;
	v3 =	vmul.f32 v26, v30  }
0x1c0: {  	v36 =	vld [tilespmem:$0xA4A0];
	v35 =	vmul.f32 v27, v30;
	[tilespmem:$0xA430] =	vst v32  }
0x1c1: {  	v38 =	vld [tilespmem:$0xA4B0];
	v37 =	vbroadcast v2, $0x6;
	[tilespmem:$0xA440] =	vst v3;
	v3 =	vmul.f32 v29, v30  }
0x1c2: {  	v40 =	vld [tilespmem:$0xA4C0];
	v39 =	vmul.f32 v31, v30;
	[tilespmem:$0xA450] =	vst v35  }
0x1c3: {  	v41 =	vld [tilespmem:$0xA4D0];
	[tilespmem:$0xA460] =	vst v3;
	v3 =	vmul.f32 v33, v37  }
0x1c4: {  	v43 =	vld [tilespmem:$0xA4E0];
	v42 =	vmul.f32 v34, v37;
	[tilespmem:$0xA470] =	vst v39  }
0x1c5: {  	v45 =	vld [tilespmem:$0xA4F0];
	v44 =	vbroadcast v2, $0x7;
	[tilespmem:$0xA480] =	vst v3;
	v3 =	vmul.f32 v36, v37  }
0x1c6: {  	v47 =	vld [tilespmem:$0xA500];
	v46 =	vmul.f32 v38, v37;
	[tilespmem:$0xA490] =	vst v42  }
0x1c7: {  	v52 =	vld [tilespmem:$0xA530];
	[tilespmem:$0xA4A0] =	vst v3;
	v3 =	vmul.f32 v40, v44  }
0x1c8: {  	v50 =	vld [tilespmem:$0xA520];
	v49 =	vmul.f32 v41, v44;
	[tilespmem:$0xA4B0] =	vst v46  }
0x1c9: {  	v51 =	vbroadcast v2, $0x8;
	v17 =	vld [tilespmem:$0xA5D0];
	[tilespmem:$0xA4C0] =	vst v3;
	v3 =	vmul.f32 v43, v44  }
0x1ca: {  	v54 =	vld [tilespmem:$0xA540];
	v53 =	vmul.f32 v45, v44;
	[tilespmem:$0xA4D0] =	vst v49  }
0x1cb: {  	v24 =	vld [tilespmem:$0xA610];
	[tilespmem:$0xA4E0] =	vst v3;
	v3 =	vmul.f32 v47, v51  }
0x1cc: {  	v20 =	vbroadcast v2, $0xB;
	[tilespmem:$0xA4F0] =	vst v53;
	v57 =	vld [tilespmem:$0xA560];
	v60 =	vmul.f32 v52, v51  }
0x1cd: {  	v31 =	vld [tilespmem:$0xA650];
	v58 =	vbroadcast v2, $0x9;
	[tilespmem:$0xA500] =	vst v3;
	v3 =	vmul.f32 v50, v51  }
0x1ce: {  	v27 =	vbroadcast v2, $0xC;
	[tilespmem:$0xA530] =	vst v60;
	v25 =	vmul.f32 v17, v20;
	v61 =	vld [tilespmem:$0xA580]  }
0x1cf: {  	v38 =	vld [tilespmem:$0xA690];
	[tilespmem:$0xA520] =	vst v3;
	v3 =	vmul.f32 v54, v58  }
0x1d0: {  	v34 =	vbroadcast v2, $0xD;
	v32 =	vmul.f32 v24, v27;
	[tilespmem:$0xA5D0] =	vst v25;
	v12 =	vld [tilespmem:$0xA5A0]  }
0x1d1: {  	v48 =	vld [tilespmem:$0xA510];
	v13 =	vbroadcast v2, $0xA;
	[tilespmem:$0xA540] =	vst v3;
	v3 =	vmul.f32 v57, v58  }
0x1d2: {  	v41 =	vbroadcast v2, $0xE;
	v39 =	vmul.f32 v31, v34;
	[tilespmem:$0xA610] =	vst v32;
	v16 =	vld [tilespmem:$0xA5C0]  }
0x1d3: {  	v42 =	vld [tilespmem:$0xA6B0];
	[tilespmem:$0xA560] =	vst v3;
	v3 =	vmul.f32 v61, v13  }
0x1d4: {  	v46 =	vmul.f32 v38, v41;
	[tilespmem:$0xA650] =	vst v39;
	v19 =	vld [tilespmem:$0xA5E0]  }
0x1d5: {  	v55 =	vld [tilespmem:$0xA550];
	[tilespmem:$0xA580] =	vst v3;
	v3 =	vmul.f32 v12, v13  }
0x1d6: {  	v56 =	vmul.f32 v48, v51;
	[tilespmem:$0xA690] =	vst v46;
	v23 =	vld [tilespmem:$0xA600]  }
0x1d7: {  	v59 =	vld [tilespmem:$0xA570];
	[tilespmem:$0xA5A0] =	vst v3;
	v3 =	vmul.f32 v16, v20  }
0x1d8: {  	v49 =	vmul.f32 v42, v41;
	[tilespmem:$0xA510] =	vst v56;
	v26 =	vld [tilespmem:$0xA620]  }
0x1d9: {  	v62 =	vld [tilespmem:$0xA590];
	[tilespmem:$0xA5C0] =	vst v3;
	v3 =	vmul.f32 v19, v20  }
0x1da: {  	[tilespmem:$0xA6B0] =	vst v49;
	v63 =	vmul.f32 v55, v58;
	v30 =	vld [tilespmem:$0xA640]  }
0x1db: {  	v14 =	vld [tilespmem:$0xA5B0];
	[tilespmem:$0xA5E0] =	vst v3;
	v3 =	vmul.f32 v23, v27  }
0x1dc: {  	[tilespmem:$0xA550] =	vst v63;
	v15 =	vmul.f32 v59, v58;
	v33 =	vld [tilespmem:$0xA660]  }
0x1dd: {  	v21 =	vld [tilespmem:$0xA5F0];
	[tilespmem:$0xA600] =	vst v3;
	v3 =	vmul.f32 v26, v27  }
0x1de: {  	v18 =	vmul.f32 v62, v13;
	[tilespmem:$0xA570] =	vst v15;
	v37 =	vld [tilespmem:$0xA680]  }
0x1df: {  	v28 =	vld [tilespmem:$0xA630];
	[tilespmem:$0xA620] =	vst v3;
	v3 =	vmul.f32 v30, v34  }
0x1e0: {  	[tilespmem:$0xA590] =	vst v18;
	v22 =	vmul.f32 v14, v13;
	v40 =	vld [tilespmem:$0xA6A0]  }
0x1e1: {  	v35 =	vld [tilespmem:$0xA670];
	[tilespmem:$0xA640] =	vst v3;
	v3 =	vmul.f32 v33, v34  }
0x1e2: {  	[tilespmem:$0xA5B0] =	vst v22;
	v29 =	vmul.f32 v21, v20;
	v44 =	vld [tilespmem:$0xA6C0]  }
0x1e3: {  	v45 =	vld [tilespmem:$0xA6D0];
	[tilespmem:$0xA660] =	vst v3;
	v3 =	vmul.f32 v37, v41  }
0x1e4: {  	[tilespmem:$0xA5F0] =	vst v29;
	v36 =	vmul.f32 v28, v27;
	v47 =	vld [tilespmem:$0xA6E0]  }
0x1e5: {  	v48 =	vld [tilespmem:$0xA6F0];
	v2 =	vbroadcast v2, $0xF;
	[tilespmem:$0xA680] =	vst v3;
	v3 =	vmul.f32 v40, v41  }
0x1e6: {  	[tilespmem:$0xA630] =	vst v36;
	v43 =	vmul.f32 v35, v34  }
0x1e7: {  	[tilespmem:$0xA6A0] =	vst v3;
	v3 =	vmul.f32 v44, v2  }
0x1e8: {  	[tilespmem:$0xA670] =	vst v43;
	v50 =	vmul.f32 v45, v2  }
0x1e9: {  	[tilespmem:$0xA6C0] =	vst v3;
	v3 =	vmul.f32 v47, v2  }
0x1ea: {  	[tilespmem:$0xA6D0] =	vst v50;
	v2 =	vmul.f32 v48, v2  }
0x1eb: {  	[tilespmem:$0xA6E0] =	vst v3  }
0x1ec: {  	[tilespmem:$0xA6F0] =	vst v2  }
0x1ed: {  	v2 =	vld [tilespmem:s9+$0xFFFFFFF0];
	_ =	sdelay $0x1  }
0x1ee: {  	v3 =	vld [tilespmem:$0xA700]  }
0x1ef: {  	v51 =	vld [tilespmem:$0xA710]  }
0x1f0: {  	v52 =	vld [tilespmem:$0xA720]  }
0x1f1: {  	v54 =	vld [tilespmem:$0xA730];
	v53 =	vbroadcast v2, $0x0  }
0x1f2: {  	v55 =	vld [tilespmem:$0xA740]  }
0x1f3: {  	v56 =	vld [tilespmem:$0xA750];
	v3 =	vmul.f32 v53, v3  }
0x1f4: {  	v57 =	vld [tilespmem:$0xA760];
	v4 =	vmul.f32 v51, v53  }
0x1f5: {  	v59 =	vld [tilespmem:$0xA770];
	v58 =	vbroadcast v2, $0x1;
	[tilespmem:$0xA700] =	vst v3;
	v3 =	vmul.f32 v52, v53  }
0x1f6: {  	v61 =	vld [tilespmem:$0xA780];
	v60 =	vmul.f32 v54, v53;
	[tilespmem:$0xA710] =	vst v4  }
0x1f7: {  	[tilespmem:$0xA720] =	vst v3;
	v3 =	vmul.f32 v55, v58  }
0x1f8: {  	v62 =	vmul.f32 v56, v58;
	[tilespmem:$0xA730] =	vst v60  }
0x1f9: {  	v63 =	vbroadcast v2, $0x2;
	[tilespmem:$0xA740] =	vst v3;
	v3 =	vmul.f32 v57, v58  }
0x1fa: {  	v11 =	vmul.f32 v59, v58;
	[tilespmem:$0xA750] =	vst v62  }
0x1fb: {  	[tilespmem:$0xA760] =	vst v3;
	v3 =	vmul.f32 v61, v63  }
0x1fc: {  	[tilespmem:$0xA770] =	vst v11  }
0x1fd: {  	[tilespmem:$0xA780] =	vst v3  }
0x1fe: {  	v3 =	vld [tilespmem:$0xA790]  }
0x1ff: {  	v12 =	vld [tilespmem:$0xA7A0]  }
0x200: {  	v14 =	vld [tilespmem:$0xA7C0]  }
0x201: {  	v13 =	vld [tilespmem:$0xA7B0]  }
0x202: {  	v16 =	vld [tilespmem:$0xA7E0]  }
0x203: {  	v17 =	vbroadcast v2, $0x3;
	v15 =	vld [tilespmem:$0xA7D0];
	v3 =	vmul.f32 v3, v63  }
0x204: {  	v19 =	vld [tilespmem:$0xA800];
	v4 =	vmul.f32 v12, v63  }
0x205: {  	v18 =	vld [tilespmem:$0xA7F0];
	v20 =	vmul.f32 v14, v17;
	[tilespmem:$0xA790] =	vst v3  }
0x206: {  	v22 =	vld [tilespmem:$0xA820];
	v3 =	vmul.f32 v13, v63;
	[tilespmem:$0xA7A0] =	vst v4  }
0x207: {  	v24 =	vbroadcast v2, $0x4;
	v21 =	vld [tilespmem:$0xA810];
	v23 =	vmul.f32 v16, v17;
	[tilespmem:$0xA7C0] =	vst v20  }
0x208: {  	v26 =	vld [tilespmem:$0xA840];
	[tilespmem:$0xA7B0] =	vst v3;
	v3 =	vmul.f32 v15, v17  }
0x209: {  	v25 =	vld [tilespmem:$0xA830];
	v27 =	vmul.f32 v19, v24;
	[tilespmem:$0xA7E0] =	vst v23  }
0x20a: {  	v29 =	vld [tilespmem:$0xA860];
	[tilespmem:$0xA7D0] =	vst v3;
	v3 =	vmul.f32 v18, v17  }
0x20b: {  	v31 =	vbroadcast v2, $0x5;
	v28 =	vld [tilespmem:$0xA850];
	v30 =	vmul.f32 v22, v24;
	[tilespmem:$0xA800] =	vst v27  }
0x20c: {  	v33 =	vld [tilespmem:$0xA880];
	[tilespmem:$0xA7F0] =	vst v3;
	v3 =	vmul.f32 v21, v24  }
0x20d: {  	v32 =	vld [tilespmem:$0xA870];
	v34 =	vmul.f32 v26, v31;
	[tilespmem:$0xA820] =	vst v30  }
0x20e: {  	v36 =	vld [tilespmem:$0xA8A0];
	[tilespmem:$0xA810] =	vst v3;
	v3 =	vmul.f32 v25, v24  }
0x20f: {  	v38 =	vbroadcast v2, $0x6;
	v35 =	vld [tilespmem:$0xA890];
	v37 =	vmul.f32 v29, v31;
	[tilespmem:$0xA840] =	vst v34  }
0x210: {  	v40 =	vld [tilespmem:$0xA8C0];
	[tilespmem:$0xA830] =	vst v3;
	v3 =	vmul.f32 v28, v31  }
0x211: {  	v39 =	vld [tilespmem:$0xA8B0];
	v41 =	vmul.f32 v33, v38;
	[tilespmem:$0xA860] =	vst v37  }
0x212: {  	v43 =	vld [tilespmem:$0xA8E0];
	[tilespmem:$0xA850] =	vst v3;
	v3 =	vmul.f32 v32, v31  }
0x213: {  	v45 =	vbroadcast v2, $0x7;
	v42 =	vld [tilespmem:$0xA8D0];
	v44 =	vmul.f32 v36, v38;
	[tilespmem:$0xA880] =	vst v41  }
0x214: {  	v47 =	vld [tilespmem:$0xA900];
	[tilespmem:$0xA870] =	vst v3;
	v3 =	vmul.f32 v35, v38  }
0x215: {  	v46 =	vld [tilespmem:$0xA8F0];
	v48 =	vmul.f32 v40, v45;
	[tilespmem:$0xA8A0] =	vst v44  }
0x216: {  	v50 =	vld [tilespmem:$0xA920];
	[tilespmem:$0xA890] =	vst v3;
	v3 =	vmul.f32 v39, v38  }
0x217: {  	v52 =	vbroadcast v2, $0x8;
	v49 =	vld [tilespmem:$0xA910];
	v51 =	vmul.f32 v43, v45;
	[tilespmem:$0xA8C0] =	vst v48  }
0x218: {  	v54 =	vld [tilespmem:$0xA940];
	[tilespmem:$0xA8B0] =	vst v3;
	v3 =	vmul.f32 v42, v45  }
0x219: {  	v53 =	vld [tilespmem:$0xA930];
	v55 =	vmul.f32 v47, v52;
	[tilespmem:$0xA8E0] =	vst v51  }
0x21a: {  	v57 =	vld [tilespmem:$0xA960];
	[tilespmem:$0xA8D0] =	vst v3;
	v3 =	vmul.f32 v46, v45  }
0x21b: {  	v59 =	vbroadcast v2, $0x9;
	v56 =	vld [tilespmem:$0xA950];
	v58 =	vmul.f32 v50, v52;
	[tilespmem:$0xA900] =	vst v55  }
0x21c: {  	v12 =	vld [tilespmem:$0xA9A0];
	[tilespmem:$0xA8F0] =	vst v3;
	v3 =	vmul.f32 v49, v52  }
0x21d: {  	v60 =	vld [tilespmem:$0xA970];
	v62 =	vmul.f32 v54, v59;
	[tilespmem:$0xA920] =	vst v58  }
0x21e: {  	v61 =	vld [tilespmem:$0xA980];
	[tilespmem:$0xA910] =	vst v3;
	v3 =	vmul.f32 v53, v52  }
0x21f: {  	v14 =	vbroadcast v2, $0xA;
	v63 =	vld [tilespmem:$0xA990];
	[tilespmem:$0xA940] =	vst v62;
	v13 =	vmul.f32 v57, v59  }
0x220: {  	v16 =	vld [tilespmem:$0xA9C0];
	[tilespmem:$0xA930] =	vst v3;
	v3 =	vmul.f32 v56, v59  }
0x221: {  	v15 =	vld [tilespmem:$0xA9B0];
	[tilespmem:$0xA960] =	vst v13;
	v20 =	vmul.f32 v12, v14  }
0x222: {  	v19 =	vld [tilespmem:$0xA9E0];
	[tilespmem:$0xA950] =	vst v3;
	v3 =	vmul.f32 v60, v59  }
0x223: {  	v17 =	vmul.f32 v61, v14;
	v18 =	vld [tilespmem:$0xA9D0];
	[tilespmem:$0xA9A0] =	vst v20;
	v21 =	vbroadcast v2, $0xB  }
0x224: {  	v23 =	vld [tilespmem:$0xAA00];
	[tilespmem:$0xA970] =	vst v3;
	v3 =	vmul.f32 v63, v14  }
0x225: {  	v22 =	vld [tilespmem:$0xA9F0];
	[tilespmem:$0xA980] =	vst v17;
	v24 =	vmul.f32 v16, v21  }
0x226: {  	v26 =	vld [tilespmem:$0xAA20];
	[tilespmem:$0xA990] =	vst v3;
	v3 =	vmul.f32 v15, v14  }
0x227: {  	v25 =	vld [tilespmem:$0xAA10];
	v27 =	vmul.f32 v19, v21;
	[tilespmem:$0xA9C0] =	vst v24;
	v28 =	vbroadcast v2, $0xC  }
0x228: {  	v30 =	vld [tilespmem:$0xAA40];
	[tilespmem:$0xA9B0] =	vst v3;
	v3 =	vmul.f32 v18, v21  }
0x229: {  	v29 =	vld [tilespmem:$0xAA30];
	[tilespmem:$0xA9E0] =	vst v27;
	v31 =	vmul.f32 v23, v28  }
0x22a: {  	v33 =	vld [tilespmem:$0xAA60];
	[tilespmem:$0xA9D0] =	vst v3;
	v3 =	vmul.f32 v22, v21  }
0x22b: {  	v32 =	vld [tilespmem:$0xAA50];
	v34 =	vmul.f32 v26, v28;
	[tilespmem:$0xAA00] =	vst v31;
	v35 =	vbroadcast v2, $0xD  }
0x22c: {  	v37 =	vld [tilespmem:$0xAA80];
	[tilespmem:$0xA9F0] =	vst v3;
	v3 =	vmul.f32 v25, v28  }
0x22d: {  	v36 =	vld [tilespmem:$0xAA70];
	[tilespmem:$0xAA20] =	vst v34;
	v38 =	vmul.f32 v30, v35  }
0x22e: {  	v40 =	vld [tilespmem:$0xAAA0];
	[tilespmem:$0xAA10] =	vst v3;
	v3 =	vmul.f32 v29, v28  }
0x22f: {  	v39 =	vld [tilespmem:$0xAA90];
	v41 =	vmul.f32 v33, v35;
	[tilespmem:$0xAA40] =	vst v38;
	v42 =	vbroadcast v2, $0xE  }
0x230: {  	v44 =	vld [tilespmem:$0xAAC0];
	[tilespmem:$0xAA30] =	vst v3;
	v3 =	vmul.f32 v32, v35  }
0x231: {  	v43 =	vld [tilespmem:$0xAAB0];
	[tilespmem:$0xAA60] =	vst v41;
	v45 =	vmul.f32 v37, v42  }
0x232: {  	v47 =	vld [tilespmem:$0xAAE0];
	[tilespmem:$0xAA50] =	vst v3;
	v3 =	vmul.f32 v36, v35  }
0x233: {  	v2 =	vbroadcast v2, $0xF;
	v46 =	vld [tilespmem:$0xAAD0];
	v48 =	vmul.f32 v40, v42;
	[tilespmem:$0xAA80] =	vst v45  }
0x234: {  	v49 =	vld [tilespmem:$0xAAF0];
	[tilespmem:$0xAA70] =	vst v3;
	v3 =	vmul.f32 v39, v42  }
0x235: {  	v50 =	vmul.f32 v44, v2;
	[tilespmem:$0xAAA0] =	vst v48  }
0x236: {  	[tilespmem:$0xAA90] =	vst v3;
	v3 =	vmul.f32 v43, v42  }
0x237: {  	v51 =	vmul.f32 v47, v2;
	[tilespmem:$0xAAC0] =	vst v50  }
0x238: {  	[tilespmem:$0xAAB0] =	vst v3;
	v3 =	vmul.f32 v46, v2  }
0x239: {  	[tilespmem:$0xAAE0] =	vst v51;
	v2 =	vmul.f32 v49, v2  }
0x23a: {  	[tilespmem:$0xAAD0] =	vst v3  }
0x23b: {  	[tilespmem:$0xAAF0] =	vst v2  }
0x23c: {  	v2 =	vld [tilespmem:s9+$0x0];
	_ =	sdelay $0x1  }
0x23d: {  	v3 =	vld [tilespmem:$0xAB00]  }
0x23e: {  	v52 =	vld [tilespmem:$0xAB10]  }
0x23f: {  	v53 =	vld [tilespmem:$0xAB20]  }
0x240: {  	v55 =	vld [tilespmem:$0xAB30];
	v54 =	vbroadcast v2, $0x0  }
0x241: {  	v56 =	vld [tilespmem:$0xAB40]  }
0x242: {  	v57 =	vld [tilespmem:$0xAB50];
	v3 =	vmul.f32 v54, v3  }
0x243: {  	v58 =	vld [tilespmem:$0xAB60];
	v4 =	vmul.f32 v52, v54  }
0x244: {  	v60 =	vld [tilespmem:$0xAB70];
	v59 =	vbroadcast v2, $0x1;
	[tilespmem:$0xAB00] =	vst v3;
	v3 =	vmul.f32 v53, v54  }
0x245: {  	v62 =	vld [tilespmem:$0xAB80];
	v61 =	vmul.f32 v55, v54;
	[tilespmem:$0xAB10] =	vst v4  }
0x246: {  	v63 =	vld [tilespmem:$0xAB90];
	[tilespmem:$0xAB20] =	vst v3;
	v3 =	vmul.f32 v56, v59  }
0x247: {  	v13 =	vld [tilespmem:$0xABA0];
	v12 =	vmul.f32 v57, v59;
	[tilespmem:$0xAB30] =	vst v61  }
0x248: {  	v15 =	vld [tilespmem:$0xABB0];
	v14 =	vbroadcast v2, $0x2;
	[tilespmem:$0xAB40] =	vst v3;
	v3 =	vmul.f32 v58, v59  }
0x249: {  	v17 =	vld [tilespmem:$0xABC0];
	v16 =	vmul.f32 v60, v59;
	[tilespmem:$0xAB50] =	vst v12  }
0x24a: {  	v18 =	vld [tilespmem:$0xABD0];
	[tilespmem:$0xAB60] =	vst v3;
	v3 =	vmul.f32 v62, v14  }
0x24b: {  	v20 =	vld [tilespmem:$0xABE0];
	v19 =	vmul.f32 v63, v14;
	[tilespmem:$0xAB70] =	vst v16  }
0x24c: {  	v22 =	vld [tilespmem:$0xABF0];
	v21 =	vbroadcast v2, $0x3;
	[tilespmem:$0xAB80] =	vst v3;
	v3 =	vmul.f32 v13, v14  }
0x24d: {  	v24 =	vld [tilespmem:$0xAC00];
	v23 =	vmul.f32 v15, v14;
	[tilespmem:$0xAB90] =	vst v19  }
0x24e: {  	v25 =	vld [tilespmem:$0xAC10];
	[tilespmem:$0xABA0] =	vst v3;
	v3 =	vmul.f32 v17, v21  }
0x24f: {  	v27 =	vld [tilespmem:$0xAC20];
	v26 =	vmul.f32 v18, v21;
	[tilespmem:$0xABB0] =	vst v23  }
0x250: {  	v29 =	vld [tilespmem:$0xAC30];
	v28 =	vbroadcast v2, $0x4;
	[tilespmem:$0xABC0] =	vst v3;
	v3 =	vmul.f32 v20, v21  }
0x251: {  	v31 =	vld [tilespmem:$0xAC40];
	v30 =	vmul.f32 v22, v21;
	[tilespmem:$0xABD0] =	vst v26  }
0x252: {  	v32 =	vld [tilespmem:$0xAC50];
	[tilespmem:$0xABE0] =	vst v3;
	v3 =	vmul.f32 v24, v28  }
0x253: {  	v34 =	vld [tilespmem:$0xAC60];
	v33 =	vmul.f32 v25, v28;
	[tilespmem:$0xABF0] =	vst v30  }
0x254: {  	v36 =	vld [tilespmem:$0xAC70];
	v35 =	vbroadcast v2, $0x5;
	[tilespmem:$0xAC00] =	vst v3;
	v3 =	vmul.f32 v27, v28  }
0x255: {  	v38 =	vld [tilespmem:$0xAC80];
	v37 =	vmul.f32 v29, v28;
	[tilespmem:$0xAC10] =	vst v33  }
0x256: {  	v39 =	vld [tilespmem:$0xAC90];
	[tilespmem:$0xAC20] =	vst v3;
	v3 =	vmul.f32 v31, v35  }
0x257: {  	v41 =	vld [tilespmem:$0xACA0];
	v40 =	vmul.f32 v32, v35;
	[tilespmem:$0xAC30] =	vst v37  }
0x258: {  	v43 =	vld [tilespmem:$0xACB0];
	v42 =	vbroadcast v2, $0x6;
	[tilespmem:$0xAC40] =	vst v3;
	v3 =	vmul.f32 v34, v35  }
0x259: {  	v45 =	vld [tilespmem:$0xACC0];
	v44 =	vmul.f32 v36, v35;
	[tilespmem:$0xAC50] =	vst v40  }
0x25a: {  	v46 =	vld [tilespmem:$0xACD0];
	[tilespmem:$0xAC60] =	vst v3;
	v3 =	vmul.f32 v38, v42  }
0x25b: {  	v48 =	vld [tilespmem:$0xACE0];
	v47 =	vmul.f32 v39, v42;
	[tilespmem:$0xAC70] =	vst v44  }
0x25c: {  	v49 =	vbroadcast v2, $0x7;
	v60 =	vld [tilespmem:$0xAD50];
	[tilespmem:$0xAC80] =	vst v3;
	v3 =	vmul.f32 v41, v42  }
0x25d: {  	v51 =	vmul.f32 v43, v42;
	v52 =	vld [tilespmem:$0xAD00];
	[tilespmem:$0xAC90] =	vst v47  }
0x25e: {  	v15 =	vld [tilespmem:$0xAD90];
	[tilespmem:$0xACA0] =	vst v3;
	v3 =	vmul.f32 v45, v49  }
0x25f: {  	v55 =	vld [tilespmem:$0xAD20];
	v63 =	vbroadcast v2, $0x9;
	[tilespmem:$0xACB0] =	vst v51;
	v54 =	vmul.f32 v46, v49  }
0x260: {  	v22 =	vld [tilespmem:$0xADD0];
	v56 =	vbroadcast v2, $0x8;
	[tilespmem:$0xACC0] =	vst v3;
	v3 =	vmul.f32 v48, v49  }
0x261: {  	v18 =	vbroadcast v2, $0xA;
	[tilespmem:$0xACD0] =	vst v54;
	v16 =	vmul.f32 v60, v63;
	v59 =	vld [tilespmem:$0xAD40]  }
0x262: {  	v29 =	vld [tilespmem:$0xAE10];
	[tilespmem:$0xACE0] =	vst v3;
	v3 =	vmul.f32 v52, v56  }
0x263: {  	v25 =	vbroadcast v2, $0xB;
	v23 =	vmul.f32 v15, v18;
	[tilespmem:$0xAD50] =	vst v16;
	v62 =	vld [tilespmem:$0xAD60]  }
0x264: {  	v36 =	vld [tilespmem:$0xAE50];
	[tilespmem:$0xAD00] =	vst v3;
	v3 =	vmul.f32 v55, v56  }
0x265: {  	v32 =	vbroadcast v2, $0xC;
	v30 =	vmul.f32 v22, v25;
	[tilespmem:$0xAD90] =	vst v23;
	v14 =	vld [tilespmem:$0xAD80]  }
0x266: {  	v43 =	vld [tilespmem:$0xAE90];
	[tilespmem:$0xAD20] =	vst v3;
	v3 =	vmul.f32 v59, v63  }
0x267: {  	v39 =	vbroadcast v2, $0xD;
	v37 =	vmul.f32 v29, v32;
	[tilespmem:$0xADD0] =	vst v30;
	v17 =	vld [tilespmem:$0xADA0]  }
0x268: {  	v50 =	vld [tilespmem:$0xACF0];
	[tilespmem:$0xAD40] =	vst v3;
	v3 =	vmul.f32 v62, v63  }
0x269: {  	v46 =	vbroadcast v2, $0xE;
	v44 =	vmul.f32 v36, v39;
	[tilespmem:$0xAE10] =	vst v37;
	v21 =	vld [tilespmem:$0xADC0]  }
0x26a: {  	v53 =	vld [tilespmem:$0xAD10];
	[tilespmem:$0xAD60] =	vst v3;
	v3 =	vmul.f32 v14, v18  }
0x26b: {  	v51 =	vmul.f32 v43, v46;
	[tilespmem:$0xAE50] =	vst v44;
	v24 =	vld [tilespmem:$0xADE0]  }
0x26c: {  	v47 =	vld [tilespmem:$0xAEB0];
	[tilespmem:$0xAD80] =	vst v3;
	v3 =	vmul.f32 v17, v18  }
0x26d: {  	v58 =	vmul.f32 v50, v49;
	[tilespmem:$0xAE90] =	vst v51;
	v28 =	vld [tilespmem:$0xAE00]  }
0x26e: {  	v57 =	vld [tilespmem:$0xAD30];
	[tilespmem:$0xADA0] =	vst v3;
	v3 =	vmul.f32 v21, v25  }
0x26f: {  	v61 =	vmul.f32 v53, v56;
	[tilespmem:$0xACF0] =	vst v58;
	v31 =	vld [tilespmem:$0xAE20]  }
0x270: {  	v12 =	vld [tilespmem:$0xAD70];
	[tilespmem:$0xADC0] =	vst v3;
	v3 =	vmul.f32 v24, v25  }
0x271: {  	v54 =	vmul.f32 v47, v46;
	[tilespmem:$0xAD10] =	vst v61;
	v35 =	vld [tilespmem:$0xAE40]  }
0x272: {  	v19 =	vld [tilespmem:$0xADB0];
	[tilespmem:$0xADE0] =	vst v3;
	v3 =	vmul.f32 v28, v32  }
0x273: {  	[tilespmem:$0xAEB0] =	vst v54;
	v13 =	vmul.f32 v57, v56;
	v38 =	vld [tilespmem:$0xAE60]  }
0x274: {  	v26 =	vld [tilespmem:$0xADF0];
	[tilespmem:$0xAE00] =	vst v3;
	v3 =	vmul.f32 v31, v32  }
0x275: {  	[tilespmem:$0xAD30] =	vst v13;
	v20 =	vmul.f32 v12, v63;
	v42 =	vld [tilespmem:$0xAE80]  }
0x276: {  	v33 =	vld [tilespmem:$0xAE30];
	[tilespmem:$0xAE20] =	vst v3;
	v3 =	vmul.f32 v35, v39  }
0x277: {  	[tilespmem:$0xAD70] =	vst v20;
	v27 =	vmul.f32 v19, v18;
	v45 =	vld [tilespmem:$0xAEA0]  }
0x278: {  	v40 =	vld [tilespmem:$0xAE70];
	[tilespmem:$0xAE40] =	vst v3;
	v3 =	vmul.f32 v38, v39  }
0x279: {  	[tilespmem:$0xADB0] =	vst v27;
	v34 =	vmul.f32 v26, v25;
	v49 =	vld [tilespmem:$0xAEC0]  }
0x27a: {  	v50 =	vld [tilespmem:$0xAED0];
	[tilespmem:$0xAE60] =	vst v3;
	v3 =	vmul.f32 v42, v46  }
0x27b: {  	[tilespmem:$0xADF0] =	vst v34;
	v41 =	vmul.f32 v33, v32;
	v52 =	vld [tilespmem:$0xAEE0]  }
0x27c: {  	v2 =	vbroadcast v2, $0xF;
	v53 =	vld [tilespmem:$0xAEF0];
	[tilespmem:$0xAE80] =	vst v3;
	v3 =	vmul.f32 v45, v46  }
0x27d: {  	[tilespmem:$0xAE30] =	vst v41;
	v48 =	vmul.f32 v40, v39  }
0x27e: {  	[tilespmem:$0xAEA0] =	vst v3;
	v3 =	vmul.f32 v49, v2  }
0x27f: {  	[tilespmem:$0xAE70] =	vst v48;
	v55 =	vmul.f32 v50, v2  }
0x280: {  	[tilespmem:$0xAEC0] =	vst v3;
	v3 =	vmul.f32 v52, v2  }
0x281: {  	[tilespmem:$0xAED0] =	vst v55;
	v2 =	vmul.f32 v53, v2  }
0x282: {  	[tilespmem:$0xAEE0] =	vst v3  }
0x283: {  	[tilespmem:$0xAEF0] =	vst v2  }
0x284: {  	v2 =	vld [tilespmem:s9+$0x10];
	_ =	sdelay $0x1  }
0x285: {  	v3 =	vld [tilespmem:$0xAF00]  }
0x286: {  	v56 =	vld [tilespmem:$0xAF10]  }
0x287: {  	v57 =	vld [tilespmem:$0xAF20]  }
0x288: {  	v59 =	vld [tilespmem:$0xAF30];
	v58 =	vbroadcast v2, $0x0  }
0x289: {  	v60 =	vld [tilespmem:$0xAF40]  }
0x28a: {  	v61 =	vld [tilespmem:$0xAF50];
	v3 =	vmul.f32 v58, v3  }
0x28b: {  	v62 =	vld [tilespmem:$0xAF60];
	v4 =	vmul.f32 v56, v58  }
0x28c: {  	v12 =	vld [tilespmem:$0xAF70];
	v63 =	vbroadcast v2, $0x1;
	[tilespmem:$0xAF00] =	vst v3;
	v3 =	vmul.f32 v57, v58  }
0x28d: {  	v14 =	vld [tilespmem:$0xAF80];
	v13 =	vmul.f32 v59, v58;
	[tilespmem:$0xAF10] =	vst v4  }
0x28e: {  	v15 =	vld [tilespmem:$0xAF90];
	[tilespmem:$0xAF20] =	vst v3;
	v3 =	vmul.f32 v60, v63  }
0x28f: {  	v17 =	vld [tilespmem:$0xAFA0];
	v16 =	vmul.f32 v61, v63;
	[tilespmem:$0xAF30] =	vst v13  }
0x290: {  	v19 =	vld [tilespmem:$0xAFB0];
	v18 =	vbroadcast v2, $0x2;
	[tilespmem:$0xAF40] =	vst v3;
	v3 =	vmul.f32 v62, v63  }
0x291: {  	v21 =	vld [tilespmem:$0xAFC0];
	v20 =	vmul.f32 v12, v63;
	[tilespmem:$0xAF50] =	vst v16  }
0x292: {  	v22 =	vld [tilespmem:$0xAFD0];
	[tilespmem:$0xAF60] =	vst v3;
	v3 =	vmul.f32 v14, v18  }
0x293: {  	v24 =	vld [tilespmem:$0xAFE0];
	v23 =	vmul.f32 v15, v18;
	[tilespmem:$0xAF70] =	vst v20  }
0x294: {  	v26 =	vld [tilespmem:$0xAFF0];
	v25 =	vbroadcast v2, $0x3;
	[tilespmem:$0xAF80] =	vst v3;
	v3 =	vmul.f32 v17, v18  }
0x295: {  	v28 =	vld [tilespmem:$0xB000];
	v27 =	vmul.f32 v19, v18;
	[tilespmem:$0xAF90] =	vst v23  }
0x296: {  	v29 =	vld [tilespmem:$0xB010];
	[tilespmem:$0xAFA0] =	vst v3;
	v3 =	vmul.f32 v21, v25  }
0x297: {  	v31 =	vld [tilespmem:$0xB020];
	v30 =	vmul.f32 v22, v25;
	[tilespmem:$0xAFB0] =	vst v27  }
0x298: {  	v33 =	vld [tilespmem:$0xB030];
	v32 =	vbroadcast v2, $0x4;
	[tilespmem:$0xAFC0] =	vst v3;
	v3 =	vmul.f32 v24, v25  }
0x299: {  	v35 =	vld [tilespmem:$0xB040];
	v34 =	vmul.f32 v26, v25;
	[tilespmem:$0xAFD0] =	vst v30  }
0x29a: {  	v36 =	vld [tilespmem:$0xB050];
	[tilespmem:$0xAFE0] =	vst v3;
	v3 =	vmul.f32 v28, v32  }
0x29b: {  	v38 =	vld [tilespmem:$0xB060];
	v37 =	vmul.f32 v29, v32;
	[tilespmem:$0xAFF0] =	vst v34  }
0x29c: {  	v40 =	vld [tilespmem:$0xB070];
	v39 =	vbroadcast v2, $0x5;
	[tilespmem:$0xB000] =	vst v3;
	v3 =	vmul.f32 v31, v32  }
0x29d: {  	v42 =	vld [tilespmem:$0xB080];
	v41 =	vmul.f32 v33, v32;
	[tilespmem:$0xB010] =	vst v37  }
0x29e: {  	v43 =	vld [tilespmem:$0xB090];
	[tilespmem:$0xB020] =	vst v3;
	v3 =	vmul.f32 v35, v39  }
0x29f: {  	v45 =	vld [tilespmem:$0xB0A0];
	v44 =	vmul.f32 v36, v39;
	[tilespmem:$0xB030] =	vst v41  }
0x2a0: {  	v47 =	vld [tilespmem:$0xB0B0];
	v46 =	vbroadcast v2, $0x6;
	[tilespmem:$0xB040] =	vst v3;
	v3 =	vmul.f32 v38, v39  }
0x2a1: {  	v49 =	vld [tilespmem:$0xB0C0];
	v48 =	vmul.f32 v40, v39;
	[tilespmem:$0xB050] =	vst v44  }
0x2a2: {  	v50 =	vld [tilespmem:$0xB0D0];
	[tilespmem:$0xB060] =	vst v3;
	v3 =	vmul.f32 v42, v46  }
0x2a3: {  	v52 =	vld [tilespmem:$0xB0E0];
	v51 =	vmul.f32 v43, v46;
	[tilespmem:$0xB070] =	vst v48  }
0x2a4: {  	v53 =	vbroadcast v2, $0x7;
	v12 =	vld [tilespmem:$0xB150];
	[tilespmem:$0xB080] =	vst v3;
	v3 =	vmul.f32 v45, v46  }
0x2a5: {  	v55 =	vmul.f32 v47, v46;
	v56 =	vld [tilespmem:$0xB100];
	[tilespmem:$0xB090] =	vst v51  }
0x2a6: {  	v19 =	vld [tilespmem:$0xB190];
	[tilespmem:$0xB0A0] =	vst v3;
	v3 =	vmul.f32 v49, v53  }
0x2a7: {  	v59 =	vld [tilespmem:$0xB120];
	v15 =	vbroadcast v2, $0x9;
	[tilespmem:$0xB0B0] =	vst v55;
	v58 =	vmul.f32 v50, v53  }
0x2a8: {  	v26 =	vld [tilespmem:$0xB1D0];
	v60 =	vbroadcast v2, $0x8;
	[tilespmem:$0xB0C0] =	vst v3;
	v3 =	vmul.f32 v52, v53  }
0x2a9: {  	v22 =	vbroadcast v2, $0xA;
	[tilespmem:$0xB0D0] =	vst v58;
	v20 =	vmul.f32 v12, v15;
	v63 =	vld [tilespmem:$0xB140]  }
0x2aa: {  	v33 =	vld [tilespmem:$0xB210];
	[tilespmem:$0xB0E0] =	vst v3;
	v3 =	vmul.f32 v56, v60  }
0x2ab: {  	v29 =	vbroadcast v2, $0xB;
	v27 =	vmul.f32 v19, v22;
	[tilespmem:$0xB150] =	vst v20;
	v14 =	vld [tilespmem:$0xB160]  }
0x2ac: {  	v40 =	vld [tilespmem:$0xB250];
	[tilespmem:$0xB100] =	vst v3;
	v3 =	vmul.f32 v59, v60  }
0x2ad: {  	v36 =	vbroadcast v2, $0xC;
	v34 =	vmul.f32 v26, v29;
	[tilespmem:$0xB190] =	vst v27;
	v18 =	vld [tilespmem:$0xB180]  }
0x2ae: {  	v47 =	vld [tilespmem:$0xB290];
	[tilespmem:$0xB120] =	vst v3;
	v3 =	vmul.f32 v63, v15  }
0x2af: {  	v43 =	vbroadcast v2, $0xD;
	v41 =	vmul.f32 v33, v36;
	[tilespmem:$0xB1D0] =	vst v34;
	v21 =	vld [tilespmem:$0xB1A0]  }
0x2b0: {  	v54 =	vld [tilespmem:$0xB0F0];
	[tilespmem:$0xB140] =	vst v3;
	v3 =	vmul.f32 v14, v15  }
0x2b1: {  	v50 =	vbroadcast v2, $0xE;
	v48 =	vmul.f32 v40, v43;
	[tilespmem:$0xB210] =	vst v41;
	v25 =	vld [tilespmem:$0xB1C0]  }
0x2b2: {  	v57 =	vld [tilespmem:$0xB110];
	[tilespmem:$0xB160] =	vst v3;
	v3 =	vmul.f32 v18, v22  }
0x2b3: {  	v55 =	vmul.f32 v47, v50;
	[tilespmem:$0xB250] =	vst v48;
	v28 =	vld [tilespmem:$0xB1E0]  }
0x2b4: {  	v51 =	vld [tilespmem:$0xB2B0];
	[tilespmem:$0xB180] =	vst v3;
	v3 =	vmul.f32 v21, v22  }
0x2b5: {  	v62 =	vmul.f32 v54, v53;
	[tilespmem:$0xB290] =	vst v55;
	v32 =	vld [tilespmem:$0xB200]  }
0x2b6: {  	v61 =	vld [tilespmem:$0xB130];
	[tilespmem:$0xB1A0] =	vst v3;
	v3 =	vmul.f32 v25, v29  }
0x2b7: {  	v13 =	vmul.f32 v57, v60;
	[tilespmem:$0xB0F0] =	vst v62;
	v35 =	vld [tilespmem:$0xB220]  }
0x2b8: {  	v16 =	vld [tilespmem:$0xB170];
	[tilespmem:$0xB1C0] =	vst v3;
	v3 =	vmul.f32 v28, v29  }
0x2b9: {  	v58 =	vmul.f32 v51, v50;
	[tilespmem:$0xB110] =	vst v13;
	v39 =	vld [tilespmem:$0xB240]  }
0x2ba: {  	v23 =	vld [tilespmem:$0xB1B0];
	[tilespmem:$0xB1E0] =	vst v3;
	v3 =	vmul.f32 v32, v36  }
0x2bb: {  	[tilespmem:$0xB2B0] =	vst v58;
	v17 =	vmul.f32 v61, v60;
	v42 =	vld [tilespmem:$0xB260]  }
0x2bc: {  	v30 =	vld [tilespmem:$0xB1F0];
	[tilespmem:$0xB200] =	vst v3;
	v3 =	vmul.f32 v35, v36  }
0x2bd: {  	[tilespmem:$0xB130] =	vst v17;
	v24 =	vmul.f32 v16, v15;
	v46 =	vld [tilespmem:$0xB280]  }
0x2be: {  	v37 =	vld [tilespmem:$0xB230];
	[tilespmem:$0xB220] =	vst v3;
	v3 =	vmul.f32 v39, v43  }
0x2bf: {  	[tilespmem:$0xB170] =	vst v24;
	v31 =	vmul.f32 v23, v22;
	v49 =	vld [tilespmem:$0xB2A0]  }
0x2c0: {  	v44 =	vld [tilespmem:$0xB270];
	[tilespmem:$0xB240] =	vst v3;
	v3 =	vmul.f32 v42, v43  }
0x2c1: {  	[tilespmem:$0xB1B0] =	vst v31;
	v38 =	vmul.f32 v30, v29;
	v53 =	vld [tilespmem:$0xB2C0]  }
0x2c2: {  	v54 =	vld [tilespmem:$0xB2D0];
	[tilespmem:$0xB260] =	vst v3;
	v3 =	vmul.f32 v46, v50  }
0x2c3: {  	[tilespmem:$0xB1F0] =	vst v38;
	v45 =	vmul.f32 v37, v36;
	v56 =	vld [tilespmem:$0xB2E0]  }
0x2c4: {  	v2 =	vbroadcast v2, $0xF;
	v57 =	vld [tilespmem:$0xB2F0];
	[tilespmem:$0xB280] =	vst v3;
	v3 =	vmul.f32 v49, v50  }
0x2c5: {  	[tilespmem:$0xB230] =	vst v45;
	v52 =	vmul.f32 v44, v43  }
0x2c6: {  	[tilespmem:$0xB2A0] =	vst v3;
	v3 =	vmul.f32 v53, v2  }
0x2c7: {  	[tilespmem:$0xB270] =	vst v52;
	v59 =	vmul.f32 v54, v2  }
0x2c8: {  	[tilespmem:$0xB2C0] =	vst v3;
	v3 =	vmul.f32 v56, v2  }
0x2c9: {  	[tilespmem:$0xB2D0] =	vst v59;
	v2 =	vmul.f32 v57, v2  }
0x2ca: {  	[tilespmem:$0xB2E0] =	vst v3  }
0x2cb: {  	[tilespmem:$0xB2F0] =	vst v2  }
0x2cc: {  	v2 =	vld [tilespmem:s9+$0x20];
	_ =	sdelay $0x1  }
0x2cd: {  	v3 =	vld [tilespmem:$0xB300]  }
0x2ce: {  	v60 =	vld [tilespmem:$0xB310]  }
0x2cf: {  	v61 =	vld [tilespmem:$0xB320]  }
0x2d0: {  	v63 =	vld [tilespmem:$0xB330];
	v62 =	vbroadcast v2, $0x0  }
0x2d1: {  	v12 =	vld [tilespmem:$0xB340]  }
0x2d2: {  	v13 =	vld [tilespmem:$0xB350];
	v3 =	vmul.f32 v62, v3  }
0x2d3: {  	v14 =	vld [tilespmem:$0xB360];
	v4 =	vmul.f32 v60, v62  }
0x2d4: {  	v16 =	vld [tilespmem:$0xB370];
	v15 =	vbroadcast v2, $0x1;
	[tilespmem:$0xB300] =	vst v3;
	v3 =	vmul.f32 v61, v62  }
0x2d5: {  	v18 =	vld [tilespmem:$0xB380];
	v17 =	vmul.f32 v63, v62;
	[tilespmem:$0xB310] =	vst v4  }
0x2d6: {  	v19 =	vld [tilespmem:$0xB390];
	[tilespmem:$0xB320] =	vst v3;
	v3 =	vmul.f32 v12, v15  }
0x2d7: {  	v21 =	vld [tilespmem:$0xB3A0];
	v20 =	vmul.f32 v13, v15;
	[tilespmem:$0xB330] =	vst v17  }
0x2d8: {  	v23 =	vld [tilespmem:$0xB3B0];
	v22 =	vbroadcast v2, $0x2;
	[tilespmem:$0xB340] =	vst v3;
	v3 =	vmul.f32 v14, v15  }
0x2d9: {  	v25 =	vld [tilespmem:$0xB3C0];
	v24 =	vmul.f32 v16, v15;
	[tilespmem:$0xB350] =	vst v20  }
0x2da: {  	v26 =	vld [tilespmem:$0xB3D0];
	[tilespmem:$0xB360] =	vst v3;
	v3 =	vmul.f32 v18, v22  }
0x2db: {  	v28 =	vld [tilespmem:$0xB3E0];
	v27 =	vmul.f32 v19, v22;
	[tilespmem:$0xB370] =	vst v24  }
0x2dc: {  	v30 =	vld [tilespmem:$0xB3F0];
	v29 =	vbroadcast v2, $0x3;
	[tilespmem:$0xB380] =	vst v3;
	v3 =	vmul.f32 v21, v22  }
0x2dd: {  	v32 =	vld [tilespmem:$0xB400];
	v31 =	vmul.f32 v23, v22;
	[tilespmem:$0xB390] =	vst v27  }
0x2de: {  	v33 =	vld [tilespmem:$0xB410];
	[tilespmem:$0xB3A0] =	vst v3;
	v3 =	vmul.f32 v25, v29  }
0x2df: {  	v35 =	vld [tilespmem:$0xB420];
	v34 =	vmul.f32 v26, v29;
	[tilespmem:$0xB3B0] =	vst v31  }
0x2e0: {  	v37 =	vld [tilespmem:$0xB430];
	v36 =	vbroadcast v2, $0x4;
	[tilespmem:$0xB3C0] =	vst v3;
	v3 =	vmul.f32 v28, v29  }
0x2e1: {  	v39 =	vld [tilespmem:$0xB440];
	v38 =	vmul.f32 v30, v29;
	[tilespmem:$0xB3D0] =	vst v34  }
0x2e2: {  	v40 =	vld [tilespmem:$0xB450];
	[tilespmem:$0xB3E0] =	vst v3;
	v3 =	vmul.f32 v32, v36  }
0x2e3: {  	v42 =	vld [tilespmem:$0xB460];
	v41 =	vmul.f32 v33, v36;
	[tilespmem:$0xB3F0] =	vst v38  }
0x2e4: {  	v44 =	vld [tilespmem:$0xB470];
	v43 =	vbroadcast v2, $0x5;
	[tilespmem:$0xB400] =	vst v3;
	v3 =	vmul.f32 v35, v36  }
0x2e5: {  	v46 =	vld [tilespmem:$0xB480];
	v45 =	vmul.f32 v37, v36;
	[tilespmem:$0xB410] =	vst v41  }
0x2e6: {  	v47 =	vld [tilespmem:$0xB490];
	[tilespmem:$0xB420] =	vst v3;
	v3 =	vmul.f32 v39, v43  }
0x2e7: {  	v49 =	vld [tilespmem:$0xB4A0];
	v48 =	vmul.f32 v40, v43;
	[tilespmem:$0xB430] =	vst v45  }
0x2e8: {  	v51 =	vld [tilespmem:$0xB4B0];
	v50 =	vbroadcast v2, $0x6;
	[tilespmem:$0xB440] =	vst v3;
	v3 =	vmul.f32 v42, v43  }
0x2e9: {  	v53 =	vld [tilespmem:$0xB4C0];
	v52 =	vmul.f32 v44, v43;
	[tilespmem:$0xB450] =	vst v48  }
0x2ea: {  	v54 =	vld [tilespmem:$0xB4D0];
	[tilespmem:$0xB460] =	vst v3;
	v3 =	vmul.f32 v46, v50  }
0x2eb: {  	v56 =	vld [tilespmem:$0xB4E0];
	v55 =	vmul.f32 v47, v50;
	[tilespmem:$0xB470] =	vst v52  }
0x2ec: {  	v57 =	vbroadcast v2, $0x7;
	v16 =	vld [tilespmem:$0xB550];
	[tilespmem:$0xB480] =	vst v3;
	v3 =	vmul.f32 v49, v50  }
0x2ed: {  	v59 =	vmul.f32 v51, v50;
	v60 =	vld [tilespmem:$0xB500];
	[tilespmem:$0xB490] =	vst v55  }
0x2ee: {  	v23 =	vld [tilespmem:$0xB590];
	[tilespmem:$0xB4A0] =	vst v3;
	v3 =	vmul.f32 v53, v57  }
0x2ef: {  	v63 =	vld [tilespmem:$0xB520];
	v19 =	vbroadcast v2, $0x9;
	[tilespmem:$0xB4B0] =	vst v59;
	v62 =	vmul.f32 v54, v57  }
0x2f0: {  	v30 =	vld [tilespmem:$0xB5D0];
	v12 =	vbroadcast v2, $0x8;
	[tilespmem:$0xB4C0] =	vst v3;
	v3 =	vmul.f32 v56, v57  }
0x2f1: {  	v26 =	vbroadcast v2, $0xA;
	[tilespmem:$0xB4D0] =	vst v62;
	v24 =	vmul.f32 v16, v19;
	v15 =	vld [tilespmem:$0xB540]  }
0x2f2: {  	v37 =	vld [tilespmem:$0xB610];
	[tilespmem:$0xB4E0] =	vst v3;
	v3 =	vmul.f32 v60, v12  }
0x2f3: {  	v33 =	vbroadcast v2, $0xB;
	v31 =	vmul.f32 v23, v26;
	[tilespmem:$0xB550] =	vst v24;
	v18 =	vld [tilespmem:$0xB560]  }
0x2f4: {  	v44 =	vld [tilespmem:$0xB650];
	[tilespmem:$0xB500] =	vst v3;
	v3 =	vmul.f32 v63, v12  }
0x2f5: {  	v40 =	vbroadcast v2, $0xC;
	v38 =	vmul.f32 v30, v33;
	[tilespmem:$0xB590] =	vst v31;
	v22 =	vld [tilespmem:$0xB580]  }
0x2f6: {  	v51 =	vld [tilespmem:$0xB690];
	[tilespmem:$0xB520] =	vst v3;
	v3 =	vmul.f32 v15, v19  }
0x2f7: {  	v47 =	vbroadcast v2, $0xD;
	v45 =	vmul.f32 v37, v40;
	[tilespmem:$0xB5D0] =	vst v38;
	v25 =	vld [tilespmem:$0xB5A0]  }
0x2f8: {  	v58 =	vld [tilespmem:$0xB4F0];
	[tilespmem:$0xB540] =	vst v3;
	v3 =	vmul.f32 v18, v19  }
0x2f9: {  	v54 =	vbroadcast v2, $0xE;
	v52 =	vmul.f32 v44, v47;
	[tilespmem:$0xB610] =	vst v45;
	v29 =	vld [tilespmem:$0xB5C0]  }
0x2fa: {  	v61 =	vld [tilespmem:$0xB510];
	[tilespmem:$0xB560] =	vst v3;
	v3 =	vmul.f32 v22, v26  }
0x2fb: {  	v59 =	vmul.f32 v51, v54;
	[tilespmem:$0xB650] =	vst v52;
	v32 =	vld [tilespmem:$0xB5E0]  }
0x2fc: {  	v55 =	vld [tilespmem:$0xB6B0];
	[tilespmem:$0xB580] =	vst v3;
	v3 =	vmul.f32 v25, v26  }
0x2fd: {  	v14 =	vmul.f32 v58, v57;
	[tilespmem:$0xB690] =	vst v59;
	v36 =	vld [tilespmem:$0xB600]  }
0x2fe: {  	v13 =	vld [tilespmem:$0xB530];
	[tilespmem:$0xB5A0] =	vst v3;
	v3 =	vmul.f32 v29, v33  }
0x2ff: {  	v17 =	vmul.f32 v61, v12;
	[tilespmem:$0xB4F0] =	vst v14;
	v39 =	vld [tilespmem:$0xB620]  }
0x300: {  	v20 =	vld [tilespmem:$0xB570];
	[tilespmem:$0xB5C0] =	vst v3;
	v3 =	vmul.f32 v32, v33  }
0x301: {  	v62 =	vmul.f32 v55, v54;
	[tilespmem:$0xB510] =	vst v17;
	v43 =	vld [tilespmem:$0xB640]  }
0x302: {  	v27 =	vld [tilespmem:$0xB5B0];
	[tilespmem:$0xB5E0] =	vst v3;
	v3 =	vmul.f32 v36, v40  }
0x303: {  	[tilespmem:$0xB6B0] =	vst v62;
	v21 =	vmul.f32 v13, v12;
	v46 =	vld [tilespmem:$0xB660]  }
0x304: {  	v34 =	vld [tilespmem:$0xB5F0];
	[tilespmem:$0xB600] =	vst v3;
	v3 =	vmul.f32 v39, v40  }
0x305: {  	[tilespmem:$0xB530] =	vst v21;
	v28 =	vmul.f32 v20, v19;
	v50 =	vld [tilespmem:$0xB680]  }
0x306: {  	v41 =	vld [tilespmem:$0xB630];
	[tilespmem:$0xB620] =	vst v3;
	v3 =	vmul.f32 v43, v47  }
0x307: {  	[tilespmem:$0xB570] =	vst v28;
	v35 =	vmul.f32 v27, v26;
	v53 =	vld [tilespmem:$0xB6A0]  }
0x308: {  	v48 =	vld [tilespmem:$0xB670];
	[tilespmem:$0xB640] =	vst v3;
	v3 =	vmul.f32 v46, v47  }
0x309: {  	[tilespmem:$0xB5B0] =	vst v35;
	v42 =	vmul.f32 v34, v33;
	v57 =	vld [tilespmem:$0xB6C0]  }
0x30a: {  	v58 =	vld [tilespmem:$0xB6D0];
	[tilespmem:$0xB660] =	vst v3;
	v3 =	vmul.f32 v50, v54  }
0x30b: {  	[tilespmem:$0xB5F0] =	vst v42;
	v49 =	vmul.f32 v41, v40;
	v60 =	vld [tilespmem:$0xB6E0]  }
0x30c: {  	v2 =	vbroadcast v2, $0xF;
	v61 =	vld [tilespmem:$0xB6F0];
	[tilespmem:$0xB680] =	vst v3;
	v3 =	vmul.f32 v53, v54  }
0x30d: {  	[tilespmem:$0xB630] =	vst v49;
	v56 =	vmul.f32 v48, v47  }
0x30e: {  	[tilespmem:$0xB6A0] =	vst v3;
	v3 =	vmul.f32 v57, v2  }
0x30f: {  	[tilespmem:$0xB670] =	vst v56;
	v63 =	vmul.f32 v58, v2  }
0x310: {  	[tilespmem:$0xB6C0] =	vst v3;
	v3 =	vmul.f32 v60, v2  }
0x311: {  	[tilespmem:$0xB6D0] =	vst v63;
	v2 =	vmul.f32 v61, v2  }
0x312: {  	[tilespmem:$0xB6E0] =	vst v3  }
.Ltmp9:
0x313: {  	s13 =	simm.s32 $0x40;
	[tilespmem:$0xB6F0] =	vst v2;
	(pc) =	sbr.rel .LBB2_12-.Ltmp9, $4  }
0x314: {  	[hbm4b:s15+s13] =	stream.strided.scatter [tilespmem:s6], [sflag:$0xB], $0x1400, s24, s13, $0x38;
	[tilespmem:$0x1FAC0] =	vst v63  }
0x315: {  	_ =	swait.ge [sflag:s0], $0x1400  }
0x316: {  	[sflag:s0] =	ssyncset.done $0x0  }
0x317: {  	s22 =	simm.s32 $0x1E00;
	s13 =	simm.s32 $0x1E80;
	[sflag:s0] =	ssyncadd.s32 $0xFFFFEC00  }
.LBB2_14:
0x318: {  	_ =	sfence.sel $0x180000  }
0x319: {  	[bflag:$0x0] =	sbarrier.arrive $0xFFFF  }
0x31a: {  	_ =	strace $0x90000047  }
0x31b: {  	s0 =	stileid.u32;
	[bflag:$0x2] =	sbarrier.arrive $0xFFFF  }
0x31c: {  	p0 =	sne.s32 s0, $0x0;
	s0 =	rddreg [dreg:$0x6]  }
0x31d: {  	s0 =	sadd.s32 @!p0 $0x100000, s0  }
0x31e: {  	[sflag:s0] =	ssyncadd.tile.s32 @!p0 $0x1;
	_ =	shalt  }
.Lfunc_end2:
_tile_overlayer_lowered:
.L_overlay_start_2:
0x31f: {  	(tag) =	ssettag $0x2  }
0x320: {  	s0 =	rddreg [dreg:$0x0];
	s2 =	stileid.u32  }
0x321: {  	s1 =	rddreg [dreg:$0x1];
	p0 =	sne.s32 s2, $0x0  }
0x322: {  	s3 =	rddreg [dreg:$0x2];
	[bflag:$0x3] =	sbarrier.arrive $0xFFFF;
	s2 =	simm.s32 @!p0 $0x1C0B  }
0x323: {  	[timem:s3], [sflag:s2] =	dma.local @!p0 [hbm:s0], s1  }
0x324: {  	s0 =	simm.s32 @!p0 $0xB  }
0x325: {  	_ =	swait.ge @!p0 [sflag:s0], s1  }
0x326: {  	s1 =	ssub.s32 @!p0 $0x0, s1;
	[sflag:s0] =	ssyncset.done @!p0 $0x0  }
0x327: {  	[sflag:s0] =	ssyncadd.s32 @!p0 s1  }
0x328: {  	[bflag:$0x3] =	sbarrier.arrive $0xFFFF  }
0x329: {  	_ =	shalt  }

</sc_bundles>
